<compile_context>
chip_gen: v7x
topology: tpu7x:2x2x1
jax: 0.10.2.dev20260603
libtpu: 0.0.44.dev20260713+nightly
codegen_flags: <defaults>
</compile_context>

<pallas_src>
import functools

import jax
import jax.numpy as jnp
from jax import lax
from jax.experimental import pallas as pl
from jax.experimental.pallas import tpu as pltpu
from jax.experimental.pallas import tpu_sc as plsc

NC, NS = 2, 16
NW = NC * NS
B = 4096
LD, LQ = 200, 20
D = 128
DC = D // 16
BW = B // NW
CA, CB = 128, LD - 128
QP = 2


def _rsqrt(x):
    i = plsc.bitcast(x, jnp.int32)
    i = jnp.full((16,), 0x5F3759DF, jnp.int32) - lax.shift_right_logical(i, 1)
    y = plsc.bitcast(i, jnp.float32)
    for _ in range(3):
        y = y * (1.5 - 0.5 * x * y * y)
    return y


def kernel(documents, queries, query_ids, W):
    del query_ids
    doc_flat = documents.reshape(-1)
    q_flat = queries.reshape(-1)

    mesh = plsc.VectorSubcoreMesh(
        core_axis_name="c", subcore_axis_name="s", num_cores=NC, num_subcores=NS
    )

    @functools.partial(
        pl.kernel,
        out_type=jax.ShapeDtypeStruct((B,), jnp.float32),
        mesh=mesh,
        compiler_params=pltpu.CompilerParams(needs_layout_passes=False),
        scratch_types=[
            pltpu.VMEM((BW * LD,), jnp.int32),
            pltpu.VMEM((BW * LQ,), jnp.int32),
            pltpu.VMEM((LD, D), jnp.float32),
            pltpu.VMEM((LD, D), jnp.float32),
            pltpu.VMEM((QP * LQ, D), jnp.float32),
            pltpu.VMEM((QP * LQ, D), jnp.float32),
            pltpu.VMEM((BW, D), jnp.float32),
            pltpu.VMEM((BW, D), jnp.float32),
            pltpu.VMEM((BW,), jnp.float32),
            pltpu.SemaphoreType.DMA,
            pltpu.SemaphoreType.DMA,
        ],
    )
    def sc_kernel(doc_hbm, q_hbm, w_hbm, out_hbm,
                  didx, qidx, dbufa, dbufb, qbufa, qbufb,
                  dsum, qsum, res, sema, semb):
        wid = lax.axis_index("s") * NC + lax.axis_index("c")
        base = wid * BW

        pltpu.sync_copy(doc_hbm.at[pl.ds(base * LD, BW * LD)], didx)
        pltpu.sync_copy(q_hbm.at[pl.ds(base * LQ, BW * LQ)], qidx)

        def d_issue(j, buf):
            pltpu.make_async_copy(
                w_hbm.at[didx.at[pl.ds(j * LD, CA)]],
                buf.at[pl.ds(0, CA)], sema if buf is dbufa else semb,
            ).start()
            pltpu.make_async_copy(
                w_hbm.at[didx.at[pl.ds(j * LD + CA, CB)]],
                buf.at[pl.ds(CA, CB)], sema if buf is dbufa else semb,
            ).start()

        def d_wait(j, buf):
            sem = sema if buf is dbufa else semb
            pltpu.make_async_copy(
                w_hbm.at[didx.at[pl.ds(j * LD, CA)]],
                buf.at[pl.ds(0, CA)], sem).wait()
            pltpu.make_async_copy(
                w_hbm.at[didx.at[pl.ds(j * LD + CA, CB)]],
                buf.at[pl.ds(CA, CB)], sem).wait()

        def reduce_rows(buf, lo, n, out_ref, orow):
            def body(r, accs):
                return tuple(
                    accs[c] + buf[r, pl.ds(c * 16, 16)] for c in range(DC)
                )
            zero = jnp.zeros((16,), jnp.float32)
            accs = lax.fori_loop(lo, lo + n, body, (zero,) * DC)
            for c in range(DC):
                out_ref[orow, pl.ds(c * 16, 16)] = accs[c]

        d_issue(0, dbufa)

        def d_body(j2, _):
            j = 2 * j2
            d_wait(j, dbufa)
            d_issue(j + 1, dbufb)
            reduce_rows(dbufa, 0, LD, dsum, j)

            d_wait(j + 1, dbufb)

            @pl.when(j + 2 < BW)
            def _():
                d_issue(j + 2, dbufa)

            reduce_rows(dbufb, 0, LD, dsum, j + 1)
            return 0

        lax.fori_loop(0, BW // 2, d_body, 0)

        def q_issue(p, buf):
            pltpu.make_async_copy(
                w_hbm.at[qidx.at[pl.ds(p * QP * LQ, QP * LQ)]],
                buf, sema if buf is qbufa else semb,
            ).start()

        def q_wait(p, buf):
            pltpu.make_async_copy(
                w_hbm.at[qidx.at[pl.ds(p * QP * LQ, QP * LQ)]],
                buf, sema if buf is qbufa else semb,
            ).wait()

        NP = BW // QP
        q_issue(0, qbufa)

        def q_body(p2, _):
            p = 2 * p2
            q_wait(p, qbufa)
            q_issue(p + 1, qbufb)
            reduce_rows(qbufa, 0, LQ, qsum, p * QP)
            reduce_rows(qbufa, LQ, LQ, qsum, p * QP + 1)

            q_wait(p + 1, qbufb)

            @pl.when(p + 2 < NP)
            def _():
                q_issue(p + 2, qbufa)

            reduce_rows(qbufb, 0, LQ, qsum, (p + 1) * QP)
            reduce_rows(qbufb, LQ, LQ, qsum, (p + 1) * QP + 1)
            return 0

        lax.fori_loop(0, NP // 2, q_body, 0)

        eps = 1e-8
        dscale = 1.0 / LD
        qscale = 1.0 / LQ
        lanes = lax.iota(jnp.int32, 16)

        def cos_group(g, _):
            dotv = jnp.zeros((16,), jnp.float32)
            ddv = jnp.zeros((16,), jnp.float32)
            qqv = jnp.zeros((16,), jnp.float32)
            for l in range(16):
                row = g * 16 + l
                pd = jnp.zeros((16,), jnp.float32)
                dd = jnp.zeros((16,), jnp.float32)
                qq = jnp.zeros((16,), jnp.float32)
                for c in range(DC):
                    dv = dsum[row, pl.ds(c * 16, 16)] * dscale
                    qv = qsum[row, pl.ds(c * 16, 16)] * qscale
                    pd = pd + dv * qv
                    dd = dd + dv * dv
                    qq = qq + qv * qv
                sel = lanes == l
                dotv = jnp.where(sel, jnp.sum(pd), dotv)
                ddv = jnp.where(sel, jnp.sum(dd), ddv)
                qqv = jnp.where(sel, jnp.sum(qq), qqv)
            dn = jnp.maximum(ddv * _rsqrt(ddv), eps)
            qn = jnp.maximum(qqv * _rsqrt(qqv), eps)
            res[pl.ds(g * 16, 16)] = dotv / (dn * qn)
            return 0

        lax.fori_loop(0, BW // 16, cos_group, 0)

        pltpu.sync_copy(res, out_hbm.at[pl.ds(base, BW)])

    return sc_kernel(doc_flat, q_flat, W)

# --- scband reference (transcript-rebuilt; emitter-appended) ---
"""Pipeline reference for scband-nbow-class-43482248905441 (READ-ONLY COPY).

The authoritative reference and input builder live on the scoring server;
editing this copy changes nothing except your own understanding.
"""

import jax, jax.numpy as jnp
import numpy as np


def setup_inputs(seed: int = 0) -> dict:
    key = jax.random.key(seed)
    k1, k2, k3, k4 = jax.random.split(key, 4)
    documents = jax.random.randint(k1, (4096, 200), 0, 100000, dtype=jnp.int64 if jax.config.jax_enable_x64 else jnp.int32).astype(jnp.int32)
    queries = jax.random.randint(k2, (4096, 20), 0, 100000).astype(jnp.int32)
    query_ids = jax.random.randint(k3, (4096,), 0, 4096).astype(jnp.int32)
    W = jax.random.normal(k4, (100000, 128), dtype=jnp.float32)
    return {"documents": documents, "queries": queries, "query_ids": query_ids, "W": W}


def reference(documents, queries, query_ids, W):
    # embedding lookup
    d_emb = jnp.take(W, documents, axis=0)   # [B, Ld, D]
    q_emb = jnp.take(W, queries, axis=0)     # [B, Lq, D]
    # mean pool over sequence dim (pool_type='mean')
    d_pool = jnp.mean(d_emb, axis=1)         # [B, D]
    q_pool = jnp.mean(q_emb, axis=1)         # [B, D]
    # cosine similarity along last dim (torch semantics with eps=1e-8)
    eps = 1e-8
    dn = jnp.maximum(jnp.linalg.norm(d_pool, axis=-1), eps)
    qn = jnp.maximum(jnp.linalg.norm(q_pool, axis=-1), eps)
    cos = jnp.sum(d_pool * q_pool, axis=-1) / (dn * qn)
    return cos

if __name__ == "__main__":
    import jax
    _d = setup_inputs()
    print(jax.jit(kernel)(*tuple(_d.values())))

</pallas_src>

<mosaic_0001>
#map = affine_map<(d0, d1) -> (0)>
#map1 = affine_map<(d0, d1) -> (0, 0)>
module attributes {stable_mosaic.version = 14 : i64} {
  func.func @sc_kernel(%arg0: i32, %arg1: i32, %arg2: memref<819200xi32, #tpu.memory_space<hbm>>, %arg3: memref<81920xi32, #tpu.memory_space<hbm>>, %arg4: memref<100000x128xf32, #tpu.memory_space<hbm>>, %arg5: memref<4096xf32, #tpu.memory_space<hbm>>, %arg6: memref<25600xi32, #tpu.memory_space<vmem>>, %arg7: memref<2560xi32, #tpu.memory_space<vmem>>, %arg8: memref<200x128xf32, #tpu.memory_space<vmem>>, %arg9: memref<200x128xf32, #tpu.memory_space<vmem>>, %arg10: memref<40x128xf32, #tpu.memory_space<vmem>>, %arg11: memref<40x128xf32, #tpu.memory_space<vmem>>, %arg12: memref<128x128xf32, #tpu.memory_space<vmem>>, %arg13: memref<128x128xf32, #tpu.memory_space<vmem>>, %arg14: memref<128xf32, #tpu.memory_space<vmem>>, %arg15: memref<!tpu.dma_semaphore, #tpu.memory_space<semaphore_mem>>, %arg16: memref<!tpu.dma_semaphore, #tpu.memory_space<semaphore_mem>>) attributes {dimension_semantics = [#tpu.dimension_semantics<core_parallel>, #tpu.dimension_semantics<subcore_parallel>], iteration_bounds = array<i64: 2, 16>, scalar_prefetch = 0 : i64, scratch_operands = 11 : i64, tpu.core_type = #tpu.core_type<sc_vector_subcore>, window_params = [{transform_indices = #map}, {transform_indices = #map}, {transform_indices = #map1}, {transform_indices = #map}]} {
    %mul3A = arith.constant 2 : i32
    %mul3A_0 = arith.muli %arg1, %mul3A : i32
    %add3A = arith.addi %mul3A_0, %arg0 : i32
    %mul3A_1 = arith.constant 128 : i32
    %mul3A_2 = arith.muli %add3A, %mul3A_1 : i32
    %mul3A_3 = arith.constant 200 : i32
    %mul3A_4 = arith.muli %mul3A_2, %mul3A_3 : i32
    "tpu.region"() ({
      %run_scoped3A = tpu.sem_alloc : memref<!tpu.dma_semaphore, #tpu.memory_space<semaphore_mem>>
      %dma_start3A_47 = tpu.memref_slice %arg2[%mul3A_4] : memref<819200xi32, #tpu.memory_space<hbm>> -> memref<25600xi32, #tpu.memory_space<hbm>>
      %dma_start3A_48 = tpu.memref_slice %arg2[%mul3A_4] : memref<819200xi32, #tpu.memory_space<hbm>> -> memref<25600xi32, #tpu.memory_space<hbm>>
      tpu.enqueue_dma source(%dma_start3A_48 : memref<25600xi32, #tpu.memory_space<hbm>>) target(%arg6 : memref<25600xi32, #tpu.memory_space<vmem>>) target_semaphore(%run_scoped3A : memref<!tpu.dma_semaphore, #tpu.memory_space<semaphore_mem>>)
      %dma_wait3A = tpu.memref_slice %arg2[%mul3A_4] : memref<819200xi32, #tpu.memory_space<hbm>> -> memref<25600xi32, #tpu.memory_space<hbm>>
      %dma_wait3A_49 = tpu.memref_slice %arg2[%mul3A_4] : memref<819200xi32, #tpu.memory_space<hbm>> -> memref<25600xi32, #tpu.memory_space<hbm>>
      tpu.wait_dma2 semaphore(%run_scoped3A : memref<!tpu.dma_semaphore, #tpu.memory_space<semaphore_mem>>) src(%dma_wait3A_49 : memref<25600xi32, #tpu.memory_space<hbm>>) dst(%arg6 : memref<25600xi32, #tpu.memory_space<vmem>>)
      tpu.yield
    }) : () -> ()
    %mul3A_5 = arith.constant 20 : i32
    %mul3A_6 = arith.muli %mul3A_2, %mul3A_5 : i32
    "tpu.region"() ({
      %run_scoped3A = tpu.sem_alloc : memref<!tpu.dma_semaphore, #tpu.memory_space<semaphore_mem>>
      %dma_start3A_47 = tpu.memref_slice %arg3[%mul3A_6] : memref<81920xi32, #tpu.memory_space<hbm>> -> memref<2560xi32, #tpu.memory_space<hbm>>
      %dma_start3A_48 = tpu.memref_slice %arg3[%mul3A_6] : memref<81920xi32, #tpu.memory_space<hbm>> -> memref<2560xi32, #tpu.memory_space<hbm>>
      tpu.enqueue_dma source(%dma_start3A_48 : memref<2560xi32, #tpu.memory_space<hbm>>) target(%arg7 : memref<2560xi32, #tpu.memory_space<vmem>>) target_semaphore(%run_scoped3A : memref<!tpu.dma_semaphore, #tpu.memory_space<semaphore_mem>>)
      %dma_wait3A = tpu.memref_slice %arg3[%mul3A_6] : memref<81920xi32, #tpu.memory_space<hbm>> -> memref<2560xi32, #tpu.memory_space<hbm>>
      %dma_wait3A_49 = tpu.memref_slice %arg3[%mul3A_6] : memref<81920xi32, #tpu.memory_space<hbm>> -> memref<2560xi32, #tpu.memory_space<hbm>>
      tpu.wait_dma2 semaphore(%run_scoped3A : memref<!tpu.dma_semaphore, #tpu.memory_space<semaphore_mem>>) src(%dma_wait3A_49 : memref<2560xi32, #tpu.memory_space<hbm>>) dst(%arg7 : memref<2560xi32, #tpu.memory_space<vmem>>)
      tpu.yield
    }) : () -> ()
    %dma_start3A = arith.constant 0 : i32
    %dma_start3A_7 = arith.constant 0 : i32
    %dma_start3A_8 = tpu.memref_slice %arg8[%dma_start3A, %dma_start3A_7] : memref<200x128xf32, #tpu.memory_space<vmem>> -> memref<128x128xf32, #tpu.memory_space<vmem>>
    %dma_start3A_9 = arith.constant 0 : i32
    %dma_start3A_10 = tpu.memref_slice %arg6[%dma_start3A_9] : memref<25600xi32, #tpu.memory_space<vmem>> -> memref<128xi32, #tpu.memory_space<vmem>>
    %dma_start3A_11 = arith.constant 0 : i32
    %dma_start3A_12 = arith.constant 0 : i32
    %dma_start3A_13 = tpu.memref_slice %arg4[%dma_start3A_11, %dma_start3A_12] : memref<100000x128xf32, #tpu.memory_space<hbm>> -> memref<100000x128xf32, #tpu.memory_space<hbm>>
    tpu.enqueue_indirect_dma source(%dma_start3A_13 : memref<100000x128xf32, #tpu.memory_space<hbm>>) target(%dma_start3A_8 : memref<128x128xf32, #tpu.memory_space<vmem>>) offsets(%dma_start3A_10 : memref<128xi32, #tpu.memory_space<vmem>>) semaphore(%arg15 : memref<!tpu.dma_semaphore, #tpu.memory_space<semaphore_mem>>)
    %dma_start3A_14 = arith.constant 128 : i32
    %dma_start3A_15 = arith.constant 0 : i32
    %dma_start3A_16 = tpu.memref_slice %arg8[%dma_start3A_14, %dma_start3A_15] : memref<200x128xf32, #tpu.memory_space<vmem>> -> memref<72x128xf32, #tpu.memory_space<vmem>>
    %dma_start3A_17 = arith.constant 128 : i32
    %dma_start3A_18 = tpu.memref_slice %arg6[%dma_start3A_17] : memref<25600xi32, #tpu.memory_space<vmem>> -> memref<72xi32, #tpu.memory_space<vmem>>
    %dma_start3A_19 = arith.constant 0 : i32
    %dma_start3A_20 = arith.constant 0 : i32
    %dma_start3A_21 = tpu.memref_slice %arg4[%dma_start3A_19, %dma_start3A_20] : memref<100000x128xf32, #tpu.memory_space<hbm>> -> memref<100000x128xf32, #tpu.memory_space<hbm>>
    tpu.enqueue_indirect_dma source(%dma_start3A_21 : memref<100000x128xf32, #tpu.memory_space<hbm>>) target(%dma_start3A_16 : memref<72x128xf32, #tpu.memory_space<vmem>>) offsets(%dma_start3A_18 : memref<72xi32, #tpu.memory_space<vmem>>) semaphore(%arg15 : memref<!tpu.dma_semaphore, #tpu.memory_space<semaphore_mem>>)
    %scan3A = arith.constant 0 : i32
    %scan3A_22 = arith.constant 0 : i32
    %scan3A_23 = arith.constant 64 : i32
    %scan3A_24 = arith.addi %scan3A_22, %scan3A_23 : i32
    %scan3A_25 = arith.constant 1 : i32
    %scan3A_26 = scf.for %scan3A_47 = %scan3A_22 to %scan3A_24 step %scan3A_25 iter_args(%scan3A_48 = %scan3A) -> (i32)  : i32 {
      %mul3A_49 = arith.constant 2 : i32
      %mul3A_50 = arith.muli %mul3A_49, %scan3A_47 : i32
      %mul3A_51 = arith.constant 200 : i32
      %mul3A_52 = arith.muli %mul3A_50, %mul3A_51 : i32
      %dma_wait3A = arith.constant 0 : i32
      %dma_wait3A_53 = arith.constant 0 : i32
      %dma_wait3A_54 = tpu.memref_slice %arg8[%dma_wait3A, %dma_wait3A_53] : memref<200x128xf32, #tpu.memory_space<vmem>> -> memref<128x128xf32, #tpu.memory_space<vmem>>
      %dma_wait3A_55 = tpu.memref_slice %arg6[%mul3A_52] : memref<25600xi32, #tpu.memory_space<vmem>> -> memref<128xi32, #tpu.memory_space<vmem>>
      %dma_wait3A_56 = arith.constant 0 : i32
      %dma_wait3A_57 = arith.constant 0 : i32
      %dma_wait3A_58 = tpu.memref_slice %arg4[%dma_wait3A_56, %dma_wait3A_57] : memref<100000x128xf32, #tpu.memory_space<hbm>> -> memref<100000x128xf32, #tpu.memory_space<hbm>>
      tpu.wait_indirect_dma semaphore(%arg15 : memref<!tpu.dma_semaphore, #tpu.memory_space<semaphore_mem>>) src(%dma_wait3A_58 : memref<100000x128xf32, #tpu.memory_space<hbm>>) dst(%dma_wait3A_54 : memref<128x128xf32, #tpu.memory_space<vmem>>)
      %mul3A_59 = arith.constant 200 : i32
      %mul3A_60 = arith.muli %mul3A_50, %mul3A_59 : i32
      %add3A_61 = arith.constant 128 : i32
      %add3A_62 = arith.addi %mul3A_60, %add3A_61 : i32
      %dma_wait3A_63 = arith.constant 128 : i32
      %dma_wait3A_64 = arith.constant 0 : i32
      %dma_wait3A_65 = tpu.memref_slice %arg8[%dma_wait3A_63, %dma_wait3A_64] : memref<200x128xf32, #tpu.memory_space<vmem>> -> memref<72x128xf32, #tpu.memory_space<vmem>>
      %dma_wait3A_66 = tpu.memref_slice %arg6[%add3A_62] : memref<25600xi32, #tpu.memory_space<vmem>> -> memref<72xi32, #tpu.memory_space<vmem>>
      %dma_wait3A_67 = arith.constant 0 : i32
      %dma_wait3A_68 = arith.constant 0 : i32
      %dma_wait3A_69 = tpu.memref_slice %arg4[%dma_wait3A_67, %dma_wait3A_68] : memref<100000x128xf32, #tpu.memory_space<hbm>> -> memref<100000x128xf32, #tpu.memory_space<hbm>>
      tpu.wait_indirect_dma semaphore(%arg15 : memref<!tpu.dma_semaphore, #tpu.memory_space<semaphore_mem>>) src(%dma_wait3A_69 : memref<100000x128xf32, #tpu.memory_space<hbm>>) dst(%dma_wait3A_65 : memref<72x128xf32, #tpu.memory_space<vmem>>)
      %add3A_70 = arith.constant 1 : i32
      %add3A_71 = arith.addi %mul3A_50, %add3A_70 : i32
      %mul3A_72 = arith.constant 200 : i32
      %mul3A_73 = arith.muli %add3A_71, %mul3A_72 : i32
      %dma_start3A_74 = arith.constant 0 : i32
      %dma_start3A_75 = arith.constant 0 : i32
      %dma_start3A_76 = tpu.memref_slice %arg9[%dma_start3A_74, %dma_start3A_75] : memref<200x128xf32, #tpu.memory_space<vmem>> -> memref<128x128xf32, #tpu.memory_space<vmem>>
      %dma_start3A_77 = tpu.memref_slice %arg6[%mul3A_73] : memref<25600xi32, #tpu.memory_space<vmem>> -> memref<128xi32, #tpu.memory_space<vmem>>
      %dma_start3A_78 = arith.constant 0 : i32
      %dma_start3A_79 = arith.constant 0 : i32
      %dma_start3A_80 = tpu.memref_slice %arg4[%dma_start3A_78, %dma_start3A_79] : memref<100000x128xf32, #tpu.memory_space<hbm>> -> memref<100000x128xf32, #tpu.memory_space<hbm>>
      tpu.enqueue_indirect_dma source(%dma_start3A_80 : memref<100000x128xf32, #tpu.memory_space<hbm>>) target(%dma_start3A_76 : memref<128x128xf32, #tpu.memory_space<vmem>>) offsets(%dma_start3A_77 : memref<128xi32, #tpu.memory_space<vmem>>) semaphore(%arg16 : memref<!tpu.dma_semaphore, #tpu.memory_space<semaphore_mem>>)
      %mul3A_81 = arith.constant 200 : i32
      %mul3A_82 = arith.muli %add3A_71, %mul3A_81 : i32
      %add3A_83 = arith.constant 128 : i32
      %add3A_84 = arith.addi %mul3A_82, %add3A_83 : i32
      %dma_start3A_85 = arith.constant 128 : i32
      %dma_start3A_86 = arith.constant 0 : i32
      %dma_start3A_87 = tpu.memref_slice %arg9[%dma_start3A_85, %dma_start3A_86] : memref<200x128xf32, #tpu.memory_space<vmem>> -> memref<72x128xf32, #tpu.memory_space<vmem>>
      %dma_start3A_88 = tpu.memref_slice %arg6[%add3A_84] : memref<25600xi32, #tpu.memory_space<vmem>> -> memref<72xi32, #tpu.memory_space<vmem>>
      %dma_start3A_89 = arith.constant 0 : i32
      %dma_start3A_90 = arith.constant 0 : i32
      %dma_start3A_91 = tpu.memref_slice %arg4[%dma_start3A_89, %dma_start3A_90] : memref<100000x128xf32, #tpu.memory_space<hbm>> -> memref<100000x128xf32, #tpu.memory_space<hbm>>
      tpu.enqueue_indirect_dma source(%dma_start3A_91 : memref<100000x128xf32, #tpu.memory_space<hbm>>) target(%dma_start3A_87 : memref<72x128xf32, #tpu.memory_space<vmem>>) offsets(%dma_start3A_88 : memref<72xi32, #tpu.memory_space<vmem>>) semaphore(%arg16 : memref<!tpu.dma_semaphore, #tpu.memory_space<semaphore_mem>>)
      %broadcast_in_dim3A = arith.constant 0.000000e+00 : f32
      %broadcast_in_dim3A_92 = vector.broadcast %broadcast_in_dim3A : f32 to vector<16xf32>
      %scan3A_93 = arith.constant 0 : i32
      %scan3A_94 = arith.constant 200 : i32
      %scan3A_95 = arith.addi %scan3A_93, %scan3A_94 : i32
      %scan3A_96 = arith.constant 1 : i32
      %scan3A_97:8 = scf.for %scan3A_183 = %scan3A_93 to %scan3A_95 step %scan3A_96 iter_args(%scan3A_184 = %broadcast_in_dim3A_92, %scan3A_185 = %broadcast_in_dim3A_92, %scan3A_186 = %broadcast_in_dim3A_92, %scan3A_187 = %broadcast_in_dim3A_92, %scan3A_188 = %broadcast_in_dim3A_92, %scan3A_189 = %broadcast_in_dim3A_92, %scan3A_190 = %broadcast_in_dim3A_92, %scan3A_191 = %broadcast_in_dim3A_92) -> (vector<16xf32>, vector<16xf32>, vector<16xf32>, vector<16xf32>, vector<16xf32>, vector<16xf32>, vector<16xf32>, vector<16xf32>)  : i32 {
        %get3A = arith.index_cast %scan3A_183 : i32 to index
        %get3A_192 = arith.constant 0 : index
        %get3A_193 = tpu.vector_load %arg8[%get3A, %get3A_192] {strides = array<i32>} : memref<200x128xf32, #tpu.memory_space<vmem>>, vector<16xf32>,
        %add3A_194 = arith.addf %scan3A_184, %get3A_193 : vector<16xf32>
        %get3A_195 = arith.index_cast %scan3A_183 : i32 to index
        %get3A_196 = arith.constant 16 : index
        %get3A_197 = tpu.vector_load %arg8[%get3A_195, %get3A_196] {strides = array<i32>} : memref<200x128xf32, #tpu.memory_space<vmem>>, vector<16xf32>,
        %add3A_198 = arith.addf %scan3A_185, %get3A_197 : vector<16xf32>
        %get3A_199 = arith.index_cast %scan3A_183 : i32 to index
        %get3A_200 = arith.constant 32 : index
        %get3A_201 = tpu.vector_load %arg8[%get3A_199, %get3A_200] {strides = array<i32>} : memref<200x128xf32, #tpu.memory_space<vmem>>, vector<16xf32>,
        %add3A_202 = arith.addf %scan3A_186, %get3A_201 : vector<16xf32>
        %get3A_203 = arith.index_cast %scan3A_183 : i32 to index
        %get3A_204 = arith.constant 48 : index
        %get3A_205 = tpu.vector_load %arg8[%get3A_203, %get3A_204] {strides = array<i32>} : memref<200x128xf32, #tpu.memory_space<vmem>>, vector<16xf32>,
        %add3A_206 = arith.addf %scan3A_187, %get3A_205 : vector<16xf32>
        %get3A_207 = arith.index_cast %scan3A_183 : i32 to index
        %get3A_208 = arith.constant 64 : index
        %get3A_209 = tpu.vector_load %arg8[%get3A_207, %get3A_208] {strides = array<i32>} : memref<200x128xf32, #tpu.memory_space<vmem>>, vector<16xf32>,
        %add3A_210 = arith.addf %scan3A_188, %get3A_209 : vector<16xf32>
        %get3A_211 = arith.index_cast %scan3A_183 : i32 to index
        %get3A_212 = arith.constant 80 : index
        %get3A_213 = tpu.vector_load %arg8[%get3A_211, %get3A_212] {strides = array<i32>} : memref<200x128xf32, #tpu.memory_space<vmem>>, vector<16xf32>,
        %add3A_214 = arith.addf %scan3A_189, %get3A_213 : vector<16xf32>
        %get3A_215 = arith.index_cast %scan3A_183 : i32 to index
        %get3A_216 = arith.constant 96 : index
        %get3A_217 = tpu.vector_load %arg8[%get3A_215, %get3A_216] {strides = array<i32>} : memref<200x128xf32, #tpu.memory_space<vmem>>, vector<16xf32>,
        %add3A_218 = arith.addf %scan3A_190, %get3A_217 : vector<16xf32>
        %get3A_219 = arith.index_cast %scan3A_183 : i32 to index
        %get3A_220 = arith.constant 112 : index
        %get3A_221 = tpu.vector_load %arg8[%get3A_219, %get3A_220] {strides = array<i32>} : memref<200x128xf32, #tpu.memory_space<vmem>>, vector<16xf32>,
        %add3A_222 = arith.addf %scan3A_191, %get3A_221 : vector<16xf32>
        scf.yield %add3A_194, %add3A_198, %add3A_202, %add3A_206, %add3A_210, %add3A_214, %add3A_218, %add3A_222 : vector<16xf32>, vector<16xf32>, vector<16xf32>, vector<16xf32>, vector<16xf32>, vector<16xf32>, vector<16xf32>, vector<16xf32>
      }
      %scan3A_98 = arith.constant 200 : i32
      %swap3A = arith.index_cast %mul3A_50 : i32 to index
      %swap3A_99 = arith.constant 0 : index
      %swap3A_100 = tpu.vector_load %arg12[%swap3A, %swap3A_99] {strides = array<i32>} : memref<128x128xf32, #tpu.memory_space<vmem>>, vector<16xf32>,
      tpu.vector_store %arg12[%swap3A, %swap3A_99], %scan3A_97#0 {strides = array<i32>} : memref<128x128xf32, #tpu.memory_space<vmem>>, vector<16xf32>,
      %swap3A_101 = arith.index_cast %mul3A_50 : i32 to index
      %swap3A_102 = arith.constant 16 : index
      %swap3A_103 = tpu.vector_load %arg12[%swap3A_101, %swap3A_102] {strides = array<i32>} : memref<128x128xf32, #tpu.memory_space<vmem>>, vector<16xf32>,
      tpu.vector_store %arg12[%swap3A_101, %swap3A_102], %scan3A_97#1 {strides = array<i32>} : memref<128x128xf32, #tpu.memory_space<vmem>>, vector<16xf32>,
      %swap3A_104 = arith.index_cast %mul3A_50 : i32 to index
      %swap3A_105 = arith.constant 32 : index
      %swap3A_106 = tpu.vector_load %arg12[%swap3A_104, %swap3A_105] {strides = array<i32>} : memref<128x128xf32, #tpu.memory_space<vmem>>, vector<16xf32>,
      tpu.vector_store %arg12[%swap3A_104, %swap3A_105], %scan3A_97#2 {strides = array<i32>} : memref<128x128xf32, #tpu.memory_space<vmem>>, vector<16xf32>,
      %swap3A_107 = arith.index_cast %mul3A_50 : i32 to index
      %swap3A_108 = arith.constant 48 : index
      %swap3A_109 = tpu.vector_load %arg12[%swap3A_107, %swap3A_108] {strides = array<i32>} : memref<128x128xf32, #tpu.memory_space<vmem>>, vector<16xf32>,
      tpu.vector_store %arg12[%swap3A_107, %swap3A_108], %scan3A_97#3 {strides = array<i32>} : memref<128x128xf32, #tpu.memory_space<vmem>>, vector<16xf32>,
      %swap3A_110 = arith.index_cast %mul3A_50 : i32 to index
      %swap3A_111 = arith.constant 64 : index
      %swap3A_112 = tpu.vector_load %arg12[%swap3A_110, %swap3A_111] {strides = array<i32>} : memref<128x128xf32, #tpu.memory_space<vmem>>, vector<16xf32>,
      tpu.vector_store %arg12[%swap3A_110, %swap3A_111], %scan3A_97#4 {strides = array<i32>} : memref<128x128xf32, #tpu.memory_space<vmem>>, vector<16xf32>,
      %swap3A_113 = arith.index_cast %mul3A_50 : i32 to index
      %swap3A_114 = arith.constant 80 : index
      %swap3A_115 = tpu.vector_load %arg12[%swap3A_113, %swap3A_114] {strides = array<i32>} : memref<128x128xf32, #tpu.memory_space<vmem>>, vector<16xf32>,
      tpu.vector_store %arg12[%swap3A_113, %swap3A_114], %scan3A_97#5 {strides = array<i32>} : memref<128x128xf32, #tpu.memory_space<vmem>>, vector<16xf32>,
      %swap3A_116 = arith.index_cast %mul3A_50 : i32 to index
      %swap3A_117 = arith.constant 96 : index
      %swap3A_118 = tpu.vector_load %arg12[%swap3A_116, %swap3A_117] {strides = array<i32>} : memref<128x128xf32, #tpu.memory_space<vmem>>, vector<16xf32>,
      tpu.vector_store %arg12[%swap3A_116, %swap3A_117], %scan3A_97#6 {strides = array<i32>} : memref<128x128xf32, #tpu.memory_space<vmem>>, vector<16xf32>,
      %swap3A_119 = arith.index_cast %mul3A_50 : i32 to index
      %swap3A_120 = arith.constant 112 : index
      %swap3A_121 = tpu.vector_load %arg12[%swap3A_119, %swap3A_120] {strides = array<i32>} : memref<128x128xf32, #tpu.memory_space<vmem>>, vector<16xf32>,
      tpu.vector_store %arg12[%swap3A_119, %swap3A_120], %scan3A_97#7 {strides = array<i32>} : memref<128x128xf32, #tpu.memory_space<vmem>>, vector<16xf32>,
      %add3A_122 = arith.constant 1 : i32
      %add3A_123 = arith.addi %mul3A_50, %add3A_122 : i32
      %mul3A_124 = arith.constant 200 : i32
      %mul3A_125 = arith.muli %add3A_123, %mul3A_124 : i32
      %dma_wait3A_126 = arith.constant 0 : i32
      %dma_wait3A_127 = arith.constant 0 : i32
      %dma_wait3A_128 = tpu.memref_slice %arg9[%dma_wait3A_126, %dma_wait3A_127] : memref<200x128xf32, #tpu.memory_space<vmem>> -> memref<128x128xf32, #tpu.memory_space<vmem>>
      %dma_wait3A_129 = tpu.memref_slice %arg6[%mul3A_125] : memref<25600xi32, #tpu.memory_space<vmem>> -> memref<128xi32, #tpu.memory_space<vmem>>
      %dma_wait3A_130 = arith.constant 0 : i32
      %dma_wait3A_131 = arith.constant 0 : i32
      %dma_wait3A_132 = tpu.memref_slice %arg4[%dma_wait3A_130, %dma_wait3A_131] : memref<100000x128xf32, #tpu.memory_space<hbm>> -> memref<100000x128xf32, #tpu.memory_space<hbm>>
      tpu.wait_indirect_dma semaphore(%arg16 : memref<!tpu.dma_semaphore, #tpu.memory_space<semaphore_mem>>) src(%dma_wait3A_132 : memref<100000x128xf32, #tpu.memory_space<hbm>>) dst(%dma_wait3A_128 : memref<128x128xf32, #tpu.memory_space<vmem>>)
      %mul3A_133 = arith.constant 200 : i32
      %mul3A_134 = arith.muli %add3A_123, %mul3A_133 : i32
      %add3A_135 = arith.constant 128 : i32
      %add3A_136 = arith.addi %mul3A_134, %add3A_135 : i32
      %dma_wait3A_137 = arith.constant 128 : i32
      %dma_wait3A_138 = arith.constant 0 : i32
      %dma_wait3A_139 = tpu.memref_slice %arg9[%dma_wait3A_137, %dma_wait3A_138] : memref<200x128xf32, #tpu.memory_space<vmem>> -> memref<72x128xf32, #tpu.memory_space<vmem>>
      %dma_wait3A_140 = tpu.memref_slice %arg6[%add3A_136] : memref<25600xi32, #tpu.memory_space<vmem>> -> memref<72xi32, #tpu.memory_space<vmem>>
      %dma_wait3A_141 = arith.constant 0 : i32
      %dma_wait3A_142 = arith.constant 0 : i32
      %dma_wait3A_143 = tpu.memref_slice %arg4[%dma_wait3A_141, %dma_wait3A_142] : memref<100000x128xf32, #tpu.memory_space<hbm>> -> memref<100000x128xf32, #tpu.memory_space<hbm>>
      tpu.wait_indirect_dma semaphore(%arg16 : memref<!tpu.dma_semaphore, #tpu.memory_space<semaphore_mem>>) src(%dma_wait3A_143 : memref<100000x128xf32, #tpu.memory_space<hbm>>) dst(%dma_wait3A_139 : memref<72x128xf32, #tpu.memory_space<vmem>>)
      %add3A_144 = arith.constant 2 : i32
      %add3A_145 = arith.addi %mul3A_50, %add3A_144 : i32
      %lt3A = arith.constant 128 : i32
      %lt3A_146 = arith.cmpi slt, %add3A_145, %lt3A : i32
      %convert_element_type3A = arith.extui %lt3A_146 : i1 to i32
      %cond3A = arith.constant 0 : i32
      %cond3A_147 = arith.cmpi ne, %convert_element_type3A, %cond3A : i32
      scf.if %cond3A_147 {
        %add3A_183 = arith.constant 2 : i32
        %add3A_184 = arith.addi %mul3A_50, %add3A_183 : i32
        %mul3A_185 = arith.constant 200 : i32
        %mul3A_186 = arith.muli %add3A_184, %mul3A_185 : i32
        %dma_start3A_187 = arith.constant 0 : i32
        %dma_start3A_188 = arith.constant 0 : i32
        %dma_start3A_189 = tpu.memref_slice %arg8[%dma_start3A_187, %dma_start3A_188] : memref<200x128xf32, #tpu.memory_space<vmem>> -> memref<128x128xf32, #tpu.memory_space<vmem>>
        %dma_start3A_190 = tpu.memref_slice %arg6[%mul3A_186] : memref<25600xi32, #tpu.memory_space<vmem>> -> memref<128xi32, #tpu.memory_space<vmem>>
        %dma_start3A_191 = arith.constant 0 : i32
        %dma_start3A_192 = arith.constant 0 : i32
        %dma_start3A_193 = tpu.memref_slice %arg4[%dma_start3A_191, %dma_start3A_192] : memref<100000x128xf32, #tpu.memory_space<hbm>> -> memref<100000x128xf32, #tpu.memory_space<hbm>>
        tpu.enqueue_indirect_dma source(%dma_start3A_193 : memref<100000x128xf32, #tpu.memory_space<hbm>>) target(%dma_start3A_189 : memref<128x128xf32, #tpu.memory_space<vmem>>) offsets(%dma_start3A_190 : memref<128xi32, #tpu.memory_space<vmem>>) semaphore(%arg15 : memref<!tpu.dma_semaphore, #tpu.memory_space<semaphore_mem>>)
        %mul3A_194 = arith.constant 200 : i32
        %mul3A_195 = arith.muli %add3A_184, %mul3A_194 : i32
        %add3A_196 = arith.constant 128 : i32
        %add3A_197 = arith.addi %mul3A_195, %add3A_196 : i32
        %dma_start3A_198 = arith.constant 128 : i32
        %dma_start3A_199 = arith.constant 0 : i32
        %dma_start3A_200 = tpu.memref_slice %arg8[%dma_start3A_198, %dma_start3A_199] : memref<200x128xf32, #tpu.memory_space<vmem>> -> memref<72x128xf32, #tpu.memory_space<vmem>>
        %dma_start3A_201 = tpu.memref_slice %arg6[%add3A_197] : memref<25600xi32, #tpu.memory_space<vmem>> -> memref<72xi32, #tpu.memory_space<vmem>>
        %dma_start3A_202 = arith.constant 0 : i32
        %dma_start3A_203 = arith.constant 0 : i32
        %dma_start3A_204 = tpu.memref_slice %arg4[%dma_start3A_202, %dma_start3A_203] : memref<100000x128xf32, #tpu.memory_space<hbm>> -> memref<100000x128xf32, #tpu.memory_space<hbm>>
        tpu.enqueue_indirect_dma source(%dma_start3A_204 : memref<100000x128xf32, #tpu.memory_space<hbm>>) target(%dma_start3A_200 : memref<72x128xf32, #tpu.memory_space<vmem>>) offsets(%dma_start3A_201 : memref<72xi32, #tpu.memory_space<vmem>>) semaphore(%arg15 : memref<!tpu.dma_semaphore, #tpu.memory_space<semaphore_mem>>)
      } else {
      }
      %add3A_148 = arith.constant 1 : i32
      %add3A_149 = arith.addi %mul3A_50, %add3A_148 : i32
      %broadcast_in_dim3A_150 = arith.constant 0.000000e+00 : f32
      %broadcast_in_dim3A_151 = vector.broadcast %broadcast_in_dim3A_150 : f32 to vector<16xf32>
      %scan3A_152 = arith.constant 0 : i32
      %scan3A_153 = arith.constant 200 : i32
      %scan3A_154 = arith.addi %scan3A_152, %scan3A_153 : i32
      %scan3A_155 = arith.constant 1 : i32
      %scan3A_156:8 = scf.for %scan3A_183 = %scan3A_152 to %scan3A_154 step %scan3A_155 iter_args(%scan3A_184 = %broadcast_in_dim3A_151, %scan3A_185 = %broadcast_in_dim3A_151, %scan3A_186 = %broadcast_in_dim3A_151, %scan3A_187 = %broadcast_in_dim3A_151, %scan3A_188 = %broadcast_in_dim3A_151, %scan3A_189 = %broadcast_in_dim3A_151, %scan3A_190 = %broadcast_in_dim3A_151, %scan3A_191 = %broadcast_in_dim3A_151) -> (vector<16xf32>, vector<16xf32>, vector<16xf32>, vector<16xf32>, vector<16xf32>, vector<16xf32>, vector<16xf32>, vector<16xf32>)  : i32 {
        %get3A = arith.index_cast %scan3A_183 : i32 to index
        %get3A_192 = arith.constant 0 : index
        %get3A_193 = tpu.vector_load %arg9[%get3A, %get3A_192] {strides = array<i32>} : memref<200x128xf32, #tpu.memory_space<vmem>>, vector<16xf32>,
        %add3A_194 = arith.addf %scan3A_184, %get3A_193 : vector<16xf32>
        %get3A_195 = arith.index_cast %scan3A_183 : i32 to index
        %get3A_196 = arith.constant 16 : index
        %get3A_197 = tpu.vector_load %arg9[%get3A_195, %get3A_196] {strides = array<i32>} : memref<200x128xf32, #tpu.memory_space<vmem>>, vector<16xf32>,
        %add3A_198 = arith.addf %scan3A_185, %get3A_197 : vector<16xf32>
        %get3A_199 = arith.index_cast %scan3A_183 : i32 to index
        %get3A_200 = arith.constant 32 : index
        %get3A_201 = tpu.vector_load %arg9[%get3A_199, %get3A_200] {strides = array<i32>} : memref<200x128xf32, #tpu.memory_space<vmem>>, vector<16xf32>,
        %add3A_202 = arith.addf %scan3A_186, %get3A_201 : vector<16xf32>
        %get3A_203 = arith.index_cast %scan3A_183 : i32 to index
        %get3A_204 = arith.constant 48 : index
        %get3A_205 = tpu.vector_load %arg9[%get3A_203, %get3A_204] {strides = array<i32>} : memref<200x128xf32, #tpu.memory_space<vmem>>, vector<16xf32>,
        %add3A_206 = arith.addf %scan3A_187, %get3A_205 : vector<16xf32>
        %get3A_207 = arith.index_cast %scan3A_183 : i32 to index
        %get3A_208 = arith.constant 64 : index
        %get3A_209 = tpu.vector_load %arg9[%get3A_207, %get3A_208] {strides = array<i32>} : memref<200x128xf32, #tpu.memory_space<vmem>>, vector<16xf32>,
        %add3A_210 = arith.addf %scan3A_188, %get3A_209 : vector<16xf32>
        %get3A_211 = arith.index_cast %scan3A_183 : i32 to index
        %get3A_212 = arith.constant 80 : index
        %get3A_213 = tpu.vector_load %arg9[%get3A_211, %get3A_212] {strides = array<i32>} : memref<200x128xf32, #tpu.memory_space<vmem>>, vector<16xf32>,
        %add3A_214 = arith.addf %scan3A_189, %get3A_213 : vector<16xf32>
        %get3A_215 = arith.index_cast %scan3A_183 : i32 to index
        %get3A_216 = arith.constant 96 : index
        %get3A_217 = tpu.vector_load %arg9[%get3A_215, %get3A_216] {strides = array<i32>} : memref<200x128xf32, #tpu.memory_space<vmem>>, vector<16xf32>,
        %add3A_218 = arith.addf %scan3A_190, %get3A_217 : vector<16xf32>
        %get3A_219 = arith.index_cast %scan3A_183 : i32 to index
        %get3A_220 = arith.constant 112 : index
        %get3A_221 = tpu.vector_load %arg9[%get3A_219, %get3A_220] {strides = array<i32>} : memref<200x128xf32, #tpu.memory_space<vmem>>, vector<16xf32>,
        %add3A_222 = arith.addf %scan3A_191, %get3A_221 : vector<16xf32>
        scf.yield %add3A_194, %add3A_198, %add3A_202, %add3A_206, %add3A_210, %add3A_214, %add3A_218, %add3A_222 : vector<16xf32>, vector<16xf32>, vector<16xf32>, vector<16xf32>, vector<16xf32>, vector<16xf32>, vector<16xf32>, vector<16xf32>
      }
      %scan3A_157 = arith.constant 200 : i32
      %swap3A_158 = arith.index_cast %add3A_149 : i32 to index
      %swap3A_159 = arith.constant 0 : index
      %swap3A_160 = tpu.vector_load %arg12[%swap3A_158, %swap3A_159] {strides = array<i32>} : memref<128x128xf32, #tpu.memory_space<vmem>>, vector<16xf32>,
      tpu.vector_store %arg12[%swap3A_158, %swap3A_159], %scan3A_156#0 {strides = array<i32>} : memref<128x128xf32, #tpu.memory_space<vmem>>, vector<16xf32>,
      %swap3A_161 = arith.index_cast %add3A_149 : i32 to index
      %swap3A_162 = arith.constant 16 : index
      %swap3A_163 = tpu.vector_load %arg12[%swap3A_161, %swap3A_162] {strides = array<i32>} : memref<128x128xf32, #tpu.memory_space<vmem>>, vector<16xf32>,
      tpu.vector_store %arg12[%swap3A_161, %swap3A_162], %scan3A_156#1 {strides = array<i32>} : memref<128x128xf32, #tpu.memory_space<vmem>>, vector<16xf32>,
      %swap3A_164 = arith.index_cast %add3A_149 : i32 to index
      %swap3A_165 = arith.constant 32 : index
      %swap3A_166 = tpu.vector_load %arg12[%swap3A_164, %swap3A_165] {strides = array<i32>} : memref<128x128xf32, #tpu.memory_space<vmem>>, vector<16xf32>,
      tpu.vector_store %arg12[%swap3A_164, %swap3A_165], %scan3A_156#2 {strides = array<i32>} : memref<128x128xf32, #tpu.memory_space<vmem>>, vector<16xf32>,
      %swap3A_167 = arith.index_cast %add3A_149 : i32 to index
      %swap3A_168 = arith.constant 48 : index
      %swap3A_169 = tpu.vector_load %arg12[%swap3A_167, %swap3A_168] {strides = array<i32>} : memref<128x128xf32, #tpu.memory_space<vmem>>, vector<16xf32>,
      tpu.vector_store %arg12[%swap3A_167, %swap3A_168], %scan3A_156#3 {strides = array<i32>} : memref<128x128xf32, #tpu.memory_space<vmem>>, vector<16xf32>,
      %swap3A_170 = arith.index_cast %add3A_149 : i32 to index
      %swap3A_171 = arith.constant 64 : index
      %swap3A_172 = tpu.vector_load %arg12[%swap3A_170, %swap3A_171] {strides = array<i32>} : memref<128x128xf32, #tpu.memory_space<vmem>>, vector<16xf32>,
      tpu.vector_store %arg12[%swap3A_170, %swap3A_171], %scan3A_156#4 {strides = array<i32>} : memref<128x128xf32, #tpu.memory_space<vmem>>, vector<16xf32>,
      %swap3A_173 = arith.index_cast %add3A_149 : i32 to index
      %swap3A_174 = arith.constant 80 : index
      %swap3A_175 = tpu.vector_load %arg12[%swap3A_173, %swap3A_174] {strides = array<i32>} : memref<128x128xf32, #tpu.memory_space<vmem>>, vector<16xf32>,
      tpu.vector_store %arg12[%swap3A_173, %swap3A_174], %scan3A_156#5 {strides = array<i32>} : memref<128x128xf32, #tpu.memory_space<vmem>>, vector<16xf32>,
      %swap3A_176 = arith.index_cast %add3A_149 : i32 to index
      %swap3A_177 = arith.constant 96 : index
      %swap3A_178 = tpu.vector_load %arg12[%swap3A_176, %swap3A_177] {strides = array<i32>} : memref<128x128xf32, #tpu.memory_space<vmem>>, vector<16xf32>,
      tpu.vector_store %arg12[%swap3A_176, %swap3A_177], %scan3A_156#6 {strides = array<i32>} : memref<128x128xf32, #tpu.memory_space<vmem>>, vector<16xf32>,
      %swap3A_179 = arith.index_cast %add3A_149 : i32 to index
      %swap3A_180 = arith.constant 112 : index
      %swap3A_181 = tpu.vector_load %arg12[%swap3A_179, %swap3A_180] {strides = array<i32>} : memref<128x128xf32, #tpu.memory_space<vmem>>, vector<16xf32>,
      tpu.vector_store %arg12[%swap3A_179, %swap3A_180], %scan3A_156#7 {strides = array<i32>} : memref<128x128xf32, #tpu.memory_space<vmem>>, vector<16xf32>,
      %scan3A_182 = arith.constant 0 : i32
      scf.yield %scan3A_182 : i32
    }
    %scan3A_27 = arith.constant 64 : i32
    %dma_start3A_28 = arith.constant 0 : i32
    %dma_start3A_29 = tpu.memref_slice %arg7[%dma_start3A_28] : memref<2560xi32, #tpu.memory_space<vmem>> -> memref<40xi32, #tpu.memory_space<vmem>>
    %dma_start3A_30 = arith.constant 0 : i32
    %dma_start3A_31 = arith.constant 0 : i32
    %dma_start3A_32 = tpu.memref_slice %arg4[%dma_start3A_30, %dma_start3A_31] : memref<100000x128xf32, #tpu.memory_space<hbm>> -> memref<100000x128xf32, #tpu.memory_space<hbm>>
    tpu.enqueue_indirect_dma source(%dma_start3A_32 : memref<100000x128xf32, #tpu.memory_space<hbm>>) target(%arg10 : memref<40x128xf32, #tpu.memory_space<vmem>>) offsets(%dma_start3A_29 : memref<40xi32, #tpu.memory_space<vmem>>) semaphore(%arg15 : memref<!tpu.dma_semaphore, #tpu.memory_space<semaphore_mem>>)
    %scan3A_33 = arith.constant 0 : i32
    %scan3A_34 = arith.constant 0 : i32
    %scan3A_35 = arith.constant 32 : i32
    %scan3A_36 = arith.addi %scan3A_34, %scan3A_35 : i32
    %scan3A_37 = arith.constant 1 : i32
    %scan3A_38 = scf.for %scan3A_47 = %scan3A_34 to %scan3A_36 step %scan3A_37 iter_args(%scan3A_48 = %scan3A_33) -> (i32)  : i32 {
      %mul3A_49 = arith.constant 2 : i32
      %mul3A_50 = arith.muli %mul3A_49, %scan3A_47 : i32
      %mul3A_51 = arith.constant 2 : i32
      %mul3A_52 = arith.muli %mul3A_50, %mul3A_51 : i32
      %mul3A_53 = arith.constant 20 : i32
      %mul3A_54 = arith.muli %mul3A_52, %mul3A_53 : i32
      %dma_wait3A = tpu.memref_slice %arg7[%mul3A_54] : memref<2560xi32, #tpu.memory_space<vmem>> -> memref<40xi32, #tpu.memory_space<vmem>>
      %dma_wait3A_55 = arith.constant 0 : i32
      %dma_wait3A_56 = arith.constant 0 : i32
      %dma_wait3A_57 = tpu.memref_slice %arg4[%dma_wait3A_55, %dma_wait3A_56] : memref<100000x128xf32, #tpu.memory_space<hbm>> -> memref<100000x128xf32, #tpu.memory_space<hbm>>
      tpu.wait_indirect_dma semaphore(%arg15 : memref<!tpu.dma_semaphore, #tpu.memory_space<semaphore_mem>>) src(%dma_wait3A_57 : memref<100000x128xf32, #tpu.memory_space<hbm>>) dst(%arg10 : memref<40x128xf32, #tpu.memory_space<vmem>>)
      %add3A_58 = arith.constant 1 : i32
      %add3A_59 = arith.addi %mul3A_50, %add3A_58 : i32
      %mul3A_60 = arith.constant 2 : i32
      %mul3A_61 = arith.muli %add3A_59, %mul3A_60 : i32
      %mul3A_62 = arith.constant 20 : i32
      %mul3A_63 = arith.muli %mul3A_61, %mul3A_62 : i32
      %dma_start3A_64 = tpu.memref_slice %arg7[%mul3A_63] : memref<2560xi32, #tpu.memory_space<vmem>> -> memref<40xi32, #tpu.memory_space<vmem>>
      %dma_start3A_65 = arith.constant 0 : i32
      %dma_start3A_66 = arith.constant 0 : i32
      %dma_start3A_67 = tpu.memref_slice %arg4[%dma_start3A_65, %dma_start3A_66] : memref<100000x128xf32, #tpu.memory_space<hbm>> -> memref<100000x128xf32, #tpu.memory_space<hbm>>
      tpu.enqueue_indirect_dma source(%dma_start3A_67 : memref<100000x128xf32, #tpu.memory_space<hbm>>) target(%arg11 : memref<40x128xf32, #tpu.memory_space<vmem>>) offsets(%dma_start3A_64 : memref<40xi32, #tpu.memory_space<vmem>>) semaphore(%arg16 : memref<!tpu.dma_semaphore, #tpu.memory_space<semaphore_mem>>)
      %mul3A_68 = arith.constant 2 : i32
      %mul3A_69 = arith.muli %mul3A_50, %mul3A_68 : i32
      %broadcast_in_dim3A = arith.constant 0.000000e+00 : f32
      %broadcast_in_dim3A_70 = vector.broadcast %broadcast_in_dim3A : f32 to vector<16xf32>
      %scan3A_71 = arith.constant 0 : i32
      %scan3A_72 = arith.constant 20 : i32
      %scan3A_73 = arith.addi %scan3A_71, %scan3A_72 : i32
      %scan3A_74 = arith.constant 1 : i32
      %scan3A_75:8 = scf.for %scan3A_225 = %scan3A_71 to %scan3A_73 step %scan3A_74 iter_args(%scan3A_226 = %broadcast_in_dim3A_70, %scan3A_227 = %broadcast_in_dim3A_70, %scan3A_228 = %broadcast_in_dim3A_70, %scan3A_229 = %broadcast_in_dim3A_70, %scan3A_230 = %broadcast_in_dim3A_70, %scan3A_231 = %broadcast_in_dim3A_70, %scan3A_232 = %broadcast_in_dim3A_70, %scan3A_233 = %broadcast_in_dim3A_70) -> (vector<16xf32>, vector<16xf32>, vector<16xf32>, vector<16xf32>, vector<16xf32>, vector<16xf32>, vector<16xf32>, vector<16xf32>)  : i32 {
        %get3A = arith.index_cast %scan3A_225 : i32 to index
        %get3A_234 = arith.constant 0 : index
        %get3A_235 = tpu.vector_load %arg10[%get3A, %get3A_234] {strides = array<i32>} : memref<40x128xf32, #tpu.memory_space<vmem>>, vector<16xf32>,
        %add3A_236 = arith.addf %scan3A_226, %get3A_235 : vector<16xf32>
        %get3A_237 = arith.index_cast %scan3A_225 : i32 to index
        %get3A_238 = arith.constant 16 : index
        %get3A_239 = tpu.vector_load %arg10[%get3A_237, %get3A_238] {strides = array<i32>} : memref<40x128xf32, #tpu.memory_space<vmem>>, vector<16xf32>,
        %add3A_240 = arith.addf %scan3A_227, %get3A_239 : vector<16xf32>
        %get3A_241 = arith.index_cast %scan3A_225 : i32 to index
        %get3A_242 = arith.constant 32 : index
        %get3A_243 = tpu.vector_load %arg10[%get3A_241, %get3A_242] {strides = array<i32>} : memref<40x128xf32, #tpu.memory_space<vmem>>, vector<16xf32>,
        %add3A_244 = arith.addf %scan3A_228, %get3A_243 : vector<16xf32>
        %get3A_245 = arith.index_cast %scan3A_225 : i32 to index
        %get3A_246 = arith.constant 48 : index
        %get3A_247 = tpu.vector_load %arg10[%get3A_245, %get3A_246] {strides = array<i32>} : memref<40x128xf32, #tpu.memory_space<vmem>>, vector<16xf32>,
        %add3A_248 = arith.addf %scan3A_229, %get3A_247 : vector<16xf32>
        %get3A_249 = arith.index_cast %scan3A_225 : i32 to index
        %get3A_250 = arith.constant 64 : index
        %get3A_251 = tpu.vector_load %arg10[%get3A_249, %get3A_250] {strides = array<i32>} : memref<40x128xf32, #tpu.memory_space<vmem>>, vector<16xf32>,
        %add3A_252 = arith.addf %scan3A_230, %get3A_251 : vector<16xf32>
        %get3A_253 = arith.index_cast %scan3A_225 : i32 to index
        %get3A_254 = arith.constant 80 : index
        %get3A_255 = tpu.vector_load %arg10[%get3A_253, %get3A_254] {strides = array<i32>} : memref<40x128xf32, #tpu.memory_space<vmem>>, vector<16xf32>,
        %add3A_256 = arith.addf %scan3A_231, %get3A_255 : vector<16xf32>
        %get3A_257 = arith.index_cast %scan3A_225 : i32 to index
        %get3A_258 = arith.constant 96 : index
        %get3A_259 = tpu.vector_load %arg10[%get3A_257, %get3A_258] {strides = array<i32>} : memref<40x128xf32, #tpu.memory_space<vmem>>, vector<16xf32>,
        %add3A_260 = arith.addf %scan3A_232, %get3A_259 : vector<16xf32>
        %get3A_261 = arith.index_cast %scan3A_225 : i32 to index
        %get3A_262 = arith.constant 112 : index
        %get3A_263 = tpu.vector_load %arg10[%get3A_261, %get3A_262] {strides = array<i32>} : memref<40x128xf32, #tpu.memory_space<vmem>>, vector<16xf32>,
        %add3A_264 = arith.addf %scan3A_233, %get3A_263 : vector<16xf32>
        scf.yield %add3A_236, %add3A_240, %add3A_244, %add3A_248, %add3A_252, %add3A_256, %add3A_260, %add3A_264 : vector<16xf32>, vector<16xf32>, vector<16xf32>, vector<16xf32>, vector<16xf32>, vector<16xf32>, vector<16xf32>, vector<16xf32>
      }
      %scan3A_76 = arith.constant 20 : i32
      %swap3A = arith.index_cast %mul3A_69 : i32 to index
      %swap3A_77 = arith.constant 0 : index
      %swap3A_78 = tpu.vector_load %arg13[%swap3A, %swap3A_77] {strides = array<i32>} : memref<128x128xf32, #tpu.memory_space<vmem>>, vector<16xf32>,
      tpu.vector_store %arg13[%swap3A, %swap3A_77], %scan3A_75#0 {strides = array<i32>} : memref<128x128xf32, #tpu.memory_space<vmem>>, vector<16xf32>,
      %swap3A_79 = arith.index_cast %mul3A_69 : i32 to index
      %swap3A_80 = arith.constant 16 : index
      %swap3A_81 = tpu.vector_load %arg13[%swap3A_79, %swap3A_80] {strides = array<i32>} : memref<128x128xf32, #tpu.memory_space<vmem>>, vector<16xf32>,
      tpu.vector_store %arg13[%swap3A_79, %swap3A_80], %scan3A_75#1 {strides = array<i32>} : memref<128x128xf32, #tpu.memory_space<vmem>>, vector<16xf32>,
      %swap3A_82 = arith.index_cast %mul3A_69 : i32 to index
      %swap3A_83 = arith.constant 32 : index
      %swap3A_84 = tpu.vector_load %arg13[%swap3A_82, %swap3A_83] {strides = array<i32>} : memref<128x128xf32, #tpu.memory_space<vmem>>, vector<16xf32>,
      tpu.vector_store %arg13[%swap3A_82, %swap3A_83], %scan3A_75#2 {strides = array<i32>} : memref<128x128xf32, #tpu.memory_space<vmem>>, vector<16xf32>,
      %swap3A_85 = arith.index_cast %mul3A_69 : i32 to index
      %swap3A_86 = arith.constant 48 : index
      %swap3A_87 = tpu.vector_load %arg13[%swap3A_85, %swap3A_86] {strides = array<i32>} : memref<128x128xf32, #tpu.memory_space<vmem>>, vector<16xf32>,
      tpu.vector_store %arg13[%swap3A_85, %swap3A_86], %scan3A_75#3 {strides = array<i32>} : memref<128x128xf32, #tpu.memory_space<vmem>>, vector<16xf32>,
      %swap3A_88 = arith.index_cast %mul3A_69 : i32 to index
      %swap3A_89 = arith.constant 64 : index
      %swap3A_90 = tpu.vector_load %arg13[%swap3A_88, %swap3A_89] {strides = array<i32>} : memref<128x128xf32, #tpu.memory_space<vmem>>, vector<16xf32>,
      tpu.vector_store %arg13[%swap3A_88, %swap3A_89], %scan3A_75#4 {strides = array<i32>} : memref<128x128xf32, #tpu.memory_space<vmem>>, vector<16xf32>,
      %swap3A_91 = arith.index_cast %mul3A_69 : i32 to index
      %swap3A_92 = arith.constant 80 : index
      %swap3A_93 = tpu.vector_load %arg13[%swap3A_91, %swap3A_92] {strides = array<i32>} : memref<128x128xf32, #tpu.memory_space<vmem>>, vector<16xf32>,
      tpu.vector_store %arg13[%swap3A_91, %swap3A_92], %scan3A_75#5 {strides = array<i32>} : memref<128x128xf32, #tpu.memory_space<vmem>>, vector<16xf32>,
      %swap3A_94 = arith.index_cast %mul3A_69 : i32 to index
      %swap3A_95 = arith.constant 96 : index
      %swap3A_96 = tpu.vector_load %arg13[%swap3A_94, %swap3A_95] {strides = array<i32>} : memref<128x128xf32, #tpu.memory_space<vmem>>, vector<16xf32>,
      tpu.vector_store %arg13[%swap3A_94, %swap3A_95], %scan3A_75#6 {strides = array<i32>} : memref<128x128xf32, #tpu.memory_space<vmem>>, vector<16xf32>,
      %swap3A_97 = arith.index_cast %mul3A_69 : i32 to index
      %swap3A_98 = arith.constant 112 : index
      %swap3A_99 = tpu.vector_load %arg13[%swap3A_97, %swap3A_98] {strides = array<i32>} : memref<128x128xf32, #tpu.memory_space<vmem>>, vector<16xf32>,
      tpu.vector_store %arg13[%swap3A_97, %swap3A_98], %scan3A_75#7 {strides = array<i32>} : memref<128x128xf32, #tpu.memory_space<vmem>>, vector<16xf32>,
      %mul3A_100 = arith.constant 2 : i32
      %mul3A_101 = arith.muli %mul3A_50, %mul3A_100 : i32
      %add3A_102 = arith.constant 1 : i32
      %add3A_103 = arith.addi %mul3A_101, %add3A_102 : i32
      %broadcast_in_dim3A_104 = arith.constant 0.000000e+00 : f32
      %broadcast_in_dim3A_105 = vector.broadcast %broadcast_in_dim3A_104 : f32 to vector<16xf32>
      %scan3A_106 = arith.constant 20 : i32
      %scan3A_107 = arith.constant 20 : i32
      %scan3A_108 = arith.addi %scan3A_106, %scan3A_107 : i32
      %scan3A_109 = arith.constant 1 : i32
      %scan3A_110:8 = scf.for %scan3A_225 = %scan3A_106 to %scan3A_108 step %scan3A_109 iter_args(%scan3A_226 = %broadcast_in_dim3A_105, %scan3A_227 = %broadcast_in_dim3A_105, %scan3A_228 = %broadcast_in_dim3A_105, %scan3A_229 = %broadcast_in_dim3A_105, %scan3A_230 = %broadcast_in_dim3A_105, %scan3A_231 = %broadcast_in_dim3A_105, %scan3A_232 = %broadcast_in_dim3A_105, %scan3A_233 = %broadcast_in_dim3A_105) -> (vector<16xf32>, vector<16xf32>, vector<16xf32>, vector<16xf32>, vector<16xf32>, vector<16xf32>, vector<16xf32>, vector<16xf32>)  : i32 {
        %get3A = arith.index_cast %scan3A_225 : i32 to index
        %get3A_234 = arith.constant 0 : index
        %get3A_235 = tpu.vector_load %arg10[%get3A, %get3A_234] {strides = array<i32>} : memref<40x128xf32, #tpu.memory_space<vmem>>, vector<16xf32>,
        %add3A_236 = arith.addf %scan3A_226, %get3A_235 : vector<16xf32>
        %get3A_237 = arith.index_cast %scan3A_225 : i32 to index
        %get3A_238 = arith.constant 16 : index
        %get3A_239 = tpu.vector_load %arg10[%get3A_237, %get3A_238] {strides = array<i32>} : memref<40x128xf32, #tpu.memory_space<vmem>>, vector<16xf32>,
        %add3A_240 = arith.addf %scan3A_227, %get3A_239 : vector<16xf32>
        %get3A_241 = arith.index_cast %scan3A_225 : i32 to index
        %get3A_242 = arith.constant 32 : index
        %get3A_243 = tpu.vector_load %arg10[%get3A_241, %get3A_242] {strides = array<i32>} : memref<40x128xf32, #tpu.memory_space<vmem>>, vector<16xf32>,
        %add3A_244 = arith.addf %scan3A_228, %get3A_243 : vector<16xf32>
        %get3A_245 = arith.index_cast %scan3A_225 : i32 to index
        %get3A_246 = arith.constant 48 : index
        %get3A_247 = tpu.vector_load %arg10[%get3A_245, %get3A_246] {strides = array<i32>} : memref<40x128xf32, #tpu.memory_space<vmem>>, vector<16xf32>,
        %add3A_248 = arith.addf %scan3A_229, %get3A_247 : vector<16xf32>
        %get3A_249 = arith.index_cast %scan3A_225 : i32 to index
        %get3A_250 = arith.constant 64 : index
        %get3A_251 = tpu.vector_load %arg10[%get3A_249, %get3A_250] {strides = array<i32>} : memref<40x128xf32, #tpu.memory_space<vmem>>, vector<16xf32>,
        %add3A_252 = arith.addf %scan3A_230, %get3A_251 : vector<16xf32>
        %get3A_253 = arith.index_cast %scan3A_225 : i32 to index
        %get3A_254 = arith.constant 80 : index
        %get3A_255 = tpu.vector_load %arg10[%get3A_253, %get3A_254] {strides = array<i32>} : memref<40x128xf32, #tpu.memory_space<vmem>>, vector<16xf32>,
        %add3A_256 = arith.addf %scan3A_231, %get3A_255 : vector<16xf32>
        %get3A_257 = arith.index_cast %scan3A_225 : i32 to index
        %get3A_258 = arith.constant 96 : index
        %get3A_259 = tpu.vector_load %arg10[%get3A_257, %get3A_258] {strides = array<i32>} : memref<40x128xf32, #tpu.memory_space<vmem>>, vector<16xf32>,
        %add3A_260 = arith.addf %scan3A_232, %get3A_259 : vector<16xf32>
        %get3A_261 = arith.index_cast %scan3A_225 : i32 to index
        %get3A_262 = arith.constant 112 : index
        %get3A_263 = tpu.vector_load %arg10[%get3A_261, %get3A_262] {strides = array<i32>} : memref<40x128xf32, #tpu.memory_space<vmem>>, vector<16xf32>,
        %add3A_264 = arith.addf %scan3A_233, %get3A_263 : vector<16xf32>
        scf.yield %add3A_236, %add3A_240, %add3A_244, %add3A_248, %add3A_252, %add3A_256, %add3A_260, %add3A_264 : vector<16xf32>, vector<16xf32>, vector<16xf32>, vector<16xf32>, vector<16xf32>, vector<16xf32>, vector<16xf32>, vector<16xf32>
      }
      %scan3A_111 = arith.constant 20 : i32
      %swap3A_112 = arith.index_cast %add3A_103 : i32 to index
      %swap3A_113 = arith.constant 0 : index
      %swap3A_114 = tpu.vector_load %arg13[%swap3A_112, %swap3A_113] {strides = array<i32>} : memref<128x128xf32, #tpu.memory_space<vmem>>, vector<16xf32>,
      tpu.vector_store %arg13[%swap3A_112, %swap3A_113], %scan3A_110#0 {strides = array<i32>} : memref<128x128xf32, #tpu.memory_space<vmem>>, vector<16xf32>,
      %swap3A_115 = arith.index_cast %add3A_103 : i32 to index
      %swap3A_116 = arith.constant 16 : index
      %swap3A_117 = tpu.vector_load %arg13[%swap3A_115, %swap3A_116] {strides = array<i32>} : memref<128x128xf32, #tpu.memory_space<vmem>>, vector<16xf32>,
      tpu.vector_store %arg13[%swap3A_115, %swap3A_116], %scan3A_110#1 {strides = array<i32>} : memref<128x128xf32, #tpu.memory_space<vmem>>, vector<16xf32>,
      %swap3A_118 = arith.index_cast %add3A_103 : i32 to index
      %swap3A_119 = arith.constant 32 : index
      %swap3A_120 = tpu.vector_load %arg13[%swap3A_118, %swap3A_119] {strides = array<i32>} : memref<128x128xf32, #tpu.memory_space<vmem>>, vector<16xf32>,
      tpu.vector_store %arg13[%swap3A_118, %swap3A_119], %scan3A_110#2 {strides = array<i32>} : memref<128x128xf32, #tpu.memory_space<vmem>>, vector<16xf32>,
      %swap3A_121 = arith.index_cast %add3A_103 : i32 to index
      %swap3A_122 = arith.constant 48 : index
      %swap3A_123 = tpu.vector_load %arg13[%swap3A_121, %swap3A_122] {strides = array<i32>} : memref<128x128xf32, #tpu.memory_space<vmem>>, vector<16xf32>,
      tpu.vector_store %arg13[%swap3A_121, %swap3A_122], %scan3A_110#3 {strides = array<i32>} : memref<128x128xf32, #tpu.memory_space<vmem>>, vector<16xf32>,
      %swap3A_124 = arith.index_cast %add3A_103 : i32 to index
      %swap3A_125 = arith.constant 64 : index
      %swap3A_126 = tpu.vector_load %arg13[%swap3A_124, %swap3A_125] {strides = array<i32>} : memref<128x128xf32, #tpu.memory_space<vmem>>, vector<16xf32>,
      tpu.vector_store %arg13[%swap3A_124, %swap3A_125], %scan3A_110#4 {strides = array<i32>} : memref<128x128xf32, #tpu.memory_space<vmem>>, vector<16xf32>,
      %swap3A_127 = arith.index_cast %add3A_103 : i32 to index
      %swap3A_128 = arith.constant 80 : index
      %swap3A_129 = tpu.vector_load %arg13[%swap3A_127, %swap3A_128] {strides = array<i32>} : memref<128x128xf32, #tpu.memory_space<vmem>>, vector<16xf32>,
      tpu.vector_store %arg13[%swap3A_127, %swap3A_128], %scan3A_110#5 {strides = array<i32>} : memref<128x128xf32, #tpu.memory_space<vmem>>, vector<16xf32>,
      %swap3A_130 = arith.index_cast %add3A_103 : i32 to index
      %swap3A_131 = arith.constant 96 : index
      %swap3A_132 = tpu.vector_load %arg13[%swap3A_130, %swap3A_131] {strides = array<i32>} : memref<128x128xf32, #tpu.memory_space<vmem>>, vector<16xf32>,
      tpu.vector_store %arg13[%swap3A_130, %swap3A_131], %scan3A_110#6 {strides = array<i32>} : memref<128x128xf32, #tpu.memory_space<vmem>>, vector<16xf32>,
      %swap3A_133 = arith.index_cast %add3A_103 : i32 to index
      %swap3A_134 = arith.constant 112 : index
      %swap3A_135 = tpu.vector_load %arg13[%swap3A_133, %swap3A_134] {strides = array<i32>} : memref<128x128xf32, #tpu.memory_space<vmem>>, vector<16xf32>,
      tpu.vector_store %arg13[%swap3A_133, %swap3A_134], %scan3A_110#7 {strides = array<i32>} : memref<128x128xf32, #tpu.memory_space<vmem>>, vector<16xf32>,
      %add3A_136 = arith.constant 1 : i32
      %add3A_137 = arith.addi %mul3A_50, %add3A_136 : i32
      %mul3A_138 = arith.constant 2 : i32
      %mul3A_139 = arith.muli %add3A_137, %mul3A_138 : i32
      %mul3A_140 = arith.constant 20 : i32
      %mul3A_141 = arith.muli %mul3A_139, %mul3A_140 : i32
      %dma_wait3A_142 = tpu.memref_slice %arg7[%mul3A_141] : memref<2560xi32, #tpu.memory_space<vmem>> -> memref<40xi32, #tpu.memory_space<vmem>>
      %dma_wait3A_143 = arith.constant 0 : i32
      %dma_wait3A_144 = arith.constant 0 : i32
      %dma_wait3A_145 = tpu.memref_slice %arg4[%dma_wait3A_143, %dma_wait3A_144] : memref<100000x128xf32, #tpu.memory_space<hbm>> -> memref<100000x128xf32, #tpu.memory_space<hbm>>
      tpu.wait_indirect_dma semaphore(%arg16 : memref<!tpu.dma_semaphore, #tpu.memory_space<semaphore_mem>>) src(%dma_wait3A_145 : memref<100000x128xf32, #tpu.memory_space<hbm>>) dst(%arg11 : memref<40x128xf32, #tpu.memory_space<vmem>>)
      %add3A_146 = arith.constant 2 : i32
      %add3A_147 = arith.addi %mul3A_50, %add3A_146 : i32
      %lt3A = arith.constant 64 : i32
      %lt3A_148 = arith.cmpi slt, %add3A_147, %lt3A : i32
      %convert_element_type3A = arith.extui %lt3A_148 : i1 to i32
      %cond3A = arith.constant 0 : i32
      %cond3A_149 = arith.cmpi ne, %convert_element_type3A, %cond3A : i32
      scf.if %cond3A_149 {
        %add3A_225 = arith.constant 2 : i32
        %add3A_226 = arith.addi %mul3A_50, %add3A_225 : i32
        %mul3A_227 = arith.constant 2 : i32
        %mul3A_228 = arith.muli %add3A_226, %mul3A_227 : i32
        %mul3A_229 = arith.constant 20 : i32
        %mul3A_230 = arith.muli %mul3A_228, %mul3A_229 : i32
        %dma_start3A_231 = tpu.memref_slice %arg7[%mul3A_230] : memref<2560xi32, #tpu.memory_space<vmem>> -> memref<40xi32, #tpu.memory_space<vmem>>
        %dma_start3A_232 = arith.constant 0 : i32
        %dma_start3A_233 = arith.constant 0 : i32
        %dma_start3A_234 = tpu.memref_slice %arg4[%dma_start3A_232, %dma_start3A_233] : memref<100000x128xf32, #tpu.memory_space<hbm>> -> memref<100000x128xf32, #tpu.memory_space<hbm>>
        tpu.enqueue_indirect_dma source(%dma_start3A_234 : memref<100000x128xf32, #tpu.memory_space<hbm>>) target(%arg10 : memref<40x128xf32, #tpu.memory_space<vmem>>) offsets(%dma_start3A_231 : memref<40xi32, #tpu.memory_space<vmem>>) semaphore(%arg15 : memref<!tpu.dma_semaphore, #tpu.memory_space<semaphore_mem>>)
      } else {
      }
      %add3A_150 = arith.constant 1 : i32
      %add3A_151 = arith.addi %mul3A_50, %add3A_150 : i32
      %mul3A_152 = arith.constant 2 : i32
      %mul3A_153 = arith.muli %add3A_151, %mul3A_152 : i32
      %broadcast_in_dim3A_154 = arith.constant 0.000000e+00 : f32
      %broadcast_in_dim3A_155 = vector.broadcast %broadcast_in_dim3A_154 : f32 to vector<16xf32>
      %scan3A_156 = arith.constant 0 : i32
      %scan3A_157 = arith.constant 20 : i32
      %scan3A_158 = arith.addi %scan3A_156, %scan3A_157 : i32
      %scan3A_159 = arith.constant 1 : i32
      %scan3A_160:8 = scf.for %scan3A_225 = %scan3A_156 to %scan3A_158 step %scan3A_159 iter_args(%scan3A_226 = %broadcast_in_dim3A_155, %scan3A_227 = %broadcast_in_dim3A_155, %scan3A_228 = %broadcast_in_dim3A_155, %scan3A_229 = %broadcast_in_dim3A_155, %scan3A_230 = %broadcast_in_dim3A_155, %scan3A_231 = %broadcast_in_dim3A_155, %scan3A_232 = %broadcast_in_dim3A_155, %scan3A_233 = %broadcast_in_dim3A_155) -> (vector<16xf32>, vector<16xf32>, vector<16xf32>, vector<16xf32>, vector<16xf32>, vector<16xf32>, vector<16xf32>, vector<16xf32>)  : i32 {
        %get3A = arith.index_cast %scan3A_225 : i32 to index
        %get3A_234 = arith.constant 0 : index
        %get3A_235 = tpu.vector_load %arg11[%get3A, %get3A_234] {strides = array<i32>} : memref<40x128xf32, #tpu.memory_space<vmem>>, vector<16xf32>,
        %add3A_236 = arith.addf %scan3A_226, %get3A_235 : vector<16xf32>
        %get3A_237 = arith.index_cast %scan3A_225 : i32 to index
        %get3A_238 = arith.constant 16 : index
        %get3A_239 = tpu.vector_load %arg11[%get3A_237, %get3A_238] {strides = array<i32>} : memref<40x128xf32, #tpu.memory_space<vmem>>, vector<16xf32>,
        %add3A_240 = arith.addf %scan3A_227, %get3A_239 : vector<16xf32>
        %get3A_241 = arith.index_cast %scan3A_225 : i32 to index
        %get3A_242 = arith.constant 32 : index
        %get3A_243 = tpu.vector_load %arg11[%get3A_241, %get3A_242] {strides = array<i32>} : memref<40x128xf32, #tpu.memory_space<vmem>>, vector<16xf32>,
        %add3A_244 = arith.addf %scan3A_228, %get3A_243 : vector<16xf32>
        %get3A_245 = arith.index_cast %scan3A_225 : i32 to index
        %get3A_246 = arith.constant 48 : index
        %get3A_247 = tpu.vector_load %arg11[%get3A_245, %get3A_246] {strides = array<i32>} : memref<40x128xf32, #tpu.memory_space<vmem>>, vector<16xf32>,
        %add3A_248 = arith.addf %scan3A_229, %get3A_247 : vector<16xf32>
        %get3A_249 = arith.index_cast %scan3A_225 : i32 to index
        %get3A_250 = arith.constant 64 : index
        %get3A_251 = tpu.vector_load %arg11[%get3A_249, %get3A_250] {strides = array<i32>} : memref<40x128xf32, #tpu.memory_space<vmem>>, vector<16xf32>,
        %add3A_252 = arith.addf %scan3A_230, %get3A_251 : vector<16xf32>
        %get3A_253 = arith.index_cast %scan3A_225 : i32 to index
        %get3A_254 = arith.constant 80 : index
        %get3A_255 = tpu.vector_load %arg11[%get3A_253, %get3A_254] {strides = array<i32>} : memref<40x128xf32, #tpu.memory_space<vmem>>, vector<16xf32>,
        %add3A_256 = arith.addf %scan3A_231, %get3A_255 : vector<16xf32>
        %get3A_257 = arith.index_cast %scan3A_225 : i32 to index
        %get3A_258 = arith.constant 96 : index
        %get3A_259 = tpu.vector_load %arg11[%get3A_257, %get3A_258] {strides = array<i32>} : memref<40x128xf32, #tpu.memory_space<vmem>>, vector<16xf32>,
        %add3A_260 = arith.addf %scan3A_232, %get3A_259 : vector<16xf32>
        %get3A_261 = arith.index_cast %scan3A_225 : i32 to index
        %get3A_262 = arith.constant 112 : index
        %get3A_263 = tpu.vector_load %arg11[%get3A_261, %get3A_262] {strides = array<i32>} : memref<40x128xf32, #tpu.memory_space<vmem>>, vector<16xf32>,
        %add3A_264 = arith.addf %scan3A_233, %get3A_263 : vector<16xf32>
        scf.yield %add3A_236, %add3A_240, %add3A_244, %add3A_248, %add3A_252, %add3A_256, %add3A_260, %add3A_264 : vector<16xf32>, vector<16xf32>, vector<16xf32>, vector<16xf32>, vector<16xf32>, vector<16xf32>, vector<16xf32>, vector<16xf32>
      }
      %scan3A_161 = arith.constant 20 : i32
      %swap3A_162 = arith.index_cast %mul3A_153 : i32 to index
      %swap3A_163 = arith.constant 0 : index
      %swap3A_164 = tpu.vector_load %arg13[%swap3A_162, %swap3A_163] {strides = array<i32>} : memref<128x128xf32, #tpu.memory_space<vmem>>, vector<16xf32>,
      tpu.vector_store %arg13[%swap3A_162, %swap3A_163], %scan3A_160#0 {strides = array<i32>} : memref<128x128xf32, #tpu.memory_space<vmem>>, vector<16xf32>,
      %swap3A_165 = arith.index_cast %mul3A_153 : i32 to index
      %swap3A_166 = arith.constant 16 : index
      %swap3A_167 = tpu.vector_load %arg13[%swap3A_165, %swap3A_166] {strides = array<i32>} : memref<128x128xf32, #tpu.memory_space<vmem>>, vector<16xf32>,
      tpu.vector_store %arg13[%swap3A_165, %swap3A_166], %scan3A_160#1 {strides = array<i32>} : memref<128x128xf32, #tpu.memory_space<vmem>>, vector<16xf32>,
      %swap3A_168 = arith.index_cast %mul3A_153 : i32 to index
      %swap3A_169 = arith.constant 32 : index
      %swap3A_170 = tpu.vector_load %arg13[%swap3A_168, %swap3A_169] {strides = array<i32>} : memref<128x128xf32, #tpu.memory_space<vmem>>, vector<16xf32>,
      tpu.vector_store %arg13[%swap3A_168, %swap3A_169], %scan3A_160#2 {strides = array<i32>} : memref<128x128xf32, #tpu.memory_space<vmem>>, vector<16xf32>,
      %swap3A_171 = arith.index_cast %mul3A_153 : i32 to index
      %swap3A_172 = arith.constant 48 : index
      %swap3A_173 = tpu.vector_load %arg13[%swap3A_171, %swap3A_172] {strides = array<i32>} : memref<128x128xf32, #tpu.memory_space<vmem>>, vector<16xf32>,
      tpu.vector_store %arg13[%swap3A_171, %swap3A_172], %scan3A_160#3 {strides = array<i32>} : memref<128x128xf32, #tpu.memory_space<vmem>>, vector<16xf32>,
      %swap3A_174 = arith.index_cast %mul3A_153 : i32 to index
      %swap3A_175 = arith.constant 64 : index
      %swap3A_176 = tpu.vector_load %arg13[%swap3A_174, %swap3A_175] {strides = array<i32>} : memref<128x128xf32, #tpu.memory_space<vmem>>, vector<16xf32>,
      tpu.vector_store %arg13[%swap3A_174, %swap3A_175], %scan3A_160#4 {strides = array<i32>} : memref<128x128xf32, #tpu.memory_space<vmem>>, vector<16xf32>,
      %swap3A_177 = arith.index_cast %mul3A_153 : i32 to index
      %swap3A_178 = arith.constant 80 : index
      %swap3A_179 = tpu.vector_load %arg13[%swap3A_177, %swap3A_178] {strides = array<i32>} : memref<128x128xf32, #tpu.memory_space<vmem>>, vector<16xf32>,
      tpu.vector_store %arg13[%swap3A_177, %swap3A_178], %scan3A_160#5 {strides = array<i32>} : memref<128x128xf32, #tpu.memory_space<vmem>>, vector<16xf32>,
      %swap3A_180 = arith.index_cast %mul3A_153 : i32 to index
      %swap3A_181 = arith.constant 96 : index
      %swap3A_182 = tpu.vector_load %arg13[%swap3A_180, %swap3A_181] {strides = array<i32>} : memref<128x128xf32, #tpu.memory_space<vmem>>, vector<16xf32>,
      tpu.vector_store %arg13[%swap3A_180, %swap3A_181], %scan3A_160#6 {strides = array<i32>} : memref<128x128xf32, #tpu.memory_space<vmem>>, vector<16xf32>,
      %swap3A_183 = arith.index_cast %mul3A_153 : i32 to index
      %swap3A_184 = arith.constant 112 : index
      %swap3A_185 = tpu.vector_load %arg13[%swap3A_183, %swap3A_184] {strides = array<i32>} : memref<128x128xf32, #tpu.memory_space<vmem>>, vector<16xf32>,
      tpu.vector_store %arg13[%swap3A_183, %swap3A_184], %scan3A_160#7 {strides = array<i32>} : memref<128x128xf32, #tpu.memory_space<vmem>>, vector<16xf32>,
      %add3A_186 = arith.constant 1 : i32
      %add3A_187 = arith.addi %mul3A_50, %add3A_186 : i32
      %mul3A_188 = arith.constant 2 : i32
      %mul3A_189 = arith.muli %add3A_187, %mul3A_188 : i32
      %add3A_190 = arith.constant 1 : i32
      %add3A_191 = arith.addi %mul3A_189, %add3A_190 : i32
      %broadcast_in_dim3A_192 = arith.constant 0.000000e+00 : f32
      %broadcast_in_dim3A_193 = vector.broadcast %broadcast_in_dim3A_192 : f32 to vector<16xf32>
      %scan3A_194 = arith.constant 20 : i32
      %scan3A_195 = arith.constant 20 : i32
      %scan3A_196 = arith.addi %scan3A_194, %scan3A_195 : i32
      %scan3A_197 = arith.constant 1 : i32
      %scan3A_198:8 = scf.for %scan3A_225 = %scan3A_194 to %scan3A_196 step %scan3A_197 iter_args(%scan3A_226 = %broadcast_in_dim3A_193, %scan3A_227 = %broadcast_in_dim3A_193, %scan3A_228 = %broadcast_in_dim3A_193, %scan3A_229 = %broadcast_in_dim3A_193, %scan3A_230 = %broadcast_in_dim3A_193, %scan3A_231 = %broadcast_in_dim3A_193, %scan3A_232 = %broadcast_in_dim3A_193, %scan3A_233 = %broadcast_in_dim3A_193) -> (vector<16xf32>, vector<16xf32>, vector<16xf32>, vector<16xf32>, vector<16xf32>, vector<16xf32>, vector<16xf32>, vector<16xf32>)  : i32 {
        %get3A = arith.index_cast %scan3A_225 : i32 to index
        %get3A_234 = arith.constant 0 : index
        %get3A_235 = tpu.vector_load %arg11[%get3A, %get3A_234] {strides = array<i32>} : memref<40x128xf32, #tpu.memory_space<vmem>>, vector<16xf32>,
        %add3A_236 = arith.addf %scan3A_226, %get3A_235 : vector<16xf32>
        %get3A_237 = arith.index_cast %scan3A_225 : i32 to index
        %get3A_238 = arith.constant 16 : index
        %get3A_239 = tpu.vector_load %arg11[%get3A_237, %get3A_238] {strides = array<i32>} : memref<40x128xf32, #tpu.memory_space<vmem>>, vector<16xf32>,
        %add3A_240 = arith.addf %scan3A_227, %get3A_239 : vector<16xf32>
        %get3A_241 = arith.index_cast %scan3A_225 : i32 to index
        %get3A_242 = arith.constant 32 : index
        %get3A_243 = tpu.vector_load %arg11[%get3A_241, %get3A_242] {strides = array<i32>} : memref<40x128xf32, #tpu.memory_space<vmem>>, vector<16xf32>,
        %add3A_244 = arith.addf %scan3A_228, %get3A_243 : vector<16xf32>
        %get3A_245 = arith.index_cast %scan3A_225 : i32 to index
        %get3A_246 = arith.constant 48 : index
        %get3A_247 = tpu.vector_load %arg11[%get3A_245, %get3A_246] {strides = array<i32>} : memref<40x128xf32, #tpu.memory_space<vmem>>, vector<16xf32>,
        %add3A_248 = arith.addf %scan3A_229, %get3A_247 : vector<16xf32>
        %get3A_249 = arith.index_cast %scan3A_225 : i32 to index
        %get3A_250 = arith.constant 64 : index
        %get3A_251 = tpu.vector_load %arg11[%get3A_249, %get3A_250] {strides = array<i32>} : memref<40x128xf32, #tpu.memory_space<vmem>>, vector<16xf32>,
        %add3A_252 = arith.addf %scan3A_230, %get3A_251 : vector<16xf32>
        %get3A_253 = arith.index_cast %scan3A_225 : i32 to index
        %get3A_254 = arith.constant 80 : index
        %get3A_255 = tpu.vector_load %arg11[%get3A_253, %get3A_254] {strides = array<i32>} : memref<40x128xf32, #tpu.memory_space<vmem>>, vector<16xf32>,
        %add3A_256 = arith.addf %scan3A_231, %get3A_255 : vector<16xf32>
        %get3A_257 = arith.index_cast %scan3A_225 : i32 to index
        %get3A_258 = arith.constant 96 : index
        %get3A_259 = tpu.vector_load %arg11[%get3A_257, %get3A_258] {strides = array<i32>} : memref<40x128xf32, #tpu.memory_space<vmem>>, vector<16xf32>,
        %add3A_260 = arith.addf %scan3A_232, %get3A_259 : vector<16xf32>
        %get3A_261 = arith.index_cast %scan3A_225 : i32 to index
        %get3A_262 = arith.constant 112 : index
        %get3A_263 = tpu.vector_load %arg11[%get3A_261, %get3A_262] {strides = array<i32>} : memref<40x128xf32, #tpu.memory_space<vmem>>, vector<16xf32>,
        %add3A_264 = arith.addf %scan3A_233, %get3A_263 : vector<16xf32>
        scf.yield %add3A_236, %add3A_240, %add3A_244, %add3A_248, %add3A_252, %add3A_256, %add3A_260, %add3A_264 : vector<16xf32>, vector<16xf32>, vector<16xf32>, vector<16xf32>, vector<16xf32>, vector<16xf32>, vector<16xf32>, vector<16xf32>
      }
      %scan3A_199 = arith.constant 20 : i32
      %swap3A_200 = arith.index_cast %add3A_191 : i32 to index
      %swap3A_201 = arith.constant 0 : index
      %swap3A_202 = tpu.vector_load %arg13[%swap3A_200, %swap3A_201] {strides = array<i32>} : memref<128x128xf32, #tpu.memory_space<vmem>>, vector<16xf32>,
      tpu.vector_store %arg13[%swap3A_200, %swap3A_201], %scan3A_198#0 {strides = array<i32>} : memref<128x128xf32, #tpu.memory_space<vmem>>, vector<16xf32>,
      %swap3A_203 = arith.index_cast %add3A_191 : i32 to index
      %swap3A_204 = arith.constant 16 : index
      %swap3A_205 = tpu.vector_load %arg13[%swap3A_203, %swap3A_204] {strides = array<i32>} : memref<128x128xf32, #tpu.memory_space<vmem>>, vector<16xf32>,
      tpu.vector_store %arg13[%swap3A_203, %swap3A_204], %scan3A_198#1 {strides = array<i32>} : memref<128x128xf32, #tpu.memory_space<vmem>>, vector<16xf32>,
      %swap3A_206 = arith.index_cast %add3A_191 : i32 to index
      %swap3A_207 = arith.constant 32 : index
      %swap3A_208 = tpu.vector_load %arg13[%swap3A_206, %swap3A_207] {strides = array<i32>} : memref<128x128xf32, #tpu.memory_space<vmem>>, vector<16xf32>,
      tpu.vector_store %arg13[%swap3A_206, %swap3A_207], %scan3A_198#2 {strides = array<i32>} : memref<128x128xf32, #tpu.memory_space<vmem>>, vector<16xf32>,
      %swap3A_209 = arith.index_cast %add3A_191 : i32 to index
      %swap3A_210 = arith.constant 48 : index
      %swap3A_211 = tpu.vector_load %arg13[%swap3A_209, %swap3A_210] {strides = array<i32>} : memref<128x128xf32, #tpu.memory_space<vmem>>, vector<16xf32>,
      tpu.vector_store %arg13[%swap3A_209, %swap3A_210], %scan3A_198#3 {strides = array<i32>} : memref<128x128xf32, #tpu.memory_space<vmem>>, vector<16xf32>,
      %swap3A_212 = arith.index_cast %add3A_191 : i32 to index
      %swap3A_213 = arith.constant 64 : index
      %swap3A_214 = tpu.vector_load %arg13[%swap3A_212, %swap3A_213] {strides = array<i32>} : memref<128x128xf32, #tpu.memory_space<vmem>>, vector<16xf32>,
      tpu.vector_store %arg13[%swap3A_212, %swap3A_213], %scan3A_198#4 {strides = array<i32>} : memref<128x128xf32, #tpu.memory_space<vmem>>, vector<16xf32>,
      %swap3A_215 = arith.index_cast %add3A_191 : i32 to index
      %swap3A_216 = arith.constant 80 : index
      %swap3A_217 = tpu.vector_load %arg13[%swap3A_215, %swap3A_216] {strides = array<i32>} : memref<128x128xf32, #tpu.memory_space<vmem>>, vector<16xf32>,
      tpu.vector_store %arg13[%swap3A_215, %swap3A_216], %scan3A_198#5 {strides = array<i32>} : memref<128x128xf32, #tpu.memory_space<vmem>>, vector<16xf32>,
      %swap3A_218 = arith.index_cast %add3A_191 : i32 to index
      %swap3A_219 = arith.constant 96 : index
      %swap3A_220 = tpu.vector_load %arg13[%swap3A_218, %swap3A_219] {strides = array<i32>} : memref<128x128xf32, #tpu.memory_space<vmem>>, vector<16xf32>,
      tpu.vector_store %arg13[%swap3A_218, %swap3A_219], %scan3A_198#6 {strides = array<i32>} : memref<128x128xf32, #tpu.memory_space<vmem>>, vector<16xf32>,
      %swap3A_221 = arith.index_cast %add3A_191 : i32 to index
      %swap3A_222 = arith.constant 112 : index
      %swap3A_223 = tpu.vector_load %arg13[%swap3A_221, %swap3A_222] {strides = array<i32>} : memref<128x128xf32, #tpu.memory_space<vmem>>, vector<16xf32>,
      tpu.vector_store %arg13[%swap3A_221, %swap3A_222], %scan3A_198#7 {strides = array<i32>} : memref<128x128xf32, #tpu.memory_space<vmem>>, vector<16xf32>,
      %scan3A_224 = arith.constant 0 : i32
      scf.yield %scan3A_224 : i32
    }
    %scan3A_39 = arith.constant 32 : i32
    %iota3A = tpu.iota {dimensions = array<i32: 0>} : vector<16xi32>
    %scan3A_40 = arith.constant 0 : i32
    %scan3A_41 = arith.constant 0 : i32
    %scan3A_42 = arith.constant 8 : i32
    %scan3A_43 = arith.addi %scan3A_41, %scan3A_42 : i32
    %scan3A_44 = arith.constant 1 : i32
    %scan3A_45 = scf.for %scan3A_47 = %scan3A_41 to %scan3A_43 step %scan3A_44 iter_args(%scan3A_48 = %scan3A_40) -> (i32)  : i32 {
      %broadcast_in_dim3A = arith.constant 0.000000e+00 : f32
      %broadcast_in_dim3A_49 = vector.broadcast %broadcast_in_dim3A : f32 to vector<16xf32>
      %broadcast_in_dim3A_50 = arith.constant 0.000000e+00 : f32
      %broadcast_in_dim3A_51 = vector.broadcast %broadcast_in_dim3A_50 : f32 to vector<16xf32>
      %broadcast_in_dim3A_52 = arith.constant 0.000000e+00 : f32
      %broadcast_in_dim3A_53 = vector.broadcast %broadcast_in_dim3A_52 : f32 to vector<16xf32>
      %mul3A_54 = arith.constant 16 : i32
      %mul3A_55 = arith.muli %scan3A_47, %mul3A_54 : i32
      %add3A_56 = arith.constant 0 : i32
      %add3A_57 = arith.addi %mul3A_55, %add3A_56 : i32
      %broadcast_in_dim3A_58 = arith.constant 0.000000e+00 : f32
      %broadcast_in_dim3A_59 = vector.broadcast %broadcast_in_dim3A_58 : f32 to vector<16xf32>
      %broadcast_in_dim3A_60 = arith.constant 0.000000e+00 : f32
      %broadcast_in_dim3A_61 = vector.broadcast %broadcast_in_dim3A_60 : f32 to vector<16xf32>
      %broadcast_in_dim3A_62 = arith.constant 0.000000e+00 : f32
      %broadcast_in_dim3A_63 = vector.broadcast %broadcast_in_dim3A_62 : f32 to vector<16xf32>
      %get3A = arith.index_cast %add3A_57 : i32 to index
      %get3A_64 = arith.constant 0 : index
      %get3A_65 = tpu.vector_load %arg12[%get3A, %get3A_64] {strides = array<i32>} : memref<128x128xf32, #tpu.memory_space<vmem>>, vector<16xf32>,
      %mul3A_66 = arith.constant 5.000000e-03 : f32
      %mul3A_67 = vector.broadcast %mul3A_66 : f32 to vector<16xf32>
      %mul3A_68 = arith.mulf %get3A_65, %mul3A_67 : vector<16xf32>
      %get3A_69 = arith.index_cast %add3A_57 : i32 to index
      %get3A_70 = arith.constant 0 : index
      %get3A_71 = tpu.vector_load %arg13[%get3A_69, %get3A_70] {strides = array<i32>} : memref<128x128xf32, #tpu.memory_space<vmem>>, vector<16xf32>,
      %mul3A_72 = arith.constant 5.000000e-02 : f32
      %mul3A_73 = vector.broadcast %mul3A_72 : f32 to vector<16xf32>
      %mul3A_74 = arith.mulf %get3A_71, %mul3A_73 : vector<16xf32>
      %mul3A_75 = arith.mulf %mul3A_68, %mul3A_74 : vector<16xf32>
      %add3A_76 = arith.addf %broadcast_in_dim3A_59, %mul3A_75 : vector<16xf32>
      %mul3A_77 = arith.mulf %mul3A_68, %mul3A_68 : vector<16xf32>
      %add3A_78 = arith.addf %broadcast_in_dim3A_61, %mul3A_77 : vector<16xf32>
      %mul3A_79 = arith.mulf %mul3A_74, %mul3A_74 : vector<16xf32>
      %add3A_80 = arith.addf %broadcast_in_dim3A_63, %mul3A_79 : vector<16xf32>
      %get3A_81 = arith.index_cast %add3A_57 : i32 to index
      %get3A_82 = arith.constant 16 : index
      %get3A_83 = tpu.vector_load %arg12[%get3A_81, %get3A_82] {strides = array<i32>} : memref<128x128xf32, #tpu.memory_space<vmem>>, vector<16xf32>,
      %mul3A_84 = arith.constant 5.000000e-03 : f32
      %mul3A_85 = vector.broadcast %mul3A_84 : f32 to vector<16xf32>
      %mul3A_86 = arith.mulf %get3A_83, %mul3A_85 : vector<16xf32>
      %get3A_87 = arith.index_cast %add3A_57 : i32 to index
      %get3A_88 = arith.constant 16 : index
      %get3A_89 = tpu.vector_load %arg13[%get3A_87, %get3A_88] {strides = array<i32>} : memref<128x128xf32, #tpu.memory_space<vmem>>, vector<16xf32>,
      %mul3A_90 = arith.constant 5.000000e-02 : f32
      %mul3A_91 = vector.broadcast %mul3A_90 : f32 to vector<16xf32>
      %mul3A_92 = arith.mulf %get3A_89, %mul3A_91 : vector<16xf32>
      %mul3A_93 = arith.mulf %mul3A_86, %mul3A_92 : vector<16xf32>
      %add3A_94 = arith.addf %add3A_76, %mul3A_93 : vector<16xf32>
      %mul3A_95 = arith.mulf %mul3A_86, %mul3A_86 : vector<16xf32>
      %add3A_96 = arith.addf %add3A_78, %mul3A_95 : vector<16xf32>
      %mul3A_97 = arith.mulf %mul3A_92, %mul3A_92 : vector<16xf32>
      %add3A_98 = arith.addf %add3A_80, %mul3A_97 : vector<16xf32>
      %get3A_99 = arith.index_cast %add3A_57 : i32 to index
      %get3A_100 = arith.constant 32 : index
      %get3A_101 = tpu.vector_load %arg12[%get3A_99, %get3A_100] {strides = array<i32>} : memref<128x128xf32, #tpu.memory_space<vmem>>, vector<16xf32>,
      %mul3A_102 = arith.constant 5.000000e-03 : f32
      %mul3A_103 = vector.broadcast %mul3A_102 : f32 to vector<16xf32>
      %mul3A_104 = arith.mulf %get3A_101, %mul3A_103 : vector<16xf32>
      %get3A_105 = arith.index_cast %add3A_57 : i32 to index
      %get3A_106 = arith.constant 32 : index
      %get3A_107 = tpu.vector_load %arg13[%get3A_105, %get3A_106] {strides = array<i32>} : memref<128x128xf32, #tpu.memory_space<vmem>>, vector<16xf32>,
      %mul3A_108 = arith.constant 5.000000e-02 : f32
      %mul3A_109 = vector.broadcast %mul3A_108 : f32 to vector<16xf32>
      %mul3A_110 = arith.mulf %get3A_107, %mul3A_109 : vector<16xf32>
      %mul3A_111 = arith.mulf %mul3A_104, %mul3A_110 : vector<16xf32>
      %add3A_112 = arith.addf %add3A_94, %mul3A_111 : vector<16xf32>
      %mul3A_113 = arith.mulf %mul3A_104, %mul3A_104 : vector<16xf32>
      %add3A_114 = arith.addf %add3A_96, %mul3A_113 : vector<16xf32>
      %mul3A_115 = arith.mulf %mul3A_110, %mul3A_110 : vector<16xf32>
      %add3A_116 = arith.addf %add3A_98, %mul3A_115 : vector<16xf32>
      %get3A_117 = arith.index_cast %add3A_57 : i32 to index
      %get3A_118 = arith.constant 48 : index
      %get3A_119 = tpu.vector_load %arg12[%get3A_117, %get3A_118] {strides = array<i32>} : memref<128x128xf32, #tpu.memory_space<vmem>>, vector<16xf32>,
      %mul3A_120 = arith.constant 5.000000e-03 : f32
      %mul3A_121 = vector.broadcast %mul3A_120 : f32 to vector<16xf32>
      %mul3A_122 = arith.mulf %get3A_119, %mul3A_121 : vector<16xf32>
      %get3A_123 = arith.index_cast %add3A_57 : i32 to index
      %get3A_124 = arith.constant 48 : index
      %get3A_125 = tpu.vector_load %arg13[%get3A_123, %get3A_124] {strides = array<i32>} : memref<128x128xf32, #tpu.memory_space<vmem>>, vector<16xf32>,
      %mul3A_126 = arith.constant 5.000000e-02 : f32
      %mul3A_127 = vector.broadcast %mul3A_126 : f32 to vector<16xf32>
      %mul3A_128 = arith.mulf %get3A_125, %mul3A_127 : vector<16xf32>
      %mul3A_129 = arith.mulf %mul3A_122, %mul3A_128 : vector<16xf32>
      %add3A_130 = arith.addf %add3A_112, %mul3A_129 : vector<16xf32>
      %mul3A_131 = arith.mulf %mul3A_122, %mul3A_122 : vector<16xf32>
      %add3A_132 = arith.addf %add3A_114, %mul3A_131 : vector<16xf32>
      %mul3A_133 = arith.mulf %mul3A_128, %mul3A_128 : vector<16xf32>
      %add3A_134 = arith.addf %add3A_116, %mul3A_133 : vector<16xf32>
      %get3A_135 = arith.index_cast %add3A_57 : i32 to index
      %get3A_136 = arith.constant 64 : index
      %get3A_137 = tpu.vector_load %arg12[%get3A_135, %get3A_136] {strides = array<i32>} : memref<128x128xf32, #tpu.memory_space<vmem>>, vector<16xf32>,
      %mul3A_138 = arith.constant 5.000000e-03 : f32
      %mul3A_139 = vector.broadcast %mul3A_138 : f32 to vector<16xf32>
      %mul3A_140 = arith.mulf %get3A_137, %mul3A_139 : vector<16xf32>
      %get3A_141 = arith.index_cast %add3A_57 : i32 to index
      %get3A_142 = arith.constant 64 : index
      %get3A_143 = tpu.vector_load %arg13[%get3A_141, %get3A_142] {strides = array<i32>} : memref<128x128xf32, #tpu.memory_space<vmem>>, vector<16xf32>,
      %mul3A_144 = arith.constant 5.000000e-02 : f32
      %mul3A_145 = vector.broadcast %mul3A_144 : f32 to vector<16xf32>
      %mul3A_146 = arith.mulf %get3A_143, %mul3A_145 : vector<16xf32>
      %mul3A_147 = arith.mulf %mul3A_140, %mul3A_146 : vector<16xf32>
      %add3A_148 = arith.addf %add3A_130, %mul3A_147 : vector<16xf32>
      %mul3A_149 = arith.mulf %mul3A_140, %mul3A_140 : vector<16xf32>
      %add3A_150 = arith.addf %add3A_132, %mul3A_149 : vector<16xf32>
      %mul3A_151 = arith.mulf %mul3A_146, %mul3A_146 : vector<16xf32>
      %add3A_152 = arith.addf %add3A_134, %mul3A_151 : vector<16xf32>
      %get3A_153 = arith.index_cast %add3A_57 : i32 to index
      %get3A_154 = arith.constant 80 : index
      %get3A_155 = tpu.vector_load %arg12[%get3A_153, %get3A_154] {strides = array<i32>} : memref<128x128xf32, #tpu.memory_space<vmem>>, vector<16xf32>,
      %mul3A_156 = arith.constant 5.000000e-03 : f32
      %mul3A_157 = vector.broadcast %mul3A_156 : f32 to vector<16xf32>
      %mul3A_158 = arith.mulf %get3A_155, %mul3A_157 : vector<16xf32>
      %get3A_159 = arith.index_cast %add3A_57 : i32 to index
      %get3A_160 = arith.constant 80 : index
      %get3A_161 = tpu.vector_load %arg13[%get3A_159, %get3A_160] {strides = array<i32>} : memref<128x128xf32, #tpu.memory_space<vmem>>, vector<16xf32>,
      %mul3A_162 = arith.constant 5.000000e-02 : f32
      %mul3A_163 = vector.broadcast %mul3A_162 : f32 to vector<16xf32>
      %mul3A_164 = arith.mulf %get3A_161, %mul3A_163 : vector<16xf32>
      %mul3A_165 = arith.mulf %mul3A_158, %mul3A_164 : vector<16xf32>
      %add3A_166 = arith.addf %add3A_148, %mul3A_165 : vector<16xf32>
      %mul3A_167 = arith.mulf %mul3A_158, %mul3A_158 : vector<16xf32>
      %add3A_168 = arith.addf %add3A_150, %mul3A_167 : vector<16xf32>
      %mul3A_169 = arith.mulf %mul3A_164, %mul3A_164 : vector<16xf32>
      %add3A_170 = arith.addf %add3A_152, %mul3A_169 : vector<16xf32>
      %get3A_171 = arith.index_cast %add3A_57 : i32 to index
      %get3A_172 = arith.constant 96 : index
      %get3A_173 = tpu.vector_load %arg12[%get3A_171, %get3A_172] {strides = array<i32>} : memref<128x128xf32, #tpu.memory_space<vmem>>, vector<16xf32>,
      %mul3A_174 = arith.constant 5.000000e-03 : f32
      %mul3A_175 = vector.broadcast %mul3A_174 : f32 to vector<16xf32>
      %mul3A_176 = arith.mulf %get3A_173, %mul3A_175 : vector<16xf32>
      %get3A_177 = arith.index_cast %add3A_57 : i32 to index
      %get3A_178 = arith.constant 96 : index
      %get3A_179 = tpu.vector_load %arg13[%get3A_177, %get3A_178] {strides = array<i32>} : memref<128x128xf32, #tpu.memory_space<vmem>>, vector<16xf32>,
      %mul3A_180 = arith.constant 5.000000e-02 : f32
      %mul3A_181 = vector.broadcast %mul3A_180 : f32 to vector<16xf32>
      %mul3A_182 = arith.mulf %get3A_179, %mul3A_181 : vector<16xf32>
      %mul3A_183 = arith.mulf %mul3A_176, %mul3A_182 : vector<16xf32>
      %add3A_184 = arith.addf %add3A_166, %mul3A_183 : vector<16xf32>
      %mul3A_185 = arith.mulf %mul3A_176, %mul3A_176 : vector<16xf32>
      %add3A_186 = arith.addf %add3A_168, %mul3A_185 : vector<16xf32>
      %mul3A_187 = arith.mulf %mul3A_182, %mul3A_182 : vector<16xf32>
      %add3A_188 = arith.addf %add3A_170, %mul3A_187 : vector<16xf32>
      %get3A_189 = arith.index_cast %add3A_57 : i32 to index
      %get3A_190 = arith.constant 112 : index
      %get3A_191 = tpu.vector_load %arg12[%get3A_189, %get3A_190] {strides = array<i32>} : memref<128x128xf32, #tpu.memory_space<vmem>>, vector<16xf32>,
      %mul3A_192 = arith.constant 5.000000e-03 : f32
      %mul3A_193 = vector.broadcast %mul3A_192 : f32 to vector<16xf32>
      %mul3A_194 = arith.mulf %get3A_191, %mul3A_193 : vector<16xf32>
      %get3A_195 = arith.index_cast %add3A_57 : i32 to index
      %get3A_196 = arith.constant 112 : index
      %get3A_197 = tpu.vector_load %arg13[%get3A_195, %get3A_196] {strides = array<i32>} : memref<128x128xf32, #tpu.memory_space<vmem>>, vector<16xf32>,
      %mul3A_198 = arith.constant 5.000000e-02 : f32
      %mul3A_199 = vector.broadcast %mul3A_198 : f32 to vector<16xf32>
      %mul3A_200 = arith.mulf %get3A_197, %mul3A_199 : vector<16xf32>
      %mul3A_201 = arith.mulf %mul3A_194, %mul3A_200 : vector<16xf32>
      %add3A_202 = arith.addf %add3A_184, %mul3A_201 : vector<16xf32>
      %mul3A_203 = arith.mulf %mul3A_194, %mul3A_194 : vector<16xf32>
      %add3A_204 = arith.addf %add3A_186, %mul3A_203 : vector<16xf32>
      %mul3A_205 = arith.mulf %mul3A_200, %mul3A_200 : vector<16xf32>
      %add3A_206 = arith.addf %add3A_188, %mul3A_205 : vector<16xf32>
      %eq3A = arith.constant 0 : i32
      %eq3A_207 = vector.broadcast %eq3A : i32 to vector<16xi32>
      %eq3A_208 = arith.cmpi eq, %iota3A, %eq3A_207 : vector<16xi32>
      %reduce_sum3A = arith.constant true
      %reduce_sum3A_209 = vector.broadcast %reduce_sum3A : i1 to vector<16xi1>
      %reduce_sum3A_210 = tpu.scan <sum>, %add3A_202 masked %reduce_sum3A_209 : vector<16xf32>, vector<16xi1> -> vector<16xf32>
      %reduce_sum3A_211 = vector.extract %reduce_sum3A_210[15] : f32 from vector<16xf32>
      %broadcast_in_dim3A_212 = vector.broadcast %reduce_sum3A_211 : f32 to vector<16xf32>
      %select_n3A = arith.select %eq3A_208, %broadcast_in_dim3A_212, %broadcast_in_dim3A_49 : vector<16xi1>, vector<16xf32>
      %reduce_sum3A_213 = arith.constant true
      %reduce_sum3A_214 = vector.broadcast %reduce_sum3A_213 : i1 to vector<16xi1>
      %reduce_sum3A_215 = tpu.scan <sum>, %add3A_204 masked %reduce_sum3A_214 : vector<16xf32>, vector<16xi1> -> vector<16xf32>
      %reduce_sum3A_216 = vector.extract %reduce_sum3A_215[15] : f32 from vector<16xf32>
      %broadcast_in_dim3A_217 = vector.broadcast %reduce_sum3A_216 : f32 to vector<16xf32>
      %select_n3A_218 = arith.select %eq3A_208, %broadcast_in_dim3A_217, %broadcast_in_dim3A_51 : vector<16xi1>, vector<16xf32>
      %reduce_sum3A_219 = arith.constant true
      %reduce_sum3A_220 = vector.broadcast %reduce_sum3A_219 : i1 to vector<16xi1>
      %reduce_sum3A_221 = tpu.scan <sum>, %add3A_206 masked %reduce_sum3A_220 : vector<16xf32>, vector<16xi1> -> vector<16xf32>
      %reduce_sum3A_222 = vector.extract %reduce_sum3A_221[15] : f32 from vector<16xf32>
      %broadcast_in_dim3A_223 = vector.broadcast %reduce_sum3A_222 : f32 to vector<16xf32>
      %select_n3A_224 = arith.select %eq3A_208, %broadcast_in_dim3A_223, %broadcast_in_dim3A_53 : vector<16xi1>, vector<16xf32>
      %mul3A_225 = arith.constant 16 : i32
      %mul3A_226 = arith.muli %scan3A_47, %mul3A_225 : i32
      %add3A_227 = arith.constant 1 : i32
      %add3A_228 = arith.addi %mul3A_226, %add3A_227 : i32
      %broadcast_in_dim3A_229 = arith.constant 0.000000e+00 : f32
      %broadcast_in_dim3A_230 = vector.broadcast %broadcast_in_dim3A_229 : f32 to vector<16xf32>
      %broadcast_in_dim3A_231 = arith.constant 0.000000e+00 : f32
      %broadcast_in_dim3A_232 = vector.broadcast %broadcast_in_dim3A_231 : f32 to vector<16xf32>
      %broadcast_in_dim3A_233 = arith.constant 0.000000e+00 : f32
      %broadcast_in_dim3A_234 = vector.broadcast %broadcast_in_dim3A_233 : f32 to vector<16xf32>
      %get3A_235 = arith.index_cast %add3A_228 : i32 to index
      %get3A_236 = arith.constant 0 : index
      %get3A_237 = tpu.vector_load %arg12[%get3A_235, %get3A_236] {strides = array<i32>} : memref<128x128xf32, #tpu.memory_space<vmem>>, vector<16xf32>,
      %mul3A_238 = arith.constant 5.000000e-03 : f32
      %mul3A_239 = vector.broadcast %mul3A_238 : f32 to vector<16xf32>
      %mul3A_240 = arith.mulf %get3A_237, %mul3A_239 : vector<16xf32>
      %get3A_241 = arith.index_cast %add3A_228 : i32 to index
      %get3A_242 = arith.constant 0 : index
      %get3A_243 = tpu.vector_load %arg13[%get3A_241, %get3A_242] {strides = array<i32>} : memref<128x128xf32, #tpu.memory_space<vmem>>, vector<16xf32>,
      %mul3A_244 = arith.constant 5.000000e-02 : f32
      %mul3A_245 = vector.broadcast %mul3A_244 : f32 to vector<16xf32>
      %mul3A_246 = arith.mulf %get3A_243, %mul3A_245 : vector<16xf32>
      %mul3A_247 = arith.mulf %mul3A_240, %mul3A_246 : vector<16xf32>
      %add3A_248 = arith.addf %broadcast_in_dim3A_230, %mul3A_247 : vector<16xf32>
      %mul3A_249 = arith.mulf %mul3A_240, %mul3A_240 : vector<16xf32>
      %add3A_250 = arith.addf %broadcast_in_dim3A_232, %mul3A_249 : vector<16xf32>
      %mul3A_251 = arith.mulf %mul3A_246, %mul3A_246 : vector<16xf32>
      %add3A_252 = arith.addf %broadcast_in_dim3A_234, %mul3A_251 : vector<16xf32>
      %get3A_253 = arith.index_cast %add3A_228 : i32 to index
      %get3A_254 = arith.constant 16 : index
      %get3A_255 = tpu.vector_load %arg12[%get3A_253, %get3A_254] {strides = array<i32>} : memref<128x128xf32, #tpu.memory_space<vmem>>, vector<16xf32>,
      %mul3A_256 = arith.constant 5.000000e-03 : f32
      %mul3A_257 = vector.broadcast %mul3A_256 : f32 to vector<16xf32>
      %mul3A_258 = arith.mulf %get3A_255, %mul3A_257 : vector<16xf32>
      %get3A_259 = arith.index_cast %add3A_228 : i32 to index
      %get3A_260 = arith.constant 16 : index
      %get3A_261 = tpu.vector_load %arg13[%get3A_259, %get3A_260] {strides = array<i32>} : memref<128x128xf32, #tpu.memory_space<vmem>>, vector<16xf32>,
      %mul3A_262 = arith.constant 5.000000e-02 : f32
      %mul3A_263 = vector.broadcast %mul3A_262 : f32 to vector<16xf32>
      %mul3A_264 = arith.mulf %get3A_261, %mul3A_263 : vector<16xf32>
      %mul3A_265 = arith.mulf %mul3A_258, %mul3A_264 : vector<16xf32>
      %add3A_266 = arith.addf %add3A_248, %mul3A_265 : vector<16xf32>
      %mul3A_267 = arith.mulf %mul3A_258, %mul3A_258 : vector<16xf32>
      %add3A_268 = arith.addf %add3A_250, %mul3A_267 : vector<16xf32>
      %mul3A_269 = arith.mulf %mul3A_264, %mul3A_264 : vector<16xf32>
      %add3A_270 = arith.addf %add3A_252, %mul3A_269 : vector<16xf32>
      %get3A_271 = arith.index_cast %add3A_228 : i32 to index
      %get3A_272 = arith.constant 32 : index
      %get3A_273 = tpu.vector_load %arg12[%get3A_271, %get3A_272] {strides = array<i32>} : memref<128x128xf32, #tpu.memory_space<vmem>>, vector<16xf32>,
      %mul3A_274 = arith.constant 5.000000e-03 : f32
      %mul3A_275 = vector.broadcast %mul3A_274 : f32 to vector<16xf32>
      %mul3A_276 = arith.mulf %get3A_273, %mul3A_275 : vector<16xf32>
      %get3A_277 = arith.index_cast %add3A_228 : i32 to index
      %get3A_278 = arith.constant 32 : index
      %get3A_279 = tpu.vector_load %arg13[%get3A_277, %get3A_278] {strides = array<i32>} : memref<128x128xf32, #tpu.memory_space<vmem>>, vector<16xf32>,
      %mul3A_280 = arith.constant 5.000000e-02 : f32
      %mul3A_281 = vector.broadcast %mul3A_280 : f32 to vector<16xf32>
      %mul3A_282 = arith.mulf %get3A_279, %mul3A_281 : vector<16xf32>
      %mul3A_283 = arith.mulf %mul3A_276, %mul3A_282 : vector<16xf32>
      %add3A_284 = arith.addf %add3A_266, %mul3A_283 : vector<16xf32>
      %mul3A_285 = arith.mulf %mul3A_276, %mul3A_276 : vector<16xf32>
      %add3A_286 = arith.addf %add3A_268, %mul3A_285 : vector<16xf32>
      %mul3A_287 = arith.mulf %mul3A_282, %mul3A_282 : vector<16xf32>
      %add3A_288 = arith.addf %add3A_270, %mul3A_287 : vector<16xf32>
      %get3A_289 = arith.index_cast %add3A_228 : i32 to index
      %get3A_290 = arith.constant 48 : index
      %get3A_291 = tpu.vector_load %arg12[%get3A_289, %get3A_290] {strides = array<i32>} : memref<128x128xf32, #tpu.memory_space<vmem>>, vector<16xf32>,
      %mul3A_292 = arith.constant 5.000000e-03 : f32
      %mul3A_293 = vector.broadcast %mul3A_292 : f32 to vector<16xf32>
      %mul3A_294 = arith.mulf %get3A_291, %mul3A_293 : vector<16xf32>
      %get3A_295 = arith.index_cast %add3A_228 : i32 to index
      %get3A_296 = arith.constant 48 : index
      %get3A_297 = tpu.vector_load %arg13[%get3A_295, %get3A_296] {strides = array<i32>} : memref<128x128xf32, #tpu.memory_space<vmem>>, vector<16xf32>,
      %mul3A_298 = arith.constant 5.000000e-02 : f32
      %mul3A_299 = vector.broadcast %mul3A_298 : f32 to vector<16xf32>
      %mul3A_300 = arith.mulf %get3A_297, %mul3A_299 : vector<16xf32>
      %mul3A_301 = arith.mulf %mul3A_294, %mul3A_300 : vector<16xf32>
      %add3A_302 = arith.addf %add3A_284, %mul3A_301 : vector<16xf32>
      %mul3A_303 = arith.mulf %mul3A_294, %mul3A_294 : vector<16xf32>
      %add3A_304 = arith.addf %add3A_286, %mul3A_303 : vector<16xf32>
      %mul3A_305 = arith.mulf %mul3A_300, %mul3A_300 : vector<16xf32>
      %add3A_306 = arith.addf %add3A_288, %mul3A_305 : vector<16xf32>
      %get3A_307 = arith.index_cast %add3A_228 : i32 to index
      %get3A_308 = arith.constant 64 : index
      %get3A_309 = tpu.vector_load %arg12[%get3A_307, %get3A_308] {strides = array<i32>} : memref<128x128xf32, #tpu.memory_space<vmem>>, vector<16xf32>,
      %mul3A_310 = arith.constant 5.000000e-03 : f32
      %mul3A_311 = vector.broadcast %mul3A_310 : f32 to vector<16xf32>
      %mul3A_312 = arith.mulf %get3A_309, %mul3A_311 : vector<16xf32>
      %get3A_313 = arith.index_cast %add3A_228 : i32 to index
      %get3A_314 = arith.constant 64 : index
      %get3A_315 = tpu.vector_load %arg13[%get3A_313, %get3A_314] {strides = array<i32>} : memref<128x128xf32, #tpu.memory_space<vmem>>, vector<16xf32>,
      %mul3A_316 = arith.constant 5.000000e-02 : f32
      %mul3A_317 = vector.broadcast %mul3A_316 : f32 to vector<16xf32>
      %mul3A_318 = arith.mulf %get3A_315, %mul3A_317 : vector<16xf32>
      %mul3A_319 = arith.mulf %mul3A_312, %mul3A_318 : vector<16xf32>
      %add3A_320 = arith.addf %add3A_302, %mul3A_319 : vector<16xf32>
      %mul3A_321 = arith.mulf %mul3A_312, %mul3A_312 : vector<16xf32>
      %add3A_322 = arith.addf %add3A_304, %mul3A_321 : vector<16xf32>
      %mul3A_323 = arith.mulf %mul3A_318, %mul3A_318 : vector<16xf32>
      %add3A_324 = arith.addf %add3A_306, %mul3A_323 : vector<16xf32>
      %get3A_325 = arith.index_cast %add3A_228 : i32 to index
      %get3A_326 = arith.constant 80 : index
      %get3A_327 = tpu.vector_load %arg12[%get3A_325, %get3A_326] {strides = array<i32>} : memref<128x128xf32, #tpu.memory_space<vmem>>, vector<16xf32>,
      %mul3A_328 = arith.constant 5.000000e-03 : f32
      %mul3A_329 = vector.broadcast %mul3A_328 : f32 to vector<16xf32>
      %mul3A_330 = arith.mulf %get3A_327, %mul3A_329 : vector<16xf32>
      %get3A_331 = arith.index_cast %add3A_228 : i32 to index
      %get3A_332 = arith.constant 80 : index
      %get3A_333 = tpu.vector_load %arg13[%get3A_331, %get3A_332] {strides = array<i32>} : memref<128x128xf32, #tpu.memory_space<vmem>>, vector<16xf32>,
      %mul3A_334 = arith.constant 5.000000e-02 : f32
      %mul3A_335 = vector.broadcast %mul3A_334 : f32 to vector<16xf32>
      %mul3A_336 = arith.mulf %get3A_333, %mul3A_335 : vector<16xf32>
      %mul3A_337 = arith.mulf %mul3A_330, %mul3A_336 : vector<16xf32>
      %add3A_338 = arith.addf %add3A_320, %mul3A_337 : vector<16xf32>
      %mul3A_339 = arith.mulf %mul3A_330, %mul3A_330 : vector<16xf32>
      %add3A_340 = arith.addf %add3A_322, %mul3A_339 : vector<16xf32>
      %mul3A_341 = arith.mulf %mul3A_336, %mul3A_336 : vector<16xf32>
      %add3A_342 = arith.addf %add3A_324, %mul3A_341 : vector<16xf32>
      %get3A_343 = arith.index_cast %add3A_228 : i32 to index
      %get3A_344 = arith.constant 96 : index
      %get3A_345 = tpu.vector_load %arg12[%get3A_343, %get3A_344] {strides = array<i32>} : memref<128x128xf32, #tpu.memory_space<vmem>>, vector<16xf32>,
      %mul3A_346 = arith.constant 5.000000e-03 : f32
      %mul3A_347 = vector.broadcast %mul3A_346 : f32 to vector<16xf32>
      %mul3A_348 = arith.mulf %get3A_345, %mul3A_347 : vector<16xf32>
      %get3A_349 = arith.index_cast %add3A_228 : i32 to index
      %get3A_350 = arith.constant 96 : index
      %get3A_351 = tpu.vector_load %arg13[%get3A_349, %get3A_350] {strides = array<i32>} : memref<128x128xf32, #tpu.memory_space<vmem>>, vector<16xf32>,
      %mul3A_352 = arith.constant 5.000000e-02 : f32
      %mul3A_353 = vector.broadcast %mul3A_352 : f32 to vector<16xf32>
      %mul3A_354 = arith.mulf %get3A_351, %mul3A_353 : vector<16xf32>
      %mul3A_355 = arith.mulf %mul3A_348, %mul3A_354 : vector<16xf32>
      %add3A_356 = arith.addf %add3A_338, %mul3A_355 : vector<16xf32>
      %mul3A_357 = arith.mulf %mul3A_348, %mul3A_348 : vector<16xf32>
      %add3A_358 = arith.addf %add3A_340, %mul3A_357 : vector<16xf32>
      %mul3A_359 = arith.mulf %mul3A_354, %mul3A_354 : vector<16xf32>
      %add3A_360 = arith.addf %add3A_342, %mul3A_359 : vector<16xf32>
      %get3A_361 = arith.index_cast %add3A_228 : i32 to index
      %get3A_362 = arith.constant 112 : index
      %get3A_363 = tpu.vector_load %arg12[%get3A_361, %get3A_362] {strides = array<i32>} : memref<128x128xf32, #tpu.memory_space<vmem>>, vector<16xf32>,
      %mul3A_364 = arith.constant 5.000000e-03 : f32
      %mul3A_365 = vector.broadcast %mul3A_364 : f32 to vector<16xf32>
      %mul3A_366 = arith.mulf %get3A_363, %mul3A_365 : vector<16xf32>
      %get3A_367 = arith.index_cast %add3A_228 : i32 to index
      %get3A_368 = arith.constant 112 : index
      %get3A_369 = tpu.vector_load %arg13[%get3A_367, %get3A_368] {strides = array<i32>} : memref<128x128xf32, #tpu.memory_space<vmem>>, vector<16xf32>,
      %mul3A_370 = arith.constant 5.000000e-02 : f32
      %mul3A_371 = vector.broadcast %mul3A_370 : f32 to vector<16xf32>
      %mul3A_372 = arith.mulf %get3A_369, %mul3A_371 : vector<16xf32>
      %mul3A_373 = arith.mulf %mul3A_366, %mul3A_372 : vector<16xf32>
      %add3A_374 = arith.addf %add3A_356, %mul3A_373 : vector<16xf32>
      %mul3A_375 = arith.mulf %mul3A_366, %mul3A_366 : vector<16xf32>
      %add3A_376 = arith.addf %add3A_358, %mul3A_375 : vector<16xf32>
      %mul3A_377 = arith.mulf %mul3A_372, %mul3A_372 : vector<16xf32>
      %add3A_378 = arith.addf %add3A_360, %mul3A_377 : vector<16xf32>
      %eq3A_379 = arith.constant 1 : i32
      %eq3A_380 = vector.broadcast %eq3A_379 : i32 to vector<16xi32>
      %eq3A_381 = arith.cmpi eq, %iota3A, %eq3A_380 : vector<16xi32>
      %reduce_sum3A_382 = arith.constant true
      %reduce_sum3A_383 = vector.broadcast %reduce_sum3A_382 : i1 to vector<16xi1>
      %reduce_sum3A_384 = tpu.scan <sum>, %add3A_374 masked %reduce_sum3A_383 : vector<16xf32>, vector<16xi1> -> vector<16xf32>
      %reduce_sum3A_385 = vector.extract %reduce_sum3A_384[15] : f32 from vector<16xf32>
      %broadcast_in_dim3A_386 = vector.broadcast %reduce_sum3A_385 : f32 to vector<16xf32>
      %select_n3A_387 = arith.select %eq3A_381, %broadcast_in_dim3A_386, %select_n3A : vector<16xi1>, vector<16xf32>
      %reduce_sum3A_388 = arith.constant true
      %reduce_sum3A_389 = vector.broadcast %reduce_sum3A_388 : i1 to vector<16xi1>
      %reduce_sum3A_390 = tpu.scan <sum>, %add3A_376 masked %reduce_sum3A_389 : vector<16xf32>, vector<16xi1> -> vector<16xf32>
      %reduce_sum3A_391 = vector.extract %reduce_sum3A_390[15] : f32 from vector<16xf32>
      %broadcast_in_dim3A_392 = vector.broadcast %reduce_sum3A_391 : f32 to vector<16xf32>
      %select_n3A_393 = arith.select %eq3A_381, %broadcast_in_dim3A_392, %select_n3A_218 : vector<16xi1>, vector<16xf32>
      %reduce_sum3A_394 = arith.constant true
      %reduce_sum3A_395 = vector.broadcast %reduce_sum3A_394 : i1 to vector<16xi1>
      %reduce_sum3A_396 = tpu.scan <sum>, %add3A_378 masked %reduce_sum3A_395 : vector<16xf32>, vector<16xi1> -> vector<16xf32>
      %reduce_sum3A_397 = vector.extract %reduce_sum3A_396[15] : f32 from vector<16xf32>
      %broadcast_in_dim3A_398 = vector.broadcast %reduce_sum3A_397 : f32 to vector<16xf32>
      %select_n3A_399 = arith.select %eq3A_381, %broadcast_in_dim3A_398, %select_n3A_224 : vector<16xi1>, vector<16xf32>
      %mul3A_400 = arith.constant 16 : i32
      %mul3A_401 = arith.muli %scan3A_47, %mul3A_400 : i32
      %add3A_402 = arith.constant 2 : i32
      %add3A_403 = arith.addi %mul3A_401, %add3A_402 : i32
      %broadcast_in_dim3A_404 = arith.constant 0.000000e+00 : f32
      %broadcast_in_dim3A_405 = vector.broadcast %broadcast_in_dim3A_404 : f32 to vector<16xf32>
      %broadcast_in_dim3A_406 = arith.constant 0.000000e+00 : f32
      %broadcast_in_dim3A_407 = vector.broadcast %broadcast_in_dim3A_406 : f32 to vector<16xf32>
      %broadcast_in_dim3A_408 = arith.constant 0.000000e+00 : f32
      %broadcast_in_dim3A_409 = vector.broadcast %broadcast_in_dim3A_408 : f32 to vector<16xf32>
      %get3A_410 = arith.index_cast %add3A_403 : i32 to index
      %get3A_411 = arith.constant 0 : index
      %get3A_412 = tpu.vector_load %arg12[%get3A_410, %get3A_411] {strides = array<i32>} : memref<128x128xf32, #tpu.memory_space<vmem>>, vector<16xf32>,
      %mul3A_413 = arith.constant 5.000000e-03 : f32
      %mul3A_414 = vector.broadcast %mul3A_413 : f32 to vector<16xf32>
      %mul3A_415 = arith.mulf %get3A_412, %mul3A_414 : vector<16xf32>
      %get3A_416 = arith.index_cast %add3A_403 : i32 to index
      %get3A_417 = arith.constant 0 : index
      %get3A_418 = tpu.vector_load %arg13[%get3A_416, %get3A_417] {strides = array<i32>} : memref<128x128xf32, #tpu.memory_space<vmem>>, vector<16xf32>,
      %mul3A_419 = arith.constant 5.000000e-02 : f32
      %mul3A_420 = vector.broadcast %mul3A_419 : f32 to vector<16xf32>
      %mul3A_421 = arith.mulf %get3A_418, %mul3A_420 : vector<16xf32>
      %mul3A_422 = arith.mulf %mul3A_415, %mul3A_421 : vector<16xf32>
      %add3A_423 = arith.addf %broadcast_in_dim3A_405, %mul3A_422 : vector<16xf32>
      %mul3A_424 = arith.mulf %mul3A_415, %mul3A_415 : vector<16xf32>
      %add3A_425 = arith.addf %broadcast_in_dim3A_407, %mul3A_424 : vector<16xf32>
      %mul3A_426 = arith.mulf %mul3A_421, %mul3A_421 : vector<16xf32>
      %add3A_427 = arith.addf %broadcast_in_dim3A_409, %mul3A_426 : vector<16xf32>
      %get3A_428 = arith.index_cast %add3A_403 : i32 to index
      %get3A_429 = arith.constant 16 : index
      %get3A_430 = tpu.vector_load %arg12[%get3A_428, %get3A_429] {strides = array<i32>} : memref<128x128xf32, #tpu.memory_space<vmem>>, vector<16xf32>,
      %mul3A_431 = arith.constant 5.000000e-03 : f32
      %mul3A_432 = vector.broadcast %mul3A_431 : f32 to vector<16xf32>
      %mul3A_433 = arith.mulf %get3A_430, %mul3A_432 : vector<16xf32>
      %get3A_434 = arith.index_cast %add3A_403 : i32 to index
      %get3A_435 = arith.constant 16 : index
      %get3A_436 = tpu.vector_load %arg13[%get3A_434, %get3A_435] {strides = array<i32>} : memref<128x128xf32, #tpu.memory_space<vmem>>, vector<16xf32>,
      %mul3A_437 = arith.constant 5.000000e-02 : f32
      %mul3A_438 = vector.broadcast %mul3A_437 : f32 to vector<16xf32>
      %mul3A_439 = arith.mulf %get3A_436, %mul3A_438 : vector<16xf32>
      %mul3A_440 = arith.mulf %mul3A_433, %mul3A_439 : vector<16xf32>
      %add3A_441 = arith.addf %add3A_423, %mul3A_440 : vector<16xf32>
      %mul3A_442 = arith.mulf %mul3A_433, %mul3A_433 : vector<16xf32>
      %add3A_443 = arith.addf %add3A_425, %mul3A_442 : vector<16xf32>
      %mul3A_444 = arith.mulf %mul3A_439, %mul3A_439 : vector<16xf32>
      %add3A_445 = arith.addf %add3A_427, %mul3A_444 : vector<16xf32>
      %get3A_446 = arith.index_cast %add3A_403 : i32 to index
      %get3A_447 = arith.constant 32 : index
      %get3A_448 = tpu.vector_load %arg12[%get3A_446, %get3A_447] {strides = array<i32>} : memref<128x128xf32, #tpu.memory_space<vmem>>, vector<16xf32>,
      %mul3A_449 = arith.constant 5.000000e-03 : f32
      %mul3A_450 = vector.broadcast %mul3A_449 : f32 to vector<16xf32>
      %mul3A_451 = arith.mulf %get3A_448, %mul3A_450 : vector<16xf32>
      %get3A_452 = arith.index_cast %add3A_403 : i32 to index
      %get3A_453 = arith.constant 32 : index
      %get3A_454 = tpu.vector_load %arg13[%get3A_452, %get3A_453] {strides = array<i32>} : memref<128x128xf32, #tpu.memory_space<vmem>>, vector<16xf32>,
      %mul3A_455 = arith.constant 5.000000e-02 : f32
      %mul3A_456 = vector.broadcast %mul3A_455 : f32 to vector<16xf32>
      %mul3A_457 = arith.mulf %get3A_454, %mul3A_456 : vector<16xf32>
      %mul3A_458 = arith.mulf %mul3A_451, %mul3A_457 : vector<16xf32>
      %add3A_459 = arith.addf %add3A_441, %mul3A_458 : vector<16xf32>
      %mul3A_460 = arith.mulf %mul3A_451, %mul3A_451 : vector<16xf32>
      %add3A_461 = arith.addf %add3A_443, %mul3A_460 : vector<16xf32>
      %mul3A_462 = arith.mulf %mul3A_457, %mul3A_457 : vector<16xf32>
      %add3A_463 = arith.addf %add3A_445, %mul3A_462 : vector<16xf32>
      %get3A_464 = arith.index_cast %add3A_403 : i32 to index
      %get3A_465 = arith.constant 48 : index
      %get3A_466 = tpu.vector_load %arg12[%get3A_464, %get3A_465] {strides = array<i32>} : memref<128x128xf32, #tpu.memory_space<vmem>>, vector<16xf32>,
      %mul3A_467 = arith.constant 5.000000e-03 : f32
      %mul3A_468 = vector.broadcast %mul3A_467 : f32 to vector<16xf32>
      %mul3A_469 = arith.mulf %get3A_466, %mul3A_468 : vector<16xf32>
      %get3A_470 = arith.index_cast %add3A_403 : i32 to index
      %get3A_471 = arith.constant 48 : index
      %get3A_472 = tpu.vector_load %arg13[%get3A_470, %get3A_471] {strides = array<i32>} : memref<128x128xf32, #tpu.memory_space<vmem>>, vector<16xf32>,
      %mul3A_473 = arith.constant 5.000000e-02 : f32
      %mul3A_474 = vector.broadcast %mul3A_473 : f32 to vector<16xf32>
      %mul3A_475 = arith.mulf %get3A_472, %mul3A_474 : vector<16xf32>
      %mul3A_476 = arith.mulf %mul3A_469, %mul3A_475 : vector<16xf32>
      %add3A_477 = arith.addf %add3A_459, %mul3A_476 : vector<16xf32>
      %mul3A_478 = arith.mulf %mul3A_469, %mul3A_469 : vector<16xf32>
      %add3A_479 = arith.addf %add3A_461, %mul3A_478 : vector<16xf32>
      %mul3A_480 = arith.mulf %mul3A_475, %mul3A_475 : vector<16xf32>
      %add3A_481 = arith.addf %add3A_463, %mul3A_480 : vector<16xf32>
      %get3A_482 = arith.index_cast %add3A_403 : i32 to index
      %get3A_483 = arith.constant 64 : index
      %get3A_484 = tpu.vector_load %arg12[%get3A_482, %get3A_483] {strides = array<i32>} : memref<128x128xf32, #tpu.memory_space<vmem>>, vector<16xf32>,
      %mul3A_485 = arith.constant 5.000000e-03 : f32
      %mul3A_486 = vector.broadcast %mul3A_485 : f32 to vector<16xf32>
      %mul3A_487 = arith.mulf %get3A_484, %mul3A_486 : vector<16xf32>
      %get3A_488 = arith.index_cast %add3A_403 : i32 to index
      %get3A_489 = arith.constant 64 : index
      %get3A_490 = tpu.vector_load %arg13[%get3A_488, %get3A_489] {strides = array<i32>} : memref<128x128xf32, #tpu.memory_space<vmem>>, vector<16xf32>,
      %mul3A_491 = arith.constant 5.000000e-02 : f32
      %mul3A_492 = vector.broadcast %mul3A_491 : f32 to vector<16xf32>
      %mul3A_493 = arith.mulf %get3A_490, %mul3A_492 : vector<16xf32>
      %mul3A_494 = arith.mulf %mul3A_487, %mul3A_493 : vector<16xf32>
      %add3A_495 = arith.addf %add3A_477, %mul3A_494 : vector<16xf32>
      %mul3A_496 = arith.mulf %mul3A_487, %mul3A_487 : vector<16xf32>
      %add3A_497 = arith.addf %add3A_479, %mul3A_496 : vector<16xf32>
      %mul3A_498 = arith.mulf %mul3A_493, %mul3A_493 : vector<16xf32>
      %add3A_499 = arith.addf %add3A_481, %mul3A_498 : vector<16xf32>
      %get3A_500 = arith.index_cast %add3A_403 : i32 to index
      %get3A_501 = arith.constant 80 : index
      %get3A_502 = tpu.vector_load %arg12[%get3A_500, %get3A_501] {strides = array<i32>} : memref<128x128xf32, #tpu.memory_space<vmem>>, vector<16xf32>,
      %mul3A_503 = arith.constant 5.000000e-03 : f32
      %mul3A_504 = vector.broadcast %mul3A_503 : f32 to vector<16xf32>
      %mul3A_505 = arith.mulf %get3A_502, %mul3A_504 : vector<16xf32>
      %get3A_506 = arith.index_cast %add3A_403 : i32 to index
      %get3A_507 = arith.constant 80 : index
      %get3A_508 = tpu.vector_load %arg13[%get3A_506, %get3A_507] {strides = array<i32>} : memref<128x128xf32, #tpu.memory_space<vmem>>, vector<16xf32>,
      %mul3A_509 = arith.constant 5.000000e-02 : f32
      %mul3A_510 = vector.broadcast %mul3A_509 : f32 to vector<16xf32>
      %mul3A_511 = arith.mulf %get3A_508, %mul3A_510 : vector<16xf32>
      %mul3A_512 = arith.mulf %mul3A_505, %mul3A_511 : vector<16xf32>
      %add3A_513 = arith.addf %add3A_495, %mul3A_512 : vector<16xf32>
      %mul3A_514 = arith.mulf %mul3A_505, %mul3A_505 : vector<16xf32>
      %add3A_515 = arith.addf %add3A_497, %mul3A_514 : vector<16xf32>
      %mul3A_516 = arith.mulf %mul3A_511, %mul3A_511 : vector<16xf32>
      %add3A_517 = arith.addf %add3A_499, %mul3A_516 : vector<16xf32>
      %get3A_518 = arith.index_cast %add3A_403 : i32 to index
      %get3A_519 = arith.constant 96 : index
      %get3A_520 = tpu.vector_load %arg12[%get3A_518, %get3A_519] {strides = array<i32>} : memref<128x128xf32, #tpu.memory_space<vmem>>, vector<16xf32>,
      %mul3A_521 = arith.constant 5.000000e-03 : f32
      %mul3A_522 = vector.broadcast %mul3A_521 : f32 to vector<16xf32>
      %mul3A_523 = arith.mulf %get3A_520, %mul3A_522 : vector<16xf32>
      %get3A_524 = arith.index_cast %add3A_403 : i32 to index
      %get3A_525 = arith.constant 96 : index
      %get3A_526 = tpu.vector_load %arg13[%get3A_524, %get3A_525] {strides = array<i32>} : memref<128x128xf32, #tpu.memory_space<vmem>>, vector<16xf32>,
      %mul3A_527 = arith.constant 5.000000e-02 : f32
      %mul3A_528 = vector.broadcast %mul3A_527 : f32 to vector<16xf32>
      %mul3A_529 = arith.mulf %get3A_526, %mul3A_528 : vector<16xf32>
      %mul3A_530 = arith.mulf %mul3A_523, %mul3A_529 : vector<16xf32>
      %add3A_531 = arith.addf %add3A_513, %mul3A_530 : vector<16xf32>
      %mul3A_532 = arith.mulf %mul3A_523, %mul3A_523 : vector<16xf32>
      %add3A_533 = arith.addf %add3A_515, %mul3A_532 : vector<16xf32>
      %mul3A_534 = arith.mulf %mul3A_529, %mul3A_529 : vector<16xf32>
      %add3A_535 = arith.addf %add3A_517, %mul3A_534 : vector<16xf32>
      %get3A_536 = arith.index_cast %add3A_403 : i32 to index
      %get3A_537 = arith.constant 112 : index
      %get3A_538 = tpu.vector_load %arg12[%get3A_536, %get3A_537] {strides = array<i32>} : memref<128x128xf32, #tpu.memory_space<vmem>>, vector<16xf32>,
      %mul3A_539 = arith.constant 5.000000e-03 : f32
      %mul3A_540 = vector.broadcast %mul3A_539 : f32 to vector<16xf32>
      %mul3A_541 = arith.mulf %get3A_538, %mul3A_540 : vector<16xf32>
      %get3A_542 = arith.index_cast %add3A_403 : i32 to index
      %get3A_543 = arith.constant 112 : index
      %get3A_544 = tpu.vector_load %arg13[%get3A_542, %get3A_543] {strides = array<i32>} : memref<128x128xf32, #tpu.memory_space<vmem>>, vector<16xf32>,
      %mul3A_545 = arith.constant 5.000000e-02 : f32
      %mul3A_546 = vector.broadcast %mul3A_545 : f32 to vector<16xf32>
      %mul3A_547 = arith.mulf %get3A_544, %mul3A_546 : vector<16xf32>
      %mul3A_548 = arith.mulf %mul3A_541, %mul3A_547 : vector<16xf32>
      %add3A_549 = arith.addf %add3A_531, %mul3A_548 : vector<16xf32>
      %mul3A_550 = arith.mulf %mul3A_541, %mul3A_541 : vector<16xf32>
      %add3A_551 = arith.addf %add3A_533, %mul3A_550 : vector<16xf32>
      %mul3A_552 = arith.mulf %mul3A_547, %mul3A_547 : vector<16xf32>
      %add3A_553 = arith.addf %add3A_535, %mul3A_552 : vector<16xf32>
      %eq3A_554 = arith.constant 2 : i32
      %eq3A_555 = vector.broadcast %eq3A_554 : i32 to vector<16xi32>
      %eq3A_556 = arith.cmpi eq, %iota3A, %eq3A_555 : vector<16xi32>
      %reduce_sum3A_557 = arith.constant true
      %reduce_sum3A_558 = vector.broadcast %reduce_sum3A_557 : i1 to vector<16xi1>
      %reduce_sum3A_559 = tpu.scan <sum>, %add3A_549 masked %reduce_sum3A_558 : vector<16xf32>, vector<16xi1> -> vector<16xf32>
      %reduce_sum3A_560 = vector.extract %reduce_sum3A_559[15] : f32 from vector<16xf32>
      %broadcast_in_dim3A_561 = vector.broadcast %reduce_sum3A_560 : f32 to vector<16xf32>
      %select_n3A_562 = arith.select %eq3A_556, %broadcast_in_dim3A_561, %select_n3A_387 : vector<16xi1>, vector<16xf32>
      %reduce_sum3A_563 = arith.constant true
      %reduce_sum3A_564 = vector.broadcast %reduce_sum3A_563 : i1 to vector<16xi1>
      %reduce_sum3A_565 = tpu.scan <sum>, %add3A_551 masked %reduce_sum3A_564 : vector<16xf32>, vector<16xi1> -> vector<16xf32>
      %reduce_sum3A_566 = vector.extract %reduce_sum3A_565[15] : f32 from vector<16xf32>
      %broadcast_in_dim3A_567 = vector.broadcast %reduce_sum3A_566 : f32 to vector<16xf32>
      %select_n3A_568 = arith.select %eq3A_556, %broadcast_in_dim3A_567, %select_n3A_393 : vector<16xi1>, vector<16xf32>
      %reduce_sum3A_569 = arith.constant true
      %reduce_sum3A_570 = vector.broadcast %reduce_sum3A_569 : i1 to vector<16xi1>
      %reduce_sum3A_571 = tpu.scan <sum>, %add3A_553 masked %reduce_sum3A_570 : vector<16xf32>, vector<16xi1> -> vector<16xf32>
      %reduce_sum3A_572 = vector.extract %reduce_sum3A_571[15] : f32 from vector<16xf32>
      %broadcast_in_dim3A_573 = vector.broadcast %reduce_sum3A_572 : f32 to vector<16xf32>
      %select_n3A_574 = arith.select %eq3A_556, %broadcast_in_dim3A_573, %select_n3A_399 : vector<16xi1>, vector<16xf32>
      %mul3A_575 = arith.constant 16 : i32
      %mul3A_576 = arith.muli %scan3A_47, %mul3A_575 : i32
      %add3A_577 = arith.constant 3 : i32
      %add3A_578 = arith.addi %mul3A_576, %add3A_577 : i32
      %broadcast_in_dim3A_579 = arith.constant 0.000000e+00 : f32
      %broadcast_in_dim3A_580 = vector.broadcast %broadcast_in_dim3A_579 : f32 to vector<16xf32>
      %broadcast_in_dim3A_581 = arith.constant 0.000000e+00 : f32
      %broadcast_in_dim3A_582 = vector.broadcast %broadcast_in_dim3A_581 : f32 to vector<16xf32>
      %broadcast_in_dim3A_583 = arith.constant 0.000000e+00 : f32
      %broadcast_in_dim3A_584 = vector.broadcast %broadcast_in_dim3A_583 : f32 to vector<16xf32>
      %get3A_585 = arith.index_cast %add3A_578 : i32 to index
      %get3A_586 = arith.constant 0 : index
      %get3A_587 = tpu.vector_load %arg12[%get3A_585, %get3A_586] {strides = array<i32>} : memref<128x128xf32, #tpu.memory_space<vmem>>, vector<16xf32>,
      %mul3A_588 = arith.constant 5.000000e-03 : f32
      %mul3A_589 = vector.broadcast %mul3A_588 : f32 to vector<16xf32>
      %mul3A_590 = arith.mulf %get3A_587, %mul3A_589 : vector<16xf32>
      %get3A_591 = arith.index_cast %add3A_578 : i32 to index
      %get3A_592 = arith.constant 0 : index
      %get3A_593 = tpu.vector_load %arg13[%get3A_591, %get3A_592] {strides = array<i32>} : memref<128x128xf32, #tpu.memory_space<vmem>>, vector<16xf32>,
      %mul3A_594 = arith.constant 5.000000e-02 : f32
      %mul3A_595 = vector.broadcast %mul3A_594 : f32 to vector<16xf32>
      %mul3A_596 = arith.mulf %get3A_593, %mul3A_595 : vector<16xf32>
      %mul3A_597 = arith.mulf %mul3A_590, %mul3A_596 : vector<16xf32>
      %add3A_598 = arith.addf %broadcast_in_dim3A_580, %mul3A_597 : vector<16xf32>
      %mul3A_599 = arith.mulf %mul3A_590, %mul3A_590 : vector<16xf32>
      %add3A_600 = arith.addf %broadcast_in_dim3A_582, %mul3A_599 : vector<16xf32>
      %mul3A_601 = arith.mulf %mul3A_596, %mul3A_596 : vector<16xf32>
      %add3A_602 = arith.addf %broadcast_in_dim3A_584, %mul3A_601 : vector<16xf32>
      %get3A_603 = arith.index_cast %add3A_578 : i32 to index
      %get3A_604 = arith.constant 16 : index
      %get3A_605 = tpu.vector_load %arg12[%get3A_603, %get3A_604] {strides = array<i32>} : memref<128x128xf32, #tpu.memory_space<vmem>>, vector<16xf32>,
      %mul3A_606 = arith.constant 5.000000e-03 : f32
      %mul3A_607 = vector.broadcast %mul3A_606 : f32 to vector<16xf32>
      %mul3A_608 = arith.mulf %get3A_605, %mul3A_607 : vector<16xf32>
      %get3A_609 = arith.index_cast %add3A_578 : i32 to index
      %get3A_610 = arith.constant 16 : index
      %get3A_611 = tpu.vector_load %arg13[%get3A_609, %get3A_610] {strides = array<i32>} : memref<128x128xf32, #tpu.memory_space<vmem>>, vector<16xf32>,
      %mul3A_612 = arith.constant 5.000000e-02 : f32
      %mul3A_613 = vector.broadcast %mul3A_612 : f32 to vector<16xf32>
      %mul3A_614 = arith.mulf %get3A_611, %mul3A_613 : vector<16xf32>
      %mul3A_615 = arith.mulf %mul3A_608, %mul3A_614 : vector<16xf32>
      %add3A_616 = arith.addf %add3A_598, %mul3A_615 : vector<16xf32>
      %mul3A_617 = arith.mulf %mul3A_608, %mul3A_608 : vector<16xf32>
      %add3A_618 = arith.addf %add3A_600, %mul3A_617 : vector<16xf32>
      %mul3A_619 = arith.mulf %mul3A_614, %mul3A_614 : vector<16xf32>
      %add3A_620 = arith.addf %add3A_602, %mul3A_619 : vector<16xf32>
      %get3A_621 = arith.index_cast %add3A_578 : i32 to index
      %get3A_622 = arith.constant 32 : index
      %get3A_623 = tpu.vector_load %arg12[%get3A_621, %get3A_622] {strides = array<i32>} : memref<128x128xf32, #tpu.memory_space<vmem>>, vector<16xf32>,
      %mul3A_624 = arith.constant 5.000000e-03 : f32
      %mul3A_625 = vector.broadcast %mul3A_624 : f32 to vector<16xf32>
      %mul3A_626 = arith.mulf %get3A_623, %mul3A_625 : vector<16xf32>
      %get3A_627 = arith.index_cast %add3A_578 : i32 to index
      %get3A_628 = arith.constant 32 : index
      %get3A_629 = tpu.vector_load %arg13[%get3A_627, %get3A_628] {strides = array<i32>} : memref<128x128xf32, #tpu.memory_space<vmem>>, vector<16xf32>,
      %mul3A_630 = arith.constant 5.000000e-02 : f32
      %mul3A_631 = vector.broadcast %mul3A_630 : f32 to vector<16xf32>
      %mul3A_632 = arith.mulf %get3A_629, %mul3A_631 : vector<16xf32>
      %mul3A_633 = arith.mulf %mul3A_626, %mul3A_632 : vector<16xf32>
      %add3A_634 = arith.addf %add3A_616, %mul3A_633 : vector<16xf32>
      %mul3A_635 = arith.mulf %mul3A_626, %mul3A_626 : vector<16xf32>
      %add3A_636 = arith.addf %add3A_618, %mul3A_635 : vector<16xf32>
      %mul3A_637 = arith.mulf %mul3A_632, %mul3A_632 : vector<16xf32>
      %add3A_638 = arith.addf %add3A_620, %mul3A_637 : vector<16xf32>
      %get3A_639 = arith.index_cast %add3A_578 : i32 to index
      %get3A_640 = arith.constant 48 : index
      %get3A_641 = tpu.vector_load %arg12[%get3A_639, %get3A_640] {strides = array<i32>} : memref<128x128xf32, #tpu.memory_space<vmem>>, vector<16xf32>,
      %mul3A_642 = arith.constant 5.000000e-03 : f32
      %mul3A_643 = vector.broadcast %mul3A_642 : f32 to vector<16xf32>
      %mul3A_644 = arith.mulf %get3A_641, %mul3A_643 : vector<16xf32>
      %get3A_645 = arith.index_cast %add3A_578 : i32 to index
      %get3A_646 = arith.constant 48 : index
      %get3A_647 = tpu.vector_load %arg13[%get3A_645, %get3A_646] {strides = array<i32>} : memref<128x128xf32, #tpu.memory_space<vmem>>, vector<16xf32>,
      %mul3A_648 = arith.constant 5.000000e-02 : f32
      %mul3A_649 = vector.broadcast %mul3A_648 : f32 to vector<16xf32>
      %mul3A_650 = arith.mulf %get3A_647, %mul3A_649 : vector<16xf32>
      %mul3A_651 = arith.mulf %mul3A_644, %mul3A_650 : vector<16xf32>
      %add3A_652 = arith.addf %add3A_634, %mul3A_651 : vector<16xf32>
      %mul3A_653 = arith.mulf %mul3A_644, %mul3A_644 : vector<16xf32>
      %add3A_654 = arith.addf %add3A_636, %mul3A_653 : vector<16xf32>
      %mul3A_655 = arith.mulf %mul3A_650, %mul3A_650 : vector<16xf32>
      %add3A_656 = arith.addf %add3A_638, %mul3A_655 : vector<16xf32>
      %get3A_657 = arith.index_cast %add3A_578 : i32 to index
      %get3A_658 = arith.constant 64 : index
      %get3A_659 = tpu.vector_load %arg12[%get3A_657, %get3A_658] {strides = array<i32>} : memref<128x128xf32, #tpu.memory_space<vmem>>, vector<16xf32>,
      %mul3A_660 = arith.constant 5.000000e-03 : f32
      %mul3A_661 = vector.broadcast %mul3A_660 : f32 to vector<16xf32>
      %mul3A_662 = arith.mulf %get3A_659, %mul3A_661 : vector<16xf32>
      %get3A_663 = arith.index_cast %add3A_578 : i32 to index
      %get3A_664 = arith.constant 64 : index
      %get3A_665 = tpu.vector_load %arg13[%get3A_663, %get3A_664] {strides = array<i32>} : memref<128x128xf32, #tpu.memory_space<vmem>>, vector<16xf32>,
      %mul3A_666 = arith.constant 5.000000e-02 : f32
      %mul3A_667 = vector.broadcast %mul3A_666 : f32 to vector<16xf32>
      %mul3A_668 = arith.mulf %get3A_665, %mul3A_667 : vector<16xf32>
      %mul3A_669 = arith.mulf %mul3A_662, %mul3A_668 : vector<16xf32>
      %add3A_670 = arith.addf %add3A_652, %mul3A_669 : vector<16xf32>
      %mul3A_671 = arith.mulf %mul3A_662, %mul3A_662 : vector<16xf32>
      %add3A_672 = arith.addf %add3A_654, %mul3A_671 : vector<16xf32>
      %mul3A_673 = arith.mulf %mul3A_668, %mul3A_668 : vector<16xf32>
      %add3A_674 = arith.addf %add3A_656, %mul3A_673 : vector<16xf32>
      %get3A_675 = arith.index_cast %add3A_578 : i32 to index
      %get3A_676 = arith.constant 80 : index
      %get3A_677 = tpu.vector_load %arg12[%get3A_675, %get3A_676] {strides = array<i32>} : memref<128x128xf32, #tpu.memory_space<vmem>>, vector<16xf32>,
      %mul3A_678 = arith.constant 5.000000e-03 : f32
      %mul3A_679 = vector.broadcast %mul3A_678 : f32 to vector<16xf32>
      %mul3A_680 = arith.mulf %get3A_677, %mul3A_679 : vector<16xf32>
      %get3A_681 = arith.index_cast %add3A_578 : i32 to index
      %get3A_682 = arith.constant 80 : index
      %get3A_683 = tpu.vector_load %arg13[%get3A_681, %get3A_682] {strides = array<i32>} : memref<128x128xf32, #tpu.memory_space<vmem>>, vector<16xf32>,
      %mul3A_684 = arith.constant 5.000000e-02 : f32
      %mul3A_685 = vector.broadcast %mul3A_684 : f32 to vector<16xf32>
      %mul3A_686 = arith.mulf %get3A_683, %mul3A_685 : vector<16xf32>
      %mul3A_687 = arith.mulf %mul3A_680, %mul3A_686 : vector<16xf32>
      %add3A_688 = arith.addf %add3A_670, %mul3A_687 : vector<16xf32>
      %mul3A_689 = arith.mulf %mul3A_680, %mul3A_680 : vector<16xf32>
      %add3A_690 = arith.addf %add3A_672, %mul3A_689 : vector<16xf32>
      %mul3A_691 = arith.mulf %mul3A_686, %mul3A_686 : vector<16xf32>
      %add3A_692 = arith.addf %add3A_674, %mul3A_691 : vector<16xf32>
      %get3A_693 = arith.index_cast %add3A_578 : i32 to index
      %get3A_694 = arith.constant 96 : index
      %get3A_695 = tpu.vector_load %arg12[%get3A_693, %get3A_694] {strides = array<i32>} : memref<128x128xf32, #tpu.memory_space<vmem>>, vector<16xf32>,
      %mul3A_696 = arith.constant 5.000000e-03 : f32
      %mul3A_697 = vector.broadcast %mul3A_696 : f32 to vector<16xf32>
      %mul3A_698 = arith.mulf %get3A_695, %mul3A_697 : vector<16xf32>
      %get3A_699 = arith.index_cast %add3A_578 : i32 to index
      %get3A_700 = arith.constant 96 : index
      %get3A_701 = tpu.vector_load %arg13[%get3A_699, %get3A_700] {strides = array<i32>} : memref<128x128xf32, #tpu.memory_space<vmem>>, vector<16xf32>,
      %mul3A_702 = arith.constant 5.000000e-02 : f32
      %mul3A_703 = vector.broadcast %mul3A_702 : f32 to vector<16xf32>
      %mul3A_704 = arith.mulf %get3A_701, %mul3A_703 : vector<16xf32>
      %mul3A_705 = arith.mulf %mul3A_698, %mul3A_704 : vector<16xf32>
      %add3A_706 = arith.addf %add3A_688, %mul3A_705 : vector<16xf32>
      %mul3A_707 = arith.mulf %mul3A_698, %mul3A_698 : vector<16xf32>
      %add3A_708 = arith.addf %add3A_690, %mul3A_707 : vector<16xf32>
      %mul3A_709 = arith.mulf %mul3A_704, %mul3A_704 : vector<16xf32>
      %add3A_710 = arith.addf %add3A_692, %mul3A_709 : vector<16xf32>
      %get3A_711 = arith.index_cast %add3A_578 : i32 to index
      %get3A_712 = arith.constant 112 : index
      %get3A_713 = tpu.vector_load %arg12[%get3A_711, %get3A_712] {strides = array<i32>} : memref<128x128xf32, #tpu.memory_space<vmem>>, vector<16xf32>,
      %mul3A_714 = arith.constant 5.000000e-03 : f32
      %mul3A_715 = vector.broadcast %mul3A_714 : f32 to vector<16xf32>
      %mul3A_716 = arith.mulf %get3A_713, %mul3A_715 : vector<16xf32>
      %get3A_717 = arith.index_cast %add3A_578 : i32 to index
      %get3A_718 = arith.constant 112 : index
      %get3A_719 = tpu.vector_load %arg13[%get3A_717, %get3A_718] {strides = array<i32>} : memref<128x128xf32, #tpu.memory_space<vmem>>, vector<16xf32>,
      %mul3A_720 = arith.constant 5.000000e-02 : f32
      %mul3A_721 = vector.broadcast %mul3A_720 : f32 to vector<16xf32>
      %mul3A_722 = arith.mulf %get3A_719, %mul3A_721 : vector<16xf32>
      %mul3A_723 = arith.mulf %mul3A_716, %mul3A_722 : vector<16xf32>
      %add3A_724 = arith.addf %add3A_706, %mul3A_723 : vector<16xf32>
      %mul3A_725 = arith.mulf %mul3A_716, %mul3A_716 : vector<16xf32>
      %add3A_726 = arith.addf %add3A_708, %mul3A_725 : vector<16xf32>
      %mul3A_727 = arith.mulf %mul3A_722, %mul3A_722 : vector<16xf32>
      %add3A_728 = arith.addf %add3A_710, %mul3A_727 : vector<16xf32>
      %eq3A_729 = arith.constant 3 : i32
      %eq3A_730 = vector.broadcast %eq3A_729 : i32 to vector<16xi32>
      %eq3A_731 = arith.cmpi eq, %iota3A, %eq3A_730 : vector<16xi32>
      %reduce_sum3A_732 = arith.constant true
      %reduce_sum3A_733 = vector.broadcast %reduce_sum3A_732 : i1 to vector<16xi1>
      %reduce_sum3A_734 = tpu.scan <sum>, %add3A_724 masked %reduce_sum3A_733 : vector<16xf32>, vector<16xi1> -> vector<16xf32>
      %reduce_sum3A_735 = vector.extract %reduce_sum3A_734[15] : f32 from vector<16xf32>
      %broadcast_in_dim3A_736 = vector.broadcast %reduce_sum3A_735 : f32 to vector<16xf32>
      %select_n3A_737 = arith.select %eq3A_731, %broadcast_in_dim3A_736, %select_n3A_562 : vector<16xi1>, vector<16xf32>
      %reduce_sum3A_738 = arith.constant true
      %reduce_sum3A_739 = vector.broadcast %reduce_sum3A_738 : i1 to vector<16xi1>
      %reduce_sum3A_740 = tpu.scan <sum>, %add3A_726 masked %reduce_sum3A_739 : vector<16xf32>, vector<16xi1> -> vector<16xf32>
      %reduce_sum3A_741 = vector.extract %reduce_sum3A_740[15] : f32 from vector<16xf32>
      %broadcast_in_dim3A_742 = vector.broadcast %reduce_sum3A_741 : f32 to vector<16xf32>
      %select_n3A_743 = arith.select %eq3A_731, %broadcast_in_dim3A_742, %select_n3A_568 : vector<16xi1>, vector<16xf32>
      %reduce_sum3A_744 = arith.constant true
      %reduce_sum3A_745 = vector.broadcast %reduce_sum3A_744 : i1 to vector<16xi1>
      %reduce_sum3A_746 = tpu.scan <sum>, %add3A_728 masked %reduce_sum3A_745 : vector<16xf32>, vector<16xi1> -> vector<16xf32>
      %reduce_sum3A_747 = vector.extract %reduce_sum3A_746[15] : f32 from vector<16xf32>
      %broadcast_in_dim3A_748 = vector.broadcast %reduce_sum3A_747 : f32 to vector<16xf32>
      %select_n3A_749 = arith.select %eq3A_731, %broadcast_in_dim3A_748, %select_n3A_574 : vector<16xi1>, vector<16xf32>
      %mul3A_750 = arith.constant 16 : i32
      %mul3A_751 = arith.muli %scan3A_47, %mul3A_750 : i32
      %add3A_752 = arith.constant 4 : i32
      %add3A_753 = arith.addi %mul3A_751, %add3A_752 : i32
      %broadcast_in_dim3A_754 = arith.constant 0.000000e+00 : f32
      %broadcast_in_dim3A_755 = vector.broadcast %broadcast_in_dim3A_754 : f32 to vector<16xf32>
      %broadcast_in_dim3A_756 = arith.constant 0.000000e+00 : f32
      %broadcast_in_dim3A_757 = vector.broadcast %broadcast_in_dim3A_756 : f32 to vector<16xf32>
      %broadcast_in_dim3A_758 = arith.constant 0.000000e+00 : f32
      %broadcast_in_dim3A_759 = vector.broadcast %broadcast_in_dim3A_758 : f32 to vector<16xf32>
      %get3A_760 = arith.index_cast %add3A_753 : i32 to index
      %get3A_761 = arith.constant 0 : index
      %get3A_762 = tpu.vector_load %arg12[%get3A_760, %get3A_761] {strides = array<i32>} : memref<128x128xf32, #tpu.memory_space<vmem>>, vector<16xf32>,
      %mul3A_763 = arith.constant 5.000000e-03 : f32
      %mul3A_764 = vector.broadcast %mul3A_763 : f32 to vector<16xf32>
      %mul3A_765 = arith.mulf %get3A_762, %mul3A_764 : vector<16xf32>
      %get3A_766 = arith.index_cast %add3A_753 : i32 to index
      %get3A_767 = arith.constant 0 : index
      %get3A_768 = tpu.vector_load %arg13[%get3A_766, %get3A_767] {strides = array<i32>} : memref<128x128xf32, #tpu.memory_space<vmem>>, vector<16xf32>,
      %mul3A_769 = arith.constant 5.000000e-02 : f32
      %mul3A_770 = vector.broadcast %mul3A_769 : f32 to vector<16xf32>
      %mul3A_771 = arith.mulf %get3A_768, %mul3A_770 : vector<16xf32>
      %mul3A_772 = arith.mulf %mul3A_765, %mul3A_771 : vector<16xf32>
      %add3A_773 = arith.addf %broadcast_in_dim3A_755, %mul3A_772 : vector<16xf32>
      %mul3A_774 = arith.mulf %mul3A_765, %mul3A_765 : vector<16xf32>
      %add3A_775 = arith.addf %broadcast_in_dim3A_757, %mul3A_774 : vector<16xf32>
      %mul3A_776 = arith.mulf %mul3A_771, %mul3A_771 : vector<16xf32>
      %add3A_777 = arith.addf %broadcast_in_dim3A_759, %mul3A_776 : vector<16xf32>
      %get3A_778 = arith.index_cast %add3A_753 : i32 to index
      %get3A_779 = arith.constant 16 : index
      %get3A_780 = tpu.vector_load %arg12[%get3A_778, %get3A_779] {strides = array<i32>} : memref<128x128xf32, #tpu.memory_space<vmem>>, vector<16xf32>,
      %mul3A_781 = arith.constant 5.000000e-03 : f32
      %mul3A_782 = vector.broadcast %mul3A_781 : f32 to vector<16xf32>
      %mul3A_783 = arith.mulf %get3A_780, %mul3A_782 : vector<16xf32>
      %get3A_784 = arith.index_cast %add3A_753 : i32 to index
      %get3A_785 = arith.constant 16 : index
      %get3A_786 = tpu.vector_load %arg13[%get3A_784, %get3A_785] {strides = array<i32>} : memref<128x128xf32, #tpu.memory_space<vmem>>, vector<16xf32>,
      %mul3A_787 = arith.constant 5.000000e-02 : f32
      %mul3A_788 = vector.broadcast %mul3A_787 : f32 to vector<16xf32>
      %mul3A_789 = arith.mulf %get3A_786, %mul3A_788 : vector<16xf32>
      %mul3A_790 = arith.mulf %mul3A_783, %mul3A_789 : vector<16xf32>
      %add3A_791 = arith.addf %add3A_773, %mul3A_790 : vector<16xf32>
      %mul3A_792 = arith.mulf %mul3A_783, %mul3A_783 : vector<16xf32>
      %add3A_793 = arith.addf %add3A_775, %mul3A_792 : vector<16xf32>
      %mul3A_794 = arith.mulf %mul3A_789, %mul3A_789 : vector<16xf32>
      %add3A_795 = arith.addf %add3A_777, %mul3A_794 : vector<16xf32>
      %get3A_796 = arith.index_cast %add3A_753 : i32 to index
      %get3A_797 = arith.constant 32 : index
      %get3A_798 = tpu.vector_load %arg12[%get3A_796, %get3A_797] {strides = array<i32>} : memref<128x128xf32, #tpu.memory_space<vmem>>, vector<16xf32>,
      %mul3A_799 = arith.constant 5.000000e-03 : f32
      %mul3A_800 = vector.broadcast %mul3A_799 : f32 to vector<16xf32>
      %mul3A_801 = arith.mulf %get3A_798, %mul3A_800 : vector<16xf32>
      %get3A_802 = arith.index_cast %add3A_753 : i32 to index
      %get3A_803 = arith.constant 32 : index
      %get3A_804 = tpu.vector_load %arg13[%get3A_802, %get3A_803] {strides = array<i32>} : memref<128x128xf32, #tpu.memory_space<vmem>>, vector<16xf32>,
      %mul3A_805 = arith.constant 5.000000e-02 : f32
      %mul3A_806 = vector.broadcast %mul3A_805 : f32 to vector<16xf32>
      %mul3A_807 = arith.mulf %get3A_804, %mul3A_806 : vector<16xf32>
      %mul3A_808 = arith.mulf %mul3A_801, %mul3A_807 : vector<16xf32>
      %add3A_809 = arith.addf %add3A_791, %mul3A_808 : vector<16xf32>
      %mul3A_810 = arith.mulf %mul3A_801, %mul3A_801 : vector<16xf32>
      %add3A_811 = arith.addf %add3A_793, %mul3A_810 : vector<16xf32>
      %mul3A_812 = arith.mulf %mul3A_807, %mul3A_807 : vector<16xf32>
      %add3A_813 = arith.addf %add3A_795, %mul3A_812 : vector<16xf32>
      %get3A_814 = arith.index_cast %add3A_753 : i32 to index
      %get3A_815 = arith.constant 48 : index
      %get3A_816 = tpu.vector_load %arg12[%get3A_814, %get3A_815] {strides = array<i32>} : memref<128x128xf32, #tpu.memory_space<vmem>>, vector<16xf32>,
      %mul3A_817 = arith.constant 5.000000e-03 : f32
      %mul3A_818 = vector.broadcast %mul3A_817 : f32 to vector<16xf32>
      %mul3A_819 = arith.mulf %get3A_816, %mul3A_818 : vector<16xf32>
      %get3A_820 = arith.index_cast %add3A_753 : i32 to index
      %get3A_821 = arith.constant 48 : index
      %get3A_822 = tpu.vector_load %arg13[%get3A_820, %get3A_821] {strides = array<i32>} : memref<128x128xf32, #tpu.memory_space<vmem>>, vector<16xf32>,
      %mul3A_823 = arith.constant 5.000000e-02 : f32
      %mul3A_824 = vector.broadcast %mul3A_823 : f32 to vector<16xf32>
      %mul3A_825 = arith.mulf %get3A_822, %mul3A_824 : vector<16xf32>
      %mul3A_826 = arith.mulf %mul3A_819, %mul3A_825 : vector<16xf32>
      %add3A_827 = arith.addf %add3A_809, %mul3A_826 : vector<16xf32>
      %mul3A_828 = arith.mulf %mul3A_819, %mul3A_819 : vector<16xf32>
      %add3A_829 = arith.addf %add3A_811, %mul3A_828 : vector<16xf32>
      %mul3A_830 = arith.mulf %mul3A_825, %mul3A_825 : vector<16xf32>
      %add3A_831 = arith.addf %add3A_813, %mul3A_830 : vector<16xf32>
      %get3A_832 = arith.index_cast %add3A_753 : i32 to index
      %get3A_833 = arith.constant 64 : index
      %get3A_834 = tpu.vector_load %arg12[%get3A_832, %get3A_833] {strides = array<i32>} : memref<128x128xf32, #tpu.memory_space<vmem>>, vector<16xf32>,
      %mul3A_835 = arith.constant 5.000000e-03 : f32
      %mul3A_836 = vector.broadcast %mul3A_835 : f32 to vector<16xf32>
      %mul3A_837 = arith.mulf %get3A_834, %mul3A_836 : vector<16xf32>
      %get3A_838 = arith.index_cast %add3A_753 : i32 to index
      %get3A_839 = arith.constant 64 : index
      %get3A_840 = tpu.vector_load %arg13[%get3A_838, %get3A_839] {strides = array<i32>} : memref<128x128xf32, #tpu.memory_space<vmem>>, vector<16xf32>,
      %mul3A_841 = arith.constant 5.000000e-02 : f32
      %mul3A_842 = vector.broadcast %mul3A_841 : f32 to vector<16xf32>
      %mul3A_843 = arith.mulf %get3A_840, %mul3A_842 : vector<16xf32>
      %mul3A_844 = arith.mulf %mul3A_837, %mul3A_843 : vector<16xf32>
      %add3A_845 = arith.addf %add3A_827, %mul3A_844 : vector<16xf32>
      %mul3A_846 = arith.mulf %mul3A_837, %mul3A_837 : vector<16xf32>
      %add3A_847 = arith.addf %add3A_829, %mul3A_846 : vector<16xf32>
      %mul3A_848 = arith.mulf %mul3A_843, %mul3A_843 : vector<16xf32>
      %add3A_849 = arith.addf %add3A_831, %mul3A_848 : vector<16xf32>
      %get3A_850 = arith.index_cast %add3A_753 : i32 to index
      %get3A_851 = arith.constant 80 : index
      %get3A_852 = tpu.vector_load %arg12[%get3A_850, %get3A_851] {strides = array<i32>} : memref<128x128xf32, #tpu.memory_space<vmem>>, vector<16xf32>,
      %mul3A_853 = arith.constant 5.000000e-03 : f32
      %mul3A_854 = vector.broadcast %mul3A_853 : f32 to vector<16xf32>
      %mul3A_855 = arith.mulf %get3A_852, %mul3A_854 : vector<16xf32>
      %get3A_856 = arith.index_cast %add3A_753 : i32 to index
      %get3A_857 = arith.constant 80 : index
      %get3A_858 = tpu.vector_load %arg13[%get3A_856, %get3A_857] {strides = array<i32>} : memref<128x128xf32, #tpu.memory_space<vmem>>, vector<16xf32>,
      %mul3A_859 = arith.constant 5.000000e-02 : f32
      %mul3A_860 = vector.broadcast %mul3A_859 : f32 to vector<16xf32>
      %mul3A_861 = arith.mulf %get3A_858, %mul3A_860 : vector<16xf32>
      %mul3A_862 = arith.mulf %mul3A_855, %mul3A_861 : vector<16xf32>
      %add3A_863 = arith.addf %add3A_845, %mul3A_862 : vector<16xf32>
      %mul3A_864 = arith.mulf %mul3A_855, %mul3A_855 : vector<16xf32>
      %add3A_865 = arith.addf %add3A_847, %mul3A_864 : vector<16xf32>
      %mul3A_866 = arith.mulf %mul3A_861, %mul3A_861 : vector<16xf32>
      %add3A_867 = arith.addf %add3A_849, %mul3A_866 : vector<16xf32>
      %get3A_868 = arith.index_cast %add3A_753 : i32 to index
      %get3A_869 = arith.constant 96 : index
      %get3A_870 = tpu.vector_load %arg12[%get3A_868, %get3A_869] {strides = array<i32>} : memref<128x128xf32, #tpu.memory_space<vmem>>, vector<16xf32>,
      %mul3A_871 = arith.constant 5.000000e-03 : f32
      %mul3A_872 = vector.broadcast %mul3A_871 : f32 to vector<16xf32>
      %mul3A_873 = arith.mulf %get3A_870, %mul3A_872 : vector<16xf32>
      %get3A_874 = arith.index_cast %add3A_753 : i32 to index
      %get3A_875 = arith.constant 96 : index
      %get3A_876 = tpu.vector_load %arg13[%get3A_874, %get3A_875] {strides = array<i32>} : memref<128x128xf32, #tpu.memory_space<vmem>>, vector<16xf32>,
      %mul3A_877 = arith.constant 5.000000e-02 : f32
      %mul3A_878 = vector.broadcast %mul3A_877 : f32 to vector<16xf32>
      %mul3A_879 = arith.mulf %get3A_876, %mul3A_878 : vector<16xf32>
      %mul3A_880 = arith.mulf %mul3A_873, %mul3A_879 : vector<16xf32>
      %add3A_881 = arith.addf %add3A_863, %mul3A_880 : vector<16xf32>
      %mul3A_882 = arith.mulf %mul3A_873, %mul3A_873 : vector<16xf32>
      %add3A_883 = arith.addf %add3A_865, %mul3A_882 : vector<16xf32>
      %mul3A_884 = arith.mulf %mul3A_879, %mul3A_879 : vector<16xf32>
      %add3A_885 = arith.addf %add3A_867, %mul3A_884 : vector<16xf32>
      %get3A_886 = arith.index_cast %add3A_753 : i32 to index
      %get3A_887 = arith.constant 112 : index
      %get3A_888 = tpu.vector_load %arg12[%get3A_886, %get3A_887] {strides = array<i32>} : memref<128x128xf32, #tpu.memory_space<vmem>>, vector<16xf32>,
      %mul3A_889 = arith.constant 5.000000e-03 : f32
      %mul3A_890 = vector.broadcast %mul3A_889 : f32 to vector<16xf32>
      %mul3A_891 = arith.mulf %get3A_888, %mul3A_890 : vector<16xf32>
      %get3A_892 = arith.index_cast %add3A_753 : i32 to index
      %get3A_893 = arith.constant 112 : index
      %get3A_894 = tpu.vector_load %arg13[%get3A_892, %get3A_893] {strides = array<i32>} : memref<128x128xf32, #tpu.memory_space<vmem>>, vector<16xf32>,
      %mul3A_895 = arith.constant 5.000000e-02 : f32
      %mul3A_896 = vector.broadcast %mul3A_895 : f32 to vector<16xf32>
      %mul3A_897 = arith.mulf %get3A_894, %mul3A_896 : vector<16xf32>
      %mul3A_898 = arith.mulf %mul3A_891, %mul3A_897 : vector<16xf32>
      %add3A_899 = arith.addf %add3A_881, %mul3A_898 : vector<16xf32>
      %mul3A_900 = arith.mulf %mul3A_891, %mul3A_891 : vector<16xf32>
      %add3A_901 = arith.addf %add3A_883, %mul3A_900 : vector<16xf32>
      %mul3A_902 = arith.mulf %mul3A_897, %mul3A_897 : vector<16xf32>
      %add3A_903 = arith.addf %add3A_885, %mul3A_902 : vector<16xf32>
      %eq3A_904 = arith.constant 4 : i32
      %eq3A_905 = vector.broadcast %eq3A_904 : i32 to vector<16xi32>
      %eq3A_906 = arith.cmpi eq, %iota3A, %eq3A_905 : vector<16xi32>
      %reduce_sum3A_907 = arith.constant true
      %reduce_sum3A_908 = vector.broadcast %reduce_sum3A_907 : i1 to vector<16xi1>
      %reduce_sum3A_909 = tpu.scan <sum>, %add3A_899 masked %reduce_sum3A_908 : vector<16xf32>, vector<16xi1> -> vector<16xf32>
      %reduce_sum3A_910 = vector.extract %reduce_sum3A_909[15] : f32 from vector<16xf32>
      %broadcast_in_dim3A_911 = vector.broadcast %reduce_sum3A_910 : f32 to vector<16xf32>
      %select_n3A_912 = arith.select %eq3A_906, %broadcast_in_dim3A_911, %select_n3A_737 : vector<16xi1>, vector<16xf32>
      %reduce_sum3A_913 = arith.constant true
      %reduce_sum3A_914 = vector.broadcast %reduce_sum3A_913 : i1 to vector<16xi1>
      %reduce_sum3A_915 = tpu.scan <sum>, %add3A_901 masked %reduce_sum3A_914 : vector<16xf32>, vector<16xi1> -> vector<16xf32>
      %reduce_sum3A_916 = vector.extract %reduce_sum3A_915[15] : f32 from vector<16xf32>
      %broadcast_in_dim3A_917 = vector.broadcast %reduce_sum3A_916 : f32 to vector<16xf32>
      %select_n3A_918 = arith.select %eq3A_906, %broadcast_in_dim3A_917, %select_n3A_743 : vector<16xi1>, vector<16xf32>
      %reduce_sum3A_919 = arith.constant true
      %reduce_sum3A_920 = vector.broadcast %reduce_sum3A_919 : i1 to vector<16xi1>
      %reduce_sum3A_921 = tpu.scan <sum>, %add3A_903 masked %reduce_sum3A_920 : vector<16xf32>, vector<16xi1> -> vector<16xf32>
      %reduce_sum3A_922 = vector.extract %reduce_sum3A_921[15] : f32 from vector<16xf32>
      %broadcast_in_dim3A_923 = vector.broadcast %reduce_sum3A_922 : f32 to vector<16xf32>
      %select_n3A_924 = arith.select %eq3A_906, %broadcast_in_dim3A_923, %select_n3A_749 : vector<16xi1>, vector<16xf32>
      %mul3A_925 = arith.constant 16 : i32
      %mul3A_926 = arith.muli %scan3A_47, %mul3A_925 : i32
      %add3A_927 = arith.constant 5 : i32
      %add3A_928 = arith.addi %mul3A_926, %add3A_927 : i32
      %broadcast_in_dim3A_929 = arith.constant 0.000000e+00 : f32
      %broadcast_in_dim3A_930 = vector.broadcast %broadcast_in_dim3A_929 : f32 to vector<16xf32>
      %broadcast_in_dim3A_931 = arith.constant 0.000000e+00 : f32
      %broadcast_in_dim3A_932 = vector.broadcast %broadcast_in_dim3A_931 : f32 to vector<16xf32>
      %broadcast_in_dim3A_933 = arith.constant 0.000000e+00 : f32
      %broadcast_in_dim3A_934 = vector.broadcast %broadcast_in_dim3A_933 : f32 to vector<16xf32>
      %get3A_935 = arith.index_cast %add3A_928 : i32 to index
      %get3A_936 = arith.constant 0 : index
      %get3A_937 = tpu.vector_load %arg12[%get3A_935, %get3A_936] {strides = array<i32>} : memref<128x128xf32, #tpu.memory_space<vmem>>, vector<16xf32>,
      %mul3A_938 = arith.constant 5.000000e-03 : f32
      %mul3A_939 = vector.broadcast %mul3A_938 : f32 to vector<16xf32>
      %mul3A_940 = arith.mulf %get3A_937, %mul3A_939 : vector<16xf32>
      %get3A_941 = arith.index_cast %add3A_928 : i32 to index
      %get3A_942 = arith.constant 0 : index
      %get3A_943 = tpu.vector_load %arg13[%get3A_941, %get3A_942] {strides = array<i32>} : memref<128x128xf32, #tpu.memory_space<vmem>>, vector<16xf32>,
      %mul3A_944 = arith.constant 5.000000e-02 : f32
      %mul3A_945 = vector.broadcast %mul3A_944 : f32 to vector<16xf32>
      %mul3A_946 = arith.mulf %get3A_943, %mul3A_945 : vector<16xf32>
      %mul3A_947 = arith.mulf %mul3A_940, %mul3A_946 : vector<16xf32>
      %add3A_948 = arith.addf %broadcast_in_dim3A_930, %mul3A_947 : vector<16xf32>
      %mul3A_949 = arith.mulf %mul3A_940, %mul3A_940 : vector<16xf32>
      %add3A_950 = arith.addf %broadcast_in_dim3A_932, %mul3A_949 : vector<16xf32>
      %mul3A_951 = arith.mulf %mul3A_946, %mul3A_946 : vector<16xf32>
      %add3A_952 = arith.addf %broadcast_in_dim3A_934, %mul3A_951 : vector<16xf32>
      %get3A_953 = arith.index_cast %add3A_928 : i32 to index
      %get3A_954 = arith.constant 16 : index
      %get3A_955 = tpu.vector_load %arg12[%get3A_953, %get3A_954] {strides = array<i32>} : memref<128x128xf32, #tpu.memory_space<vmem>>, vector<16xf32>,
      %mul3A_956 = arith.constant 5.000000e-03 : f32
      %mul3A_957 = vector.broadcast %mul3A_956 : f32 to vector<16xf32>
      %mul3A_958 = arith.mulf %get3A_955, %mul3A_957 : vector<16xf32>
      %get3A_959 = arith.index_cast %add3A_928 : i32 to index
      %get3A_960 = arith.constant 16 : index
      %get3A_961 = tpu.vector_load %arg13[%get3A_959, %get3A_960] {strides = array<i32>} : memref<128x128xf32, #tpu.memory_space<vmem>>, vector<16xf32>,
      %mul3A_962 = arith.constant 5.000000e-02 : f32
      %mul3A_963 = vector.broadcast %mul3A_962 : f32 to vector<16xf32>
      %mul3A_964 = arith.mulf %get3A_961, %mul3A_963 : vector<16xf32>
      %mul3A_965 = arith.mulf %mul3A_958, %mul3A_964 : vector<16xf32>
      %add3A_966 = arith.addf %add3A_948, %mul3A_965 : vector<16xf32>
      %mul3A_967 = arith.mulf %mul3A_958, %mul3A_958 : vector<16xf32>
      %add3A_968 = arith.addf %add3A_950, %mul3A_967 : vector<16xf32>
      %mul3A_969 = arith.mulf %mul3A_964, %mul3A_964 : vector<16xf32>
      %add3A_970 = arith.addf %add3A_952, %mul3A_969 : vector<16xf32>
      %get3A_971 = arith.index_cast %add3A_928 : i32 to index
      %get3A_972 = arith.constant 32 : index
      %get3A_973 = tpu.vector_load %arg12[%get3A_971, %get3A_972] {strides = array<i32>} : memref<128x128xf32, #tpu.memory_space<vmem>>, vector<16xf32>,
      %mul3A_974 = arith.constant 5.000000e-03 : f32
      %mul3A_975 = vector.broadcast %mul3A_974 : f32 to vector<16xf32>
      %mul3A_976 = arith.mulf %get3A_973, %mul3A_975 : vector<16xf32>
      %get3A_977 = arith.index_cast %add3A_928 : i32 to index
      %get3A_978 = arith.constant 32 : index
      %get3A_979 = tpu.vector_load %arg13[%get3A_977, %get3A_978] {strides = array<i32>} : memref<128x128xf32, #tpu.memory_space<vmem>>, vector<16xf32>,
      %mul3A_980 = arith.constant 5.000000e-02 : f32
      %mul3A_981 = vector.broadcast %mul3A_980 : f32 to vector<16xf32>
      %mul3A_982 = arith.mulf %get3A_979, %mul3A_981 : vector<16xf32>
      %mul3A_983 = arith.mulf %mul3A_976, %mul3A_982 : vector<16xf32>
      %add3A_984 = arith.addf %add3A_966, %mul3A_983 : vector<16xf32>
      %mul3A_985 = arith.mulf %mul3A_976, %mul3A_976 : vector<16xf32>
      %add3A_986 = arith.addf %add3A_968, %mul3A_985 : vector<16xf32>
      %mul3A_987 = arith.mulf %mul3A_982, %mul3A_982 : vector<16xf32>
      %add3A_988 = arith.addf %add3A_970, %mul3A_987 : vector<16xf32>
      %get3A_989 = arith.index_cast %add3A_928 : i32 to index
      %get3A_990 = arith.constant 48 : index
      %get3A_991 = tpu.vector_load %arg12[%get3A_989, %get3A_990] {strides = array<i32>} : memref<128x128xf32, #tpu.memory_space<vmem>>, vector<16xf32>,
      %mul3A_992 = arith.constant 5.000000e-03 : f32
      %mul3A_993 = vector.broadcast %mul3A_992 : f32 to vector<16xf32>
      %mul3A_994 = arith.mulf %get3A_991, %mul3A_993 : vector<16xf32>
      %get3A_995 = arith.index_cast %add3A_928 : i32 to index
      %get3A_996 = arith.constant 48 : index
      %get3A_997 = tpu.vector_load %arg13[%get3A_995, %get3A_996] {strides = array<i32>} : memref<128x128xf32, #tpu.memory_space<vmem>>, vector<16xf32>,
      %mul3A_998 = arith.constant 5.000000e-02 : f32
      %mul3A_999 = vector.broadcast %mul3A_998 : f32 to vector<16xf32>
      %mul3A_1000 = arith.mulf %get3A_997, %mul3A_999 : vector<16xf32>
      %mul3A_1001 = arith.mulf %mul3A_994, %mul3A_1000 : vector<16xf32>
      %add3A_1002 = arith.addf %add3A_984, %mul3A_1001 : vector<16xf32>
      %mul3A_1003 = arith.mulf %mul3A_994, %mul3A_994 : vector<16xf32>
      %add3A_1004 = arith.addf %add3A_986, %mul3A_1003 : vector<16xf32>
      %mul3A_1005 = arith.mulf %mul3A_1000, %mul3A_1000 : vector<16xf32>
      %add3A_1006 = arith.addf %add3A_988, %mul3A_1005 : vector<16xf32>
      %get3A_1007 = arith.index_cast %add3A_928 : i32 to index
      %get3A_1008 = arith.constant 64 : index
      %get3A_1009 = tpu.vector_load %arg12[%get3A_1007, %get3A_1008] {strides = array<i32>} : memref<128x128xf32, #tpu.memory_space<vmem>>, vector<16xf32>,
      %mul3A_1010 = arith.constant 5.000000e-03 : f32
      %mul3A_1011 = vector.broadcast %mul3A_1010 : f32 to vector<16xf32>
      %mul3A_1012 = arith.mulf %get3A_1009, %mul3A_1011 : vector<16xf32>
      %get3A_1013 = arith.index_cast %add3A_928 : i32 to index
      %get3A_1014 = arith.constant 64 : index
      %get3A_1015 = tpu.vector_load %arg13[%get3A_1013, %get3A_1014] {strides = array<i32>} : memref<128x128xf32, #tpu.memory_space<vmem>>, vector<16xf32>,
      %mul3A_1016 = arith.constant 5.000000e-02 : f32
      %mul3A_1017 = vector.broadcast %mul3A_1016 : f32 to vector<16xf32>
      %mul3A_1018 = arith.mulf %get3A_1015, %mul3A_1017 : vector<16xf32>
      %mul3A_1019 = arith.mulf %mul3A_1012, %mul3A_1018 : vector<16xf32>
      %add3A_1020 = arith.addf %add3A_1002, %mul3A_1019 : vector<16xf32>
      %mul3A_1021 = arith.mulf %mul3A_1012, %mul3A_1012 : vector<16xf32>
      %add3A_1022 = arith.addf %add3A_1004, %mul3A_1021 : vector<16xf32>
      %mul3A_1023 = arith.mulf %mul3A_1018, %mul3A_1018 : vector<16xf32>
      %add3A_1024 = arith.addf %add3A_1006, %mul3A_1023 : vector<16xf32>
      %get3A_1025 = arith.index_cast %add3A_928 : i32 to index
      %get3A_1026 = arith.constant 80 : index
      %get3A_1027 = tpu.vector_load %arg12[%get3A_1025, %get3A_1026] {strides = array<i32>} : memref<128x128xf32, #tpu.memory_space<vmem>>, vector<16xf32>,
      %mul3A_1028 = arith.constant 5.000000e-03 : f32
      %mul3A_1029 = vector.broadcast %mul3A_1028 : f32 to vector<16xf32>
      %mul3A_1030 = arith.mulf %get3A_1027, %mul3A_1029 : vector<16xf32>
      %get3A_1031 = arith.index_cast %add3A_928 : i32 to index
      %get3A_1032 = arith.constant 80 : index
      %get3A_1033 = tpu.vector_load %arg13[%get3A_1031, %get3A_1032] {strides = array<i32>} : memref<128x128xf32, #tpu.memory_space<vmem>>, vector<16xf32>,
      %mul3A_1034 = arith.constant 5.000000e-02 : f32
      %mul3A_1035 = vector.broadcast %mul3A_1034 : f32 to vector<16xf32>
      %mul3A_1036 = arith.mulf %get3A_1033, %mul3A_1035 : vector<16xf32>
      %mul3A_1037 = arith.mulf %mul3A_1030, %mul3A_1036 : vector<16xf32>
      %add3A_1038 = arith.addf %add3A_1020, %mul3A_1037 : vector<16xf32>
      %mul3A_1039 = arith.mulf %mul3A_1030, %mul3A_1030 : vector<16xf32>
      %add3A_1040 = arith.addf %add3A_1022, %mul3A_1039 : vector<16xf32>
      %mul3A_1041 = arith.mulf %mul3A_1036, %mul3A_1036 : vector<16xf32>
      %add3A_1042 = arith.addf %add3A_1024, %mul3A_1041 : vector<16xf32>
      %get3A_1043 = arith.index_cast %add3A_928 : i32 to index
      %get3A_1044 = arith.constant 96 : index
      %get3A_1045 = tpu.vector_load %arg12[%get3A_1043, %get3A_1044] {strides = array<i32>} : memref<128x128xf32, #tpu.memory_space<vmem>>, vector<16xf32>,
      %mul3A_1046 = arith.constant 5.000000e-03 : f32
      %mul3A_1047 = vector.broadcast %mul3A_1046 : f32 to vector<16xf32>
      %mul3A_1048 = arith.mulf %get3A_1045, %mul3A_1047 : vector<16xf32>
      %get3A_1049 = arith.index_cast %add3A_928 : i32 to index
      %get3A_1050 = arith.constant 96 : index
      %get3A_1051 = tpu.vector_load %arg13[%get3A_1049, %get3A_1050] {strides = array<i32>} : memref<128x128xf32, #tpu.memory_space<vmem>>, vector<16xf32>,
      %mul3A_1052 = arith.constant 5.000000e-02 : f32
      %mul3A_1053 = vector.broadcast %mul3A_1052 : f32 to vector<16xf32>
      %mul3A_1054 = arith.mulf %get3A_1051, %mul3A_1053 : vector<16xf32>
      %mul3A_1055 = arith.mulf %mul3A_1048, %mul3A_1054 : vector<16xf32>
      %add3A_1056 = arith.addf %add3A_1038, %mul3A_1055 : vector<16xf32>
      %mul3A_1057 = arith.mulf %mul3A_1048, %mul3A_1048 : vector<16xf32>
      %add3A_1058 = arith.addf %add3A_1040, %mul3A_1057 : vector<16xf32>
      %mul3A_1059 = arith.mulf %mul3A_1054, %mul3A_1054 : vector<16xf32>
      %add3A_1060 = arith.addf %add3A_1042, %mul3A_1059 : vector<16xf32>
      %get3A_1061 = arith.index_cast %add3A_928 : i32 to index
      %get3A_1062 = arith.constant 112 : index
      %get3A_1063 = tpu.vector_load %arg12[%get3A_1061, %get3A_1062] {strides = array<i32>} : memref<128x128xf32, #tpu.memory_space<vmem>>, vector<16xf32>,
      %mul3A_1064 = arith.constant 5.000000e-03 : f32
      %mul3A_1065 = vector.broadcast %mul3A_1064 : f32 to vector<16xf32>
      %mul3A_1066 = arith.mulf %get3A_1063, %mul3A_1065 : vector<16xf32>
      %get3A_1067 = arith.index_cast %add3A_928 : i32 to index
      %get3A_1068 = arith.constant 112 : index
      %get3A_1069 = tpu.vector_load %arg13[%get3A_1067, %get3A_1068] {strides = array<i32>} : memref<128x128xf32, #tpu.memory_space<vmem>>, vector<16xf32>,
      %mul3A_1070 = arith.constant 5.000000e-02 : f32
      %mul3A_1071 = vector.broadcast %mul3A_1070 : f32 to vector<16xf32>
      %mul3A_1072 = arith.mulf %get3A_1069, %mul3A_1071 : vector<16xf32>
      %mul3A_1073 = arith.mulf %mul3A_1066, %mul3A_1072 : vector<16xf32>
      %add3A_1074 = arith.addf %add3A_1056, %mul3A_1073 : vector<16xf32>
      %mul3A_1075 = arith.mulf %mul3A_1066, %mul3A_1066 : vector<16xf32>
      %add3A_1076 = arith.addf %add3A_1058, %mul3A_1075 : vector<16xf32>
      %mul3A_1077 = arith.mulf %mul3A_1072, %mul3A_1072 : vector<16xf32>
      %add3A_1078 = arith.addf %add3A_1060, %mul3A_1077 : vector<16xf32>
      %eq3A_1079 = arith.constant 5 : i32
      %eq3A_1080 = vector.broadcast %eq3A_1079 : i32 to vector<16xi32>
      %eq3A_1081 = arith.cmpi eq, %iota3A, %eq3A_1080 : vector<16xi32>
      %reduce_sum3A_1082 = arith.constant true
      %reduce_sum3A_1083 = vector.broadcast %reduce_sum3A_1082 : i1 to vector<16xi1>
      %reduce_sum3A_1084 = tpu.scan <sum>, %add3A_1074 masked %reduce_sum3A_1083 : vector<16xf32>, vector<16xi1> -> vector<16xf32>
      %reduce_sum3A_1085 = vector.extract %reduce_sum3A_1084[15] : f32 from vector<16xf32>
      %broadcast_in_dim3A_1086 = vector.broadcast %reduce_sum3A_1085 : f32 to vector<16xf32>
      %select_n3A_1087 = arith.select %eq3A_1081, %broadcast_in_dim3A_1086, %select_n3A_912 : vector<16xi1>, vector<16xf32>
      %reduce_sum3A_1088 = arith.constant true
      %reduce_sum3A_1089 = vector.broadcast %reduce_sum3A_1088 : i1 to vector<16xi1>
      %reduce_sum3A_1090 = tpu.scan <sum>, %add3A_1076 masked %reduce_sum3A_1089 : vector<16xf32>, vector<16xi1> -> vector<16xf32>
      %reduce_sum3A_1091 = vector.extract %reduce_sum3A_1090[15] : f32 from vector<16xf32>
      %broadcast_in_dim3A_1092 = vector.broadcast %reduce_sum3A_1091 : f32 to vector<16xf32>
      %select_n3A_1093 = arith.select %eq3A_1081, %broadcast_in_dim3A_1092, %select_n3A_918 : vector<16xi1>, vector<16xf32>
      %reduce_sum3A_1094 = arith.constant true
      %reduce_sum3A_1095 = vector.broadcast %reduce_sum3A_1094 : i1 to vector<16xi1>
      %reduce_sum3A_1096 = tpu.scan <sum>, %add3A_1078 masked %reduce_sum3A_1095 : vector<16xf32>, vector<16xi1> -> vector<16xf32>
      %reduce_sum3A_1097 = vector.extract %reduce_sum3A_1096[15] : f32 from vector<16xf32>
      %broadcast_in_dim3A_1098 = vector.broadcast %reduce_sum3A_1097 : f32 to vector<16xf32>
      %select_n3A_1099 = arith.select %eq3A_1081, %broadcast_in_dim3A_1098, %select_n3A_924 : vector<16xi1>, vector<16xf32>
      %mul3A_1100 = arith.constant 16 : i32
      %mul3A_1101 = arith.muli %scan3A_47, %mul3A_1100 : i32
      %add3A_1102 = arith.constant 6 : i32
      %add3A_1103 = arith.addi %mul3A_1101, %add3A_1102 : i32
      %broadcast_in_dim3A_1104 = arith.constant 0.000000e+00 : f32
      %broadcast_in_dim3A_1105 = vector.broadcast %broadcast_in_dim3A_1104 : f32 to vector<16xf32>
      %broadcast_in_dim3A_1106 = arith.constant 0.000000e+00 : f32
      %broadcast_in_dim3A_1107 = vector.broadcast %broadcast_in_dim3A_1106 : f32 to vector<16xf32>
      %broadcast_in_dim3A_1108 = arith.constant 0.000000e+00 : f32
      %broadcast_in_dim3A_1109 = vector.broadcast %broadcast_in_dim3A_1108 : f32 to vector<16xf32>
      %get3A_1110 = arith.index_cast %add3A_1103 : i32 to index
      %get3A_1111 = arith.constant 0 : index
      %get3A_1112 = tpu.vector_load %arg12[%get3A_1110, %get3A_1111] {strides = array<i32>} : memref<128x128xf32, #tpu.memory_space<vmem>>, vector<16xf32>,
      %mul3A_1113 = arith.constant 5.000000e-03 : f32
      %mul3A_1114 = vector.broadcast %mul3A_1113 : f32 to vector<16xf32>
      %mul3A_1115 = arith.mulf %get3A_1112, %mul3A_1114 : vector<16xf32>
      %get3A_1116 = arith.index_cast %add3A_1103 : i32 to index
      %get3A_1117 = arith.constant 0 : index
      %get3A_1118 = tpu.vector_load %arg13[%get3A_1116, %get3A_1117] {strides = array<i32>} : memref<128x128xf32, #tpu.memory_space<vmem>>, vector<16xf32>,
      %mul3A_1119 = arith.constant 5.000000e-02 : f32
      %mul3A_1120 = vector.broadcast %mul3A_1119 : f32 to vector<16xf32>
      %mul3A_1121 = arith.mulf %get3A_1118, %mul3A_1120 : vector<16xf32>
      %mul3A_1122 = arith.mulf %mul3A_1115, %mul3A_1121 : vector<16xf32>
      %add3A_1123 = arith.addf %broadcast_in_dim3A_1105, %mul3A_1122 : vector<16xf32>
      %mul3A_1124 = arith.mulf %mul3A_1115, %mul3A_1115 : vector<16xf32>
      %add3A_1125 = arith.addf %broadcast_in_dim3A_1107, %mul3A_1124 : vector<16xf32>
      %mul3A_1126 = arith.mulf %mul3A_1121, %mul3A_1121 : vector<16xf32>
      %add3A_1127 = arith.addf %broadcast_in_dim3A_1109, %mul3A_1126 : vector<16xf32>
      %get3A_1128 = arith.index_cast %add3A_1103 : i32 to index
      %get3A_1129 = arith.constant 16 : index
      %get3A_1130 = tpu.vector_load %arg12[%get3A_1128, %get3A_1129] {strides = array<i32>} : memref<128x128xf32, #tpu.memory_space<vmem>>, vector<16xf32>,
      %mul3A_1131 = arith.constant 5.000000e-03 : f32
      %mul3A_1132 = vector.broadcast %mul3A_1131 : f32 to vector<16xf32>
      %mul3A_1133 = arith.mulf %get3A_1130, %mul3A_1132 : vector<16xf32>
      %get3A_1134 = arith.index_cast %add3A_1103 : i32 to index
      %get3A_1135 = arith.constant 16 : index
      %get3A_1136 = tpu.vector_load %arg13[%get3A_1134, %get3A_1135] {strides = array<i32>} : memref<128x128xf32, #tpu.memory_space<vmem>>, vector<16xf32>,
      %mul3A_1137 = arith.constant 5.000000e-02 : f32
      %mul3A_1138 = vector.broadcast %mul3A_1137 : f32 to vector<16xf32>
      %mul3A_1139 = arith.mulf %get3A_1136, %mul3A_1138 : vector<16xf32>
      %mul3A_1140 = arith.mulf %mul3A_1133, %mul3A_1139 : vector<16xf32>
      %add3A_1141 = arith.addf %add3A_1123, %mul3A_1140 : vector<16xf32>
      %mul3A_1142 = arith.mulf %mul3A_1133, %mul3A_1133 : vector<16xf32>
      %add3A_1143 = arith.addf %add3A_1125, %mul3A_1142 : vector<16xf32>
      %mul3A_1144 = arith.mulf %mul3A_1139, %mul3A_1139 : vector<16xf32>
      %add3A_1145 = arith.addf %add3A_1127, %mul3A_1144 : vector<16xf32>
      %get3A_1146 = arith.index_cast %add3A_1103 : i32 to index
      %get3A_1147 = arith.constant 32 : index
      %get3A_1148 = tpu.vector_load %arg12[%get3A_1146, %get3A_1147] {strides = array<i32>} : memref<128x128xf32, #tpu.memory_space<vmem>>, vector<16xf32>,
      %mul3A_1149 = arith.constant 5.000000e-03 : f32
      %mul3A_1150 = vector.broadcast %mul3A_1149 : f32 to vector<16xf32>
      %mul3A_1151 = arith.mulf %get3A_1148, %mul3A_1150 : vector<16xf32>
      %get3A_1152 = arith.index_cast %add3A_1103 : i32 to index
      %get3A_1153 = arith.constant 32 : index
      %get3A_1154 = tpu.vector_load %arg13[%get3A_1152, %get3A_1153] {strides = array<i32>} : memref<128x128xf32, #tpu.memory_space<vmem>>, vector<16xf32>,
      %mul3A_1155 = arith.constant 5.000000e-02 : f32
      %mul3A_1156 = vector.broadcast %mul3A_1155 : f32 to vector<16xf32>
      %mul3A_1157 = arith.mulf %get3A_1154, %mul3A_1156 : vector<16xf32>
      %mul3A_1158 = arith.mulf %mul3A_1151, %mul3A_1157 : vector<16xf32>
      %add3A_1159 = arith.addf %add3A_1141, %mul3A_1158 : vector<16xf32>
      %mul3A_1160 = arith.mulf %mul3A_1151, %mul3A_1151 : vector<16xf32>
      %add3A_1161 = arith.addf %add3A_1143, %mul3A_1160 : vector<16xf32>
      %mul3A_1162 = arith.mulf %mul3A_1157, %mul3A_1157 : vector<16xf32>
      %add3A_1163 = arith.addf %add3A_1145, %mul3A_1162 : vector<16xf32>
      %get3A_1164 = arith.index_cast %add3A_1103 : i32 to index
      %get3A_1165 = arith.constant 48 : index
      %get3A_1166 = tpu.vector_load %arg12[%get3A_1164, %get3A_1165] {strides = array<i32>} : memref<128x128xf32, #tpu.memory_space<vmem>>, vector<16xf32>,
      %mul3A_1167 = arith.constant 5.000000e-03 : f32
      %mul3A_1168 = vector.broadcast %mul3A_1167 : f32 to vector<16xf32>
      %mul3A_1169 = arith.mulf %get3A_1166, %mul3A_1168 : vector<16xf32>
      %get3A_1170 = arith.index_cast %add3A_1103 : i32 to index
      %get3A_1171 = arith.constant 48 : index
      %get3A_1172 = tpu.vector_load %arg13[%get3A_1170, %get3A_1171] {strides = array<i32>} : memref<128x128xf32, #tpu.memory_space<vmem>>, vector<16xf32>,
      %mul3A_1173 = arith.constant 5.000000e-02 : f32
      %mul3A_1174 = vector.broadcast %mul3A_1173 : f32 to vector<16xf32>
      %mul3A_1175 = arith.mulf %get3A_1172, %mul3A_1174 : vector<16xf32>
      %mul3A_1176 = arith.mulf %mul3A_1169, %mul3A_1175 : vector<16xf32>
      %add3A_1177 = arith.addf %add3A_1159, %mul3A_1176 : vector<16xf32>
      %mul3A_1178 = arith.mulf %mul3A_1169, %mul3A_1169 : vector<16xf32>
      %add3A_1179 = arith.addf %add3A_1161, %mul3A_1178 : vector<16xf32>
      %mul3A_1180 = arith.mulf %mul3A_1175, %mul3A_1175 : vector<16xf32>
      %add3A_1181 = arith.addf %add3A_1163, %mul3A_1180 : vector<16xf32>
      %get3A_1182 = arith.index_cast %add3A_1103 : i32 to index
      %get3A_1183 = arith.constant 64 : index
      %get3A_1184 = tpu.vector_load %arg12[%get3A_1182, %get3A_1183] {strides = array<i32>} : memref<128x128xf32, #tpu.memory_space<vmem>>, vector<16xf32>,
      %mul3A_1185 = arith.constant 5.000000e-03 : f32
      %mul3A_1186 = vector.broadcast %mul3A_1185 : f32 to vector<16xf32>
      %mul3A_1187 = arith.mulf %get3A_1184, %mul3A_1186 : vector<16xf32>
      %get3A_1188 = arith.index_cast %add3A_1103 : i32 to index
      %get3A_1189 = arith.constant 64 : index
      %get3A_1190 = tpu.vector_load %arg13[%get3A_1188, %get3A_1189] {strides = array<i32>} : memref<128x128xf32, #tpu.memory_space<vmem>>, vector<16xf32>,
      %mul3A_1191 = arith.constant 5.000000e-02 : f32
      %mul3A_1192 = vector.broadcast %mul3A_1191 : f32 to vector<16xf32>
      %mul3A_1193 = arith.mulf %get3A_1190, %mul3A_1192 : vector<16xf32>
      %mul3A_1194 = arith.mulf %mul3A_1187, %mul3A_1193 : vector<16xf32>
      %add3A_1195 = arith.addf %add3A_1177, %mul3A_1194 : vector<16xf32>
      %mul3A_1196 = arith.mulf %mul3A_1187, %mul3A_1187 : vector<16xf32>
      %add3A_1197 = arith.addf %add3A_1179, %mul3A_1196 : vector<16xf32>
      %mul3A_1198 = arith.mulf %mul3A_1193, %mul3A_1193 : vector<16xf32>
      %add3A_1199 = arith.addf %add3A_1181, %mul3A_1198 : vector<16xf32>
      %get3A_1200 = arith.index_cast %add3A_1103 : i32 to index
      %get3A_1201 = arith.constant 80 : index
      %get3A_1202 = tpu.vector_load %arg12[%get3A_1200, %get3A_1201] {strides = array<i32>} : memref<128x128xf32, #tpu.memory_space<vmem>>, vector<16xf32>,
      %mul3A_1203 = arith.constant 5.000000e-03 : f32
      %mul3A_1204 = vector.broadcast %mul3A_1203 : f32 to vector<16xf32>
      %mul3A_1205 = arith.mulf %get3A_1202, %mul3A_1204 : vector<16xf32>
      %get3A_1206 = arith.index_cast %add3A_1103 : i32 to index
      %get3A_1207 = arith.constant 80 : index
      %get3A_1208 = tpu.vector_load %arg13[%get3A_1206, %get3A_1207] {strides = array<i32>} : memref<128x128xf32, #tpu.memory_space<vmem>>, vector<16xf32>,
      %mul3A_1209 = arith.constant 5.000000e-02 : f32
      %mul3A_1210 = vector.broadcast %mul3A_1209 : f32 to vector<16xf32>
      %mul3A_1211 = arith.mulf %get3A_1208, %mul3A_1210 : vector<16xf32>
      %mul3A_1212 = arith.mulf %mul3A_1205, %mul3A_1211 : vector<16xf32>
      %add3A_1213 = arith.addf %add3A_1195, %mul3A_1212 : vector<16xf32>
      %mul3A_1214 = arith.mulf %mul3A_1205, %mul3A_1205 : vector<16xf32>
      %add3A_1215 = arith.addf %add3A_1197, %mul3A_1214 : vector<16xf32>
      %mul3A_1216 = arith.mulf %mul3A_1211, %mul3A_1211 : vector<16xf32>
      %add3A_1217 = arith.addf %add3A_1199, %mul3A_1216 : vector<16xf32>
      %get3A_1218 = arith.index_cast %add3A_1103 : i32 to index
      %get3A_1219 = arith.constant 96 : index
      %get3A_1220 = tpu.vector_load %arg12[%get3A_1218, %get3A_1219] {strides = array<i32>} : memref<128x128xf32, #tpu.memory_space<vmem>>, vector<16xf32>,
      %mul3A_1221 = arith.constant 5.000000e-03 : f32
      %mul3A_1222 = vector.broadcast %mul3A_1221 : f32 to vector<16xf32>
      %mul3A_1223 = arith.mulf %get3A_1220, %mul3A_1222 : vector<16xf32>
      %get3A_1224 = arith.index_cast %add3A_1103 : i32 to index
      %get3A_1225 = arith.constant 96 : index
      %get3A_1226 = tpu.vector_load %arg13[%get3A_1224, %get3A_1225] {strides = array<i32>} : memref<128x128xf32, #tpu.memory_space<vmem>>, vector<16xf32>,
      %mul3A_1227 = arith.constant 5.000000e-02 : f32
      %mul3A_1228 = vector.broadcast %mul3A_1227 : f32 to vector<16xf32>
      %mul3A_1229 = arith.mulf %get3A_1226, %mul3A_1228 : vector<16xf32>
      %mul3A_1230 = arith.mulf %mul3A_1223, %mul3A_1229 : vector<16xf32>
      %add3A_1231 = arith.addf %add3A_1213, %mul3A_1230 : vector<16xf32>
      %mul3A_1232 = arith.mulf %mul3A_1223, %mul3A_1223 : vector<16xf32>
      %add3A_1233 = arith.addf %add3A_1215, %mul3A_1232 : vector<16xf32>
      %mul3A_1234 = arith.mulf %mul3A_1229, %mul3A_1229 : vector<16xf32>
      %add3A_1235 = arith.addf %add3A_1217, %mul3A_1234 : vector<16xf32>
      %get3A_1236 = arith.index_cast %add3A_1103 : i32 to index
      %get3A_1237 = arith.constant 112 : index
      %get3A_1238 = tpu.vector_load %arg12[%get3A_1236, %get3A_1237] {strides = array<i32>} : memref<128x128xf32, #tpu.memory_space<vmem>>, vector<16xf32>,
      %mul3A_1239 = arith.constant 5.000000e-03 : f32
      %mul3A_1240 = vector.broadcast %mul3A_1239 : f32 to vector<16xf32>
      %mul3A_1241 = arith.mulf %get3A_1238, %mul3A_1240 : vector<16xf32>
      %get3A_1242 = arith.index_cast %add3A_1103 : i32 to index
      %get3A_1243 = arith.constant 112 : index
      %get3A_1244 = tpu.vector_load %arg13[%get3A_1242, %get3A_1243] {strides = array<i32>} : memref<128x128xf32, #tpu.memory_space<vmem>>, vector<16xf32>,
      %mul3A_1245 = arith.constant 5.000000e-02 : f32
      %mul3A_1246 = vector.broadcast %mul3A_1245 : f32 to vector<16xf32>
      %mul3A_1247 = arith.mulf %get3A_1244, %mul3A_1246 : vector<16xf32>
      %mul3A_1248 = arith.mulf %mul3A_1241, %mul3A_1247 : vector<16xf32>
      %add3A_1249 = arith.addf %add3A_1231, %mul3A_1248 : vector<16xf32>
      %mul3A_1250 = arith.mulf %mul3A_1241, %mul3A_1241 : vector<16xf32>
      %add3A_1251 = arith.addf %add3A_1233, %mul3A_1250 : vector<16xf32>
      %mul3A_1252 = arith.mulf %mul3A_1247, %mul3A_1247 : vector<16xf32>
      %add3A_1253 = arith.addf %add3A_1235, %mul3A_1252 : vector<16xf32>
      %eq3A_1254 = arith.constant 6 : i32
      %eq3A_1255 = vector.broadcast %eq3A_1254 : i32 to vector<16xi32>
      %eq3A_1256 = arith.cmpi eq, %iota3A, %eq3A_1255 : vector<16xi32>
      %reduce_sum3A_1257 = arith.constant true
      %reduce_sum3A_1258 = vector.broadcast %reduce_sum3A_1257 : i1 to vector<16xi1>
      %reduce_sum3A_1259 = tpu.scan <sum>, %add3A_1249 masked %reduce_sum3A_1258 : vector<16xf32>, vector<16xi1> -> vector<16xf32>
      %reduce_sum3A_1260 = vector.extract %reduce_sum3A_1259[15] : f32 from vector<16xf32>
      %broadcast_in_dim3A_1261 = vector.broadcast %reduce_sum3A_1260 : f32 to vector<16xf32>
      %select_n3A_1262 = arith.select %eq3A_1256, %broadcast_in_dim3A_1261, %select_n3A_1087 : vector<16xi1>, vector<16xf32>
      %reduce_sum3A_1263 = arith.constant true
      %reduce_sum3A_1264 = vector.broadcast %reduce_sum3A_1263 : i1 to vector<16xi1>
      %reduce_sum3A_1265 = tpu.scan <sum>, %add3A_1251 masked %reduce_sum3A_1264 : vector<16xf32>, vector<16xi1> -> vector<16xf32>
      %reduce_sum3A_1266 = vector.extract %reduce_sum3A_1265[15] : f32 from vector<16xf32>
      %broadcast_in_dim3A_1267 = vector.broadcast %reduce_sum3A_1266 : f32 to vector<16xf32>
      %select_n3A_1268 = arith.select %eq3A_1256, %broadcast_in_dim3A_1267, %select_n3A_1093 : vector<16xi1>, vector<16xf32>
      %reduce_sum3A_1269 = arith.constant true
      %reduce_sum3A_1270 = vector.broadcast %reduce_sum3A_1269 : i1 to vector<16xi1>
      %reduce_sum3A_1271 = tpu.scan <sum>, %add3A_1253 masked %reduce_sum3A_1270 : vector<16xf32>, vector<16xi1> -> vector<16xf32>
      %reduce_sum3A_1272 = vector.extract %reduce_sum3A_1271[15] : f32 from vector<16xf32>
      %broadcast_in_dim3A_1273 = vector.broadcast %reduce_sum3A_1272 : f32 to vector<16xf32>
      %select_n3A_1274 = arith.select %eq3A_1256, %broadcast_in_dim3A_1273, %select_n3A_1099 : vector<16xi1>, vector<16xf32>
      %mul3A_1275 = arith.constant 16 : i32
      %mul3A_1276 = arith.muli %scan3A_47, %mul3A_1275 : i32
      %add3A_1277 = arith.constant 7 : i32
      %add3A_1278 = arith.addi %mul3A_1276, %add3A_1277 : i32
      %broadcast_in_dim3A_1279 = arith.constant 0.000000e+00 : f32
      %broadcast_in_dim3A_1280 = vector.broadcast %broadcast_in_dim3A_1279 : f32 to vector<16xf32>
      %broadcast_in_dim3A_1281 = arith.constant 0.000000e+00 : f32
      %broadcast_in_dim3A_1282 = vector.broadcast %broadcast_in_dim3A_1281 : f32 to vector<16xf32>
      %broadcast_in_dim3A_1283 = arith.constant 0.000000e+00 : f32
      %broadcast_in_dim3A_1284 = vector.broadcast %broadcast_in_dim3A_1283 : f32 to vector<16xf32>
      %get3A_1285 = arith.index_cast %add3A_1278 : i32 to index
      %get3A_1286 = arith.constant 0 : index
      %get3A_1287 = tpu.vector_load %arg12[%get3A_1285, %get3A_1286] {strides = array<i32>} : memref<128x128xf32, #tpu.memory_space<vmem>>, vector<16xf32>,
      %mul3A_1288 = arith.constant 5.000000e-03 : f32
      %mul3A_1289 = vector.broadcast %mul3A_1288 : f32 to vector<16xf32>
      %mul3A_1290 = arith.mulf %get3A_1287, %mul3A_1289 : vector<16xf32>
      %get3A_1291 = arith.index_cast %add3A_1278 : i32 to index
      %get3A_1292 = arith.constant 0 : index
      %get3A_1293 = tpu.vector_load %arg13[%get3A_1291, %get3A_1292] {strides = array<i32>} : memref<128x128xf32, #tpu.memory_space<vmem>>, vector<16xf32>,
      %mul3A_1294 = arith.constant 5.000000e-02 : f32
      %mul3A_1295 = vector.broadcast %mul3A_1294 : f32 to vector<16xf32>
      %mul3A_1296 = arith.mulf %get3A_1293, %mul3A_1295 : vector<16xf32>
      %mul3A_1297 = arith.mulf %mul3A_1290, %mul3A_1296 : vector<16xf32>
      %add3A_1298 = arith.addf %broadcast_in_dim3A_1280, %mul3A_1297 : vector<16xf32>
      %mul3A_1299 = arith.mulf %mul3A_1290, %mul3A_1290 : vector<16xf32>
      %add3A_1300 = arith.addf %broadcast_in_dim3A_1282, %mul3A_1299 : vector<16xf32>
      %mul3A_1301 = arith.mulf %mul3A_1296, %mul3A_1296 : vector<16xf32>
      %add3A_1302 = arith.addf %broadcast_in_dim3A_1284, %mul3A_1301 : vector<16xf32>
      %get3A_1303 = arith.index_cast %add3A_1278 : i32 to index
      %get3A_1304 = arith.constant 16 : index
      %get3A_1305 = tpu.vector_load %arg12[%get3A_1303, %get3A_1304] {strides = array<i32>} : memref<128x128xf32, #tpu.memory_space<vmem>>, vector<16xf32>,
      %mul3A_1306 = arith.constant 5.000000e-03 : f32
      %mul3A_1307 = vector.broadcast %mul3A_1306 : f32 to vector<16xf32>
      %mul3A_1308 = arith.mulf %get3A_1305, %mul3A_1307 : vector<16xf32>
      %get3A_1309 = arith.index_cast %add3A_1278 : i32 to index
      %get3A_1310 = arith.constant 16 : index
      %get3A_1311 = tpu.vector_load %arg13[%get3A_1309, %get3A_1310] {strides = array<i32>} : memref<128x128xf32, #tpu.memory_space<vmem>>, vector<16xf32>,
      %mul3A_1312 = arith.constant 5.000000e-02 : f32
      %mul3A_1313 = vector.broadcast %mul3A_1312 : f32 to vector<16xf32>
      %mul3A_1314 = arith.mulf %get3A_1311, %mul3A_1313 : vector<16xf32>
      %mul3A_1315 = arith.mulf %mul3A_1308, %mul3A_1314 : vector<16xf32>
      %add3A_1316 = arith.addf %add3A_1298, %mul3A_1315 : vector<16xf32>
      %mul3A_1317 = arith.mulf %mul3A_1308, %mul3A_1308 : vector<16xf32>
      %add3A_1318 = arith.addf %add3A_1300, %mul3A_1317 : vector<16xf32>
      %mul3A_1319 = arith.mulf %mul3A_1314, %mul3A_1314 : vector<16xf32>
      %add3A_1320 = arith.addf %add3A_1302, %mul3A_1319 : vector<16xf32>
      %get3A_1321 = arith.index_cast %add3A_1278 : i32 to index
      %get3A_1322 = arith.constant 32 : index
      %get3A_1323 = tpu.vector_load %arg12[%get3A_1321, %get3A_1322] {strides = array<i32>} : memref<128x128xf32, #tpu.memory_space<vmem>>, vector<16xf32>,
      %mul3A_1324 = arith.constant 5.000000e-03 : f32
      %mul3A_1325 = vector.broadcast %mul3A_1324 : f32 to vector<16xf32>
      %mul3A_1326 = arith.mulf %get3A_1323, %mul3A_1325 : vector<16xf32>
      %get3A_1327 = arith.index_cast %add3A_1278 : i32 to index
      %get3A_1328 = arith.constant 32 : index
      %get3A_1329 = tpu.vector_load %arg13[%get3A_1327, %get3A_1328] {strides = array<i32>} : memref<128x128xf32, #tpu.memory_space<vmem>>, vector<16xf32>,
      %mul3A_1330 = arith.constant 5.000000e-02 : f32
      %mul3A_1331 = vector.broadcast %mul3A_1330 : f32 to vector<16xf32>
      %mul3A_1332 = arith.mulf %get3A_1329, %mul3A_1331 : vector<16xf32>
      %mul3A_1333 = arith.mulf %mul3A_1326, %mul3A_1332 : vector<16xf32>
      %add3A_1334 = arith.addf %add3A_1316, %mul3A_1333 : vector<16xf32>
      %mul3A_1335 = arith.mulf %mul3A_1326, %mul3A_1326 : vector<16xf32>
      %add3A_1336 = arith.addf %add3A_1318, %mul3A_1335 : vector<16xf32>
      %mul3A_1337 = arith.mulf %mul3A_1332, %mul3A_1332 : vector<16xf32>
      %add3A_1338 = arith.addf %add3A_1320, %mul3A_1337 : vector<16xf32>
      %get3A_1339 = arith.index_cast %add3A_1278 : i32 to index
      %get3A_1340 = arith.constant 48 : index
      %get3A_1341 = tpu.vector_load %arg12[%get3A_1339, %get3A_1340] {strides = array<i32>} : memref<128x128xf32, #tpu.memory_space<vmem>>, vector<16xf32>,
      %mul3A_1342 = arith.constant 5.000000e-03 : f32
      %mul3A_1343 = vector.broadcast %mul3A_1342 : f32 to vector<16xf32>
      %mul3A_1344 = arith.mulf %get3A_1341, %mul3A_1343 : vector<16xf32>
      %get3A_1345 = arith.index_cast %add3A_1278 : i32 to index
      %get3A_1346 = arith.constant 48 : index
      %get3A_1347 = tpu.vector_load %arg13[%get3A_1345, %get3A_1346] {strides = array<i32>} : memref<128x128xf32, #tpu.memory_space<vmem>>, vector<16xf32>,
      %mul3A_1348 = arith.constant 5.000000e-02 : f32
      %mul3A_1349 = vector.broadcast %mul3A_1348 : f32 to vector<16xf32>
      %mul3A_1350 = arith.mulf %get3A_1347, %mul3A_1349 : vector<16xf32>
      %mul3A_1351 = arith.mulf %mul3A_1344, %mul3A_1350 : vector<16xf32>
      %add3A_1352 = arith.addf %add3A_1334, %mul3A_1351 : vector<16xf32>
      %mul3A_1353 = arith.mulf %mul3A_1344, %mul3A_1344 : vector<16xf32>
      %add3A_1354 = arith.addf %add3A_1336, %mul3A_1353 : vector<16xf32>
      %mul3A_1355 = arith.mulf %mul3A_1350, %mul3A_1350 : vector<16xf32>
      %add3A_1356 = arith.addf %add3A_1338, %mul3A_1355 : vector<16xf32>
      %get3A_1357 = arith.index_cast %add3A_1278 : i32 to index
      %get3A_1358 = arith.constant 64 : index
      %get3A_1359 = tpu.vector_load %arg12[%get3A_1357, %get3A_1358] {strides = array<i32>} : memref<128x128xf32, #tpu.memory_space<vmem>>, vector<16xf32>,
      %mul3A_1360 = arith.constant 5.000000e-03 : f32
      %mul3A_1361 = vector.broadcast %mul3A_1360 : f32 to vector<16xf32>
      %mul3A_1362 = arith.mulf %get3A_1359, %mul3A_1361 : vector<16xf32>
      %get3A_1363 = arith.index_cast %add3A_1278 : i32 to index
      %get3A_1364 = arith.constant 64 : index
      %get3A_1365 = tpu.vector_load %arg13[%get3A_1363, %get3A_1364] {strides = array<i32>} : memref<128x128xf32, #tpu.memory_space<vmem>>, vector<16xf32>,
      %mul3A_1366 = arith.constant 5.000000e-02 : f32
      %mul3A_1367 = vector.broadcast %mul3A_1366 : f32 to vector<16xf32>
      %mul3A_1368 = arith.mulf %get3A_1365, %mul3A_1367 : vector<16xf32>
      %mul3A_1369 = arith.mulf %mul3A_1362, %mul3A_1368 : vector<16xf32>
      %add3A_1370 = arith.addf %add3A_1352, %mul3A_1369 : vector<16xf32>
      %mul3A_1371 = arith.mulf %mul3A_1362, %mul3A_1362 : vector<16xf32>
      %add3A_1372 = arith.addf %add3A_1354, %mul3A_1371 : vector<16xf32>
      %mul3A_1373 = arith.mulf %mul3A_1368, %mul3A_1368 : vector<16xf32>
      %add3A_1374 = arith.addf %add3A_1356, %mul3A_1373 : vector<16xf32>
      %get3A_1375 = arith.index_cast %add3A_1278 : i32 to index
      %get3A_1376 = arith.constant 80 : index
      %get3A_1377 = tpu.vector_load %arg12[%get3A_1375, %get3A_1376] {strides = array<i32>} : memref<128x128xf32, #tpu.memory_space<vmem>>, vector<16xf32>,
      %mul3A_1378 = arith.constant 5.000000e-03 : f32
      %mul3A_1379 = vector.broadcast %mul3A_1378 : f32 to vector<16xf32>
      %mul3A_1380 = arith.mulf %get3A_1377, %mul3A_1379 : vector<16xf32>
      %get3A_1381 = arith.index_cast %add3A_1278 : i32 to index
      %get3A_1382 = arith.constant 80 : index
      %get3A_1383 = tpu.vector_load %arg13[%get3A_1381, %get3A_1382] {strides = array<i32>} : memref<128x128xf32, #tpu.memory_space<vmem>>, vector<16xf32>,
      %mul3A_1384 = arith.constant 5.000000e-02 : f32
      %mul3A_1385 = vector.broadcast %mul3A_1384 : f32 to vector<16xf32>
      %mul3A_1386 = arith.mulf %get3A_1383, %mul3A_1385 : vector<16xf32>
      %mul3A_1387 = arith.mulf %mul3A_1380, %mul3A_1386 : vector<16xf32>
      %add3A_1388 = arith.addf %add3A_1370, %mul3A_1387 : vector<16xf32>
      %mul3A_1389 = arith.mulf %mul3A_1380, %mul3A_1380 : vector<16xf32>
      %add3A_1390 = arith.addf %add3A_1372, %mul3A_1389 : vector<16xf32>
      %mul3A_1391 = arith.mulf %mul3A_1386, %mul3A_1386 : vector<16xf32>
      %add3A_1392 = arith.addf %add3A_1374, %mul3A_1391 : vector<16xf32>
      %get3A_1393 = arith.index_cast %add3A_1278 : i32 to index
      %get3A_1394 = arith.constant 96 : index
      %get3A_1395 = tpu.vector_load %arg12[%get3A_1393, %get3A_1394] {strides = array<i32>} : memref<128x128xf32, #tpu.memory_space<vmem>>, vector<16xf32>,
      %mul3A_1396 = arith.constant 5.000000e-03 : f32
      %mul3A_1397 = vector.broadcast %mul3A_1396 : f32 to vector<16xf32>
      %mul3A_1398 = arith.mulf %get3A_1395, %mul3A_1397 : vector<16xf32>
      %get3A_1399 = arith.index_cast %add3A_1278 : i32 to index
      %get3A_1400 = arith.constant 96 : index
      %get3A_1401 = tpu.vector_load %arg13[%get3A_1399, %get3A_1400] {strides = array<i32>} : memref<128x128xf32, #tpu.memory_space<vmem>>, vector<16xf32>,
      %mul3A_1402 = arith.constant 5.000000e-02 : f32
      %mul3A_1403 = vector.broadcast %mul3A_1402 : f32 to vector<16xf32>
      %mul3A_1404 = arith.mulf %get3A_1401, %mul3A_1403 : vector<16xf32>
      %mul3A_1405 = arith.mulf %mul3A_1398, %mul3A_1404 : vector<16xf32>
      %add3A_1406 = arith.addf %add3A_1388, %mul3A_1405 : vector<16xf32>
      %mul3A_1407 = arith.mulf %mul3A_1398, %mul3A_1398 : vector<16xf32>
      %add3A_1408 = arith.addf %add3A_1390, %mul3A_1407 : vector<16xf32>
      %mul3A_1409 = arith.mulf %mul3A_1404, %mul3A_1404 : vector<16xf32>
      %add3A_1410 = arith.addf %add3A_1392, %mul3A_1409 : vector<16xf32>
      %get3A_1411 = arith.index_cast %add3A_1278 : i32 to index
      %get3A_1412 = arith.constant 112 : index
      %get3A_1413 = tpu.vector_load %arg12[%get3A_1411, %get3A_1412] {strides = array<i32>} : memref<128x128xf32, #tpu.memory_space<vmem>>, vector<16xf32>,
      %mul3A_1414 = arith.constant 5.000000e-03 : f32
      %mul3A_1415 = vector.broadcast %mul3A_1414 : f32 to vector<16xf32>
      %mul3A_1416 = arith.mulf %get3A_1413, %mul3A_1415 : vector<16xf32>
      %get3A_1417 = arith.index_cast %add3A_1278 : i32 to index
      %get3A_1418 = arith.constant 112 : index
      %get3A_1419 = tpu.vector_load %arg13[%get3A_1417, %get3A_1418] {strides = array<i32>} : memref<128x128xf32, #tpu.memory_space<vmem>>, vector<16xf32>,
      %mul3A_1420 = arith.constant 5.000000e-02 : f32
      %mul3A_1421 = vector.broadcast %mul3A_1420 : f32 to vector<16xf32>
      %mul3A_1422 = arith.mulf %get3A_1419, %mul3A_1421 : vector<16xf32>
      %mul3A_1423 = arith.mulf %mul3A_1416, %mul3A_1422 : vector<16xf32>
      %add3A_1424 = arith.addf %add3A_1406, %mul3A_1423 : vector<16xf32>
      %mul3A_1425 = arith.mulf %mul3A_1416, %mul3A_1416 : vector<16xf32>
      %add3A_1426 = arith.addf %add3A_1408, %mul3A_1425 : vector<16xf32>
      %mul3A_1427 = arith.mulf %mul3A_1422, %mul3A_1422 : vector<16xf32>
      %add3A_1428 = arith.addf %add3A_1410, %mul3A_1427 : vector<16xf32>
      %eq3A_1429 = arith.constant 7 : i32
      %eq3A_1430 = vector.broadcast %eq3A_1429 : i32 to vector<16xi32>
      %eq3A_1431 = arith.cmpi eq, %iota3A, %eq3A_1430 : vector<16xi32>
      %reduce_sum3A_1432 = arith.constant true
      %reduce_sum3A_1433 = vector.broadcast %reduce_sum3A_1432 : i1 to vector<16xi1>
      %reduce_sum3A_1434 = tpu.scan <sum>, %add3A_1424 masked %reduce_sum3A_1433 : vector<16xf32>, vector<16xi1> -> vector<16xf32>
      %reduce_sum3A_1435 = vector.extract %reduce_sum3A_1434[15] : f32 from vector<16xf32>
      %broadcast_in_dim3A_1436 = vector.broadcast %reduce_sum3A_1435 : f32 to vector<16xf32>
      %select_n3A_1437 = arith.select %eq3A_1431, %broadcast_in_dim3A_1436, %select_n3A_1262 : vector<16xi1>, vector<16xf32>
      %reduce_sum3A_1438 = arith.constant true
      %reduce_sum3A_1439 = vector.broadcast %reduce_sum3A_1438 : i1 to vector<16xi1>
      %reduce_sum3A_1440 = tpu.scan <sum>, %add3A_1426 masked %reduce_sum3A_1439 : vector<16xf32>, vector<16xi1> -> vector<16xf32>
      %reduce_sum3A_1441 = vector.extract %reduce_sum3A_1440[15] : f32 from vector<16xf32>
      %broadcast_in_dim3A_1442 = vector.broadcast %reduce_sum3A_1441 : f32 to vector<16xf32>
      %select_n3A_1443 = arith.select %eq3A_1431, %broadcast_in_dim3A_1442, %select_n3A_1268 : vector<16xi1>, vector<16xf32>
      %reduce_sum3A_1444 = arith.constant true
      %reduce_sum3A_1445 = vector.broadcast %reduce_sum3A_1444 : i1 to vector<16xi1>
      %reduce_sum3A_1446 = tpu.scan <sum>, %add3A_1428 masked %reduce_sum3A_1445 : vector<16xf32>, vector<16xi1> -> vector<16xf32>
      %reduce_sum3A_1447 = vector.extract %reduce_sum3A_1446[15] : f32 from vector<16xf32>
      %broadcast_in_dim3A_1448 = vector.broadcast %reduce_sum3A_1447 : f32 to vector<16xf32>
      %select_n3A_1449 = arith.select %eq3A_1431, %broadcast_in_dim3A_1448, %select_n3A_1274 : vector<16xi1>, vector<16xf32>
      %mul3A_1450 = arith.constant 16 : i32
      %mul3A_1451 = arith.muli %scan3A_47, %mul3A_1450 : i32
      %add3A_1452 = arith.constant 8 : i32
      %add3A_1453 = arith.addi %mul3A_1451, %add3A_1452 : i32
      %broadcast_in_dim3A_1454 = arith.constant 0.000000e+00 : f32
      %broadcast_in_dim3A_1455 = vector.broadcast %broadcast_in_dim3A_1454 : f32 to vector<16xf32>
      %broadcast_in_dim3A_1456 = arith.constant 0.000000e+00 : f32
      %broadcast_in_dim3A_1457 = vector.broadcast %broadcast_in_dim3A_1456 : f32 to vector<16xf32>
      %broadcast_in_dim3A_1458 = arith.constant 0.000000e+00 : f32
      %broadcast_in_dim3A_1459 = vector.broadcast %broadcast_in_dim3A_1458 : f32 to vector<16xf32>
      %get3A_1460 = arith.index_cast %add3A_1453 : i32 to index
      %get3A_1461 = arith.constant 0 : index
      %get3A_1462 = tpu.vector_load %arg12[%get3A_1460, %get3A_1461] {strides = array<i32>} : memref<128x128xf32, #tpu.memory_space<vmem>>, vector<16xf32>,
      %mul3A_1463 = arith.constant 5.000000e-03 : f32
      %mul3A_1464 = vector.broadcast %mul3A_1463 : f32 to vector<16xf32>
      %mul3A_1465 = arith.mulf %get3A_1462, %mul3A_1464 : vector<16xf32>
      %get3A_1466 = arith.index_cast %add3A_1453 : i32 to index
      %get3A_1467 = arith.constant 0 : index
      %get3A_1468 = tpu.vector_load %arg13[%get3A_1466, %get3A_1467] {strides = array<i32>} : memref<128x128xf32, #tpu.memory_space<vmem>>, vector<16xf32>,
      %mul3A_1469 = arith.constant 5.000000e-02 : f32
      %mul3A_1470 = vector.broadcast %mul3A_1469 : f32 to vector<16xf32>
      %mul3A_1471 = arith.mulf %get3A_1468, %mul3A_1470 : vector<16xf32>
      %mul3A_1472 = arith.mulf %mul3A_1465, %mul3A_1471 : vector<16xf32>
      %add3A_1473 = arith.addf %broadcast_in_dim3A_1455, %mul3A_1472 : vector<16xf32>
      %mul3A_1474 = arith.mulf %mul3A_1465, %mul3A_1465 : vector<16xf32>
      %add3A_1475 = arith.addf %broadcast_in_dim3A_1457, %mul3A_1474 : vector<16xf32>
      %mul3A_1476 = arith.mulf %mul3A_1471, %mul3A_1471 : vector<16xf32>
      %add3A_1477 = arith.addf %broadcast_in_dim3A_1459, %mul3A_1476 : vector<16xf32>
      %get3A_1478 = arith.index_cast %add3A_1453 : i32 to index
      %get3A_1479 = arith.constant 16 : index
      %get3A_1480 = tpu.vector_load %arg12[%get3A_1478, %get3A_1479] {strides = array<i32>} : memref<128x128xf32, #tpu.memory_space<vmem>>, vector<16xf32>,
      %mul3A_1481 = arith.constant 5.000000e-03 : f32
      %mul3A_1482 = vector.broadcast %mul3A_1481 : f32 to vector<16xf32>
      %mul3A_1483 = arith.mulf %get3A_1480, %mul3A_1482 : vector<16xf32>
      %get3A_1484 = arith.index_cast %add3A_1453 : i32 to index
      %get3A_1485 = arith.constant 16 : index
      %get3A_1486 = tpu.vector_load %arg13[%get3A_1484, %get3A_1485] {strides = array<i32>} : memref<128x128xf32, #tpu.memory_space<vmem>>, vector<16xf32>,
      %mul3A_1487 = arith.constant 5.000000e-02 : f32
      %mul3A_1488 = vector.broadcast %mul3A_1487 : f32 to vector<16xf32>
      %mul3A_1489 = arith.mulf %get3A_1486, %mul3A_1488 : vector<16xf32>
      %mul3A_1490 = arith.mulf %mul3A_1483, %mul3A_1489 : vector<16xf32>
      %add3A_1491 = arith.addf %add3A_1473, %mul3A_1490 : vector<16xf32>
      %mul3A_1492 = arith.mulf %mul3A_1483, %mul3A_1483 : vector<16xf32>
      %add3A_1493 = arith.addf %add3A_1475, %mul3A_1492 : vector<16xf32>
      %mul3A_1494 = arith.mulf %mul3A_1489, %mul3A_1489 : vector<16xf32>
      %add3A_1495 = arith.addf %add3A_1477, %mul3A_1494 : vector<16xf32>
      %get3A_1496 = arith.index_cast %add3A_1453 : i32 to index
      %get3A_1497 = arith.constant 32 : index
      %get3A_1498 = tpu.vector_load %arg12[%get3A_1496, %get3A_1497] {strides = array<i32>} : memref<128x128xf32, #tpu.memory_space<vmem>>, vector<16xf32>,
      %mul3A_1499 = arith.constant 5.000000e-03 : f32
      %mul3A_1500 = vector.broadcast %mul3A_1499 : f32 to vector<16xf32>
      %mul3A_1501 = arith.mulf %get3A_1498, %mul3A_1500 : vector<16xf32>
      %get3A_1502 = arith.index_cast %add3A_1453 : i32 to index
      %get3A_1503 = arith.constant 32 : index
      %get3A_1504 = tpu.vector_load %arg13[%get3A_1502, %get3A_1503] {strides = array<i32>} : memref<128x128xf32, #tpu.memory_space<vmem>>, vector<16xf32>,
      %mul3A_1505 = arith.constant 5.000000e-02 : f32
      %mul3A_1506 = vector.broadcast %mul3A_1505 : f32 to vector<16xf32>
      %mul3A_1507 = arith.mulf %get3A_1504, %mul3A_1506 : vector<16xf32>
      %mul3A_1508 = arith.mulf %mul3A_1501, %mul3A_1507 : vector<16xf32>
      %add3A_1509 = arith.addf %add3A_1491, %mul3A_1508 : vector<16xf32>
      %mul3A_1510 = arith.mulf %mul3A_1501, %mul3A_1501 : vector<16xf32>
      %add3A_1511 = arith.addf %add3A_1493, %mul3A_1510 : vector<16xf32>
      %mul3A_1512 = arith.mulf %mul3A_1507, %mul3A_1507 : vector<16xf32>
      %add3A_1513 = arith.addf %add3A_1495, %mul3A_1512 : vector<16xf32>
      %get3A_1514 = arith.index_cast %add3A_1453 : i32 to index
      %get3A_1515 = arith.constant 48 : index
      %get3A_1516 = tpu.vector_load %arg12[%get3A_1514, %get3A_1515] {strides = array<i32>} : memref<128x128xf32, #tpu.memory_space<vmem>>, vector<16xf32>,
      %mul3A_1517 = arith.constant 5.000000e-03 : f32
      %mul3A_1518 = vector.broadcast %mul3A_1517 : f32 to vector<16xf32>
      %mul3A_1519 = arith.mulf %get3A_1516, %mul3A_1518 : vector<16xf32>
      %get3A_1520 = arith.index_cast %add3A_1453 : i32 to index
      %get3A_1521 = arith.constant 48 : index
      %get3A_1522 = tpu.vector_load %arg13[%get3A_1520, %get3A_1521] {strides = array<i32>} : memref<128x128xf32, #tpu.memory_space<vmem>>, vector<16xf32>,
      %mul3A_1523 = arith.constant 5.000000e-02 : f32
      %mul3A_1524 = vector.broadcast %mul3A_1523 : f32 to vector<16xf32>
      %mul3A_1525 = arith.mulf %get3A_1522, %mul3A_1524 : vector<16xf32>
      %mul3A_1526 = arith.mulf %mul3A_1519, %mul3A_1525 : vector<16xf32>
      %add3A_1527 = arith.addf %add3A_1509, %mul3A_1526 : vector<16xf32>
      %mul3A_1528 = arith.mulf %mul3A_1519, %mul3A_1519 : vector<16xf32>
      %add3A_1529 = arith.addf %add3A_1511, %mul3A_1528 : vector<16xf32>
      %mul3A_1530 = arith.mulf %mul3A_1525, %mul3A_1525 : vector<16xf32>
      %add3A_1531 = arith.addf %add3A_1513, %mul3A_1530 : vector<16xf32>
      %get3A_1532 = arith.index_cast %add3A_1453 : i32 to index
      %get3A_1533 = arith.constant 64 : index
      %get3A_1534 = tpu.vector_load %arg12[%get3A_1532, %get3A_1533] {strides = array<i32>} : memref<128x128xf32, #tpu.memory_space<vmem>>, vector<16xf32>,
      %mul3A_1535 = arith.constant 5.000000e-03 : f32
      %mul3A_1536 = vector.broadcast %mul3A_1535 : f32 to vector<16xf32>
      %mul3A_1537 = arith.mulf %get3A_1534, %mul3A_1536 : vector<16xf32>
      %get3A_1538 = arith.index_cast %add3A_1453 : i32 to index
      %get3A_1539 = arith.constant 64 : index
      %get3A_1540 = tpu.vector_load %arg13[%get3A_1538, %get3A_1539] {strides = array<i32>} : memref<128x128xf32, #tpu.memory_space<vmem>>, vector<16xf32>,
      %mul3A_1541 = arith.constant 5.000000e-02 : f32
      %mul3A_1542 = vector.broadcast %mul3A_1541 : f32 to vector<16xf32>
      %mul3A_1543 = arith.mulf %get3A_1540, %mul3A_1542 : vector<16xf32>
      %mul3A_1544 = arith.mulf %mul3A_1537, %mul3A_1543 : vector<16xf32>
      %add3A_1545 = arith.addf %add3A_1527, %mul3A_1544 : vector<16xf32>
      %mul3A_1546 = arith.mulf %mul3A_1537, %mul3A_1537 : vector<16xf32>
      %add3A_1547 = arith.addf %add3A_1529, %mul3A_1546 : vector<16xf32>
      %mul3A_1548 = arith.mulf %mul3A_1543, %mul3A_1543 : vector<16xf32>
      %add3A_1549 = arith.addf %add3A_1531, %mul3A_1548 : vector<16xf32>
      %get3A_1550 = arith.index_cast %add3A_1453 : i32 to index
      %get3A_1551 = arith.constant 80 : index
      %get3A_1552 = tpu.vector_load %arg12[%get3A_1550, %get3A_1551] {strides = array<i32>} : memref<128x128xf32, #tpu.memory_space<vmem>>, vector<16xf32>,
      %mul3A_1553 = arith.constant 5.000000e-03 : f32
      %mul3A_1554 = vector.broadcast %mul3A_1553 : f32 to vector<16xf32>
      %mul3A_1555 = arith.mulf %get3A_1552, %mul3A_1554 : vector<16xf32>
      %get3A_1556 = arith.index_cast %add3A_1453 : i32 to index
      %get3A_1557 = arith.constant 80 : index
      %get3A_1558 = tpu.vector_load %arg13[%get3A_1556, %get3A_1557] {strides = array<i32>} : memref<128x128xf32, #tpu.memory_space<vmem>>, vector<16xf32>,
      %mul3A_1559 = arith.constant 5.000000e-02 : f32
      %mul3A_1560 = vector.broadcast %mul3A_1559 : f32 to vector<16xf32>
      %mul3A_1561 = arith.mulf %get3A_1558, %mul3A_1560 : vector<16xf32>
      %mul3A_1562 = arith.mulf %mul3A_1555, %mul3A_1561 : vector<16xf32>
      %add3A_1563 = arith.addf %add3A_1545, %mul3A_1562 : vector<16xf32>
      %mul3A_1564 = arith.mulf %mul3A_1555, %mul3A_1555 : vector<16xf32>
      %add3A_1565 = arith.addf %add3A_1547, %mul3A_1564 : vector<16xf32>
      %mul3A_1566 = arith.mulf %mul3A_1561, %mul3A_1561 : vector<16xf32>
      %add3A_1567 = arith.addf %add3A_1549, %mul3A_1566 : vector<16xf32>
      %get3A_1568 = arith.index_cast %add3A_1453 : i32 to index
      %get3A_1569 = arith.constant 96 : index
      %get3A_1570 = tpu.vector_load %arg12[%get3A_1568, %get3A_1569] {strides = array<i32>} : memref<128x128xf32, #tpu.memory_space<vmem>>, vector<16xf32>,
      %mul3A_1571 = arith.constant 5.000000e-03 : f32
      %mul3A_1572 = vector.broadcast %mul3A_1571 : f32 to vector<16xf32>
      %mul3A_1573 = arith.mulf %get3A_1570, %mul3A_1572 : vector<16xf32>
      %get3A_1574 = arith.index_cast %add3A_1453 : i32 to index
      %get3A_1575 = arith.constant 96 : index
      %get3A_1576 = tpu.vector_load %arg13[%get3A_1574, %get3A_1575] {strides = array<i32>} : memref<128x128xf32, #tpu.memory_space<vmem>>, vector<16xf32>,
      %mul3A_1577 = arith.constant 5.000000e-02 : f32
      %mul3A_1578 = vector.broadcast %mul3A_1577 : f32 to vector<16xf32>
      %mul3A_1579 = arith.mulf %get3A_1576, %mul3A_1578 : vector<16xf32>
      %mul3A_1580 = arith.mulf %mul3A_1573, %mul3A_1579 : vector<16xf32>
      %add3A_1581 = arith.addf %add3A_1563, %mul3A_1580 : vector<16xf32>
      %mul3A_1582 = arith.mulf %mul3A_1573, %mul3A_1573 : vector<16xf32>
      %add3A_1583 = arith.addf %add3A_1565, %mul3A_1582 : vector<16xf32>
      %mul3A_1584 = arith.mulf %mul3A_1579, %mul3A_1579 : vector<16xf32>
      %add3A_1585 = arith.addf %add3A_1567, %mul3A_1584 : vector<16xf32>
      %get3A_1586 = arith.index_cast %add3A_1453 : i32 to index
      %get3A_1587 = arith.constant 112 : index
      %get3A_1588 = tpu.vector_load %arg12[%get3A_1586, %get3A_1587] {strides = array<i32>} : memref<128x128xf32, #tpu.memory_space<vmem>>, vector<16xf32>,
      %mul3A_1589 = arith.constant 5.000000e-03 : f32
      %mul3A_1590 = vector.broadcast %mul3A_1589 : f32 to vector<16xf32>
      %mul3A_1591 = arith.mulf %get3A_1588, %mul3A_1590 : vector<16xf32>
      %get3A_1592 = arith.index_cast %add3A_1453 : i32 to index
      %get3A_1593 = arith.constant 112 : index
      %get3A_1594 = tpu.vector_load %arg13[%get3A_1592, %get3A_1593] {strides = array<i32>} : memref<128x128xf32, #tpu.memory_space<vmem>>, vector<16xf32>,
      %mul3A_1595 = arith.constant 5.000000e-02 : f32
      %mul3A_1596 = vector.broadcast %mul3A_1595 : f32 to vector<16xf32>
      %mul3A_1597 = arith.mulf %get3A_1594, %mul3A_1596 : vector<16xf32>
      %mul3A_1598 = arith.mulf %mul3A_1591, %mul3A_1597 : vector<16xf32>
      %add3A_1599 = arith.addf %add3A_1581, %mul3A_1598 : vector<16xf32>
      %mul3A_1600 = arith.mulf %mul3A_1591, %mul3A_1591 : vector<16xf32>
      %add3A_1601 = arith.addf %add3A_1583, %mul3A_1600 : vector<16xf32>
      %mul3A_1602 = arith.mulf %mul3A_1597, %mul3A_1597 : vector<16xf32>
      %add3A_1603 = arith.addf %add3A_1585, %mul3A_1602 : vector<16xf32>
      %eq3A_1604 = arith.constant 8 : i32
      %eq3A_1605 = vector.broadcast %eq3A_1604 : i32 to vector<16xi32>
      %eq3A_1606 = arith.cmpi eq, %iota3A, %eq3A_1605 : vector<16xi32>
      %reduce_sum3A_1607 = arith.constant true
      %reduce_sum3A_1608 = vector.broadcast %reduce_sum3A_1607 : i1 to vector<16xi1>
      %reduce_sum3A_1609 = tpu.scan <sum>, %add3A_1599 masked %reduce_sum3A_1608 : vector<16xf32>, vector<16xi1> -> vector<16xf32>
      %reduce_sum3A_1610 = vector.extract %reduce_sum3A_1609[15] : f32 from vector<16xf32>
      %broadcast_in_dim3A_1611 = vector.broadcast %reduce_sum3A_1610 : f32 to vector<16xf32>
      %select_n3A_1612 = arith.select %eq3A_1606, %broadcast_in_dim3A_1611, %select_n3A_1437 : vector<16xi1>, vector<16xf32>
      %reduce_sum3A_1613 = arith.constant true
      %reduce_sum3A_1614 = vector.broadcast %reduce_sum3A_1613 : i1 to vector<16xi1>
      %reduce_sum3A_1615 = tpu.scan <sum>, %add3A_1601 masked %reduce_sum3A_1614 : vector<16xf32>, vector<16xi1> -> vector<16xf32>
      %reduce_sum3A_1616 = vector.extract %reduce_sum3A_1615[15] : f32 from vector<16xf32>
      %broadcast_in_dim3A_1617 = vector.broadcast %reduce_sum3A_1616 : f32 to vector<16xf32>
      %select_n3A_1618 = arith.select %eq3A_1606, %broadcast_in_dim3A_1617, %select_n3A_1443 : vector<16xi1>, vector<16xf32>
      %reduce_sum3A_1619 = arith.constant true
      %reduce_sum3A_1620 = vector.broadcast %reduce_sum3A_1619 : i1 to vector<16xi1>
      %reduce_sum3A_1621 = tpu.scan <sum>, %add3A_1603 masked %reduce_sum3A_1620 : vector<16xf32>, vector<16xi1> -> vector<16xf32>
      %reduce_sum3A_1622 = vector.extract %reduce_sum3A_1621[15] : f32 from vector<16xf32>
      %broadcast_in_dim3A_1623 = vector.broadcast %reduce_sum3A_1622 : f32 to vector<16xf32>
      %select_n3A_1624 = arith.select %eq3A_1606, %broadcast_in_dim3A_1623, %select_n3A_1449 : vector<16xi1>, vector<16xf32>
      %mul3A_1625 = arith.constant 16 : i32
      %mul3A_1626 = arith.muli %scan3A_47, %mul3A_1625 : i32
      %add3A_1627 = arith.constant 9 : i32
      %add3A_1628 = arith.addi %mul3A_1626, %add3A_1627 : i32
      %broadcast_in_dim3A_1629 = arith.constant 0.000000e+00 : f32
      %broadcast_in_dim3A_1630 = vector.broadcast %broadcast_in_dim3A_1629 : f32 to vector<16xf32>
      %broadcast_in_dim3A_1631 = arith.constant 0.000000e+00 : f32
      %broadcast_in_dim3A_1632 = vector.broadcast %broadcast_in_dim3A_1631 : f32 to vector<16xf32>
      %broadcast_in_dim3A_1633 = arith.constant 0.000000e+00 : f32
      %broadcast_in_dim3A_1634 = vector.broadcast %broadcast_in_dim3A_1633 : f32 to vector<16xf32>
      %get3A_1635 = arith.index_cast %add3A_1628 : i32 to index
      %get3A_1636 = arith.constant 0 : index
      %get3A_1637 = tpu.vector_load %arg12[%get3A_1635, %get3A_1636] {strides = array<i32>} : memref<128x128xf32, #tpu.memory_space<vmem>>, vector<16xf32>,
      %mul3A_1638 = arith.constant 5.000000e-03 : f32
      %mul3A_1639 = vector.broadcast %mul3A_1638 : f32 to vector<16xf32>
      %mul3A_1640 = arith.mulf %get3A_1637, %mul3A_1639 : vector<16xf32>
      %get3A_1641 = arith.index_cast %add3A_1628 : i32 to index
      %get3A_1642 = arith.constant 0 : index
      %get3A_1643 = tpu.vector_load %arg13[%get3A_1641, %get3A_1642] {strides = array<i32>} : memref<128x128xf32, #tpu.memory_space<vmem>>, vector<16xf32>,
      %mul3A_1644 = arith.constant 5.000000e-02 : f32
      %mul3A_1645 = vector.broadcast %mul3A_1644 : f32 to vector<16xf32>
      %mul3A_1646 = arith.mulf %get3A_1643, %mul3A_1645 : vector<16xf32>
      %mul3A_1647 = arith.mulf %mul3A_1640, %mul3A_1646 : vector<16xf32>
      %add3A_1648 = arith.addf %broadcast_in_dim3A_1630, %mul3A_1647 : vector<16xf32>
      %mul3A_1649 = arith.mulf %mul3A_1640, %mul3A_1640 : vector<16xf32>
      %add3A_1650 = arith.addf %broadcast_in_dim3A_1632, %mul3A_1649 : vector<16xf32>
      %mul3A_1651 = arith.mulf %mul3A_1646, %mul3A_1646 : vector<16xf32>
      %add3A_1652 = arith.addf %broadcast_in_dim3A_1634, %mul3A_1651 : vector<16xf32>
      %get3A_1653 = arith.index_cast %add3A_1628 : i32 to index
      %get3A_1654 = arith.constant 16 : index
      %get3A_1655 = tpu.vector_load %arg12[%get3A_1653, %get3A_1654] {strides = array<i32>} : memref<128x128xf32, #tpu.memory_space<vmem>>, vector<16xf32>,
      %mul3A_1656 = arith.constant 5.000000e-03 : f32
      %mul3A_1657 = vector.broadcast %mul3A_1656 : f32 to vector<16xf32>
      %mul3A_1658 = arith.mulf %get3A_1655, %mul3A_1657 : vector<16xf32>
      %get3A_1659 = arith.index_cast %add3A_1628 : i32 to index
      %get3A_1660 = arith.constant 16 : index
      %get3A_1661 = tpu.vector_load %arg13[%get3A_1659, %get3A_1660] {strides = array<i32>} : memref<128x128xf32, #tpu.memory_space<vmem>>, vector<16xf32>,
      %mul3A_1662 = arith.constant 5.000000e-02 : f32
      %mul3A_1663 = vector.broadcast %mul3A_1662 : f32 to vector<16xf32>
      %mul3A_1664 = arith.mulf %get3A_1661, %mul3A_1663 : vector<16xf32>
      %mul3A_1665 = arith.mulf %mul3A_1658, %mul3A_1664 : vector<16xf32>
      %add3A_1666 = arith.addf %add3A_1648, %mul3A_1665 : vector<16xf32>
      %mul3A_1667 = arith.mulf %mul3A_1658, %mul3A_1658 : vector<16xf32>
      %add3A_1668 = arith.addf %add3A_1650, %mul3A_1667 : vector<16xf32>
      %mul3A_1669 = arith.mulf %mul3A_1664, %mul3A_1664 : vector<16xf32>
      %add3A_1670 = arith.addf %add3A_1652, %mul3A_1669 : vector<16xf32>
      %get3A_1671 = arith.index_cast %add3A_1628 : i32 to index
      %get3A_1672 = arith.constant 32 : index
      %get3A_1673 = tpu.vector_load %arg12[%get3A_1671, %get3A_1672] {strides = array<i32>} : memref<128x128xf32, #tpu.memory_space<vmem>>, vector<16xf32>,
      %mul3A_1674 = arith.constant 5.000000e-03 : f32
      %mul3A_1675 = vector.broadcast %mul3A_1674 : f32 to vector<16xf32>
      %mul3A_1676 = arith.mulf %get3A_1673, %mul3A_1675 : vector<16xf32>
      %get3A_1677 = arith.index_cast %add3A_1628 : i32 to index
      %get3A_1678 = arith.constant 32 : index
      %get3A_1679 = tpu.vector_load %arg13[%get3A_1677, %get3A_1678] {strides = array<i32>} : memref<128x128xf32, #tpu.memory_space<vmem>>, vector<16xf32>,
      %mul3A_1680 = arith.constant 5.000000e-02 : f32
      %mul3A_1681 = vector.broadcast %mul3A_1680 : f32 to vector<16xf32>
      %mul3A_1682 = arith.mulf %get3A_1679, %mul3A_1681 : vector<16xf32>
      %mul3A_1683 = arith.mulf %mul3A_1676, %mul3A_1682 : vector<16xf32>
      %add3A_1684 = arith.addf %add3A_1666, %mul3A_1683 : vector<16xf32>
      %mul3A_1685 = arith.mulf %mul3A_1676, %mul3A_1676 : vector<16xf32>
      %add3A_1686 = arith.addf %add3A_1668, %mul3A_1685 : vector<16xf32>
      %mul3A_1687 = arith.mulf %mul3A_1682, %mul3A_1682 : vector<16xf32>
      %add3A_1688 = arith.addf %add3A_1670, %mul3A_1687 : vector<16xf32>
      %get3A_1689 = arith.index_cast %add3A_1628 : i32 to index
      %get3A_1690 = arith.constant 48 : index
      %get3A_1691 = tpu.vector_load %arg12[%get3A_1689, %get3A_1690] {strides = array<i32>} : memref<128x128xf32, #tpu.memory_space<vmem>>, vector<16xf32>,
      %mul3A_1692 = arith.constant 5.000000e-03 : f32
      %mul3A_1693 = vector.broadcast %mul3A_1692 : f32 to vector<16xf32>
      %mul3A_1694 = arith.mulf %get3A_1691, %mul3A_1693 : vector<16xf32>
      %get3A_1695 = arith.index_cast %add3A_1628 : i32 to index
      %get3A_1696 = arith.constant 48 : index
      %get3A_1697 = tpu.vector_load %arg13[%get3A_1695, %get3A_1696] {strides = array<i32>} : memref<128x128xf32, #tpu.memory_space<vmem>>, vector<16xf32>,
      %mul3A_1698 = arith.constant 5.000000e-02 : f32
      %mul3A_1699 = vector.broadcast %mul3A_1698 : f32 to vector<16xf32>
      %mul3A_1700 = arith.mulf %get3A_1697, %mul3A_1699 : vector<16xf32>
      %mul3A_1701 = arith.mulf %mul3A_1694, %mul3A_1700 : vector<16xf32>
      %add3A_1702 = arith.addf %add3A_1684, %mul3A_1701 : vector<16xf32>
      %mul3A_1703 = arith.mulf %mul3A_1694, %mul3A_1694 : vector<16xf32>
      %add3A_1704 = arith.addf %add3A_1686, %mul3A_1703 : vector<16xf32>
      %mul3A_1705 = arith.mulf %mul3A_1700, %mul3A_1700 : vector<16xf32>
      %add3A_1706 = arith.addf %add3A_1688, %mul3A_1705 : vector<16xf32>
      %get3A_1707 = arith.index_cast %add3A_1628 : i32 to index
      %get3A_1708 = arith.constant 64 : index
      %get3A_1709 = tpu.vector_load %arg12[%get3A_1707, %get3A_1708] {strides = array<i32>} : memref<128x128xf32, #tpu.memory_space<vmem>>, vector<16xf32>,
      %mul3A_1710 = arith.constant 5.000000e-03 : f32
      %mul3A_1711 = vector.broadcast %mul3A_1710 : f32 to vector<16xf32>
      %mul3A_1712 = arith.mulf %get3A_1709, %mul3A_1711 : vector<16xf32>
      %get3A_1713 = arith.index_cast %add3A_1628 : i32 to index
      %get3A_1714 = arith.constant 64 : index
      %get3A_1715 = tpu.vector_load %arg13[%get3A_1713, %get3A_1714] {strides = array<i32>} : memref<128x128xf32, #tpu.memory_space<vmem>>, vector<16xf32>,
      %mul3A_1716 = arith.constant 5.000000e-02 : f32
      %mul3A_1717 = vector.broadcast %mul3A_1716 : f32 to vector<16xf32>
      %mul3A_1718 = arith.mulf %get3A_1715, %mul3A_1717 : vector<16xf32>
      %mul3A_1719 = arith.mulf %mul3A_1712, %mul3A_1718 : vector<16xf32>
      %add3A_1720 = arith.addf %add3A_1702, %mul3A_1719 : vector<16xf32>
      %mul3A_1721 = arith.mulf %mul3A_1712, %mul3A_1712 : vector<16xf32>
      %add3A_1722 = arith.addf %add3A_1704, %mul3A_1721 : vector<16xf32>
      %mul3A_1723 = arith.mulf %mul3A_1718, %mul3A_1718 : vector<16xf32>
      %add3A_1724 = arith.addf %add3A_1706, %mul3A_1723 : vector<16xf32>
      %get3A_1725 = arith.index_cast %add3A_1628 : i32 to index
      %get3A_1726 = arith.constant 80 : index
      %get3A_1727 = tpu.vector_load %arg12[%get3A_1725, %get3A_1726] {strides = array<i32>} : memref<128x128xf32, #tpu.memory_space<vmem>>, vector<16xf32>,
      %mul3A_1728 = arith.constant 5.000000e-03 : f32
      %mul3A_1729 = vector.broadcast %mul3A_1728 : f32 to vector<16xf32>
      %mul3A_1730 = arith.mulf %get3A_1727, %mul3A_1729 : vector<16xf32>
      %get3A_1731 = arith.index_cast %add3A_1628 : i32 to index
      %get3A_1732 = arith.constant 80 : index
      %get3A_1733 = tpu.vector_load %arg13[%get3A_1731, %get3A_1732] {strides = array<i32>} : memref<128x128xf32, #tpu.memory_space<vmem>>, vector<16xf32>,
      %mul3A_1734 = arith.constant 5.000000e-02 : f32
      %mul3A_1735 = vector.broadcast %mul3A_1734 : f32 to vector<16xf32>
      %mul3A_1736 = arith.mulf %get3A_1733, %mul3A_1735 : vector<16xf32>
      %mul3A_1737 = arith.mulf %mul3A_1730, %mul3A_1736 : vector<16xf32>
      %add3A_1738 = arith.addf %add3A_1720, %mul3A_1737 : vector<16xf32>
      %mul3A_1739 = arith.mulf %mul3A_1730, %mul3A_1730 : vector<16xf32>
      %add3A_1740 = arith.addf %add3A_1722, %mul3A_1739 : vector<16xf32>
      %mul3A_1741 = arith.mulf %mul3A_1736, %mul3A_1736 : vector<16xf32>
      %add3A_1742 = arith.addf %add3A_1724, %mul3A_1741 : vector<16xf32>
      %get3A_1743 = arith.index_cast %add3A_1628 : i32 to index
      %get3A_1744 = arith.constant 96 : index
      %get3A_1745 = tpu.vector_load %arg12[%get3A_1743, %get3A_1744] {strides = array<i32>} : memref<128x128xf32, #tpu.memory_space<vmem>>, vector<16xf32>,
      %mul3A_1746 = arith.constant 5.000000e-03 : f32
      %mul3A_1747 = vector.broadcast %mul3A_1746 : f32 to vector<16xf32>
      %mul3A_1748 = arith.mulf %get3A_1745, %mul3A_1747 : vector<16xf32>
      %get3A_1749 = arith.index_cast %add3A_1628 : i32 to index
      %get3A_1750 = arith.constant 96 : index
      %get3A_1751 = tpu.vector_load %arg13[%get3A_1749, %get3A_1750] {strides = array<i32>} : memref<128x128xf32, #tpu.memory_space<vmem>>, vector<16xf32>,
      %mul3A_1752 = arith.constant 5.000000e-02 : f32
      %mul3A_1753 = vector.broadcast %mul3A_1752 : f32 to vector<16xf32>
      %mul3A_1754 = arith.mulf %get3A_1751, %mul3A_1753 : vector<16xf32>
      %mul3A_1755 = arith.mulf %mul3A_1748, %mul3A_1754 : vector<16xf32>
      %add3A_1756 = arith.addf %add3A_1738, %mul3A_1755 : vector<16xf32>
      %mul3A_1757 = arith.mulf %mul3A_1748, %mul3A_1748 : vector<16xf32>
      %add3A_1758 = arith.addf %add3A_1740, %mul3A_1757 : vector<16xf32>
      %mul3A_1759 = arith.mulf %mul3A_1754, %mul3A_1754 : vector<16xf32>
      %add3A_1760 = arith.addf %add3A_1742, %mul3A_1759 : vector<16xf32>
      %get3A_1761 = arith.index_cast %add3A_1628 : i32 to index
      %get3A_1762 = arith.constant 112 : index
      %get3A_1763 = tpu.vector_load %arg12[%get3A_1761, %get3A_1762] {strides = array<i32>} : memref<128x128xf32, #tpu.memory_space<vmem>>, vector<16xf32>,
      %mul3A_1764 = arith.constant 5.000000e-03 : f32
      %mul3A_1765 = vector.broadcast %mul3A_1764 : f32 to vector<16xf32>
      %mul3A_1766 = arith.mulf %get3A_1763, %mul3A_1765 : vector<16xf32>
      %get3A_1767 = arith.index_cast %add3A_1628 : i32 to index
      %get3A_1768 = arith.constant 112 : index
      %get3A_1769 = tpu.vector_load %arg13[%get3A_1767, %get3A_1768] {strides = array<i32>} : memref<128x128xf32, #tpu.memory_space<vmem>>, vector<16xf32>,
      %mul3A_1770 = arith.constant 5.000000e-02 : f32
      %mul3A_1771 = vector.broadcast %mul3A_1770 : f32 to vector<16xf32>
      %mul3A_1772 = arith.mulf %get3A_1769, %mul3A_1771 : vector<16xf32>
      %mul3A_1773 = arith.mulf %mul3A_1766, %mul3A_1772 : vector<16xf32>
      %add3A_1774 = arith.addf %add3A_1756, %mul3A_1773 : vector<16xf32>
      %mul3A_1775 = arith.mulf %mul3A_1766, %mul3A_1766 : vector<16xf32>
      %add3A_1776 = arith.addf %add3A_1758, %mul3A_1775 : vector<16xf32>
      %mul3A_1777 = arith.mulf %mul3A_1772, %mul3A_1772 : vector<16xf32>
      %add3A_1778 = arith.addf %add3A_1760, %mul3A_1777 : vector<16xf32>
      %eq3A_1779 = arith.constant 9 : i32
      %eq3A_1780 = vector.broadcast %eq3A_1779 : i32 to vector<16xi32>
      %eq3A_1781 = arith.cmpi eq, %iota3A, %eq3A_1780 : vector<16xi32>
      %reduce_sum3A_1782 = arith.constant true
      %reduce_sum3A_1783 = vector.broadcast %reduce_sum3A_1782 : i1 to vector<16xi1>
      %reduce_sum3A_1784 = tpu.scan <sum>, %add3A_1774 masked %reduce_sum3A_1783 : vector<16xf32>, vector<16xi1> -> vector<16xf32>
      %reduce_sum3A_1785 = vector.extract %reduce_sum3A_1784[15] : f32 from vector<16xf32>
      %broadcast_in_dim3A_1786 = vector.broadcast %reduce_sum3A_1785 : f32 to vector<16xf32>
      %select_n3A_1787 = arith.select %eq3A_1781, %broadcast_in_dim3A_1786, %select_n3A_1612 : vector<16xi1>, vector<16xf32>
      %reduce_sum3A_1788 = arith.constant true
      %reduce_sum3A_1789 = vector.broadcast %reduce_sum3A_1788 : i1 to vector<16xi1>
      %reduce_sum3A_1790 = tpu.scan <sum>, %add3A_1776 masked %reduce_sum3A_1789 : vector<16xf32>, vector<16xi1> -> vector<16xf32>
      %reduce_sum3A_1791 = vector.extract %reduce_sum3A_1790[15] : f32 from vector<16xf32>
      %broadcast_in_dim3A_1792 = vector.broadcast %reduce_sum3A_1791 : f32 to vector<16xf32>
      %select_n3A_1793 = arith.select %eq3A_1781, %broadcast_in_dim3A_1792, %select_n3A_1618 : vector<16xi1>, vector<16xf32>
      %reduce_sum3A_1794 = arith.constant true
      %reduce_sum3A_1795 = vector.broadcast %reduce_sum3A_1794 : i1 to vector<16xi1>
      %reduce_sum3A_1796 = tpu.scan <sum>, %add3A_1778 masked %reduce_sum3A_1795 : vector<16xf32>, vector<16xi1> -> vector<16xf32>
      %reduce_sum3A_1797 = vector.extract %reduce_sum3A_1796[15] : f32 from vector<16xf32>
      %broadcast_in_dim3A_1798 = vector.broadcast %reduce_sum3A_1797 : f32 to vector<16xf32>
      %select_n3A_1799 = arith.select %eq3A_1781, %broadcast_in_dim3A_1798, %select_n3A_1624 : vector<16xi1>, vector<16xf32>
      %mul3A_1800 = arith.constant 16 : i32
      %mul3A_1801 = arith.muli %scan3A_47, %mul3A_1800 : i32
      %add3A_1802 = arith.constant 10 : i32
      %add3A_1803 = arith.addi %mul3A_1801, %add3A_1802 : i32
      %broadcast_in_dim3A_1804 = arith.constant 0.000000e+00 : f32
      %broadcast_in_dim3A_1805 = vector.broadcast %broadcast_in_dim3A_1804 : f32 to vector<16xf32>
      %broadcast_in_dim3A_1806 = arith.constant 0.000000e+00 : f32
      %broadcast_in_dim3A_1807 = vector.broadcast %broadcast_in_dim3A_1806 : f32 to vector<16xf32>
      %broadcast_in_dim3A_1808 = arith.constant 0.000000e+00 : f32
      %broadcast_in_dim3A_1809 = vector.broadcast %broadcast_in_dim3A_1808 : f32 to vector<16xf32>
      %get3A_1810 = arith.index_cast %add3A_1803 : i32 to index
      %get3A_1811 = arith.constant 0 : index
      %get3A_1812 = tpu.vector_load %arg12[%get3A_1810, %get3A_1811] {strides = array<i32>} : memref<128x128xf32, #tpu.memory_space<vmem>>, vector<16xf32>,
      %mul3A_1813 = arith.constant 5.000000e-03 : f32
      %mul3A_1814 = vector.broadcast %mul3A_1813 : f32 to vector<16xf32>
      %mul3A_1815 = arith.mulf %get3A_1812, %mul3A_1814 : vector<16xf32>
      %get3A_1816 = arith.index_cast %add3A_1803 : i32 to index
      %get3A_1817 = arith.constant 0 : index
      %get3A_1818 = tpu.vector_load %arg13[%get3A_1816, %get3A_1817] {strides = array<i32>} : memref<128x128xf32, #tpu.memory_space<vmem>>, vector<16xf32>,
      %mul3A_1819 = arith.constant 5.000000e-02 : f32
      %mul3A_1820 = vector.broadcast %mul3A_1819 : f32 to vector<16xf32>
      %mul3A_1821 = arith.mulf %get3A_1818, %mul3A_1820 : vector<16xf32>
      %mul3A_1822 = arith.mulf %mul3A_1815, %mul3A_1821 : vector<16xf32>
      %add3A_1823 = arith.addf %broadcast_in_dim3A_1805, %mul3A_1822 : vector<16xf32>
      %mul3A_1824 = arith.mulf %mul3A_1815, %mul3A_1815 : vector<16xf32>
      %add3A_1825 = arith.addf %broadcast_in_dim3A_1807, %mul3A_1824 : vector<16xf32>
      %mul3A_1826 = arith.mulf %mul3A_1821, %mul3A_1821 : vector<16xf32>
      %add3A_1827 = arith.addf %broadcast_in_dim3A_1809, %mul3A_1826 : vector<16xf32>
      %get3A_1828 = arith.index_cast %add3A_1803 : i32 to index
      %get3A_1829 = arith.constant 16 : index
      %get3A_1830 = tpu.vector_load %arg12[%get3A_1828, %get3A_1829] {strides = array<i32>} : memref<128x128xf32, #tpu.memory_space<vmem>>, vector<16xf32>,
      %mul3A_1831 = arith.constant 5.000000e-03 : f32
      %mul3A_1832 = vector.broadcast %mul3A_1831 : f32 to vector<16xf32>
      %mul3A_1833 = arith.mulf %get3A_1830, %mul3A_1832 : vector<16xf32>
      %get3A_1834 = arith.index_cast %add3A_1803 : i32 to index
      %get3A_1835 = arith.constant 16 : index
      %get3A_1836 = tpu.vector_load %arg13[%get3A_1834, %get3A_1835] {strides = array<i32>} : memref<128x128xf32, #tpu.memory_space<vmem>>, vector<16xf32>,
      %mul3A_1837 = arith.constant 5.000000e-02 : f32
      %mul3A_1838 = vector.broadcast %mul3A_1837 : f32 to vector<16xf32>
      %mul3A_1839 = arith.mulf %get3A_1836, %mul3A_1838 : vector<16xf32>
      %mul3A_1840 = arith.mulf %mul3A_1833, %mul3A_1839 : vector<16xf32>
      %add3A_1841 = arith.addf %add3A_1823, %mul3A_1840 : vector<16xf32>
      %mul3A_1842 = arith.mulf %mul3A_1833, %mul3A_1833 : vector<16xf32>
      %add3A_1843 = arith.addf %add3A_1825, %mul3A_1842 : vector<16xf32>
      %mul3A_1844 = arith.mulf %mul3A_1839, %mul3A_1839 : vector<16xf32>
      %add3A_1845 = arith.addf %add3A_1827, %mul3A_1844 : vector<16xf32>
      %get3A_1846 = arith.index_cast %add3A_1803 : i32 to index
      %get3A_1847 = arith.constant 32 : index
      %get3A_1848 = tpu.vector_load %arg12[%get3A_1846, %get3A_1847] {strides = array<i32>} : memref<128x128xf32, #tpu.memory_space<vmem>>, vector<16xf32>,
      %mul3A_1849 = arith.constant 5.000000e-03 : f32
      %mul3A_1850 = vector.broadcast %mul3A_1849 : f32 to vector<16xf32>
      %mul3A_1851 = arith.mulf %get3A_1848, %mul3A_1850 : vector<16xf32>
      %get3A_1852 = arith.index_cast %add3A_1803 : i32 to index
      %get3A_1853 = arith.constant 32 : index
      %get3A_1854 = tpu.vector_load %arg13[%get3A_1852, %get3A_1853] {strides = array<i32>} : memref<128x128xf32, #tpu.memory_space<vmem>>, vector<16xf32>,
      %mul3A_1855 = arith.constant 5.000000e-02 : f32
      %mul3A_1856 = vector.broadcast %mul3A_1855 : f32 to vector<16xf32>
      %mul3A_1857 = arith.mulf %get3A_1854, %mul3A_1856 : vector<16xf32>
      %mul3A_1858 = arith.mulf %mul3A_1851, %mul3A_1857 : vector<16xf32>
      %add3A_1859 = arith.addf %add3A_1841, %mul3A_1858 : vector<16xf32>
      %mul3A_1860 = arith.mulf %mul3A_1851, %mul3A_1851 : vector<16xf32>
      %add3A_1861 = arith.addf %add3A_1843, %mul3A_1860 : vector<16xf32>
      %mul3A_1862 = arith.mulf %mul3A_1857, %mul3A_1857 : vector<16xf32>
      %add3A_1863 = arith.addf %add3A_1845, %mul3A_1862 : vector<16xf32>
      %get3A_1864 = arith.index_cast %add3A_1803 : i32 to index
      %get3A_1865 = arith.constant 48 : index
      %get3A_1866 = tpu.vector_load %arg12[%get3A_1864, %get3A_1865] {strides = array<i32>} : memref<128x128xf32, #tpu.memory_space<vmem>>, vector<16xf32>,
      %mul3A_1867 = arith.constant 5.000000e-03 : f32
      %mul3A_1868 = vector.broadcast %mul3A_1867 : f32 to vector<16xf32>
      %mul3A_1869 = arith.mulf %get3A_1866, %mul3A_1868 : vector<16xf32>
      %get3A_1870 = arith.index_cast %add3A_1803 : i32 to index
      %get3A_1871 = arith.constant 48 : index
      %get3A_1872 = tpu.vector_load %arg13[%get3A_1870, %get3A_1871] {strides = array<i32>} : memref<128x128xf32, #tpu.memory_space<vmem>>, vector<16xf32>,
      %mul3A_1873 = arith.constant 5.000000e-02 : f32
      %mul3A_1874 = vector.broadcast %mul3A_1873 : f32 to vector<16xf32>
      %mul3A_1875 = arith.mulf %get3A_1872, %mul3A_1874 : vector<16xf32>
      %mul3A_1876 = arith.mulf %mul3A_1869, %mul3A_1875 : vector<16xf32>
      %add3A_1877 = arith.addf %add3A_1859, %mul3A_1876 : vector<16xf32>
      %mul3A_1878 = arith.mulf %mul3A_1869, %mul3A_1869 : vector<16xf32>
      %add3A_1879 = arith.addf %add3A_1861, %mul3A_1878 : vector<16xf32>
      %mul3A_1880 = arith.mulf %mul3A_1875, %mul3A_1875 : vector<16xf32>
      %add3A_1881 = arith.addf %add3A_1863, %mul3A_1880 : vector<16xf32>
      %get3A_1882 = arith.index_cast %add3A_1803 : i32 to index
      %get3A_1883 = arith.constant 64 : index
      %get3A_1884 = tpu.vector_load %arg12[%get3A_1882, %get3A_1883] {strides = array<i32>} : memref<128x128xf32, #tpu.memory_space<vmem>>, vector<16xf32>,
      %mul3A_1885 = arith.constant 5.000000e-03 : f32
      %mul3A_1886 = vector.broadcast %mul3A_1885 : f32 to vector<16xf32>
      %mul3A_1887 = arith.mulf %get3A_1884, %mul3A_1886 : vector<16xf32>
      %get3A_1888 = arith.index_cast %add3A_1803 : i32 to index
      %get3A_1889 = arith.constant 64 : index
      %get3A_1890 = tpu.vector_load %arg13[%get3A_1888, %get3A_1889] {strides = array<i32>} : memref<128x128xf32, #tpu.memory_space<vmem>>, vector<16xf32>,
      %mul3A_1891 = arith.constant 5.000000e-02 : f32
      %mul3A_1892 = vector.broadcast %mul3A_1891 : f32 to vector<16xf32>
      %mul3A_1893 = arith.mulf %get3A_1890, %mul3A_1892 : vector<16xf32>
      %mul3A_1894 = arith.mulf %mul3A_1887, %mul3A_1893 : vector<16xf32>
      %add3A_1895 = arith.addf %add3A_1877, %mul3A_1894 : vector<16xf32>
      %mul3A_1896 = arith.mulf %mul3A_1887, %mul3A_1887 : vector<16xf32>
      %add3A_1897 = arith.addf %add3A_1879, %mul3A_1896 : vector<16xf32>
      %mul3A_1898 = arith.mulf %mul3A_1893, %mul3A_1893 : vector<16xf32>
      %add3A_1899 = arith.addf %add3A_1881, %mul3A_1898 : vector<16xf32>
      %get3A_1900 = arith.index_cast %add3A_1803 : i32 to index
      %get3A_1901 = arith.constant 80 : index
      %get3A_1902 = tpu.vector_load %arg12[%get3A_1900, %get3A_1901] {strides = array<i32>} : memref<128x128xf32, #tpu.memory_space<vmem>>, vector<16xf32>,
      %mul3A_1903 = arith.constant 5.000000e-03 : f32
      %mul3A_1904 = vector.broadcast %mul3A_1903 : f32 to vector<16xf32>
      %mul3A_1905 = arith.mulf %get3A_1902, %mul3A_1904 : vector<16xf32>
      %get3A_1906 = arith.index_cast %add3A_1803 : i32 to index
      %get3A_1907 = arith.constant 80 : index
      %get3A_1908 = tpu.vector_load %arg13[%get3A_1906, %get3A_1907] {strides = array<i32>} : memref<128x128xf32, #tpu.memory_space<vmem>>, vector<16xf32>,
      %mul3A_1909 = arith.constant 5.000000e-02 : f32
      %mul3A_1910 = vector.broadcast %mul3A_1909 : f32 to vector<16xf32>
      %mul3A_1911 = arith.mulf %get3A_1908, %mul3A_1910 : vector<16xf32>
      %mul3A_1912 = arith.mulf %mul3A_1905, %mul3A_1911 : vector<16xf32>
      %add3A_1913 = arith.addf %add3A_1895, %mul3A_1912 : vector<16xf32>
      %mul3A_1914 = arith.mulf %mul3A_1905, %mul3A_1905 : vector<16xf32>
      %add3A_1915 = arith.addf %add3A_1897, %mul3A_1914 : vector<16xf32>
      %mul3A_1916 = arith.mulf %mul3A_1911, %mul3A_1911 : vector<16xf32>
      %add3A_1917 = arith.addf %add3A_1899, %mul3A_1916 : vector<16xf32>
      %get3A_1918 = arith.index_cast %add3A_1803 : i32 to index
      %get3A_1919 = arith.constant 96 : index
      %get3A_1920 = tpu.vector_load %arg12[%get3A_1918, %get3A_1919] {strides = array<i32>} : memref<128x128xf32, #tpu.memory_space<vmem>>, vector<16xf32>,
      %mul3A_1921 = arith.constant 5.000000e-03 : f32
      %mul3A_1922 = vector.broadcast %mul3A_1921 : f32 to vector<16xf32>
      %mul3A_1923 = arith.mulf %get3A_1920, %mul3A_1922 : vector<16xf32>
      %get3A_1924 = arith.index_cast %add3A_1803 : i32 to index
      %get3A_1925 = arith.constant 96 : index
      %get3A_1926 = tpu.vector_load %arg13[%get3A_1924, %get3A_1925] {strides = array<i32>} : memref<128x128xf32, #tpu.memory_space<vmem>>, vector<16xf32>,
      %mul3A_1927 = arith.constant 5.000000e-02 : f32
      %mul3A_1928 = vector.broadcast %mul3A_1927 : f32 to vector<16xf32>
      %mul3A_1929 = arith.mulf %get3A_1926, %mul3A_1928 : vector<16xf32>
      %mul3A_1930 = arith.mulf %mul3A_1923, %mul3A_1929 : vector<16xf32>
      %add3A_1931 = arith.addf %add3A_1913, %mul3A_1930 : vector<16xf32>
      %mul3A_1932 = arith.mulf %mul3A_1923, %mul3A_1923 : vector<16xf32>
      %add3A_1933 = arith.addf %add3A_1915, %mul3A_1932 : vector<16xf32>
      %mul3A_1934 = arith.mulf %mul3A_1929, %mul3A_1929 : vector<16xf32>
      %add3A_1935 = arith.addf %add3A_1917, %mul3A_1934 : vector<16xf32>
      %get3A_1936 = arith.index_cast %add3A_1803 : i32 to index
      %get3A_1937 = arith.constant 112 : index
      %get3A_1938 = tpu.vector_load %arg12[%get3A_1936, %get3A_1937] {strides = array<i32>} : memref<128x128xf32, #tpu.memory_space<vmem>>, vector<16xf32>,
      %mul3A_1939 = arith.constant 5.000000e-03 : f32
      %mul3A_1940 = vector.broadcast %mul3A_1939 : f32 to vector<16xf32>
      %mul3A_1941 = arith.mulf %get3A_1938, %mul3A_1940 : vector<16xf32>
      %get3A_1942 = arith.index_cast %add3A_1803 : i32 to index
      %get3A_1943 = arith.constant 112 : index
      %get3A_1944 = tpu.vector_load %arg13[%get3A_1942, %get3A_1943] {strides = array<i32>} : memref<128x128xf32, #tpu.memory_space<vmem>>, vector<16xf32>,
      %mul3A_1945 = arith.constant 5.000000e-02 : f32
      %mul3A_1946 = vector.broadcast %mul3A_1945 : f32 to vector<16xf32>
      %mul3A_1947 = arith.mulf %get3A_1944, %mul3A_1946 : vector<16xf32>
      %mul3A_1948 = arith.mulf %mul3A_1941, %mul3A_1947 : vector<16xf32>
      %add3A_1949 = arith.addf %add3A_1931, %mul3A_1948 : vector<16xf32>
      %mul3A_1950 = arith.mulf %mul3A_1941, %mul3A_1941 : vector<16xf32>
      %add3A_1951 = arith.addf %add3A_1933, %mul3A_1950 : vector<16xf32>
      %mul3A_1952 = arith.mulf %mul3A_1947, %mul3A_1947 : vector<16xf32>
      %add3A_1953 = arith.addf %add3A_1935, %mul3A_1952 : vector<16xf32>
      %eq3A_1954 = arith.constant 10 : i32
      %eq3A_1955 = vector.broadcast %eq3A_1954 : i32 to vector<16xi32>
      %eq3A_1956 = arith.cmpi eq, %iota3A, %eq3A_1955 : vector<16xi32>
      %reduce_sum3A_1957 = arith.constant true
      %reduce_sum3A_1958 = vector.broadcast %reduce_sum3A_1957 : i1 to vector<16xi1>
      %reduce_sum3A_1959 = tpu.scan <sum>, %add3A_1949 masked %reduce_sum3A_1958 : vector<16xf32>, vector<16xi1> -> vector<16xf32>
      %reduce_sum3A_1960 = vector.extract %reduce_sum3A_1959[15] : f32 from vector<16xf32>
      %broadcast_in_dim3A_1961 = vector.broadcast %reduce_sum3A_1960 : f32 to vector<16xf32>
      %select_n3A_1962 = arith.select %eq3A_1956, %broadcast_in_dim3A_1961, %select_n3A_1787 : vector<16xi1>, vector<16xf32>
      %reduce_sum3A_1963 = arith.constant true
      %reduce_sum3A_1964 = vector.broadcast %reduce_sum3A_1963 : i1 to vector<16xi1>
      %reduce_sum3A_1965 = tpu.scan <sum>, %add3A_1951 masked %reduce_sum3A_1964 : vector<16xf32>, vector<16xi1> -> vector<16xf32>
      %reduce_sum3A_1966 = vector.extract %reduce_sum3A_1965[15] : f32 from vector<16xf32>
      %broadcast_in_dim3A_1967 = vector.broadcast %reduce_sum3A_1966 : f32 to vector<16xf32>
      %select_n3A_1968 = arith.select %eq3A_1956, %broadcast_in_dim3A_1967, %select_n3A_1793 : vector<16xi1>, vector<16xf32>
      %reduce_sum3A_1969 = arith.constant true
      %reduce_sum3A_1970 = vector.broadcast %reduce_sum3A_1969 : i1 to vector<16xi1>
      %reduce_sum3A_1971 = tpu.scan <sum>, %add3A_1953 masked %reduce_sum3A_1970 : vector<16xf32>, vector<16xi1> -> vector<16xf32>
      %reduce_sum3A_1972 = vector.extract %reduce_sum3A_1971[15] : f32 from vector<16xf32>
      %broadcast_in_dim3A_1973 = vector.broadcast %reduce_sum3A_1972 : f32 to vector<16xf32>
      %select_n3A_1974 = arith.select %eq3A_1956, %broadcast_in_dim3A_1973, %select_n3A_1799 : vector<16xi1>, vector<16xf32>
      %mul3A_1975 = arith.constant 16 : i32
      %mul3A_1976 = arith.muli %scan3A_47, %mul3A_1975 : i32
      %add3A_1977 = arith.constant 11 : i32
      %add3A_1978 = arith.addi %mul3A_1976, %add3A_1977 : i32
      %broadcast_in_dim3A_1979 = arith.constant 0.000000e+00 : f32
      %broadcast_in_dim3A_1980 = vector.broadcast %broadcast_in_dim3A_1979 : f32 to vector<16xf32>
      %broadcast_in_dim3A_1981 = arith.constant 0.000000e+00 : f32
      %broadcast_in_dim3A_1982 = vector.broadcast %broadcast_in_dim3A_1981 : f32 to vector<16xf32>
      %broadcast_in_dim3A_1983 = arith.constant 0.000000e+00 : f32
      %broadcast_in_dim3A_1984 = vector.broadcast %broadcast_in_dim3A_1983 : f32 to vector<16xf32>
      %get3A_1985 = arith.index_cast %add3A_1978 : i32 to index
      %get3A_1986 = arith.constant 0 : index
      %get3A_1987 = tpu.vector_load %arg12[%get3A_1985, %get3A_1986] {strides = array<i32>} : memref<128x128xf32, #tpu.memory_space<vmem>>, vector<16xf32>,
      %mul3A_1988 = arith.constant 5.000000e-03 : f32
      %mul3A_1989 = vector.broadcast %mul3A_1988 : f32 to vector<16xf32>
      %mul3A_1990 = arith.mulf %get3A_1987, %mul3A_1989 : vector<16xf32>
      %get3A_1991 = arith.index_cast %add3A_1978 : i32 to index
      %get3A_1992 = arith.constant 0 : index
      %get3A_1993 = tpu.vector_load %arg13[%get3A_1991, %get3A_1992] {strides = array<i32>} : memref<128x128xf32, #tpu.memory_space<vmem>>, vector<16xf32>,
      %mul3A_1994 = arith.constant 5.000000e-02 : f32
      %mul3A_1995 = vector.broadcast %mul3A_1994 : f32 to vector<16xf32>
      %mul3A_1996 = arith.mulf %get3A_1993, %mul3A_1995 : vector<16xf32>
      %mul3A_1997 = arith.mulf %mul3A_1990, %mul3A_1996 : vector<16xf32>
      %add3A_1998 = arith.addf %broadcast_in_dim3A_1980, %mul3A_1997 : vector<16xf32>
      %mul3A_1999 = arith.mulf %mul3A_1990, %mul3A_1990 : vector<16xf32>
      %add3A_2000 = arith.addf %broadcast_in_dim3A_1982, %mul3A_1999 : vector<16xf32>
      %mul3A_2001 = arith.mulf %mul3A_1996, %mul3A_1996 : vector<16xf32>
      %add3A_2002 = arith.addf %broadcast_in_dim3A_1984, %mul3A_2001 : vector<16xf32>
      %get3A_2003 = arith.index_cast %add3A_1978 : i32 to index
      %get3A_2004 = arith.constant 16 : index
      %get3A_2005 = tpu.vector_load %arg12[%get3A_2003, %get3A_2004] {strides = array<i32>} : memref<128x128xf32, #tpu.memory_space<vmem>>, vector<16xf32>,
      %mul3A_2006 = arith.constant 5.000000e-03 : f32
      %mul3A_2007 = vector.broadcast %mul3A_2006 : f32 to vector<16xf32>
      %mul3A_2008 = arith.mulf %get3A_2005, %mul3A_2007 : vector<16xf32>
      %get3A_2009 = arith.index_cast %add3A_1978 : i32 to index
      %get3A_2010 = arith.constant 16 : index
      %get3A_2011 = tpu.vector_load %arg13[%get3A_2009, %get3A_2010] {strides = array<i32>} : memref<128x128xf32, #tpu.memory_space<vmem>>, vector<16xf32>,
      %mul3A_2012 = arith.constant 5.000000e-02 : f32
      %mul3A_2013 = vector.broadcast %mul3A_2012 : f32 to vector<16xf32>
      %mul3A_2014 = arith.mulf %get3A_2011, %mul3A_2013 : vector<16xf32>
      %mul3A_2015 = arith.mulf %mul3A_2008, %mul3A_2014 : vector<16xf32>
      %add3A_2016 = arith.addf %add3A_1998, %mul3A_2015 : vector<16xf32>
      %mul3A_2017 = arith.mulf %mul3A_2008, %mul3A_2008 : vector<16xf32>
      %add3A_2018 = arith.addf %add3A_2000, %mul3A_2017 : vector<16xf32>
      %mul3A_2019 = arith.mulf %mul3A_2014, %mul3A_2014 : vector<16xf32>
      %add3A_2020 = arith.addf %add3A_2002, %mul3A_2019 : vector<16xf32>
      %get3A_2021 = arith.index_cast %add3A_1978 : i32 to index
      %get3A_2022 = arith.constant 32 : index
      %get3A_2023 = tpu.vector_load %arg12[%get3A_2021, %get3A_2022] {strides = array<i32>} : memref<128x128xf32, #tpu.memory_space<vmem>>, vector<16xf32>,
      %mul3A_2024 = arith.constant 5.000000e-03 : f32
      %mul3A_2025 = vector.broadcast %mul3A_2024 : f32 to vector<16xf32>
      %mul3A_2026 = arith.mulf %get3A_2023, %mul3A_2025 : vector<16xf32>
      %get3A_2027 = arith.index_cast %add3A_1978 : i32 to index
      %get3A_2028 = arith.constant 32 : index
      %get3A_2029 = tpu.vector_load %arg13[%get3A_2027, %get3A_2028] {strides = array<i32>} : memref<128x128xf32, #tpu.memory_space<vmem>>, vector<16xf32>,
      %mul3A_2030 = arith.constant 5.000000e-02 : f32
      %mul3A_2031 = vector.broadcast %mul3A_2030 : f32 to vector<16xf32>
      %mul3A_2032 = arith.mulf %get3A_2029, %mul3A_2031 : vector<16xf32>
      %mul3A_2033 = arith.mulf %mul3A_2026, %mul3A_2032 : vector<16xf32>
      %add3A_2034 = arith.addf %add3A_2016, %mul3A_2033 : vector<16xf32>
      %mul3A_2035 = arith.mulf %mul3A_2026, %mul3A_2026 : vector<16xf32>
      %add3A_2036 = arith.addf %add3A_2018, %mul3A_2035 : vector<16xf32>
      %mul3A_2037 = arith.mulf %mul3A_2032, %mul3A_2032 : vector<16xf32>
      %add3A_2038 = arith.addf %add3A_2020, %mul3A_2037 : vector<16xf32>
      %get3A_2039 = arith.index_cast %add3A_1978 : i32 to index
      %get3A_2040 = arith.constant 48 : index
      %get3A_2041 = tpu.vector_load %arg12[%get3A_2039, %get3A_2040] {strides = array<i32>} : memref<128x128xf32, #tpu.memory_space<vmem>>, vector<16xf32>,
      %mul3A_2042 = arith.constant 5.000000e-03 : f32
      %mul3A_2043 = vector.broadcast %mul3A_2042 : f32 to vector<16xf32>
      %mul3A_2044 = arith.mulf %get3A_2041, %mul3A_2043 : vector<16xf32>
      %get3A_2045 = arith.index_cast %add3A_1978 : i32 to index
      %get3A_2046 = arith.constant 48 : index
      %get3A_2047 = tpu.vector_load %arg13[%get3A_2045, %get3A_2046] {strides = array<i32>} : memref<128x128xf32, #tpu.memory_space<vmem>>, vector<16xf32>,
      %mul3A_2048 = arith.constant 5.000000e-02 : f32
      %mul3A_2049 = vector.broadcast %mul3A_2048 : f32 to vector<16xf32>
      %mul3A_2050 = arith.mulf %get3A_2047, %mul3A_2049 : vector<16xf32>
      %mul3A_2051 = arith.mulf %mul3A_2044, %mul3A_2050 : vector<16xf32>
      %add3A_2052 = arith.addf %add3A_2034, %mul3A_2051 : vector<16xf32>
      %mul3A_2053 = arith.mulf %mul3A_2044, %mul3A_2044 : vector<16xf32>
      %add3A_2054 = arith.addf %add3A_2036, %mul3A_2053 : vector<16xf32>
      %mul3A_2055 = arith.mulf %mul3A_2050, %mul3A_2050 : vector<16xf32>
      %add3A_2056 = arith.addf %add3A_2038, %mul3A_2055 : vector<16xf32>
      %get3A_2057 = arith.index_cast %add3A_1978 : i32 to index
      %get3A_2058 = arith.constant 64 : index
      %get3A_2059 = tpu.vector_load %arg12[%get3A_2057, %get3A_2058] {strides = array<i32>} : memref<128x128xf32, #tpu.memory_space<vmem>>, vector<16xf32>,
      %mul3A_2060 = arith.constant 5.000000e-03 : f32
      %mul3A_2061 = vector.broadcast %mul3A_2060 : f32 to vector<16xf32>
      %mul3A_2062 = arith.mulf %get3A_2059, %mul3A_2061 : vector<16xf32>
      %get3A_2063 = arith.index_cast %add3A_1978 : i32 to index
      %get3A_2064 = arith.constant 64 : index
      %get3A_2065 = tpu.vector_load %arg13[%get3A_2063, %get3A_2064] {strides = array<i32>} : memref<128x128xf32, #tpu.memory_space<vmem>>, vector<16xf32>,
      %mul3A_2066 = arith.constant 5.000000e-02 : f32
      %mul3A_2067 = vector.broadcast %mul3A_2066 : f32 to vector<16xf32>
      %mul3A_2068 = arith.mulf %get3A_2065, %mul3A_2067 : vector<16xf32>
      %mul3A_2069 = arith.mulf %mul3A_2062, %mul3A_2068 : vector<16xf32>
      %add3A_2070 = arith.addf %add3A_2052, %mul3A_2069 : vector<16xf32>
      %mul3A_2071 = arith.mulf %mul3A_2062, %mul3A_2062 : vector<16xf32>
      %add3A_2072 = arith.addf %add3A_2054, %mul3A_2071 : vector<16xf32>
      %mul3A_2073 = arith.mulf %mul3A_2068, %mul3A_2068 : vector<16xf32>
      %add3A_2074 = arith.addf %add3A_2056, %mul3A_2073 : vector<16xf32>
      %get3A_2075 = arith.index_cast %add3A_1978 : i32 to index
      %get3A_2076 = arith.constant 80 : index
      %get3A_2077 = tpu.vector_load %arg12[%get3A_2075, %get3A_2076] {strides = array<i32>} : memref<128x128xf32, #tpu.memory_space<vmem>>, vector<16xf32>,
      %mul3A_2078 = arith.constant 5.000000e-03 : f32
      %mul3A_2079 = vector.broadcast %mul3A_2078 : f32 to vector<16xf32>
      %mul3A_2080 = arith.mulf %get3A_2077, %mul3A_2079 : vector<16xf32>
      %get3A_2081 = arith.index_cast %add3A_1978 : i32 to index
      %get3A_2082 = arith.constant 80 : index
      %get3A_2083 = tpu.vector_load %arg13[%get3A_2081, %get3A_2082] {strides = array<i32>} : memref<128x128xf32, #tpu.memory_space<vmem>>, vector<16xf32>,
      %mul3A_2084 = arith.constant 5.000000e-02 : f32
      %mul3A_2085 = vector.broadcast %mul3A_2084 : f32 to vector<16xf32>
      %mul3A_2086 = arith.mulf %get3A_2083, %mul3A_2085 : vector<16xf32>
      %mul3A_2087 = arith.mulf %mul3A_2080, %mul3A_2086 : vector<16xf32>
      %add3A_2088 = arith.addf %add3A_2070, %mul3A_2087 : vector<16xf32>
      %mul3A_2089 = arith.mulf %mul3A_2080, %mul3A_2080 : vector<16xf32>
      %add3A_2090 = arith.addf %add3A_2072, %mul3A_2089 : vector<16xf32>
      %mul3A_2091 = arith.mulf %mul3A_2086, %mul3A_2086 : vector<16xf32>
      %add3A_2092 = arith.addf %add3A_2074, %mul3A_2091 : vector<16xf32>
      %get3A_2093 = arith.index_cast %add3A_1978 : i32 to index
      %get3A_2094 = arith.constant 96 : index
      %get3A_2095 = tpu.vector_load %arg12[%get3A_2093, %get3A_2094] {strides = array<i32>} : memref<128x128xf32, #tpu.memory_space<vmem>>, vector<16xf32>,
      %mul3A_2096 = arith.constant 5.000000e-03 : f32
      %mul3A_2097 = vector.broadcast %mul3A_2096 : f32 to vector<16xf32>
      %mul3A_2098 = arith.mulf %get3A_2095, %mul3A_2097 : vector<16xf32>
      %get3A_2099 = arith.index_cast %add3A_1978 : i32 to index
      %get3A_2100 = arith.constant 96 : index
      %get3A_2101 = tpu.vector_load %arg13[%get3A_2099, %get3A_2100] {strides = array<i32>} : memref<128x128xf32, #tpu.memory_space<vmem>>, vector<16xf32>,
      %mul3A_2102 = arith.constant 5.000000e-02 : f32
      %mul3A_2103 = vector.broadcast %mul3A_2102 : f32 to vector<16xf32>
      %mul3A_2104 = arith.mulf %get3A_2101, %mul3A_2103 : vector<16xf32>
      %mul3A_2105 = arith.mulf %mul3A_2098, %mul3A_2104 : vector<16xf32>
      %add3A_2106 = arith.addf %add3A_2088, %mul3A_2105 : vector<16xf32>
      %mul3A_2107 = arith.mulf %mul3A_2098, %mul3A_2098 : vector<16xf32>
      %add3A_2108 = arith.addf %add3A_2090, %mul3A_2107 : vector<16xf32>
      %mul3A_2109 = arith.mulf %mul3A_2104, %mul3A_2104 : vector<16xf32>
      %add3A_2110 = arith.addf %add3A_2092, %mul3A_2109 : vector<16xf32>
      %get3A_2111 = arith.index_cast %add3A_1978 : i32 to index
      %get3A_2112 = arith.constant 112 : index
      %get3A_2113 = tpu.vector_load %arg12[%get3A_2111, %get3A_2112] {strides = array<i32>} : memref<128x128xf32, #tpu.memory_space<vmem>>, vector<16xf32>,
      %mul3A_2114 = arith.constant 5.000000e-03 : f32
      %mul3A_2115 = vector.broadcast %mul3A_2114 : f32 to vector<16xf32>
      %mul3A_2116 = arith.mulf %get3A_2113, %mul3A_2115 : vector<16xf32>
      %get3A_2117 = arith.index_cast %add3A_1978 : i32 to index
      %get3A_2118 = arith.constant 112 : index
      %get3A_2119 = tpu.vector_load %arg13[%get3A_2117, %get3A_2118] {strides = array<i32>} : memref<128x128xf32, #tpu.memory_space<vmem>>, vector<16xf32>,
      %mul3A_2120 = arith.constant 5.000000e-02 : f32
      %mul3A_2121 = vector.broadcast %mul3A_2120 : f32 to vector<16xf32>
      %mul3A_2122 = arith.mulf %get3A_2119, %mul3A_2121 : vector<16xf32>
      %mul3A_2123 = arith.mulf %mul3A_2116, %mul3A_2122 : vector<16xf32>
      %add3A_2124 = arith.addf %add3A_2106, %mul3A_2123 : vector<16xf32>
      %mul3A_2125 = arith.mulf %mul3A_2116, %mul3A_2116 : vector<16xf32>
      %add3A_2126 = arith.addf %add3A_2108, %mul3A_2125 : vector<16xf32>
      %mul3A_2127 = arith.mulf %mul3A_2122, %mul3A_2122 : vector<16xf32>
      %add3A_2128 = arith.addf %add3A_2110, %mul3A_2127 : vector<16xf32>
      %eq3A_2129 = arith.constant 11 : i32
      %eq3A_2130 = vector.broadcast %eq3A_2129 : i32 to vector<16xi32>
      %eq3A_2131 = arith.cmpi eq, %iota3A, %eq3A_2130 : vector<16xi32>
      %reduce_sum3A_2132 = arith.constant true
      %reduce_sum3A_2133 = vector.broadcast %reduce_sum3A_2132 : i1 to vector<16xi1>
      %reduce_sum3A_2134 = tpu.scan <sum>, %add3A_2124 masked %reduce_sum3A_2133 : vector<16xf32>, vector<16xi1> -> vector<16xf32>
      %reduce_sum3A_2135 = vector.extract %reduce_sum3A_2134[15] : f32 from vector<16xf32>
      %broadcast_in_dim3A_2136 = vector.broadcast %reduce_sum3A_2135 : f32 to vector<16xf32>
      %select_n3A_2137 = arith.select %eq3A_2131, %broadcast_in_dim3A_2136, %select_n3A_1962 : vector<16xi1>, vector<16xf32>
      %reduce_sum3A_2138 = arith.constant true
      %reduce_sum3A_2139 = vector.broadcast %reduce_sum3A_2138 : i1 to vector<16xi1>
      %reduce_sum3A_2140 = tpu.scan <sum>, %add3A_2126 masked %reduce_sum3A_2139 : vector<16xf32>, vector<16xi1> -> vector<16xf32>
      %reduce_sum3A_2141 = vector.extract %reduce_sum3A_2140[15] : f32 from vector<16xf32>
      %broadcast_in_dim3A_2142 = vector.broadcast %reduce_sum3A_2141 : f32 to vector<16xf32>
      %select_n3A_2143 = arith.select %eq3A_2131, %broadcast_in_dim3A_2142, %select_n3A_1968 : vector<16xi1>, vector<16xf32>
      %reduce_sum3A_2144 = arith.constant true
      %reduce_sum3A_2145 = vector.broadcast %reduce_sum3A_2144 : i1 to vector<16xi1>
      %reduce_sum3A_2146 = tpu.scan <sum>, %add3A_2128 masked %reduce_sum3A_2145 : vector<16xf32>, vector<16xi1> -> vector<16xf32>
      %reduce_sum3A_2147 = vector.extract %reduce_sum3A_2146[15] : f32 from vector<16xf32>
      %broadcast_in_dim3A_2148 = vector.broadcast %reduce_sum3A_2147 : f32 to vector<16xf32>
      %select_n3A_2149 = arith.select %eq3A_2131, %broadcast_in_dim3A_2148, %select_n3A_1974 : vector<16xi1>, vector<16xf32>
      %mul3A_2150 = arith.constant 16 : i32
      %mul3A_2151 = arith.muli %scan3A_47, %mul3A_2150 : i32
      %add3A_2152 = arith.constant 12 : i32
      %add3A_2153 = arith.addi %mul3A_2151, %add3A_2152 : i32
      %broadcast_in_dim3A_2154 = arith.constant 0.000000e+00 : f32
      %broadcast_in_dim3A_2155 = vector.broadcast %broadcast_in_dim3A_2154 : f32 to vector<16xf32>
      %broadcast_in_dim3A_2156 = arith.constant 0.000000e+00 : f32
      %broadcast_in_dim3A_2157 = vector.broadcast %broadcast_in_dim3A_2156 : f32 to vector<16xf32>
      %broadcast_in_dim3A_2158 = arith.constant 0.000000e+00 : f32
      %broadcast_in_dim3A_2159 = vector.broadcast %broadcast_in_dim3A_2158 : f32 to vector<16xf32>
      %get3A_2160 = arith.index_cast %add3A_2153 : i32 to index
      %get3A_2161 = arith.constant 0 : index
      %get3A_2162 = tpu.vector_load %arg12[%get3A_2160, %get3A_2161] {strides = array<i32>} : memref<128x128xf32, #tpu.memory_space<vmem>>, vector<16xf32>,
      %mul3A_2163 = arith.constant 5.000000e-03 : f32
      %mul3A_2164 = vector.broadcast %mul3A_2163 : f32 to vector<16xf32>
      %mul3A_2165 = arith.mulf %get3A_2162, %mul3A_2164 : vector<16xf32>
      %get3A_2166 = arith.index_cast %add3A_2153 : i32 to index
      %get3A_2167 = arith.constant 0 : index
      %get3A_2168 = tpu.vector_load %arg13[%get3A_2166, %get3A_2167] {strides = array<i32>} : memref<128x128xf32, #tpu.memory_space<vmem>>, vector<16xf32>,
      %mul3A_2169 = arith.constant 5.000000e-02 : f32
      %mul3A_2170 = vector.broadcast %mul3A_2169 : f32 to vector<16xf32>
      %mul3A_2171 = arith.mulf %get3A_2168, %mul3A_2170 : vector<16xf32>
      %mul3A_2172 = arith.mulf %mul3A_2165, %mul3A_2171 : vector<16xf32>
      %add3A_2173 = arith.addf %broadcast_in_dim3A_2155, %mul3A_2172 : vector<16xf32>
      %mul3A_2174 = arith.mulf %mul3A_2165, %mul3A_2165 : vector<16xf32>
      %add3A_2175 = arith.addf %broadcast_in_dim3A_2157, %mul3A_2174 : vector<16xf32>
      %mul3A_2176 = arith.mulf %mul3A_2171, %mul3A_2171 : vector<16xf32>
      %add3A_2177 = arith.addf %broadcast_in_dim3A_2159, %mul3A_2176 : vector<16xf32>
      %get3A_2178 = arith.index_cast %add3A_2153 : i32 to index
      %get3A_2179 = arith.constant 16 : index
      %get3A_2180 = tpu.vector_load %arg12[%get3A_2178, %get3A_2179] {strides = array<i32>} : memref<128x128xf32, #tpu.memory_space<vmem>>, vector<16xf32>,
      %mul3A_2181 = arith.constant 5.000000e-03 : f32
      %mul3A_2182 = vector.broadcast %mul3A_2181 : f32 to vector<16xf32>
      %mul3A_2183 = arith.mulf %get3A_2180, %mul3A_2182 : vector<16xf32>
      %get3A_2184 = arith.index_cast %add3A_2153 : i32 to index
      %get3A_2185 = arith.constant 16 : index
      %get3A_2186 = tpu.vector_load %arg13[%get3A_2184, %get3A_2185] {strides = array<i32>} : memref<128x128xf32, #tpu.memory_space<vmem>>, vector<16xf32>,
      %mul3A_2187 = arith.constant 5.000000e-02 : f32
      %mul3A_2188 = vector.broadcast %mul3A_2187 : f32 to vector<16xf32>
      %mul3A_2189 = arith.mulf %get3A_2186, %mul3A_2188 : vector<16xf32>
      %mul3A_2190 = arith.mulf %mul3A_2183, %mul3A_2189 : vector<16xf32>
      %add3A_2191 = arith.addf %add3A_2173, %mul3A_2190 : vector<16xf32>
      %mul3A_2192 = arith.mulf %mul3A_2183, %mul3A_2183 : vector<16xf32>
      %add3A_2193 = arith.addf %add3A_2175, %mul3A_2192 : vector<16xf32>
      %mul3A_2194 = arith.mulf %mul3A_2189, %mul3A_2189 : vector<16xf32>
      %add3A_2195 = arith.addf %add3A_2177, %mul3A_2194 : vector<16xf32>
      %get3A_2196 = arith.index_cast %add3A_2153 : i32 to index
      %get3A_2197 = arith.constant 32 : index
      %get3A_2198 = tpu.vector_load %arg12[%get3A_2196, %get3A_2197] {strides = array<i32>} : memref<128x128xf32, #tpu.memory_space<vmem>>, vector<16xf32>,
      %mul3A_2199 = arith.constant 5.000000e-03 : f32
      %mul3A_2200 = vector.broadcast %mul3A_2199 : f32 to vector<16xf32>
      %mul3A_2201 = arith.mulf %get3A_2198, %mul3A_2200 : vector<16xf32>
      %get3A_2202 = arith.index_cast %add3A_2153 : i32 to index
      %get3A_2203 = arith.constant 32 : index
      %get3A_2204 = tpu.vector_load %arg13[%get3A_2202, %get3A_2203] {strides = array<i32>} : memref<128x128xf32, #tpu.memory_space<vmem>>, vector<16xf32>,
      %mul3A_2205 = arith.constant 5.000000e-02 : f32
      %mul3A_2206 = vector.broadcast %mul3A_2205 : f32 to vector<16xf32>
      %mul3A_2207 = arith.mulf %get3A_2204, %mul3A_2206 : vector<16xf32>
      %mul3A_2208 = arith.mulf %mul3A_2201, %mul3A_2207 : vector<16xf32>
      %add3A_2209 = arith.addf %add3A_2191, %mul3A_2208 : vector<16xf32>
      %mul3A_2210 = arith.mulf %mul3A_2201, %mul3A_2201 : vector<16xf32>
      %add3A_2211 = arith.addf %add3A_2193, %mul3A_2210 : vector<16xf32>
      %mul3A_2212 = arith.mulf %mul3A_2207, %mul3A_2207 : vector<16xf32>
      %add3A_2213 = arith.addf %add3A_2195, %mul3A_2212 : vector<16xf32>
      %get3A_2214 = arith.index_cast %add3A_2153 : i32 to index
      %get3A_2215 = arith.constant 48 : index
      %get3A_2216 = tpu.vector_load %arg12[%get3A_2214, %get3A_2215] {strides = array<i32>} : memref<128x128xf32, #tpu.memory_space<vmem>>, vector<16xf32>,
      %mul3A_2217 = arith.constant 5.000000e-03 : f32
      %mul3A_2218 = vector.broadcast %mul3A_2217 : f32 to vector<16xf32>
      %mul3A_2219 = arith.mulf %get3A_2216, %mul3A_2218 : vector<16xf32>
      %get3A_2220 = arith.index_cast %add3A_2153 : i32 to index
      %get3A_2221 = arith.constant 48 : index
      %get3A_2222 = tpu.vector_load %arg13[%get3A_2220, %get3A_2221] {strides = array<i32>} : memref<128x128xf32, #tpu.memory_space<vmem>>, vector<16xf32>,
      %mul3A_2223 = arith.constant 5.000000e-02 : f32
      %mul3A_2224 = vector.broadcast %mul3A_2223 : f32 to vector<16xf32>
      %mul3A_2225 = arith.mulf %get3A_2222, %mul3A_2224 : vector<16xf32>
      %mul3A_2226 = arith.mulf %mul3A_2219, %mul3A_2225 : vector<16xf32>
      %add3A_2227 = arith.addf %add3A_2209, %mul3A_2226 : vector<16xf32>
      %mul3A_2228 = arith.mulf %mul3A_2219, %mul3A_2219 : vector<16xf32>
      %add3A_2229 = arith.addf %add3A_2211, %mul3A_2228 : vector<16xf32>
      %mul3A_2230 = arith.mulf %mul3A_2225, %mul3A_2225 : vector<16xf32>
      %add3A_2231 = arith.addf %add3A_2213, %mul3A_2230 : vector<16xf32>
      %get3A_2232 = arith.index_cast %add3A_2153 : i32 to index
      %get3A_2233 = arith.constant 64 : index
      %get3A_2234 = tpu.vector_load %arg12[%get3A_2232, %get3A_2233] {strides = array<i32>} : memref<128x128xf32, #tpu.memory_space<vmem>>, vector<16xf32>,
      %mul3A_2235 = arith.constant 5.000000e-03 : f32
      %mul3A_2236 = vector.broadcast %mul3A_2235 : f32 to vector<16xf32>
      %mul3A_2237 = arith.mulf %get3A_2234, %mul3A_2236 : vector<16xf32>
      %get3A_2238 = arith.index_cast %add3A_2153 : i32 to index
      %get3A_2239 = arith.constant 64 : index
      %get3A_2240 = tpu.vector_load %arg13[%get3A_2238, %get3A_2239] {strides = array<i32>} : memref<128x128xf32, #tpu.memory_space<vmem>>, vector<16xf32>,
      %mul3A_2241 = arith.constant 5.000000e-02 : f32
      %mul3A_2242 = vector.broadcast %mul3A_2241 : f32 to vector<16xf32>
      %mul3A_2243 = arith.mulf %get3A_2240, %mul3A_2242 : vector<16xf32>
      %mul3A_2244 = arith.mulf %mul3A_2237, %mul3A_2243 : vector<16xf32>
      %add3A_2245 = arith.addf %add3A_2227, %mul3A_2244 : vector<16xf32>
      %mul3A_2246 = arith.mulf %mul3A_2237, %mul3A_2237 : vector<16xf32>
      %add3A_2247 = arith.addf %add3A_2229, %mul3A_2246 : vector<16xf32>
      %mul3A_2248 = arith.mulf %mul3A_2243, %mul3A_2243 : vector<16xf32>
      %add3A_2249 = arith.addf %add3A_2231, %mul3A_2248 : vector<16xf32>
      %get3A_2250 = arith.index_cast %add3A_2153 : i32 to index
      %get3A_2251 = arith.constant 80 : index
      %get3A_2252 = tpu.vector_load %arg12[%get3A_2250, %get3A_2251] {strides = array<i32>} : memref<128x128xf32, #tpu.memory_space<vmem>>, vector<16xf32>,
      %mul3A_2253 = arith.constant 5.000000e-03 : f32
      %mul3A_2254 = vector.broadcast %mul3A_2253 : f32 to vector<16xf32>
      %mul3A_2255 = arith.mulf %get3A_2252, %mul3A_2254 : vector<16xf32>
      %get3A_2256 = arith.index_cast %add3A_2153 : i32 to index
      %get3A_2257 = arith.constant 80 : index
      %get3A_2258 = tpu.vector_load %arg13[%get3A_2256, %get3A_2257] {strides = array<i32>} : memref<128x128xf32, #tpu.memory_space<vmem>>, vector<16xf32>,
      %mul3A_2259 = arith.constant 5.000000e-02 : f32
      %mul3A_2260 = vector.broadcast %mul3A_2259 : f32 to vector<16xf32>
      %mul3A_2261 = arith.mulf %get3A_2258, %mul3A_2260 : vector<16xf32>
      %mul3A_2262 = arith.mulf %mul3A_2255, %mul3A_2261 : vector<16xf32>
      %add3A_2263 = arith.addf %add3A_2245, %mul3A_2262 : vector<16xf32>
      %mul3A_2264 = arith.mulf %mul3A_2255, %mul3A_2255 : vector<16xf32>
      %add3A_2265 = arith.addf %add3A_2247, %mul3A_2264 : vector<16xf32>
      %mul3A_2266 = arith.mulf %mul3A_2261, %mul3A_2261 : vector<16xf32>
      %add3A_2267 = arith.addf %add3A_2249, %mul3A_2266 : vector<16xf32>
      %get3A_2268 = arith.index_cast %add3A_2153 : i32 to index
      %get3A_2269 = arith.constant 96 : index
      %get3A_2270 = tpu.vector_load %arg12[%get3A_2268, %get3A_2269] {strides = array<i32>} : memref<128x128xf32, #tpu.memory_space<vmem>>, vector<16xf32>,
      %mul3A_2271 = arith.constant 5.000000e-03 : f32
      %mul3A_2272 = vector.broadcast %mul3A_2271 : f32 to vector<16xf32>
      %mul3A_2273 = arith.mulf %get3A_2270, %mul3A_2272 : vector<16xf32>
      %get3A_2274 = arith.index_cast %add3A_2153 : i32 to index
      %get3A_2275 = arith.constant 96 : index
      %get3A_2276 = tpu.vector_load %arg13[%get3A_2274, %get3A_2275] {strides = array<i32>} : memref<128x128xf32, #tpu.memory_space<vmem>>, vector<16xf32>,
      %mul3A_2277 = arith.constant 5.000000e-02 : f32
      %mul3A_2278 = vector.broadcast %mul3A_2277 : f32 to vector<16xf32>
      %mul3A_2279 = arith.mulf %get3A_2276, %mul3A_2278 : vector<16xf32>
      %mul3A_2280 = arith.mulf %mul3A_2273, %mul3A_2279 : vector<16xf32>
      %add3A_2281 = arith.addf %add3A_2263, %mul3A_2280 : vector<16xf32>
      %mul3A_2282 = arith.mulf %mul3A_2273, %mul3A_2273 : vector<16xf32>
      %add3A_2283 = arith.addf %add3A_2265, %mul3A_2282 : vector<16xf32>
      %mul3A_2284 = arith.mulf %mul3A_2279, %mul3A_2279 : vector<16xf32>
      %add3A_2285 = arith.addf %add3A_2267, %mul3A_2284 : vector<16xf32>
      %get3A_2286 = arith.index_cast %add3A_2153 : i32 to index
      %get3A_2287 = arith.constant 112 : index
      %get3A_2288 = tpu.vector_load %arg12[%get3A_2286, %get3A_2287] {strides = array<i32>} : memref<128x128xf32, #tpu.memory_space<vmem>>, vector<16xf32>,
      %mul3A_2289 = arith.constant 5.000000e-03 : f32
      %mul3A_2290 = vector.broadcast %mul3A_2289 : f32 to vector<16xf32>
      %mul3A_2291 = arith.mulf %get3A_2288, %mul3A_2290 : vector<16xf32>
      %get3A_2292 = arith.index_cast %add3A_2153 : i32 to index
      %get3A_2293 = arith.constant 112 : index
      %get3A_2294 = tpu.vector_load %arg13[%get3A_2292, %get3A_2293] {strides = array<i32>} : memref<128x128xf32, #tpu.memory_space<vmem>>, vector<16xf32>,
      %mul3A_2295 = arith.constant 5.000000e-02 : f32
      %mul3A_2296 = vector.broadcast %mul3A_2295 : f32 to vector<16xf32>
      %mul3A_2297 = arith.mulf %get3A_2294, %mul3A_2296 : vector<16xf32>
      %mul3A_2298 = arith.mulf %mul3A_2291, %mul3A_2297 : vector<16xf32>
      %add3A_2299 = arith.addf %add3A_2281, %mul3A_2298 : vector<16xf32>
      %mul3A_2300 = arith.mulf %mul3A_2291, %mul3A_2291 : vector<16xf32>
      %add3A_2301 = arith.addf %add3A_2283, %mul3A_2300 : vector<16xf32>
      %mul3A_2302 = arith.mulf %mul3A_2297, %mul3A_2297 : vector<16xf32>
      %add3A_2303 = arith.addf %add3A_2285, %mul3A_2302 : vector<16xf32>
      %eq3A_2304 = arith.constant 12 : i32
      %eq3A_2305 = vector.broadcast %eq3A_2304 : i32 to vector<16xi32>
      %eq3A_2306 = arith.cmpi eq, %iota3A, %eq3A_2305 : vector<16xi32>
      %reduce_sum3A_2307 = arith.constant true
      %reduce_sum3A_2308 = vector.broadcast %reduce_sum3A_2307 : i1 to vector<16xi1>
      %reduce_sum3A_2309 = tpu.scan <sum>, %add3A_2299 masked %reduce_sum3A_2308 : vector<16xf32>, vector<16xi1> -> vector<16xf32>
      %reduce_sum3A_2310 = vector.extract %reduce_sum3A_2309[15] : f32 from vector<16xf32>
      %broadcast_in_dim3A_2311 = vector.broadcast %reduce_sum3A_2310 : f32 to vector<16xf32>
      %select_n3A_2312 = arith.select %eq3A_2306, %broadcast_in_dim3A_2311, %select_n3A_2137 : vector<16xi1>, vector<16xf32>
      %reduce_sum3A_2313 = arith.constant true
      %reduce_sum3A_2314 = vector.broadcast %reduce_sum3A_2313 : i1 to vector<16xi1>
      %reduce_sum3A_2315 = tpu.scan <sum>, %add3A_2301 masked %reduce_sum3A_2314 : vector<16xf32>, vector<16xi1> -> vector<16xf32>
      %reduce_sum3A_2316 = vector.extract %reduce_sum3A_2315[15] : f32 from vector<16xf32>
      %broadcast_in_dim3A_2317 = vector.broadcast %reduce_sum3A_2316 : f32 to vector<16xf32>
      %select_n3A_2318 = arith.select %eq3A_2306, %broadcast_in_dim3A_2317, %select_n3A_2143 : vector<16xi1>, vector<16xf32>
      %reduce_sum3A_2319 = arith.constant true
      %reduce_sum3A_2320 = vector.broadcast %reduce_sum3A_2319 : i1 to vector<16xi1>
      %reduce_sum3A_2321 = tpu.scan <sum>, %add3A_2303 masked %reduce_sum3A_2320 : vector<16xf32>, vector<16xi1> -> vector<16xf32>
      %reduce_sum3A_2322 = vector.extract %reduce_sum3A_2321[15] : f32 from vector<16xf32>
      %broadcast_in_dim3A_2323 = vector.broadcast %reduce_sum3A_2322 : f32 to vector<16xf32>
      %select_n3A_2324 = arith.select %eq3A_2306, %broadcast_in_dim3A_2323, %select_n3A_2149 : vector<16xi1>, vector<16xf32>
      %mul3A_2325 = arith.constant 16 : i32
      %mul3A_2326 = arith.muli %scan3A_47, %mul3A_2325 : i32
      %add3A_2327 = arith.constant 13 : i32
      %add3A_2328 = arith.addi %mul3A_2326, %add3A_2327 : i32
      %broadcast_in_dim3A_2329 = arith.constant 0.000000e+00 : f32
      %broadcast_in_dim3A_2330 = vector.broadcast %broadcast_in_dim3A_2329 : f32 to vector<16xf32>
      %broadcast_in_dim3A_2331 = arith.constant 0.000000e+00 : f32
      %broadcast_in_dim3A_2332 = vector.broadcast %broadcast_in_dim3A_2331 : f32 to vector<16xf32>
      %broadcast_in_dim3A_2333 = arith.constant 0.000000e+00 : f32
      %broadcast_in_dim3A_2334 = vector.broadcast %broadcast_in_dim3A_2333 : f32 to vector<16xf32>
      %get3A_2335 = arith.index_cast %add3A_2328 : i32 to index
      %get3A_2336 = arith.constant 0 : index
      %get3A_2337 = tpu.vector_load %arg12[%get3A_2335, %get3A_2336] {strides = array<i32>} : memref<128x128xf32, #tpu.memory_space<vmem>>, vector<16xf32>,
      %mul3A_2338 = arith.constant 5.000000e-03 : f32
      %mul3A_2339 = vector.broadcast %mul3A_2338 : f32 to vector<16xf32>
      %mul3A_2340 = arith.mulf %get3A_2337, %mul3A_2339 : vector<16xf32>
      %get3A_2341 = arith.index_cast %add3A_2328 : i32 to index
      %get3A_2342 = arith.constant 0 : index
      %get3A_2343 = tpu.vector_load %arg13[%get3A_2341, %get3A_2342] {strides = array<i32>} : memref<128x128xf32, #tpu.memory_space<vmem>>, vector<16xf32>,
      %mul3A_2344 = arith.constant 5.000000e-02 : f32
      %mul3A_2345 = vector.broadcast %mul3A_2344 : f32 to vector<16xf32>
      %mul3A_2346 = arith.mulf %get3A_2343, %mul3A_2345 : vector<16xf32>
      %mul3A_2347 = arith.mulf %mul3A_2340, %mul3A_2346 : vector<16xf32>
      %add3A_2348 = arith.addf %broadcast_in_dim3A_2330, %mul3A_2347 : vector<16xf32>
      %mul3A_2349 = arith.mulf %mul3A_2340, %mul3A_2340 : vector<16xf32>
      %add3A_2350 = arith.addf %broadcast_in_dim3A_2332, %mul3A_2349 : vector<16xf32>
      %mul3A_2351 = arith.mulf %mul3A_2346, %mul3A_2346 : vector<16xf32>
      %add3A_2352 = arith.addf %broadcast_in_dim3A_2334, %mul3A_2351 : vector<16xf32>
      %get3A_2353 = arith.index_cast %add3A_2328 : i32 to index
      %get3A_2354 = arith.constant 16 : index
      %get3A_2355 = tpu.vector_load %arg12[%get3A_2353, %get3A_2354] {strides = array<i32>} : memref<128x128xf32, #tpu.memory_space<vmem>>, vector<16xf32>,
      %mul3A_2356 = arith.constant 5.000000e-03 : f32
      %mul3A_2357 = vector.broadcast %mul3A_2356 : f32 to vector<16xf32>
      %mul3A_2358 = arith.mulf %get3A_2355, %mul3A_2357 : vector<16xf32>
      %get3A_2359 = arith.index_cast %add3A_2328 : i32 to index
      %get3A_2360 = arith.constant 16 : index
      %get3A_2361 = tpu.vector_load %arg13[%get3A_2359, %get3A_2360] {strides = array<i32>} : memref<128x128xf32, #tpu.memory_space<vmem>>, vector<16xf32>,
      %mul3A_2362 = arith.constant 5.000000e-02 : f32
      %mul3A_2363 = vector.broadcast %mul3A_2362 : f32 to vector<16xf32>
      %mul3A_2364 = arith.mulf %get3A_2361, %mul3A_2363 : vector<16xf32>
      %mul3A_2365 = arith.mulf %mul3A_2358, %mul3A_2364 : vector<16xf32>
      %add3A_2366 = arith.addf %add3A_2348, %mul3A_2365 : vector<16xf32>
      %mul3A_2367 = arith.mulf %mul3A_2358, %mul3A_2358 : vector<16xf32>
      %add3A_2368 = arith.addf %add3A_2350, %mul3A_2367 : vector<16xf32>
      %mul3A_2369 = arith.mulf %mul3A_2364, %mul3A_2364 : vector<16xf32>
      %add3A_2370 = arith.addf %add3A_2352, %mul3A_2369 : vector<16xf32>
      %get3A_2371 = arith.index_cast %add3A_2328 : i32 to index
      %get3A_2372 = arith.constant 32 : index
      %get3A_2373 = tpu.vector_load %arg12[%get3A_2371, %get3A_2372] {strides = array<i32>} : memref<128x128xf32, #tpu.memory_space<vmem>>, vector<16xf32>,
      %mul3A_2374 = arith.constant 5.000000e-03 : f32
      %mul3A_2375 = vector.broadcast %mul3A_2374 : f32 to vector<16xf32>
      %mul3A_2376 = arith.mulf %get3A_2373, %mul3A_2375 : vector<16xf32>
      %get3A_2377 = arith.index_cast %add3A_2328 : i32 to index
      %get3A_2378 = arith.constant 32 : index
      %get3A_2379 = tpu.vector_load %arg13[%get3A_2377, %get3A_2378] {strides = array<i32>} : memref<128x128xf32, #tpu.memory_space<vmem>>, vector<16xf32>,
      %mul3A_2380 = arith.constant 5.000000e-02 : f32
      %mul3A_2381 = vector.broadcast %mul3A_2380 : f32 to vector<16xf32>
      %mul3A_2382 = arith.mulf %get3A_2379, %mul3A_2381 : vector<16xf32>
      %mul3A_2383 = arith.mulf %mul3A_2376, %mul3A_2382 : vector<16xf32>
      %add3A_2384 = arith.addf %add3A_2366, %mul3A_2383 : vector<16xf32>
      %mul3A_2385 = arith.mulf %mul3A_2376, %mul3A_2376 : vector<16xf32>
      %add3A_2386 = arith.addf %add3A_2368, %mul3A_2385 : vector<16xf32>
      %mul3A_2387 = arith.mulf %mul3A_2382, %mul3A_2382 : vector<16xf32>
      %add3A_2388 = arith.addf %add3A_2370, %mul3A_2387 : vector<16xf32>
      %get3A_2389 = arith.index_cast %add3A_2328 : i32 to index
      %get3A_2390 = arith.constant 48 : index
      %get3A_2391 = tpu.vector_load %arg12[%get3A_2389, %get3A_2390] {strides = array<i32>} : memref<128x128xf32, #tpu.memory_space<vmem>>, vector<16xf32>,
      %mul3A_2392 = arith.constant 5.000000e-03 : f32
      %mul3A_2393 = vector.broadcast %mul3A_2392 : f32 to vector<16xf32>
      %mul3A_2394 = arith.mulf %get3A_2391, %mul3A_2393 : vector<16xf32>
      %get3A_2395 = arith.index_cast %add3A_2328 : i32 to index
      %get3A_2396 = arith.constant 48 : index
      %get3A_2397 = tpu.vector_load %arg13[%get3A_2395, %get3A_2396] {strides = array<i32>} : memref<128x128xf32, #tpu.memory_space<vmem>>, vector<16xf32>,
      %mul3A_2398 = arith.constant 5.000000e-02 : f32
      %mul3A_2399 = vector.broadcast %mul3A_2398 : f32 to vector<16xf32>
      %mul3A_2400 = arith.mulf %get3A_2397, %mul3A_2399 : vector<16xf32>
      %mul3A_2401 = arith.mulf %mul3A_2394, %mul3A_2400 : vector<16xf32>
      %add3A_2402 = arith.addf %add3A_2384, %mul3A_2401 : vector<16xf32>
      %mul3A_2403 = arith.mulf %mul3A_2394, %mul3A_2394 : vector<16xf32>
      %add3A_2404 = arith.addf %add3A_2386, %mul3A_2403 : vector<16xf32>
      %mul3A_2405 = arith.mulf %mul3A_2400, %mul3A_2400 : vector<16xf32>
      %add3A_2406 = arith.addf %add3A_2388, %mul3A_2405 : vector<16xf32>
      %get3A_2407 = arith.index_cast %add3A_2328 : i32 to index
      %get3A_2408 = arith.constant 64 : index
      %get3A_2409 = tpu.vector_load %arg12[%get3A_2407, %get3A_2408] {strides = array<i32>} : memref<128x128xf32, #tpu.memory_space<vmem>>, vector<16xf32>,
      %mul3A_2410 = arith.constant 5.000000e-03 : f32
      %mul3A_2411 = vector.broadcast %mul3A_2410 : f32 to vector<16xf32>
      %mul3A_2412 = arith.mulf %get3A_2409, %mul3A_2411 : vector<16xf32>
      %get3A_2413 = arith.index_cast %add3A_2328 : i32 to index
      %get3A_2414 = arith.constant 64 : index
      %get3A_2415 = tpu.vector_load %arg13[%get3A_2413, %get3A_2414] {strides = array<i32>} : memref<128x128xf32, #tpu.memory_space<vmem>>, vector<16xf32>,
      %mul3A_2416 = arith.constant 5.000000e-02 : f32
      %mul3A_2417 = vector.broadcast %mul3A_2416 : f32 to vector<16xf32>
      %mul3A_2418 = arith.mulf %get3A_2415, %mul3A_2417 : vector<16xf32>
      %mul3A_2419 = arith.mulf %mul3A_2412, %mul3A_2418 : vector<16xf32>
      %add3A_2420 = arith.addf %add3A_2402, %mul3A_2419 : vector<16xf32>
      %mul3A_2421 = arith.mulf %mul3A_2412, %mul3A_2412 : vector<16xf32>
      %add3A_2422 = arith.addf %add3A_2404, %mul3A_2421 : vector<16xf32>
      %mul3A_2423 = arith.mulf %mul3A_2418, %mul3A_2418 : vector<16xf32>
      %add3A_2424 = arith.addf %add3A_2406, %mul3A_2423 : vector<16xf32>
      %get3A_2425 = arith.index_cast %add3A_2328 : i32 to index
      %get3A_2426 = arith.constant 80 : index
      %get3A_2427 = tpu.vector_load %arg12[%get3A_2425, %get3A_2426] {strides = array<i32>} : memref<128x128xf32, #tpu.memory_space<vmem>>, vector<16xf32>,
      %mul3A_2428 = arith.constant 5.000000e-03 : f32
      %mul3A_2429 = vector.broadcast %mul3A_2428 : f32 to vector<16xf32>
      %mul3A_2430 = arith.mulf %get3A_2427, %mul3A_2429 : vector<16xf32>
      %get3A_2431 = arith.index_cast %add3A_2328 : i32 to index
      %get3A_2432 = arith.constant 80 : index
      %get3A_2433 = tpu.vector_load %arg13[%get3A_2431, %get3A_2432] {strides = array<i32>} : memref<128x128xf32, #tpu.memory_space<vmem>>, vector<16xf32>,
      %mul3A_2434 = arith.constant 5.000000e-02 : f32
      %mul3A_2435 = vector.broadcast %mul3A_2434 : f32 to vector<16xf32>
      %mul3A_2436 = arith.mulf %get3A_2433, %mul3A_2435 : vector<16xf32>
      %mul3A_2437 = arith.mulf %mul3A_2430, %mul3A_2436 : vector<16xf32>
      %add3A_2438 = arith.addf %add3A_2420, %mul3A_2437 : vector<16xf32>
      %mul3A_2439 = arith.mulf %mul3A_2430, %mul3A_2430 : vector<16xf32>
      %add3A_2440 = arith.addf %add3A_2422, %mul3A_2439 : vector<16xf32>
      %mul3A_2441 = arith.mulf %mul3A_2436, %mul3A_2436 : vector<16xf32>
      %add3A_2442 = arith.addf %add3A_2424, %mul3A_2441 : vector<16xf32>
      %get3A_2443 = arith.index_cast %add3A_2328 : i32 to index
      %get3A_2444 = arith.constant 96 : index
      %get3A_2445 = tpu.vector_load %arg12[%get3A_2443, %get3A_2444] {strides = array<i32>} : memref<128x128xf32, #tpu.memory_space<vmem>>, vector<16xf32>,
      %mul3A_2446 = arith.constant 5.000000e-03 : f32
      %mul3A_2447 = vector.broadcast %mul3A_2446 : f32 to vector<16xf32>
      %mul3A_2448 = arith.mulf %get3A_2445, %mul3A_2447 : vector<16xf32>
      %get3A_2449 = arith.index_cast %add3A_2328 : i32 to index
      %get3A_2450 = arith.constant 96 : index
      %get3A_2451 = tpu.vector_load %arg13[%get3A_2449, %get3A_2450] {strides = array<i32>} : memref<128x128xf32, #tpu.memory_space<vmem>>, vector<16xf32>,
      %mul3A_2452 = arith.constant 5.000000e-02 : f32
      %mul3A_2453 = vector.broadcast %mul3A_2452 : f32 to vector<16xf32>
      %mul3A_2454 = arith.mulf %get3A_2451, %mul3A_2453 : vector<16xf32>
      %mul3A_2455 = arith.mulf %mul3A_2448, %mul3A_2454 : vector<16xf32>
      %add3A_2456 = arith.addf %add3A_2438, %mul3A_2455 : vector<16xf32>
      %mul3A_2457 = arith.mulf %mul3A_2448, %mul3A_2448 : vector<16xf32>
      %add3A_2458 = arith.addf %add3A_2440, %mul3A_2457 : vector<16xf32>
      %mul3A_2459 = arith.mulf %mul3A_2454, %mul3A_2454 : vector<16xf32>
      %add3A_2460 = arith.addf %add3A_2442, %mul3A_2459 : vector<16xf32>
      %get3A_2461 = arith.index_cast %add3A_2328 : i32 to index
      %get3A_2462 = arith.constant 112 : index
      %get3A_2463 = tpu.vector_load %arg12[%get3A_2461, %get3A_2462] {strides = array<i32>} : memref<128x128xf32, #tpu.memory_space<vmem>>, vector<16xf32>,
      %mul3A_2464 = arith.constant 5.000000e-03 : f32
      %mul3A_2465 = vector.broadcast %mul3A_2464 : f32 to vector<16xf32>
      %mul3A_2466 = arith.mulf %get3A_2463, %mul3A_2465 : vector<16xf32>
      %get3A_2467 = arith.index_cast %add3A_2328 : i32 to index
      %get3A_2468 = arith.constant 112 : index
      %get3A_2469 = tpu.vector_load %arg13[%get3A_2467, %get3A_2468] {strides = array<i32>} : memref<128x128xf32, #tpu.memory_space<vmem>>, vector<16xf32>,
      %mul3A_2470 = arith.constant 5.000000e-02 : f32
      %mul3A_2471 = vector.broadcast %mul3A_2470 : f32 to vector<16xf32>
      %mul3A_2472 = arith.mulf %get3A_2469, %mul3A_2471 : vector<16xf32>
      %mul3A_2473 = arith.mulf %mul3A_2466, %mul3A_2472 : vector<16xf32>
      %add3A_2474 = arith.addf %add3A_2456, %mul3A_2473 : vector<16xf32>
      %mul3A_2475 = arith.mulf %mul3A_2466, %mul3A_2466 : vector<16xf32>
      %add3A_2476 = arith.addf %add3A_2458, %mul3A_2475 : vector<16xf32>
      %mul3A_2477 = arith.mulf %mul3A_2472, %mul3A_2472 : vector<16xf32>
      %add3A_2478 = arith.addf %add3A_2460, %mul3A_2477 : vector<16xf32>
      %eq3A_2479 = arith.constant 13 : i32
      %eq3A_2480 = vector.broadcast %eq3A_2479 : i32 to vector<16xi32>
      %eq3A_2481 = arith.cmpi eq, %iota3A, %eq3A_2480 : vector<16xi32>
      %reduce_sum3A_2482 = arith.constant true
      %reduce_sum3A_2483 = vector.broadcast %reduce_sum3A_2482 : i1 to vector<16xi1>
      %reduce_sum3A_2484 = tpu.scan <sum>, %add3A_2474 masked %reduce_sum3A_2483 : vector<16xf32>, vector<16xi1> -> vector<16xf32>
      %reduce_sum3A_2485 = vector.extract %reduce_sum3A_2484[15] : f32 from vector<16xf32>
      %broadcast_in_dim3A_2486 = vector.broadcast %reduce_sum3A_2485 : f32 to vector<16xf32>
      %select_n3A_2487 = arith.select %eq3A_2481, %broadcast_in_dim3A_2486, %select_n3A_2312 : vector<16xi1>, vector<16xf32>
      %reduce_sum3A_2488 = arith.constant true
      %reduce_sum3A_2489 = vector.broadcast %reduce_sum3A_2488 : i1 to vector<16xi1>
      %reduce_sum3A_2490 = tpu.scan <sum>, %add3A_2476 masked %reduce_sum3A_2489 : vector<16xf32>, vector<16xi1> -> vector<16xf32>
      %reduce_sum3A_2491 = vector.extract %reduce_sum3A_2490[15] : f32 from vector<16xf32>
      %broadcast_in_dim3A_2492 = vector.broadcast %reduce_sum3A_2491 : f32 to vector<16xf32>
      %select_n3A_2493 = arith.select %eq3A_2481, %broadcast_in_dim3A_2492, %select_n3A_2318 : vector<16xi1>, vector<16xf32>
      %reduce_sum3A_2494 = arith.constant true
      %reduce_sum3A_2495 = vector.broadcast %reduce_sum3A_2494 : i1 to vector<16xi1>
      %reduce_sum3A_2496 = tpu.scan <sum>, %add3A_2478 masked %reduce_sum3A_2495 : vector<16xf32>, vector<16xi1> -> vector<16xf32>
      %reduce_sum3A_2497 = vector.extract %reduce_sum3A_2496[15] : f32 from vector<16xf32>
      %broadcast_in_dim3A_2498 = vector.broadcast %reduce_sum3A_2497 : f32 to vector<16xf32>
      %select_n3A_2499 = arith.select %eq3A_2481, %broadcast_in_dim3A_2498, %select_n3A_2324 : vector<16xi1>, vector<16xf32>
      %mul3A_2500 = arith.constant 16 : i32
      %mul3A_2501 = arith.muli %scan3A_47, %mul3A_2500 : i32
      %add3A_2502 = arith.constant 14 : i32
      %add3A_2503 = arith.addi %mul3A_2501, %add3A_2502 : i32
      %broadcast_in_dim3A_2504 = arith.constant 0.000000e+00 : f32
      %broadcast_in_dim3A_2505 = vector.broadcast %broadcast_in_dim3A_2504 : f32 to vector<16xf32>
      %broadcast_in_dim3A_2506 = arith.constant 0.000000e+00 : f32
      %broadcast_in_dim3A_2507 = vector.broadcast %broadcast_in_dim3A_2506 : f32 to vector<16xf32>
      %broadcast_in_dim3A_2508 = arith.constant 0.000000e+00 : f32
      %broadcast_in_dim3A_2509 = vector.broadcast %broadcast_in_dim3A_2508 : f32 to vector<16xf32>
      %get3A_2510 = arith.index_cast %add3A_2503 : i32 to index
      %get3A_2511 = arith.constant 0 : index
      %get3A_2512 = tpu.vector_load %arg12[%get3A_2510, %get3A_2511] {strides = array<i32>} : memref<128x128xf32, #tpu.memory_space<vmem>>, vector<16xf32>,
      %mul3A_2513 = arith.constant 5.000000e-03 : f32
      %mul3A_2514 = vector.broadcast %mul3A_2513 : f32 to vector<16xf32>
      %mul3A_2515 = arith.mulf %get3A_2512, %mul3A_2514 : vector<16xf32>
      %get3A_2516 = arith.index_cast %add3A_2503 : i32 to index
      %get3A_2517 = arith.constant 0 : index
      %get3A_2518 = tpu.vector_load %arg13[%get3A_2516, %get3A_2517] {strides = array<i32>} : memref<128x128xf32, #tpu.memory_space<vmem>>, vector<16xf32>,
      %mul3A_2519 = arith.constant 5.000000e-02 : f32
      %mul3A_2520 = vector.broadcast %mul3A_2519 : f32 to vector<16xf32>
      %mul3A_2521 = arith.mulf %get3A_2518, %mul3A_2520 : vector<16xf32>
      %mul3A_2522 = arith.mulf %mul3A_2515, %mul3A_2521 : vector<16xf32>
      %add3A_2523 = arith.addf %broadcast_in_dim3A_2505, %mul3A_2522 : vector<16xf32>
      %mul3A_2524 = arith.mulf %mul3A_2515, %mul3A_2515 : vector<16xf32>
      %add3A_2525 = arith.addf %broadcast_in_dim3A_2507, %mul3A_2524 : vector<16xf32>
      %mul3A_2526 = arith.mulf %mul3A_2521, %mul3A_2521 : vector<16xf32>
      %add3A_2527 = arith.addf %broadcast_in_dim3A_2509, %mul3A_2526 : vector<16xf32>
      %get3A_2528 = arith.index_cast %add3A_2503 : i32 to index
      %get3A_2529 = arith.constant 16 : index
      %get3A_2530 = tpu.vector_load %arg12[%get3A_2528, %get3A_2529] {strides = array<i32>} : memref<128x128xf32, #tpu.memory_space<vmem>>, vector<16xf32>,
      %mul3A_2531 = arith.constant 5.000000e-03 : f32
      %mul3A_2532 = vector.broadcast %mul3A_2531 : f32 to vector<16xf32>
      %mul3A_2533 = arith.mulf %get3A_2530, %mul3A_2532 : vector<16xf32>
      %get3A_2534 = arith.index_cast %add3A_2503 : i32 to index
      %get3A_2535 = arith.constant 16 : index
      %get3A_2536 = tpu.vector_load %arg13[%get3A_2534, %get3A_2535] {strides = array<i32>} : memref<128x128xf32, #tpu.memory_space<vmem>>, vector<16xf32>,
      %mul3A_2537 = arith.constant 5.000000e-02 : f32
      %mul3A_2538 = vector.broadcast %mul3A_2537 : f32 to vector<16xf32>
      %mul3A_2539 = arith.mulf %get3A_2536, %mul3A_2538 : vector<16xf32>
      %mul3A_2540 = arith.mulf %mul3A_2533, %mul3A_2539 : vector<16xf32>
      %add3A_2541 = arith.addf %add3A_2523, %mul3A_2540 : vector<16xf32>
      %mul3A_2542 = arith.mulf %mul3A_2533, %mul3A_2533 : vector<16xf32>
      %add3A_2543 = arith.addf %add3A_2525, %mul3A_2542 : vector<16xf32>
      %mul3A_2544 = arith.mulf %mul3A_2539, %mul3A_2539 : vector<16xf32>
      %add3A_2545 = arith.addf %add3A_2527, %mul3A_2544 : vector<16xf32>
      %get3A_2546 = arith.index_cast %add3A_2503 : i32 to index
      %get3A_2547 = arith.constant 32 : index
      %get3A_2548 = tpu.vector_load %arg12[%get3A_2546, %get3A_2547] {strides = array<i32>} : memref<128x128xf32, #tpu.memory_space<vmem>>, vector<16xf32>,
      %mul3A_2549 = arith.constant 5.000000e-03 : f32
      %mul3A_2550 = vector.broadcast %mul3A_2549 : f32 to vector<16xf32>
      %mul3A_2551 = arith.mulf %get3A_2548, %mul3A_2550 : vector<16xf32>
      %get3A_2552 = arith.index_cast %add3A_2503 : i32 to index
      %get3A_2553 = arith.constant 32 : index
      %get3A_2554 = tpu.vector_load %arg13[%get3A_2552, %get3A_2553] {strides = array<i32>} : memref<128x128xf32, #tpu.memory_space<vmem>>, vector<16xf32>,
      %mul3A_2555 = arith.constant 5.000000e-02 : f32
      %mul3A_2556 = vector.broadcast %mul3A_2555 : f32 to vector<16xf32>
      %mul3A_2557 = arith.mulf %get3A_2554, %mul3A_2556 : vector<16xf32>
      %mul3A_2558 = arith.mulf %mul3A_2551, %mul3A_2557 : vector<16xf32>
      %add3A_2559 = arith.addf %add3A_2541, %mul3A_2558 : vector<16xf32>
      %mul3A_2560 = arith.mulf %mul3A_2551, %mul3A_2551 : vector<16xf32>
      %add3A_2561 = arith.addf %add3A_2543, %mul3A_2560 : vector<16xf32>
      %mul3A_2562 = arith.mulf %mul3A_2557, %mul3A_2557 : vector<16xf32>
      %add3A_2563 = arith.addf %add3A_2545, %mul3A_2562 : vector<16xf32>
      %get3A_2564 = arith.index_cast %add3A_2503 : i32 to index
      %get3A_2565 = arith.constant 48 : index
      %get3A_2566 = tpu.vector_load %arg12[%get3A_2564, %get3A_2565] {strides = array<i32>} : memref<128x128xf32, #tpu.memory_space<vmem>>, vector<16xf32>,
      %mul3A_2567 = arith.constant 5.000000e-03 : f32
      %mul3A_2568 = vector.broadcast %mul3A_2567 : f32 to vector<16xf32>
      %mul3A_2569 = arith.mulf %get3A_2566, %mul3A_2568 : vector<16xf32>
      %get3A_2570 = arith.index_cast %add3A_2503 : i32 to index
      %get3A_2571 = arith.constant 48 : index
      %get3A_2572 = tpu.vector_load %arg13[%get3A_2570, %get3A_2571] {strides = array<i32>} : memref<128x128xf32, #tpu.memory_space<vmem>>, vector<16xf32>,
      %mul3A_2573 = arith.constant 5.000000e-02 : f32
      %mul3A_2574 = vector.broadcast %mul3A_2573 : f32 to vector<16xf32>
      %mul3A_2575 = arith.mulf %get3A_2572, %mul3A_2574 : vector<16xf32>
      %mul3A_2576 = arith.mulf %mul3A_2569, %mul3A_2575 : vector<16xf32>
      %add3A_2577 = arith.addf %add3A_2559, %mul3A_2576 : vector<16xf32>
      %mul3A_2578 = arith.mulf %mul3A_2569, %mul3A_2569 : vector<16xf32>
      %add3A_2579 = arith.addf %add3A_2561, %mul3A_2578 : vector<16xf32>
      %mul3A_2580 = arith.mulf %mul3A_2575, %mul3A_2575 : vector<16xf32>
      %add3A_2581 = arith.addf %add3A_2563, %mul3A_2580 : vector<16xf32>
      %get3A_2582 = arith.index_cast %add3A_2503 : i32 to index
      %get3A_2583 = arith.constant 64 : index
      %get3A_2584 = tpu.vector_load %arg12[%get3A_2582, %get3A_2583] {strides = array<i32>} : memref<128x128xf32, #tpu.memory_space<vmem>>, vector<16xf32>,
      %mul3A_2585 = arith.constant 5.000000e-03 : f32
      %mul3A_2586 = vector.broadcast %mul3A_2585 : f32 to vector<16xf32>
      %mul3A_2587 = arith.mulf %get3A_2584, %mul3A_2586 : vector<16xf32>
      %get3A_2588 = arith.index_cast %add3A_2503 : i32 to index
      %get3A_2589 = arith.constant 64 : index
      %get3A_2590 = tpu.vector_load %arg13[%get3A_2588, %get3A_2589] {strides = array<i32>} : memref<128x128xf32, #tpu.memory_space<vmem>>, vector<16xf32>,
      %mul3A_2591 = arith.constant 5.000000e-02 : f32
      %mul3A_2592 = vector.broadcast %mul3A_2591 : f32 to vector<16xf32>
      %mul3A_2593 = arith.mulf %get3A_2590, %mul3A_2592 : vector<16xf32>
      %mul3A_2594 = arith.mulf %mul3A_2587, %mul3A_2593 : vector<16xf32>
      %add3A_2595 = arith.addf %add3A_2577, %mul3A_2594 : vector<16xf32>
      %mul3A_2596 = arith.mulf %mul3A_2587, %mul3A_2587 : vector<16xf32>
      %add3A_2597 = arith.addf %add3A_2579, %mul3A_2596 : vector<16xf32>
      %mul3A_2598 = arith.mulf %mul3A_2593, %mul3A_2593 : vector<16xf32>
      %add3A_2599 = arith.addf %add3A_2581, %mul3A_2598 : vector<16xf32>
      %get3A_2600 = arith.index_cast %add3A_2503 : i32 to index
      %get3A_2601 = arith.constant 80 : index
      %get3A_2602 = tpu.vector_load %arg12[%get3A_2600, %get3A_2601] {strides = array<i32>} : memref<128x128xf32, #tpu.memory_space<vmem>>, vector<16xf32>,
      %mul3A_2603 = arith.constant 5.000000e-03 : f32
      %mul3A_2604 = vector.broadcast %mul3A_2603 : f32 to vector<16xf32>
      %mul3A_2605 = arith.mulf %get3A_2602, %mul3A_2604 : vector<16xf32>
      %get3A_2606 = arith.index_cast %add3A_2503 : i32 to index
      %get3A_2607 = arith.constant 80 : index
      %get3A_2608 = tpu.vector_load %arg13[%get3A_2606, %get3A_2607] {strides = array<i32>} : memref<128x128xf32, #tpu.memory_space<vmem>>, vector<16xf32>,
      %mul3A_2609 = arith.constant 5.000000e-02 : f32
      %mul3A_2610 = vector.broadcast %mul3A_2609 : f32 to vector<16xf32>
      %mul3A_2611 = arith.mulf %get3A_2608, %mul3A_2610 : vector<16xf32>
      %mul3A_2612 = arith.mulf %mul3A_2605, %mul3A_2611 : vector<16xf32>
      %add3A_2613 = arith.addf %add3A_2595, %mul3A_2612 : vector<16xf32>
      %mul3A_2614 = arith.mulf %mul3A_2605, %mul3A_2605 : vector<16xf32>
      %add3A_2615 = arith.addf %add3A_2597, %mul3A_2614 : vector<16xf32>
      %mul3A_2616 = arith.mulf %mul3A_2611, %mul3A_2611 : vector<16xf32>
      %add3A_2617 = arith.addf %add3A_2599, %mul3A_2616 : vector<16xf32>
      %get3A_2618 = arith.index_cast %add3A_2503 : i32 to index
      %get3A_2619 = arith.constant 96 : index
      %get3A_2620 = tpu.vector_load %arg12[%get3A_2618, %get3A_2619] {strides = array<i32>} : memref<128x128xf32, #tpu.memory_space<vmem>>, vector<16xf32>,
      %mul3A_2621 = arith.constant 5.000000e-03 : f32
      %mul3A_2622 = vector.broadcast %mul3A_2621 : f32 to vector<16xf32>
      %mul3A_2623 = arith.mulf %get3A_2620, %mul3A_2622 : vector<16xf32>
      %get3A_2624 = arith.index_cast %add3A_2503 : i32 to index
      %get3A_2625 = arith.constant 96 : index
      %get3A_2626 = tpu.vector_load %arg13[%get3A_2624, %get3A_2625] {strides = array<i32>} : memref<128x128xf32, #tpu.memory_space<vmem>>, vector<16xf32>,
      %mul3A_2627 = arith.constant 5.000000e-02 : f32
      %mul3A_2628 = vector.broadcast %mul3A_2627 : f32 to vector<16xf32>
      %mul3A_2629 = arith.mulf %get3A_2626, %mul3A_2628 : vector<16xf32>
      %mul3A_2630 = arith.mulf %mul3A_2623, %mul3A_2629 : vector<16xf32>
      %add3A_2631 = arith.addf %add3A_2613, %mul3A_2630 : vector<16xf32>
      %mul3A_2632 = arith.mulf %mul3A_2623, %mul3A_2623 : vector<16xf32>
      %add3A_2633 = arith.addf %add3A_2615, %mul3A_2632 : vector<16xf32>
      %mul3A_2634 = arith.mulf %mul3A_2629, %mul3A_2629 : vector<16xf32>
      %add3A_2635 = arith.addf %add3A_2617, %mul3A_2634 : vector<16xf32>
      %get3A_2636 = arith.index_cast %add3A_2503 : i32 to index
      %get3A_2637 = arith.constant 112 : index
      %get3A_2638 = tpu.vector_load %arg12[%get3A_2636, %get3A_2637] {strides = array<i32>} : memref<128x128xf32, #tpu.memory_space<vmem>>, vector<16xf32>,
      %mul3A_2639 = arith.constant 5.000000e-03 : f32
      %mul3A_2640 = vector.broadcast %mul3A_2639 : f32 to vector<16xf32>
      %mul3A_2641 = arith.mulf %get3A_2638, %mul3A_2640 : vector<16xf32>
      %get3A_2642 = arith.index_cast %add3A_2503 : i32 to index
      %get3A_2643 = arith.constant 112 : index
      %get3A_2644 = tpu.vector_load %arg13[%get3A_2642, %get3A_2643] {strides = array<i32>} : memref<128x128xf32, #tpu.memory_space<vmem>>, vector<16xf32>,
      %mul3A_2645 = arith.constant 5.000000e-02 : f32
      %mul3A_2646 = vector.broadcast %mul3A_2645 : f32 to vector<16xf32>
      %mul3A_2647 = arith.mulf %get3A_2644, %mul3A_2646 : vector<16xf32>
      %mul3A_2648 = arith.mulf %mul3A_2641, %mul3A_2647 : vector<16xf32>
      %add3A_2649 = arith.addf %add3A_2631, %mul3A_2648 : vector<16xf32>
      %mul3A_2650 = arith.mulf %mul3A_2641, %mul3A_2641 : vector<16xf32>
      %add3A_2651 = arith.addf %add3A_2633, %mul3A_2650 : vector<16xf32>
      %mul3A_2652 = arith.mulf %mul3A_2647, %mul3A_2647 : vector<16xf32>
      %add3A_2653 = arith.addf %add3A_2635, %mul3A_2652 : vector<16xf32>
      %eq3A_2654 = arith.constant 14 : i32
      %eq3A_2655 = vector.broadcast %eq3A_2654 : i32 to vector<16xi32>
      %eq3A_2656 = arith.cmpi eq, %iota3A, %eq3A_2655 : vector<16xi32>
      %reduce_sum3A_2657 = arith.constant true
      %reduce_sum3A_2658 = vector.broadcast %reduce_sum3A_2657 : i1 to vector<16xi1>
      %reduce_sum3A_2659 = tpu.scan <sum>, %add3A_2649 masked %reduce_sum3A_2658 : vector<16xf32>, vector<16xi1> -> vector<16xf32>
      %reduce_sum3A_2660 = vector.extract %reduce_sum3A_2659[15] : f32 from vector<16xf32>
      %broadcast_in_dim3A_2661 = vector.broadcast %reduce_sum3A_2660 : f32 to vector<16xf32>
      %select_n3A_2662 = arith.select %eq3A_2656, %broadcast_in_dim3A_2661, %select_n3A_2487 : vector<16xi1>, vector<16xf32>
      %reduce_sum3A_2663 = arith.constant true
      %reduce_sum3A_2664 = vector.broadcast %reduce_sum3A_2663 : i1 to vector<16xi1>
      %reduce_sum3A_2665 = tpu.scan <sum>, %add3A_2651 masked %reduce_sum3A_2664 : vector<16xf32>, vector<16xi1> -> vector<16xf32>
      %reduce_sum3A_2666 = vector.extract %reduce_sum3A_2665[15] : f32 from vector<16xf32>
      %broadcast_in_dim3A_2667 = vector.broadcast %reduce_sum3A_2666 : f32 to vector<16xf32>
      %select_n3A_2668 = arith.select %eq3A_2656, %broadcast_in_dim3A_2667, %select_n3A_2493 : vector<16xi1>, vector<16xf32>
      %reduce_sum3A_2669 = arith.constant true
      %reduce_sum3A_2670 = vector.broadcast %reduce_sum3A_2669 : i1 to vector<16xi1>
      %reduce_sum3A_2671 = tpu.scan <sum>, %add3A_2653 masked %reduce_sum3A_2670 : vector<16xf32>, vector<16xi1> -> vector<16xf32>
      %reduce_sum3A_2672 = vector.extract %reduce_sum3A_2671[15] : f32 from vector<16xf32>
      %broadcast_in_dim3A_2673 = vector.broadcast %reduce_sum3A_2672 : f32 to vector<16xf32>
      %select_n3A_2674 = arith.select %eq3A_2656, %broadcast_in_dim3A_2673, %select_n3A_2499 : vector<16xi1>, vector<16xf32>
      %mul3A_2675 = arith.constant 16 : i32
      %mul3A_2676 = arith.muli %scan3A_47, %mul3A_2675 : i32
      %add3A_2677 = arith.constant 15 : i32
      %add3A_2678 = arith.addi %mul3A_2676, %add3A_2677 : i32
      %broadcast_in_dim3A_2679 = arith.constant 0.000000e+00 : f32
      %broadcast_in_dim3A_2680 = vector.broadcast %broadcast_in_dim3A_2679 : f32 to vector<16xf32>
      %broadcast_in_dim3A_2681 = arith.constant 0.000000e+00 : f32
      %broadcast_in_dim3A_2682 = vector.broadcast %broadcast_in_dim3A_2681 : f32 to vector<16xf32>
      %broadcast_in_dim3A_2683 = arith.constant 0.000000e+00 : f32
      %broadcast_in_dim3A_2684 = vector.broadcast %broadcast_in_dim3A_2683 : f32 to vector<16xf32>
      %get3A_2685 = arith.index_cast %add3A_2678 : i32 to index
      %get3A_2686 = arith.constant 0 : index
      %get3A_2687 = tpu.vector_load %arg12[%get3A_2685, %get3A_2686] {strides = array<i32>} : memref<128x128xf32, #tpu.memory_space<vmem>>, vector<16xf32>,
      %mul3A_2688 = arith.constant 5.000000e-03 : f32
      %mul3A_2689 = vector.broadcast %mul3A_2688 : f32 to vector<16xf32>
      %mul3A_2690 = arith.mulf %get3A_2687, %mul3A_2689 : vector<16xf32>
      %get3A_2691 = arith.index_cast %add3A_2678 : i32 to index
      %get3A_2692 = arith.constant 0 : index
      %get3A_2693 = tpu.vector_load %arg13[%get3A_2691, %get3A_2692] {strides = array<i32>} : memref<128x128xf32, #tpu.memory_space<vmem>>, vector<16xf32>,
      %mul3A_2694 = arith.constant 5.000000e-02 : f32
      %mul3A_2695 = vector.broadcast %mul3A_2694 : f32 to vector<16xf32>
      %mul3A_2696 = arith.mulf %get3A_2693, %mul3A_2695 : vector<16xf32>
      %mul3A_2697 = arith.mulf %mul3A_2690, %mul3A_2696 : vector<16xf32>
      %add3A_2698 = arith.addf %broadcast_in_dim3A_2680, %mul3A_2697 : vector<16xf32>
      %mul3A_2699 = arith.mulf %mul3A_2690, %mul3A_2690 : vector<16xf32>
      %add3A_2700 = arith.addf %broadcast_in_dim3A_2682, %mul3A_2699 : vector<16xf32>
      %mul3A_2701 = arith.mulf %mul3A_2696, %mul3A_2696 : vector<16xf32>
      %add3A_2702 = arith.addf %broadcast_in_dim3A_2684, %mul3A_2701 : vector<16xf32>
      %get3A_2703 = arith.index_cast %add3A_2678 : i32 to index
      %get3A_2704 = arith.constant 16 : index
      %get3A_2705 = tpu.vector_load %arg12[%get3A_2703, %get3A_2704] {strides = array<i32>} : memref<128x128xf32, #tpu.memory_space<vmem>>, vector<16xf32>,
      %mul3A_2706 = arith.constant 5.000000e-03 : f32
      %mul3A_2707 = vector.broadcast %mul3A_2706 : f32 to vector<16xf32>
      %mul3A_2708 = arith.mulf %get3A_2705, %mul3A_2707 : vector<16xf32>
      %get3A_2709 = arith.index_cast %add3A_2678 : i32 to index
      %get3A_2710 = arith.constant 16 : index
      %get3A_2711 = tpu.vector_load %arg13[%get3A_2709, %get3A_2710] {strides = array<i32>} : memref<128x128xf32, #tpu.memory_space<vmem>>, vector<16xf32>,
      %mul3A_2712 = arith.constant 5.000000e-02 : f32
      %mul3A_2713 = vector.broadcast %mul3A_2712 : f32 to vector<16xf32>
      %mul3A_2714 = arith.mulf %get3A_2711, %mul3A_2713 : vector<16xf32>
      %mul3A_2715 = arith.mulf %mul3A_2708, %mul3A_2714 : vector<16xf32>
      %add3A_2716 = arith.addf %add3A_2698, %mul3A_2715 : vector<16xf32>
      %mul3A_2717 = arith.mulf %mul3A_2708, %mul3A_2708 : vector<16xf32>
      %add3A_2718 = arith.addf %add3A_2700, %mul3A_2717 : vector<16xf32>
      %mul3A_2719 = arith.mulf %mul3A_2714, %mul3A_2714 : vector<16xf32>
      %add3A_2720 = arith.addf %add3A_2702, %mul3A_2719 : vector<16xf32>
      %get3A_2721 = arith.index_cast %add3A_2678 : i32 to index
      %get3A_2722 = arith.constant 32 : index
      %get3A_2723 = tpu.vector_load %arg12[%get3A_2721, %get3A_2722] {strides = array<i32>} : memref<128x128xf32, #tpu.memory_space<vmem>>, vector<16xf32>,
      %mul3A_2724 = arith.constant 5.000000e-03 : f32
      %mul3A_2725 = vector.broadcast %mul3A_2724 : f32 to vector<16xf32>
      %mul3A_2726 = arith.mulf %get3A_2723, %mul3A_2725 : vector<16xf32>
      %get3A_2727 = arith.index_cast %add3A_2678 : i32 to index
      %get3A_2728 = arith.constant 32 : index
      %get3A_2729 = tpu.vector_load %arg13[%get3A_2727, %get3A_2728] {strides = array<i32>} : memref<128x128xf32, #tpu.memory_space<vmem>>, vector<16xf32>,
      %mul3A_2730 = arith.constant 5.000000e-02 : f32
      %mul3A_2731 = vector.broadcast %mul3A_2730 : f32 to vector<16xf32>
      %mul3A_2732 = arith.mulf %get3A_2729, %mul3A_2731 : vector<16xf32>
      %mul3A_2733 = arith.mulf %mul3A_2726, %mul3A_2732 : vector<16xf32>
      %add3A_2734 = arith.addf %add3A_2716, %mul3A_2733 : vector<16xf32>
      %mul3A_2735 = arith.mulf %mul3A_2726, %mul3A_2726 : vector<16xf32>
      %add3A_2736 = arith.addf %add3A_2718, %mul3A_2735 : vector<16xf32>
      %mul3A_2737 = arith.mulf %mul3A_2732, %mul3A_2732 : vector<16xf32>
      %add3A_2738 = arith.addf %add3A_2720, %mul3A_2737 : vector<16xf32>
      %get3A_2739 = arith.index_cast %add3A_2678 : i32 to index
      %get3A_2740 = arith.constant 48 : index
      %get3A_2741 = tpu.vector_load %arg12[%get3A_2739, %get3A_2740] {strides = array<i32>} : memref<128x128xf32, #tpu.memory_space<vmem>>, vector<16xf32>,
      %mul3A_2742 = arith.constant 5.000000e-03 : f32
      %mul3A_2743 = vector.broadcast %mul3A_2742 : f32 to vector<16xf32>
      %mul3A_2744 = arith.mulf %get3A_2741, %mul3A_2743 : vector<16xf32>
      %get3A_2745 = arith.index_cast %add3A_2678 : i32 to index
      %get3A_2746 = arith.constant 48 : index
      %get3A_2747 = tpu.vector_load %arg13[%get3A_2745, %get3A_2746] {strides = array<i32>} : memref<128x128xf32, #tpu.memory_space<vmem>>, vector<16xf32>,
      %mul3A_2748 = arith.constant 5.000000e-02 : f32
      %mul3A_2749 = vector.broadcast %mul3A_2748 : f32 to vector<16xf32>
      %mul3A_2750 = arith.mulf %get3A_2747, %mul3A_2749 : vector<16xf32>
      %mul3A_2751 = arith.mulf %mul3A_2744, %mul3A_2750 : vector<16xf32>
      %add3A_2752 = arith.addf %add3A_2734, %mul3A_2751 : vector<16xf32>
      %mul3A_2753 = arith.mulf %mul3A_2744, %mul3A_2744 : vector<16xf32>
      %add3A_2754 = arith.addf %add3A_2736, %mul3A_2753 : vector<16xf32>
      %mul3A_2755 = arith.mulf %mul3A_2750, %mul3A_2750 : vector<16xf32>
      %add3A_2756 = arith.addf %add3A_2738, %mul3A_2755 : vector<16xf32>
      %get3A_2757 = arith.index_cast %add3A_2678 : i32 to index
      %get3A_2758 = arith.constant 64 : index
      %get3A_2759 = tpu.vector_load %arg12[%get3A_2757, %get3A_2758] {strides = array<i32>} : memref<128x128xf32, #tpu.memory_space<vmem>>, vector<16xf32>,
      %mul3A_2760 = arith.constant 5.000000e-03 : f32
      %mul3A_2761 = vector.broadcast %mul3A_2760 : f32 to vector<16xf32>
      %mul3A_2762 = arith.mulf %get3A_2759, %mul3A_2761 : vector<16xf32>
      %get3A_2763 = arith.index_cast %add3A_2678 : i32 to index
      %get3A_2764 = arith.constant 64 : index
      %get3A_2765 = tpu.vector_load %arg13[%get3A_2763, %get3A_2764] {strides = array<i32>} : memref<128x128xf32, #tpu.memory_space<vmem>>, vector<16xf32>,
      %mul3A_2766 = arith.constant 5.000000e-02 : f32
      %mul3A_2767 = vector.broadcast %mul3A_2766 : f32 to vector<16xf32>
      %mul3A_2768 = arith.mulf %get3A_2765, %mul3A_2767 : vector<16xf32>
      %mul3A_2769 = arith.mulf %mul3A_2762, %mul3A_2768 : vector<16xf32>
      %add3A_2770 = arith.addf %add3A_2752, %mul3A_2769 : vector<16xf32>
      %mul3A_2771 = arith.mulf %mul3A_2762, %mul3A_2762 : vector<16xf32>
      %add3A_2772 = arith.addf %add3A_2754, %mul3A_2771 : vector<16xf32>
      %mul3A_2773 = arith.mulf %mul3A_2768, %mul3A_2768 : vector<16xf32>
      %add3A_2774 = arith.addf %add3A_2756, %mul3A_2773 : vector<16xf32>
      %get3A_2775 = arith.index_cast %add3A_2678 : i32 to index
      %get3A_2776 = arith.constant 80 : index
      %get3A_2777 = tpu.vector_load %arg12[%get3A_2775, %get3A_2776] {strides = array<i32>} : memref<128x128xf32, #tpu.memory_space<vmem>>, vector<16xf32>,
      %mul3A_2778 = arith.constant 5.000000e-03 : f32
      %mul3A_2779 = vector.broadcast %mul3A_2778 : f32 to vector<16xf32>
      %mul3A_2780 = arith.mulf %get3A_2777, %mul3A_2779 : vector<16xf32>
      %get3A_2781 = arith.index_cast %add3A_2678 : i32 to index
      %get3A_2782 = arith.constant 80 : index
      %get3A_2783 = tpu.vector_load %arg13[%get3A_2781, %get3A_2782] {strides = array<i32>} : memref<128x128xf32, #tpu.memory_space<vmem>>, vector<16xf32>,
      %mul3A_2784 = arith.constant 5.000000e-02 : f32
      %mul3A_2785 = vector.broadcast %mul3A_2784 : f32 to vector<16xf32>
      %mul3A_2786 = arith.mulf %get3A_2783, %mul3A_2785 : vector<16xf32>
      %mul3A_2787 = arith.mulf %mul3A_2780, %mul3A_2786 : vector<16xf32>
      %add3A_2788 = arith.addf %add3A_2770, %mul3A_2787 : vector<16xf32>
      %mul3A_2789 = arith.mulf %mul3A_2780, %mul3A_2780 : vector<16xf32>
      %add3A_2790 = arith.addf %add3A_2772, %mul3A_2789 : vector<16xf32>
      %mul3A_2791 = arith.mulf %mul3A_2786, %mul3A_2786 : vector<16xf32>
      %add3A_2792 = arith.addf %add3A_2774, %mul3A_2791 : vector<16xf32>
      %get3A_2793 = arith.index_cast %add3A_2678 : i32 to index
      %get3A_2794 = arith.constant 96 : index
      %get3A_2795 = tpu.vector_load %arg12[%get3A_2793, %get3A_2794] {strides = array<i32>} : memref<128x128xf32, #tpu.memory_space<vmem>>, vector<16xf32>,
      %mul3A_2796 = arith.constant 5.000000e-03 : f32
      %mul3A_2797 = vector.broadcast %mul3A_2796 : f32 to vector<16xf32>
      %mul3A_2798 = arith.mulf %get3A_2795, %mul3A_2797 : vector<16xf32>
      %get3A_2799 = arith.index_cast %add3A_2678 : i32 to index
      %get3A_2800 = arith.constant 96 : index
      %get3A_2801 = tpu.vector_load %arg13[%get3A_2799, %get3A_2800] {strides = array<i32>} : memref<128x128xf32, #tpu.memory_space<vmem>>, vector<16xf32>,
      %mul3A_2802 = arith.constant 5.000000e-02 : f32
      %mul3A_2803 = vector.broadcast %mul3A_2802 : f32 to vector<16xf32>
      %mul3A_2804 = arith.mulf %get3A_2801, %mul3A_2803 : vector<16xf32>
      %mul3A_2805 = arith.mulf %mul3A_2798, %mul3A_2804 : vector<16xf32>
      %add3A_2806 = arith.addf %add3A_2788, %mul3A_2805 : vector<16xf32>
      %mul3A_2807 = arith.mulf %mul3A_2798, %mul3A_2798 : vector<16xf32>
      %add3A_2808 = arith.addf %add3A_2790, %mul3A_2807 : vector<16xf32>
      %mul3A_2809 = arith.mulf %mul3A_2804, %mul3A_2804 : vector<16xf32>
      %add3A_2810 = arith.addf %add3A_2792, %mul3A_2809 : vector<16xf32>
      %get3A_2811 = arith.index_cast %add3A_2678 : i32 to index
      %get3A_2812 = arith.constant 112 : index
      %get3A_2813 = tpu.vector_load %arg12[%get3A_2811, %get3A_2812] {strides = array<i32>} : memref<128x128xf32, #tpu.memory_space<vmem>>, vector<16xf32>,
      %mul3A_2814 = arith.constant 5.000000e-03 : f32
      %mul3A_2815 = vector.broadcast %mul3A_2814 : f32 to vector<16xf32>
      %mul3A_2816 = arith.mulf %get3A_2813, %mul3A_2815 : vector<16xf32>
      %get3A_2817 = arith.index_cast %add3A_2678 : i32 to index
      %get3A_2818 = arith.constant 112 : index
      %get3A_2819 = tpu.vector_load %arg13[%get3A_2817, %get3A_2818] {strides = array<i32>} : memref<128x128xf32, #tpu.memory_space<vmem>>, vector<16xf32>,
      %mul3A_2820 = arith.constant 5.000000e-02 : f32
      %mul3A_2821 = vector.broadcast %mul3A_2820 : f32 to vector<16xf32>
      %mul3A_2822 = arith.mulf %get3A_2819, %mul3A_2821 : vector<16xf32>
      %mul3A_2823 = arith.mulf %mul3A_2816, %mul3A_2822 : vector<16xf32>
      %add3A_2824 = arith.addf %add3A_2806, %mul3A_2823 : vector<16xf32>
      %mul3A_2825 = arith.mulf %mul3A_2816, %mul3A_2816 : vector<16xf32>
      %add3A_2826 = arith.addf %add3A_2808, %mul3A_2825 : vector<16xf32>
      %mul3A_2827 = arith.mulf %mul3A_2822, %mul3A_2822 : vector<16xf32>
      %add3A_2828 = arith.addf %add3A_2810, %mul3A_2827 : vector<16xf32>
      %eq3A_2829 = arith.constant 15 : i32
      %eq3A_2830 = vector.broadcast %eq3A_2829 : i32 to vector<16xi32>
      %eq3A_2831 = arith.cmpi eq, %iota3A, %eq3A_2830 : vector<16xi32>
      %reduce_sum3A_2832 = arith.constant true
      %reduce_sum3A_2833 = vector.broadcast %reduce_sum3A_2832 : i1 to vector<16xi1>
      %reduce_sum3A_2834 = tpu.scan <sum>, %add3A_2824 masked %reduce_sum3A_2833 : vector<16xf32>, vector<16xi1> -> vector<16xf32>
      %reduce_sum3A_2835 = vector.extract %reduce_sum3A_2834[15] : f32 from vector<16xf32>
      %broadcast_in_dim3A_2836 = vector.broadcast %reduce_sum3A_2835 : f32 to vector<16xf32>
      %select_n3A_2837 = arith.select %eq3A_2831, %broadcast_in_dim3A_2836, %select_n3A_2662 : vector<16xi1>, vector<16xf32>
      %reduce_sum3A_2838 = arith.constant true
      %reduce_sum3A_2839 = vector.broadcast %reduce_sum3A_2838 : i1 to vector<16xi1>
      %reduce_sum3A_2840 = tpu.scan <sum>, %add3A_2826 masked %reduce_sum3A_2839 : vector<16xf32>, vector<16xi1> -> vector<16xf32>
      %reduce_sum3A_2841 = vector.extract %reduce_sum3A_2840[15] : f32 from vector<16xf32>
      %broadcast_in_dim3A_2842 = vector.broadcast %reduce_sum3A_2841 : f32 to vector<16xf32>
      %select_n3A_2843 = arith.select %eq3A_2831, %broadcast_in_dim3A_2842, %select_n3A_2668 : vector<16xi1>, vector<16xf32>
      %reduce_sum3A_2844 = arith.constant true
      %reduce_sum3A_2845 = vector.broadcast %reduce_sum3A_2844 : i1 to vector<16xi1>
      %reduce_sum3A_2846 = tpu.scan <sum>, %add3A_2828 masked %reduce_sum3A_2845 : vector<16xf32>, vector<16xi1> -> vector<16xf32>
      %reduce_sum3A_2847 = vector.extract %reduce_sum3A_2846[15] : f32 from vector<16xf32>
      %broadcast_in_dim3A_2848 = vector.broadcast %reduce_sum3A_2847 : f32 to vector<16xf32>
      %select_n3A_2849 = arith.select %eq3A_2831, %broadcast_in_dim3A_2848, %select_n3A_2674 : vector<16xi1>, vector<16xf32>
      %bitcast3A = vector.bitcast %select_n3A_2843 : vector<16xf32> to vector<16xi32>
      %broadcast_in_dim3A_2850 = arith.constant 1597463007 : i32
      %broadcast_in_dim3A_2851 = vector.broadcast %broadcast_in_dim3A_2850 : i32 to vector<16xi32>
      %shift_right_logical3A = arith.constant 1 : i32
      %shift_right_logical3A_2852 = vector.broadcast %shift_right_logical3A : i32 to vector<16xi32>
      %shift_right_logical3A_2853 = arith.shrui %bitcast3A, %shift_right_logical3A_2852 : vector<16xi32>
      %sub3A = arith.subi %broadcast_in_dim3A_2851, %shift_right_logical3A_2853 : vector<16xi32>
      %bitcast3A_2854 = vector.bitcast %sub3A : vector<16xi32> to vector<16xf32>
      %mul3A_2855 = arith.constant 5.000000e-01 : f32
      %mul3A_2856 = vector.broadcast %mul3A_2855 : f32 to vector<16xf32>
      %mul3A_2857 = arith.mulf %mul3A_2856, %select_n3A_2843 : vector<16xf32>
      %mul3A_2858 = arith.mulf %mul3A_2857, %bitcast3A_2854 : vector<16xf32>
      %mul3A_2859 = arith.mulf %mul3A_2858, %bitcast3A_2854 : vector<16xf32>
      %sub3A_2860 = arith.constant 1.500000e+00 : f32
      %sub3A_2861 = vector.broadcast %sub3A_2860 : f32 to vector<16xf32>
      %sub3A_2862 = arith.subf %sub3A_2861, %mul3A_2859 : vector<16xf32>
      %mul3A_2863 = arith.mulf %bitcast3A_2854, %sub3A_2862 : vector<16xf32>
      %mul3A_2864 = arith.constant 5.000000e-01 : f32
      %mul3A_2865 = vector.broadcast %mul3A_2864 : f32 to vector<16xf32>
      %mul3A_2866 = arith.mulf %mul3A_2865, %select_n3A_2843 : vector<16xf32>
      %mul3A_2867 = arith.mulf %mul3A_2866, %mul3A_2863 : vector<16xf32>
      %mul3A_2868 = arith.mulf %mul3A_2867, %mul3A_2863 : vector<16xf32>
      %sub3A_2869 = arith.constant 1.500000e+00 : f32
      %sub3A_2870 = vector.broadcast %sub3A_2869 : f32 to vector<16xf32>
      %sub3A_2871 = arith.subf %sub3A_2870, %mul3A_2868 : vector<16xf32>
      %mul3A_2872 = arith.mulf %mul3A_2863, %sub3A_2871 : vector<16xf32>
      %mul3A_2873 = arith.constant 5.000000e-01 : f32
      %mul3A_2874 = vector.broadcast %mul3A_2873 : f32 to vector<16xf32>
      %mul3A_2875 = arith.mulf %mul3A_2874, %select_n3A_2843 : vector<16xf32>
      %mul3A_2876 = arith.mulf %mul3A_2875, %mul3A_2872 : vector<16xf32>
      %mul3A_2877 = arith.mulf %mul3A_2876, %mul3A_2872 : vector<16xf32>
      %sub3A_2878 = arith.constant 1.500000e+00 : f32
      %sub3A_2879 = vector.broadcast %sub3A_2878 : f32 to vector<16xf32>
      %sub3A_2880 = arith.subf %sub3A_2879, %mul3A_2877 : vector<16xf32>
      %mul3A_2881 = arith.mulf %mul3A_2872, %sub3A_2880 : vector<16xf32>
      %mul3A_2882 = arith.mulf %select_n3A_2843, %mul3A_2881 : vector<16xf32>
      %max3A = arith.constant 9.99999993E-9 : f32
      %max3A_2883 = vector.broadcast %max3A : f32 to vector<16xf32>
      %max3A_2884 = arith.maximumf %mul3A_2882, %max3A_2883 : vector<16xf32>
      %bitcast3A_2885 = vector.bitcast %select_n3A_2849 : vector<16xf32> to vector<16xi32>
      %broadcast_in_dim3A_2886 = arith.constant 1597463007 : i32
      %broadcast_in_dim3A_2887 = vector.broadcast %broadcast_in_dim3A_2886 : i32 to vector<16xi32>
      %shift_right_logical3A_2888 = arith.constant 1 : i32
      %shift_right_logical3A_2889 = vector.broadcast %shift_right_logical3A_2888 : i32 to vector<16xi32>
      %shift_right_logical3A_2890 = arith.shrui %bitcast3A_2885, %shift_right_logical3A_2889 : vector<16xi32>
      %sub3A_2891 = arith.subi %broadcast_in_dim3A_2887, %shift_right_logical3A_2890 : vector<16xi32>
      %bitcast3A_2892 = vector.bitcast %sub3A_2891 : vector<16xi32> to vector<16xf32>
      %mul3A_2893 = arith.constant 5.000000e-01 : f32
      %mul3A_2894 = vector.broadcast %mul3A_2893 : f32 to vector<16xf32>
      %mul3A_2895 = arith.mulf %mul3A_2894, %select_n3A_2849 : vector<16xf32>
      %mul3A_2896 = arith.mulf %mul3A_2895, %bitcast3A_2892 : vector<16xf32>
      %mul3A_2897 = arith.mulf %mul3A_2896, %bitcast3A_2892 : vector<16xf32>
      %sub3A_2898 = arith.constant 1.500000e+00 : f32
      %sub3A_2899 = vector.broadcast %sub3A_2898 : f32 to vector<16xf32>
      %sub3A_2900 = arith.subf %sub3A_2899, %mul3A_2897 : vector<16xf32>
      %mul3A_2901 = arith.mulf %bitcast3A_2892, %sub3A_2900 : vector<16xf32>
      %mul3A_2902 = arith.constant 5.000000e-01 : f32
      %mul3A_2903 = vector.broadcast %mul3A_2902 : f32 to vector<16xf32>
      %mul3A_2904 = arith.mulf %mul3A_2903, %select_n3A_2849 : vector<16xf32>
      %mul3A_2905 = arith.mulf %mul3A_2904, %mul3A_2901 : vector<16xf32>
      %mul3A_2906 = arith.mulf %mul3A_2905, %mul3A_2901 : vector<16xf32>
      %sub3A_2907 = arith.constant 1.500000e+00 : f32
      %sub3A_2908 = vector.broadcast %sub3A_2907 : f32 to vector<16xf32>
      %sub3A_2909 = arith.subf %sub3A_2908, %mul3A_2906 : vector<16xf32>
      %mul3A_2910 = arith.mulf %mul3A_2901, %sub3A_2909 : vector<16xf32>
      %mul3A_2911 = arith.constant 5.000000e-01 : f32
      %mul3A_2912 = vector.broadcast %mul3A_2911 : f32 to vector<16xf32>
      %mul3A_2913 = arith.mulf %mul3A_2912, %select_n3A_2849 : vector<16xf32>
      %mul3A_2914 = arith.mulf %mul3A_2913, %mul3A_2910 : vector<16xf32>
      %mul3A_2915 = arith.mulf %mul3A_2914, %mul3A_2910 : vector<16xf32>
      %sub3A_2916 = arith.constant 1.500000e+00 : f32
      %sub3A_2917 = vector.broadcast %sub3A_2916 : f32 to vector<16xf32>
      %sub3A_2918 = arith.subf %sub3A_2917, %mul3A_2915 : vector<16xf32>
      %mul3A_2919 = arith.mulf %mul3A_2910, %sub3A_2918 : vector<16xf32>
      %mul3A_2920 = arith.mulf %select_n3A_2849, %mul3A_2919 : vector<16xf32>
      %max3A_2921 = arith.constant 9.99999993E-9 : f32
      %max3A_2922 = vector.broadcast %max3A_2921 : f32 to vector<16xf32>
      %max3A_2923 = arith.maximumf %mul3A_2920, %max3A_2922 : vector<16xf32>
      %mul3A_2924 = arith.mulf %max3A_2884, %max3A_2923 : vector<16xf32>
      %div3A = arith.divf %select_n3A_2837, %mul3A_2924 : vector<16xf32>
      %mul3A_2925 = arith.constant 16 : i32
      %mul3A_2926 = arith.muli %scan3A_47, %mul3A_2925 : i32
      %swap3A = arith.index_cast %mul3A_2926 : i32 to index
      %swap3A_2927 = tpu.vector_load %arg14[%swap3A] {strides = array<i32>} : memref<128xf32, #tpu.memory_space<vmem>>, vector<16xf32>,
      tpu.vector_store %arg14[%swap3A], %div3A {strides = array<i32>} : memref<128xf32, #tpu.memory_space<vmem>>, vector<16xf32>,
      %scan3A_2928 = arith.constant 0 : i32
      scf.yield %scan3A_2928 : i32
    }
    %scan3A_46 = arith.constant 8 : i32
    "tpu.region"() ({
      %run_scoped3A = tpu.sem_alloc : memref<!tpu.dma_semaphore, #tpu.memory_space<semaphore_mem>>
      %dma_start3A_47 = tpu.memref_slice %arg5[%mul3A_2] : memref<4096xf32, #tpu.memory_space<hbm>> -> memref<128xf32, #tpu.memory_space<hbm>>
      %dma_start3A_48 = tpu.memref_slice %arg5[%mul3A_2] : memref<4096xf32, #tpu.memory_space<hbm>> -> memref<128xf32, #tpu.memory_space<hbm>>
      tpu.enqueue_dma source(%arg14 : memref<128xf32, #tpu.memory_space<vmem>>) target(%dma_start3A_48 : memref<128xf32, #tpu.memory_space<hbm>>) target_semaphore(%run_scoped3A : memref<!tpu.dma_semaphore, #tpu.memory_space<semaphore_mem>>)
      %dma_wait3A = tpu.memref_slice %arg5[%mul3A_2] : memref<4096xf32, #tpu.memory_space<hbm>> -> memref<128xf32, #tpu.memory_space<hbm>>
      %dma_wait3A_49 = tpu.memref_slice %arg5[%mul3A_2] : memref<4096xf32, #tpu.memory_space<hbm>> -> memref<128xf32, #tpu.memory_space<hbm>>
      tpu.wait_dma2 semaphore(%run_scoped3A : memref<!tpu.dma_semaphore, #tpu.memory_space<semaphore_mem>>) src(%arg14 : memref<128xf32, #tpu.memory_space<vmem>>) dst(%dma_wait3A_49 : memref<128xf32, #tpu.memory_space<hbm>>)
      tpu.yield
    }) : () -> ()
    return
  }
}

</mosaic_0001>

<sc_bundles>
// kernel: kernel.3.cloned.1.call-start
scs
__scs_entry_jumppad:
0x0: {  	(pc) =	sbr.rel $0x88, $3  }
0x1: {  	(tag) =	ssettag $0x0;
	lr =	simm.s32 $0x1  }
0x2: {  	[smem:$0x3F9E] =	sst lr;
	_ =	strace $0xD0000000  }
0x3: {  	_ = 	snop  }
0x4: {  	_ = 	snop  }
0x5: {  	_ = 	snop  }
0x6: {  	_ = 	snop  }
0x7: {  	_ = 	snop  }
__scs_overlays_trampoline_lowered:
0x8: {  	[smem:$0x3FAD] =	sst s0  }
0x9: {  	[smem:$0x3FAE] =	sst s1  }
0xa: {  	[smem:$0x3FAF] =	sst s2  }
0xb: {  	[smem:$0x3FB0] =	sst s3  }
0xc: {  	[smem:$0x3FB1] =	sst s4  }
0xd: {  	[smem:$0x3FB2] =	sst s5  }
0xe: {  	[smem:$0x3FB3] =	sst s6  }
0xf: {  	[smem:$0x3FB4] =	sst s7  }
0x10: {  	[smem:$0x3FB5] =	sst s8  }
0x11: {  	[smem:$0x3FB6] =	sst s9;
	s0 =	simm.s32 @!p0 $0x0  }
0x12: {  	s1 =	sld [smem:$0x3F9C];
	s0 =	simm.s32 @p0 $0x1  }
0x13: {  	[smem:$0x3FB7] =	sst s0;
	s0 =	simm.s32 @!p1 $0x0  }
0x14: {  	s2 =	sld [smem:$0x3F9B];
	s0 =	simm.s32 @p1 $0x1  }
0x15: {  	[smem:$0x3FB8] =	sst s0;
	s0 =	simm.s32 @!p2 $0x0  }
0x16: {  	s3 =	sld [smem:$0x3FDB];
	s0 =	simm.s32 @p2 $0x1  }
0x17: {  	s4 =	simm.s32 $0x1BF5;
	[smem:$0x3FBA] =	sst s0  }
0x18: {  	s0 =	sld [smem:$0x3F9D];
	_ =	swait.ge [sflag:s4], $0x0  }
0x19: {  	s7 =	sld [smem:$0x3F9E]  }
0x1a: {  	s8 =	sadd.s32 $0xFFFFE003, lr  }
0x1b: {  	s9 =	sadd.s32 $0xFFFFFEF7, lr;
	s5 =	simm.s32 $0xFFFFFFFF;
	p2 =	slt.u32 s8, $0xFFFFF086  }
0x1c: {  	p1 =	slt.u32 s9, $0xF7A;
	s5 =	simm.s32 @!p2 $0x0  }
0x1d: {  	s5 =	simm.s32 @p1 $0x1;
	p0 =	seq.s32 s7, s2  }
0x1e: {  	s7 =	smul.u32 @!p0 $0xF7A, s2;
	p2 =	seq.s32 @!p0 s5, $0x0  }
0x1f: {  	s9 =	smul.u32 $0xF7A, s1;
	s8 =	simm.s32 @!p0 $0x1BF5;
	p2 =	por !p2, p0  }
0x20: {  	[sflag:s8] =	ssyncset.s32 @!p0 $0xFFFFF086;
	s6 =	sadd.s32 @!p0 s3, s7;
	s7 =	simm.s32 @!p0 $0x108  }
0x21: {  	s3 =	sadd.s32 s3, s9;
	s6 =	sadd.s32 @!p0 $0x88, s6;
	s7 =	simm.s32 @p2 $0x1082  }
0x22: {  	[simem:s7], [sflag:s8] =	dma.local @!p0 [hbm:s6], $0xF7A  }
0x23: {  	s9 =	sor.u32 $0xD0000000, s2;
	s6 =	simm.s32 $0x108;
	_ =	swait.ge @!p0 [sflag:s8], $0x0  }
0x24: {  	s3 =	sadd.s32 $0x88, s3;
	s6 =	simm.s32 @!p1 $0x1082;
	[sflag:s4] =	ssyncset.s32 $0xFFFFF086  }
0x25: {  	[simem:s6], [sflag:s4] =	dma.local [hbm:s3], $0xF7A  }
0x26: {  	[smem:$0x3F9E] =	sst s1;
	(tag) =	ssettag s2;
	_ =	strace s9  }
0x27: {  	s1 =	sld [smem:$0x3FAE]  }
0x28: {  	s2 =	sld [smem:$0x3FAF]  }
0x29: {  	s4 =	sld [smem:$0x3FB1]  }
0x2a: {  	p0 =	seq.s32 s5, $0x0;
	s5 =	sld [smem:$0x3FB2]  }
0x2b: {  	s6 =	sld [smem:$0x3FB3]  }
0x2c: {  	s7 =	sld [smem:$0x3FB4]  }
0x2d: {  	s3 =	simm.s32 $0x108;
	s8 =	sld [smem:$0x3FB5]  }
0x2e: {  	s3 =	simm.s32 @!p0 $0x1082;
	s9 =	sld [smem:$0x3FB6]  }
0x2f: {  	lr =	sadd.s32 s0, s3;
	s0 =	sld [smem:$0x3FAD]  }
0x30: {  	s3 =	sld [smem:$0x3FB0]  }
0x31: {  	[smem:$0x3FB9] =	sst s10  }
0x32: {  	s10 =	sld [smem:$0x3FB7];
	_ =	sdelay $0x3  }
0x33: {  	p0 =	seq.s32 s10, $0x1;
	s10 =	sld [smem:$0x3FB9];
	_ =	sdelay $0x3  }
0x34: {  	[smem:$0x3FB9] =	sst s10  }
0x35: {  	s10 =	sld [smem:$0x3FB8];
	_ =	sdelay $0x3  }
0x36: {  	p1 =	seq.s32 s10, $0x1;
	s10 =	sld [smem:$0x3FB9];
	_ =	sdelay $0x3  }
0x37: {  	[smem:$0x3FB9] =	sst s10  }
0x38: {  	s10 =	sld [smem:$0x3FBA]  }
0x39: {  	_ = 	snop;
	(pc) =	sbr.ind lr, $3  }
0x3a: {  	_ = 	snop  }
0x3b: {  	_ = 	snop  }
0x3c: {  	p2 =	seq.s32 s10, $0x1;
	s10 =	sld [smem:$0x3FB9]  }
0x3d: {  	_ =	shalt  }
0x3e: {  	_ =	shalt  }
0x3f: {  	_ =	shalt  }
0x40: {  	_ =	shalt  }
0x41: {  	_ =	shalt  }
0x42: {  	_ =	shalt  }
0x43: {  	_ =	shalt  }
0x44: {  	_ =	shalt  }
0x45: {  	_ =	shalt  }
0x46: {  	_ =	shalt  }
0x47: {  	_ =	shalt  }
0x48: {  	_ =	shalt  }
0x49: {  	_ =	shalt  }
0x4a: {  	_ =	shalt  }
0x4b: {  	_ =	shalt  }
0x4c: {  	_ =	shalt  }
0x4d: {  	_ =	shalt  }
0x4e: {  	_ =	shalt  }
0x4f: {  	_ =	shalt  }
0x50: {  	_ =	shalt  }
0x51: {  	_ =	shalt  }
0x52: {  	_ =	shalt  }
0x53: {  	_ =	shalt  }
0x54: {  	_ =	shalt  }
0x55: {  	_ =	shalt  }
0x56: {  	_ =	shalt  }
0x57: {  	_ =	shalt  }
0x58: {  	_ =	shalt  }
0x59: {  	_ =	shalt  }
0x5a: {  	_ =	shalt  }
0x5b: {  	_ =	shalt  }
0x5c: {  	_ =	shalt  }
0x5d: {  	_ =	shalt  }
0x5e: {  	_ =	shalt  }
0x5f: {  	_ =	shalt  }
0x60: {  	_ =	shalt  }
0x61: {  	_ =	shalt  }
0x62: {  	_ =	shalt  }
0x63: {  	_ =	shalt  }
0x64: {  	_ =	shalt  }
0x65: {  	_ =	shalt  }
0x66: {  	_ =	shalt  }
0x67: {  	_ =	shalt  }
0x68: {  	_ =	shalt  }
0x69: {  	_ =	shalt  }
0x6a: {  	_ =	shalt  }
0x6b: {  	_ =	shalt  }
0x6c: {  	_ =	shalt  }
0x6d: {  	_ =	shalt  }
0x6e: {  	_ =	shalt  }
0x6f: {  	_ =	shalt  }
0x70: {  	_ =	shalt  }
0x71: {  	_ =	shalt  }
0x72: {  	_ =	shalt  }
0x73: {  	_ =	shalt  }
0x74: {  	_ =	shalt  }
0x75: {  	_ =	shalt  }
0x76: {  	_ =	shalt  }
0x77: {  	_ =	shalt  }
0x78: {  	_ =	shalt  }
0x79: {  	_ =	shalt  }
0x7a: {  	_ =	shalt  }
0x7b: {  	_ =	shalt  }
0x7c: {  	_ =	shalt  }
0x7d: {  	_ =	shalt  }
0x7e: {  	_ =	shalt  }
0x7f: {  	_ =	shalt  }
0x80: {  	_ =	shalt  }
0x81: {  	_ =	shalt  }
0x82: {  	_ =	shalt  }
0x83: {  	_ =	shalt  }
0x84: {  	_ =	shalt  }
0x85: {  	_ =	shalt  }
0x86: {  	_ =	shalt  }
0x87: {  	_ =	shalt  }
.Lfunc_end0:
.L_simem_size_0:
called_computation_lowered:
.L_overlay_start_0:
0x88: {  	s2 =	sld [smem:$0x3FD9]  }
0x89: {  	s3 =	sld [smem:$0x3FFE];
	_ =	sdelay $0x1  }
0x8a: {  	s1 =	srdreg.scid  }
0x8b: {  	s0 =	sand.u32 $0x1, s1  }
0x8c: {  	s17 =	sshll.u32 s0, $0xA;
	s2 =	sadd.s32 s3, s2  }
0x8d: {  	s2 =	sadd.s32 s2, s17  }
0x8e: {  	[smem:$0x3FC5] =	sst s2  }
0x8f: {  	_ = 	snop  }
0x90: {  	s2 =	sld [smem:$0x3FC7]  }
0x91: {  	s18 =	sld [smem:$0x3FD0];
	(tm) =	ssettm $0x1  }
0x92: {  	s4 =	sld [smem:$0x3FFB];
	_ =	sdelay $0x3  }
0x93: {  	_ =	strace s4  }
0x94: {  	s4 =	sld [smem:$0x3FFC];
	_ =	sdelay $0x3  }
0x95: {  	_ =	strace s4  }
0x96: {  	s4 =	sld [smem:$0x3FFD];
	_ =	sdelay $0x3  }
0x97: {  	_ =	strace s4  }
0x98: {  	_ =	strace $0x8FFFFFFF  }
0x99: {  	s19 =	sld [smem:$0x3FDB];
	_ =	sdelay $0x1  }
0x9a: {  	s5 =	simm.s32 $_scs_section_size  }
0x9b: {  	s6 =	simm.s32 $_size__tile_overlayer_lowered;
	s7 =	simm.s32 $_tile_overlayer_lowered  }
0x9c: {  	s22 =	simm.s32 $0x1BFF;
	s21 =	sshll.u32 s7, $0x1;
	s4 =	sadd.s32 s5, s19  }
0x9d: {  	s8 =	simm.s32 $0x0;
	s20 =	sshll.u32 s6, $0x1;
	s6 =	sadd.s32 s21, s4  }
0x9e: {  	[timem:s8], [sflag:s22] =	dma.local [hbm:s6], s20  }
0x9f: {  	_ =	swait.ge [sflag:s22], s20  }
0xa0: {  	s5 =	ssub.s32 $0x0, s20;
	[sflag:s22] =	ssyncset.done $0x0  }
0xa1: {  	[sflag:s22] =	ssyncadd.s32 s5;
	_ =	sdelay $0x1  }
0xa2: {  	s23 =	simm.s32 $0x1B8B  }
0xa3: {  	_ =	swait.ge [sflag:s23], $0x1  }
0xa4: {  	[sflag:s23] =	ssyncset.done $0x0  }
0xa5: {  	s25 =	simm.s32 $0x1B8E;
	s24 =	sld [smem:$0x3FFE];
	[sflag:s23] =	ssyncadd.s32 $0xFFFFFFFF  }
0xa6: {  	s26 =	simm.s32 $execute0_lowered;
	[smem:$0x3FD2] =	sst s25  }
0xa7: {  	s6 =	sshll.u32 s26, $0x1;
	_ =	strace $0x80000046;
	[dreg:$0x1] =	wrdreg $0xFFFFFFFF  }
0xa8: {  	s28 =	simm.s32 $_size_execute0_lowered;
	s4 =	sadd.s32 s4, s6;
	[dreg:$0x0] =	wrdreg $0x0  }
0xa9: {  	s6 =	sshll.u32 s28, $0x1;
	[dreg:$0x2] =	wrdreg s4  }
0xaa: {  	[dreg:$0x3] =	wrdreg s6  }
0xab: {  	[dreg:$0x4] =	wrdreg $0xC0  }
0xac: {  	_ =	task [dreg:s8], $0x5FFFF  }
0xad: {  	[dreg:$0x1] =	wrdreg $0xFFFFFFFF  }
0xae: {  	[dreg:$0x0] =	wrdreg $0x60  }
0xaf: {  	[dreg:$0x2] =	wrdreg s24  }
0xb0: {  	[dreg:$0x3] =	wrdreg s2  }
0xb1: {  	[dreg:$0x4] =	wrdreg s18  }
0xb2: {  	[dreg:$0x5] =	wrdreg $0x9  }
0xb3: {  	_ =	task.clear_ibuf [dreg:s8], $0x6FFFF;
	_ =	strace $0x90000046  }
0xb4: {  	s29 =	simm.s32 $0x9;
	_ =	strace $0x80000048  }
0xb5: {  	_ =	swait.ge [sflag:s29], $0x1  }
0xb6: {  	[sflag:s29] =	ssyncadd.s32 $0xFFFFFFFF  }
0xb7: {  	_ =	strace $0x90000048  }
0xb8: {  	_ =	sfence  }
0xb9: {  	s30 =	sld [smem:$0x0];
	_ =	sdelay $0x2  }
0xba: {  	s31 =	sshll.u32 s1, $0xD;
	s1 =	sshrl.u32 s1, $0x2  }
0xbb: {  	s3 =	sand.u32 $0x4000, s31;
	s1 =	sadd.s32 s1, s30  }
0xbc: {  	s0 =	sor.u32 s3, s0;
	s1 =	sshll.u32 s1, $0x11  }
0xbd: {  	s0 =	sor.u32 s1, s0  }
0xbe: {  	s0 =	sadd.s32 $0x8F2B, s0  }
0xbf: {  	[sflag:s0] =	ssyncadd.remote.s32 $0x1  }
0xc0: {  	_ =	sfence.sel $0xFFFF  }
0xc1: {  	[dreg:$0x0] =	wrdreg $0xFFFFFFFF;
	(pc) =	sbr.abs _section_cstart, $3  }
0xc2: {  	[dreg:$0x1] =	wrdreg $0xFFFFFFFF  }
0xc3: {  	_ =	task.clear_ibuf [dreg:s8], $0x2FFFF;
	_ =	strace $0x9FFFFFFF  }
0xc4: {  	(tm) =	ssettm $0x7FFFFFFF  }
0xc5: {  	_ =	shalt  }
tec
execute0_lowered:
.L_overlay_start_1:
0x0: {  	(tag) =	ssettag $0x1  }
0x1: {  	s4 =	rddreg [dreg:$0x0]  }
0x2: {  	s1 =	srdreg.scid;
	s2 =	rddreg [dreg:$0x1]  }
0x3: {  	s0 =	stileid.u32;
	s6 =	rddreg [dreg:$0x2];
	s3 =	simm.s32 $0x0  }
0x4: {  	s11 =	simm.s32 $0x6E00;
	s12 =	simm.s32 $0x48;
	s13 =	simm.s32 $0xAE00  }
0x5: {  	s14 =	simm.s32 $0x1;
	s15 =	simm.s32 $0xD200;
	s16 =	simm.s32 $0x11200  }
0x6: {  	s17 =	simm.s32 $0x2;
	s18 =	simm.s32 $0x28;
	s19 =	simm.s32 $0x13600  }
0x7: {  	s20 =	simm.s32 $0x14A00;
	s5 =	sand.u32 $0x1, s1;
	s30 =	sshll.u32 s0, $0x1  }
0x8: {  	s21 =	simm.s32 $0x1DE00;
	s22 =	simm.s32 $0x0;
	s7 =	sor.u32 s5, s30  }
0x9: {  	s1 =	rddreg [dreg:$0x3];
	s5 =	ssub.s32 $0x2, s5;
	s8 =	smul.u32 $0xC80, s7  }
0xa: {  	vm0 =	vmmov $0x1;
	vm1 =	vmmov $0x3;
	vm2 =	vmmov $0x7;
	[smem:$0x7FF] =	sst s3;
	s9 =	smul.u32 $0x140, s7;
	s31 =	sshrl.u32 s5, $0x1  }
0xb: {  	vm3 =	vmmov $0xf;
	vm4 =	vmmov $0x1f;
	vm5 =	vmmov $0x3f;
	_ =	strace $0x80000047;
	s7 =	sshll.u32 s7, $0x4;
	s10 =	ssub.s32 s5, s31  }
0xc: {  	vm6 =	vmmov $0x7f;
	vm7 =	vmmov $0xff;
	vm8 =	vmmov $0x1ff;
	s6 =	sadd.s32 s6, s7;
	s8 =	sadd.s32 s8, s4;
	s9 =	sadd.s32 s9, s4  }
0xd: {  	vm9 =	vmmov $0x3ff;
	vm10 =	vmmov $0x7ff;
	vm11 =	vmmov $0xfff;
	s7 =	smax.u32 s10, $0x1;
	s10 =	simm.s32 $0x80;
	s4 =	sadd.s32 $0x600, s8  }
0xe: {  	vm12 =	vmmov $0x1fff;
	vm13 =	vmmov $0x3fff;
	vm14 =	vmmov $0x7fff;
	s5 =	sadd.s32 $0x19600, s9;
	s8 =	simm.s32 $0x3;
	s9 =	simm.s32 $0x6400  }
.LBB2_1:
0xf: {  	[tilespmem:s3], [sflag:$0x3] =	stream.linear.gather [hbm4b:s4+s3], $0x6400, $0x38;
	[tilespmem:$0x1DE80] =	vst v63  }
0x10: {  	_ =	swait.ge [sflag:s8], $0x6400  }
0x11: {  	[sflag:s8] =	ssyncset.done $0x0  }
0x12: {  	[sflag:s8] =	ssyncadd.s32 $0xFFFF9C00  }
0x13: {  	[tilespmem:s9], [sflag:$0x3] =	stream.linear.gather [hbm4b:s5+s3], $0xA00, $0x38;
	[tilespmem:$0x1DE80] =	vst v63  }
0x14: {  	_ =	swait.ge [sflag:s8], $0xA00  }
0x15: {  	[sflag:s8] =	ssyncset.done $0x0  }
0x16: {  	[sflag:s8] =	ssyncadd.s32 $0xFFFFF600  }
0x17: {  	[tilespmem:s11], [sflag:$0x1] =	stream.indirect.gather [hbm4b:s2+s10], $0x80, s3, s10, $0xb8;
	[tilespmem:$0x1DE80] =	vst v63  }
0x18: {  	s23 =	simm.s32 $0x0  }
0x19: {  	[tilespmem:s13], [sflag:$0x1] =	stream.indirect.gather [hbm4b:s2+s12], $0x80, s10, s12, $0xb8;
	[tilespmem:$0x1DE80] =	vst v63  }
.LBB2_2:
0x1a: {  	_ =	swait.ge [sflag:s14], $0x4000  }
0x1b: {  	[sflag:s14] =	ssyncset.done $0x0  }
0x1c: {  	s24 =	sshllo.u32 s23, $0x1;
	[sflag:s14] =	ssyncadd.s32 $0xFFFFC000  }
0x1d: {  	s25 =	smul.u32 $0x320, s24;
	_ =	swait.ge [sflag:s14], $0x2400  }
0x1e: {  	[sflag:s14] =	ssyncset.done $0x0  }
0x1f: {  	s25 =	sshra.s32 s25, $0x2;
	[sflag:s14] =	ssyncadd.s32 $0xFFFFDC00  }
0x20: {  	[tilespmem:s15], [sflag:$0x2] =	stream.indirect.gather [hbm4b:s2+s10], $0x80, s25, s10, $0xb8;
	[tilespmem:$0x1DE80] =	vst v63  }
0x21: {  	s28 =	simm.s32 $0x0;
	s25 =	sadd.s32 $0x80, s25  }
0x22: {  	[tilespmem:s16], [sflag:$0x2] =	stream.indirect.gather [hbm4b:s2+s12], $0x80, s25, s12, $0xb8;
	[tilespmem:$0x1DE80] =	vst v63  }
0x23: {  	v0 =	vld [tilespmem:s28+$0x6E70]  }
0x24: {  	v1 =	vld [tilespmem:s28+$0x6E00]  }
0x25: {  	v3 =	vld [tilespmem:s28+$0x6E10]  }
0x26: {  	v12 =	vld [tilespmem:s28+$0x6E20]  }
0x27: {  	v10 =	vld [tilespmem:s28+$0x6E30]  }
0x28: {  	v2 =	vimm.f32 $0.0e+00;
	v6 =	vimm.f32 $0.0e+00;
	v5 =	vld [tilespmem:s28+$0x6E40]  }
0x29: {  	v7 =	vimm.f32 $0.0e+00;
	v8 =	vld [tilespmem:s28+$0x6E50];
	v0 =	vadd.f32 v0, v2;
	v9 =	vadd.f32 v1, v2  }
0x2a: {  	s26 =	simm.s32 $0x400;
	s25 =	simm.s32 $0x80;
	v11 =	vld [tilespmem:s28+$0x6E60];
	v4 =	vadd.f32 v3, v2;
	v3 =	vimm.f32 $0.0e+00;
	v1 =	vimm.f32 $0.0e+00  }
.LBB2_3:
0x2b: {  	p0 =	sne.s32 s26, $0x18E00;
	v13 =	vld [tilespmem:s25+$0x6E70];
	v2 =	vadd.f32 v12, v2  }
0x2c: {  	v14 =	vld [tilespmem:s25+$0x6E00];
	v6 =	vadd.f32 v10, v6  }
0x2d: {  	v15 =	vld [tilespmem:s25+$0x6E10];
	v7 =	vadd.f32 v5, v7  }
.Ltmp0:
0x2e: {  	v12 =	vld [tilespmem:s25+$0x6E20];
	v3 =	vadd.f32 v8, v3;
	(pc) =	sbr.rel @p0 .LBB2_3-.Ltmp0, $4  }
0x2f: {  	v10 =	vld [tilespmem:s25+$0x6E30];
	v1 =	vadd.f32 v11, v1  }
0x30: {  	v5 =	vld [tilespmem:s25+$0x6E40];
	v0 =	vadd.f32 v13, v0  }
0x31: {  	v9 =	vadd.f32 v14, v9;
	v8 =	vld [tilespmem:s25+$0x6E50]  }
0x32: {  	v4 =	vadd.f32 v15, v4;
	v11 =	vld [tilespmem:s25+$0x6E60];
	s25 =	sshra.s32 s26, $0x2;
	s26 =	sadd.s32 $0x200, s26  }
0x33: {  	v14 =	vld [tilespmem:s25+$0x6E00]  }
0x34: {  	v15 =	vld [tilespmem:s25+$0x6E10]  }
0x35: {  	v16 =	vld [tilespmem:s25+$0x6E20]  }
0x36: {  	v17 =	vld [tilespmem:s25+$0x6E30]  }
0x37: {  	v13 =	vld [tilespmem:s25+$0x6E70];
	v2 =	vadd.f32 v12, v2  }
0x38: {  	s26 =	sshll.u32 s23, $0x8;
	v6 =	vadd.f32 v10, v6;
	v10 =	vld [tilespmem:s25+$0x6E60];
	v9 =	vadd.f32 v14, v9  }
0x39: {  	v18 =	vld [tilespmem:s25+$0x6E40];
	s30 =	sand.u32 $0x3FFFFF00, s26;
	v4 =	vadd.f32 v15, v4  }
0x3a: {  	v12 =	vld [tilespmem:s25+$0x6E50];
	v2 =	vadd.f32 v16, v2;
	[tilespmem:s30+$0x15E00] =	vst v9  }
0x3b: {  	v1 =	vadd.f32 v11, v1;
	v6 =	vadd.f32 v17, v6;
	[tilespmem:s30+$0x15E10] =	vst v4  }
0x3c: {  	v5 =	vadd.f32 v5, v7;
	v0 =	vadd.f32 v13, v0;
	[tilespmem:s30+$0x15E20] =	vst v2  }
0x3d: {  	v3 =	vadd.f32 v8, v3;
	v1 =	vadd.f32 v10, v1;
	[tilespmem:s30+$0x15E30] =	vst v6  }
0x3e: {  	v4 =	vadd.f32 v18, v5;
	[tilespmem:s30+$0x15E70] =	vst v0  }
0x3f: {  	v2 =	vadd.f32 v12, v3;
	[tilespmem:s30+$0x15E60] =	vst v1  }
0x40: {  	[tilespmem:s30+$0x15E40] =	vst v4  }
0x41: {  	[tilespmem:s30+$0x15E50] =	vst v2  }
0x42: {  	_ =	swait.ge [sflag:s17], $0x4000  }
0x43: {  	p0 =	seq.s32 s23, $0x3F;
	[sflag:s17] =	ssyncset.done $0x0  }
0x44: {  	s25 =	smul.u32 @!p0 $0x640, s23;
	[sflag:s17] =	ssyncadd.s32 $0xFFFFC000  }
0x45: {  	s31 =	simm.s32 $0x0;
	_ =	swait.ge [sflag:s17], $0x2400  }
0x46: {  	s28 =	simm.s32 @!p0 $0x80;
	s25 =	sshra.s32 @!p0 s25, $0x2;
	[sflag:s17] =	ssyncset.done $0x0  }
0x47: {  	s29 =	simm.s32 @!p0 $0x6E00;
	s26 =	sadd.s32 @!p0 $0x190, s25;
	[sflag:s17] =	ssyncadd.s32 $0xFFFFDC00  }
0x48: {  	[tilespmem:s29], [sflag:$0x1] =	stream.indirect.gather @!p0 [hbm4b:s2+s28], $0x80, s26, s28, $0xb8;
	[tilespmem:$0x1DE80] =	vst v63  }
0x49: {  	s25 =	sadd.s32 @!p0 $0x210, s25;
	s26 =	simm.s32 @!p0 $0x48;
	s28 =	simm.s32 @!p0 $0xAE00  }
0x4a: {  	[tilespmem:s28], [sflag:$0x1] =	stream.indirect.gather @!p0 [hbm4b:s2+s26], $0x80, s25, s26, $0xb8;
	[tilespmem:$0x1DE80] =	vst v63  }
0x4b: {  	v0 =	vld [tilespmem:s31+$0xD270]  }
0x4c: {  	v1 =	vld [tilespmem:s31+$0xD200]  }
0x4d: {  	v3 =	vld [tilespmem:s31+$0xD210]  }
0x4e: {  	v12 =	vld [tilespmem:s31+$0xD220]  }
0x4f: {  	v10 =	vld [tilespmem:s31+$0xD230]  }
0x50: {  	v7 =	vimm.f32 $0.0e+00;
	v2 =	vimm.f32 $0.0e+00;
	v5 =	vld [tilespmem:s31+$0xD240]  }
0x51: {  	v6 =	vimm.f32 $0.0e+00;
	v8 =	vld [tilespmem:s31+$0xD250];
	v0 =	vadd.f32 v0, v2;
	v9 =	vadd.f32 v1, v2  }
0x52: {  	s25 =	simm.s32 $0x80;
	s26 =	simm.s32 $0x400;
	v11 =	vld [tilespmem:s31+$0xD260];
	v4 =	vadd.f32 v3, v2;
	v3 =	vimm.f32 $0.0e+00;
	v1 =	vimm.f32 $0.0e+00  }
.LBB2_5:
0x53: {  	p0 =	sne.s32 s26, $0x18E00;
	v13 =	vld [tilespmem:s25+$0xD270];
	v2 =	vadd.f32 v12, v2  }
0x54: {  	v14 =	vld [tilespmem:s25+$0xD200];
	v6 =	vadd.f32 v10, v6  }
0x55: {  	v15 =	vld [tilespmem:s25+$0xD210];
	v7 =	vadd.f32 v5, v7  }
.Ltmp1:
0x56: {  	v12 =	vld [tilespmem:s25+$0xD220];
	v3 =	vadd.f32 v8, v3;
	(pc) =	sbr.rel @p0 .LBB2_5-.Ltmp1, $4  }
0x57: {  	v10 =	vld [tilespmem:s25+$0xD230];
	v1 =	vadd.f32 v11, v1  }
0x58: {  	v5 =	vld [tilespmem:s25+$0xD240];
	v0 =	vadd.f32 v13, v0  }
0x59: {  	v9 =	vadd.f32 v14, v9;
	v8 =	vld [tilespmem:s25+$0xD250]  }
0x5a: {  	v4 =	vadd.f32 v15, v4;
	v11 =	vld [tilespmem:s25+$0xD260];
	s25 =	sshra.s32 s26, $0x2;
	s26 =	sadd.s32 $0x200, s26  }
0x5b: {  	v14 =	vld [tilespmem:s25+$0xD200]  }
0x5c: {  	v15 =	vld [tilespmem:s25+$0xD210]  }
0x5d: {  	v16 =	vld [tilespmem:s25+$0xD220]  }
0x5e: {  	v17 =	vld [tilespmem:s25+$0xD230]  }
0x5f: {  	v18 =	vld [tilespmem:s25+$0xD240]  }
0x60: {  	v2 =	vadd.f32 v12, v2;
	v60 =	vld [tilespmem:s25+$0xD250];
	s24 =	sshll.u32 s24, $0x7;
	v9 =	vadd.f32 v14, v9  }
0x61: {  	v13 =	vld [tilespmem:s25+$0xD270];
	v6 =	vadd.f32 v10, v6;
	s24 =	sand.u32 $0x3FFFFF80, s24;
	v4 =	vadd.f32 v15, v4  }
0x62: {  	v61 =	vld [tilespmem:s25+$0xD260];
	v5 =	vadd.f32 v5, v7;
	v2 =	vadd.f32 v16, v2;
	[tilespmem:s24+$0x15E00] =	vst v9  }
0x63: {  	s23 =	sadd.s32 $0x1, s23;
	v3 =	vadd.f32 v8, v3;
	v6 =	vadd.f32 v17, v6;
	[tilespmem:s24+$0x15E10] =	vst v4  }
0x64: {  	p0 =	sne.s32 s23, $0x40;
	v62 =	vadd.f32 v18, v5;
	[tilespmem:s24+$0x15E20] =	vst v2  }
.Ltmp2:
0x65: {  	v1 =	vadd.f32 v11, v1;
	v63 =	vadd.f32 v60, v3;
	[tilespmem:s24+$0x15E30] =	vst v6;
	(pc) =	sbr.rel @p0 .LBB2_2-.Ltmp2, $4  }
0x66: {  	v0 =	vadd.f32 v13, v0;
	[tilespmem:s24+$0x15E40] =	vst v62  }
0x67: {  	v1 =	vadd.f32 v61, v1;
	[tilespmem:s24+$0x15E50] =	vst v63  }
0x68: {  	[tilespmem:s24+$0x15E70] =	vst v0  }
0x69: {  	[tilespmem:s24+$0x15E60] =	vst v1  }
0x6a: {  	[tilespmem:s19], [sflag:$0x1] =	stream.indirect.gather [hbm4b:s2+s18], $0x80, s9, s18, $0xb8;
	[tilespmem:$0x1DE80] =	vst v63  }
0x6b: {  	s23 =	simm.s32 $0x0  }
.LBB2_8:
0x6c: {  	s24 =	sshllo.u32 s23, $0x1  }
0x6d: {  	s25 =	smul.u32 $0xA0, s24  }
0x6e: {  	_ =	swait.ge [sflag:s14], $0x1400  }
0x6f: {  	[sflag:s14] =	ssyncset.done $0x0;
	s25 =	sshra.s32 s25, $0x2  }
0x70: {  	s28 =	simm.s32 $0x0;
	[sflag:s14] =	ssyncadd.s32 $0xFFFFEC00;
	s25 =	sadd.s32 $0x6400, s25  }
0x71: {  	[tilespmem:s20], [sflag:$0x2] =	stream.indirect.gather [hbm4b:s2+s18], $0x80, s25, s18, $0xb8;
	[tilespmem:$0x1DE80] =	vst v63  }
0x72: {  	v0 =	vld [tilespmem:s28+$0x13670]  }
0x73: {  	v1 =	vld [tilespmem:s28+$0x13600]  }
0x74: {  	v3 =	vld [tilespmem:s28+$0x13610]  }
0x75: {  	v12 =	vld [tilespmem:s28+$0x13620]  }
0x76: {  	v10 =	vld [tilespmem:s28+$0x13630]  }
0x77: {  	v2 =	vimm.f32 $0.0e+00;
	v6 =	vimm.f32 $0.0e+00;
	v5 =	vld [tilespmem:s28+$0x13640]  }
0x78: {  	v7 =	vimm.f32 $0.0e+00;
	v8 =	vld [tilespmem:s28+$0x13650];
	v0 =	vadd.f32 v0, v2;
	v9 =	vadd.f32 v1, v2  }
0x79: {  	s26 =	simm.s32 $0x400;
	s25 =	simm.s32 $0x80;
	v11 =	vld [tilespmem:s28+$0x13660];
	v4 =	vadd.f32 v3, v2;
	v3 =	vimm.f32 $0.0e+00;
	v1 =	vimm.f32 $0.0e+00  }
.LBB2_9:
0x7a: {  	p0 =	sne.s32 s26, $0x2600;
	v13 =	vld [tilespmem:s25+$0x13670];
	v2 =	vadd.f32 v12, v2  }
0x7b: {  	v14 =	vld [tilespmem:s25+$0x13600];
	v6 =	vadd.f32 v10, v6  }
0x7c: {  	v15 =	vld [tilespmem:s25+$0x13610];
	v7 =	vadd.f32 v5, v7  }
.Ltmp3:
0x7d: {  	v12 =	vld [tilespmem:s25+$0x13620];
	v3 =	vadd.f32 v8, v3;
	(pc) =	sbr.rel @p0 .LBB2_9-.Ltmp3, $4  }
0x7e: {  	v10 =	vld [tilespmem:s25+$0x13630];
	v1 =	vadd.f32 v11, v1  }
0x7f: {  	v5 =	vld [tilespmem:s25+$0x13640];
	v0 =	vadd.f32 v13, v0  }
0x80: {  	v9 =	vadd.f32 v14, v9;
	v8 =	vld [tilespmem:s25+$0x13650]  }
0x81: {  	v4 =	vadd.f32 v15, v4;
	v11 =	vld [tilespmem:s25+$0x13660];
	s25 =	sshra.s32 s26, $0x2;
	s26 =	sadd.s32 $0x200, s26  }
0x82: {  	v13 =	vld [tilespmem:s25+$0x13670]  }
0x83: {  	v14 =	vld [tilespmem:s25+$0x13600]  }
0x84: {  	v15 =	vld [tilespmem:s25+$0x13610]  }
0x85: {  	v16 =	vld [tilespmem:s25+$0x13620]  }
0x86: {  	v17 =	vld [tilespmem:s25+$0x13630]  }
0x87: {  	v18 =	vld [tilespmem:s25+$0x13640];
	v2 =	vadd.f32 v12, v2  }
0x88: {  	s26 =	sshll.u32 s23, $0x9;
	v6 =	vadd.f32 v10, v6;
	v10 =	vld [tilespmem:s25+$0x13660];
	v9 =	vadd.f32 v14, v9  }
0x89: {  	v12 =	vld [tilespmem:s25+$0x13650];
	s25 =	sand.u32 $0x3FFFFE00, s26;
	v4 =	vadd.f32 v15, v4  }
0x8a: {  	v2 =	vadd.f32 v16, v2;
	[tilespmem:s25+$0x19E00] =	vst v9  }
0x8b: {  	v1 =	vadd.f32 v11, v1;
	v6 =	vadd.f32 v17, v6;
	[tilespmem:s25+$0x19E10] =	vst v4  }
0x8c: {  	v5 =	vadd.f32 v5, v7;
	v0 =	vadd.f32 v13, v0;
	[tilespmem:s25+$0x19E20] =	vst v2  }
0x8d: {  	v3 =	vadd.f32 v8, v3;
	v1 =	vadd.f32 v10, v1;
	[tilespmem:s25+$0x19E30] =	vst v6  }
0x8e: {  	v4 =	vadd.f32 v18, v5;
	[tilespmem:s25+$0x19E70] =	vst v0  }
0x8f: {  	v2 =	vadd.f32 v12, v3;
	[tilespmem:s25+$0x19E60] =	vst v1  }
0x90: {  	[tilespmem:s25+$0x19E40] =	vst v4  }
0x91: {  	s29 =	simm.s32 $0x0;
	[tilespmem:s25+$0x19E50] =	vst v2  }
0x92: {  	v0 =	vld [tilespmem:s29+$0x14070]  }
0x93: {  	v2 =	vld [tilespmem:s29+$0x14000]  }
0x94: {  	v3 =	vld [tilespmem:s29+$0x14010]  }
0x95: {  	v11 =	vld [tilespmem:s29+$0x14020]  }
0x96: {  	v10 =	vld [tilespmem:s29+$0x14030]  }
0x97: {  	v8 =	vimm.f32 $0.0e+00;
	v1 =	vimm.f32 $0.0e+00;
	v7 =	vld [tilespmem:s29+$0x14040]  }
0x98: {  	v6 =	vimm.f32 $0.0e+00;
	v4 =	vimm.f32 $0.0e+00;
	v9 =	vld [tilespmem:s29+$0x14050];
	v0 =	vadd.f32 v0, v1  }
0x99: {  	s28 =	simm.s32 $0x400;
	s26 =	simm.s32 $0x80;
	v12 =	vld [tilespmem:s29+$0x14060];
	v5 =	vadd.f32 v2, v1;
	v3 =	vadd.f32 v3, v1;
	v2 =	vimm.f32 $0.0e+00  }
.LBB2_11:
0x9a: {  	p0 =	sne.s32 s28, $0x2600;
	v13 =	vld [tilespmem:s26+$0x14070];
	v1 =	vadd.f32 v11, v1  }
0x9b: {  	v14 =	vld [tilespmem:s26+$0x14000];
	v6 =	vadd.f32 v10, v6  }
0x9c: {  	v15 =	vld [tilespmem:s26+$0x14010];
	v8 =	vadd.f32 v7, v8  }
.Ltmp4:
0x9d: {  	v11 =	vld [tilespmem:s26+$0x14020];
	v4 =	vadd.f32 v9, v4;
	(pc) =	sbr.rel @p0 .LBB2_11-.Ltmp4, $4  }
0x9e: {  	v10 =	vld [tilespmem:s26+$0x14030];
	v2 =	vadd.f32 v12, v2  }
0x9f: {  	v7 =	vld [tilespmem:s26+$0x14040];
	v0 =	vadd.f32 v13, v0  }
0xa0: {  	v5 =	vadd.f32 v14, v5;
	v9 =	vld [tilespmem:s26+$0x14050]  }
0xa1: {  	v3 =	vadd.f32 v15, v3;
	v12 =	vld [tilespmem:s26+$0x14060];
	s26 =	sshra.s32 s28, $0x2;
	s28 =	sadd.s32 $0x200, s28  }
0xa2: {  	v14 =	vld [tilespmem:s26+$0x14000]  }
0xa3: {  	v15 =	vld [tilespmem:s26+$0x14010]  }
0xa4: {  	v16 =	vld [tilespmem:s26+$0x14020]  }
0xa5: {  	v13 =	vld [tilespmem:s26+$0x14070]  }
0xa6: {  	v6 =	vadd.f32 v10, v6;
	v10 =	vld [tilespmem:s26+$0x14060]  }
0xa7: {  	v17 =	vld [tilespmem:s26+$0x14030];
	v1 =	vadd.f32 v11, v1;
	v5 =	vadd.f32 v14, v5  }
0xa8: {  	v18 =	vld [tilespmem:s26+$0x14040];
	v3 =	vadd.f32 v15, v3  }
0xa9: {  	v11 =	vld [tilespmem:s26+$0x14050];
	v2 =	vadd.f32 v12, v2;
	v1 =	vadd.f32 v16, v1;
	[tilespmem:s25+$0x19E80] =	vst v5  }
0xaa: {  	v0 =	vadd.f32 v13, v0;
	[tilespmem:s25+$0x19E90] =	vst v3  }
0xab: {  	v7 =	vadd.f32 v7, v8;
	v2 =	vadd.f32 v10, v2;
	[tilespmem:s25+$0x19EA0] =	vst v1  }
0xac: {  	v4 =	vadd.f32 v9, v4;
	v5 =	vadd.f32 v17, v6;
	[tilespmem:s25+$0x19EF0] =	vst v0  }
0xad: {  	v3 =	vadd.f32 v18, v7;
	[tilespmem:s25+$0x19EE0] =	vst v2  }
0xae: {  	v1 =	vadd.f32 v11, v4;
	[tilespmem:s25+$0x19EB0] =	vst v5  }
0xaf: {  	p0 =	seq.s32 s23, $0x1F;
	[tilespmem:s25+$0x19EC0] =	vst v3  }
0xb0: {  	[tilespmem:s25+$0x19ED0] =	vst v1;
	s25 =	smul.u32 @!p0 $0x140, s23  }
0xb1: {  	s31 =	simm.s32 $0x0;
	_ =	swait.ge [sflag:s17], $0x1400  }
0xb2: {  	s26 =	simm.s32 @!p0 $0x28;
	[sflag:s17] =	ssyncset.done $0x0;
	s25 =	sshra.s32 @!p0 s25, $0x2  }
0xb3: {  	s28 =	simm.s32 @!p0 $0x13600;
	[sflag:s17] =	ssyncadd.s32 $0xFFFFEC00;
	s25 =	sadd.s32 @!p0 $0x6450, s25  }
0xb4: {  	[tilespmem:s28], [sflag:$0x1] =	stream.indirect.gather @!p0 [hbm4b:s2+s26], $0x80, s25, s26, $0xb8;
	[tilespmem:$0x1DE80] =	vst v63  }
0xb5: {  	v0 =	vld [tilespmem:s31+$0x14A70]  }
0xb6: {  	v1 =	vld [tilespmem:s31+$0x14A00]  }
0xb7: {  	v3 =	vld [tilespmem:s31+$0x14A10]  }
0xb8: {  	v12 =	vld [tilespmem:s31+$0x14A20]  }
0xb9: {  	v10 =	vld [tilespmem:s31+$0x14A30]  }
0xba: {  	v6 =	vimm.f32 $0.0e+00;
	v2 =	vimm.f32 $0.0e+00;
	v5 =	vld [tilespmem:s31+$0x14A40]  }
0xbb: {  	v7 =	vimm.f32 $0.0e+00;
	v8 =	vld [tilespmem:s31+$0x14A50];
	v0 =	vadd.f32 v0, v2;
	v9 =	vadd.f32 v1, v2  }
0xbc: {  	s25 =	simm.s32 $0x80;
	s26 =	simm.s32 $0x400;
	v11 =	vld [tilespmem:s31+$0x14A60];
	v4 =	vadd.f32 v3, v2;
	v3 =	vimm.f32 $0.0e+00;
	v1 =	vimm.f32 $0.0e+00  }
.LBB2_13:
0xbd: {  	p0 =	sne.s32 s26, $0x2600;
	v13 =	vld [tilespmem:s25+$0x14A70];
	v2 =	vadd.f32 v12, v2  }
0xbe: {  	v14 =	vld [tilespmem:s25+$0x14A00];
	v6 =	vadd.f32 v10, v6  }
0xbf: {  	v15 =	vld [tilespmem:s25+$0x14A10];
	v7 =	vadd.f32 v5, v7  }
.Ltmp5:
0xc0: {  	v12 =	vld [tilespmem:s25+$0x14A20];
	v3 =	vadd.f32 v8, v3;
	(pc) =	sbr.rel @p0 .LBB2_13-.Ltmp5, $4  }
0xc1: {  	v10 =	vld [tilespmem:s25+$0x14A30];
	v1 =	vadd.f32 v11, v1  }
0xc2: {  	v5 =	vld [tilespmem:s25+$0x14A40];
	v0 =	vadd.f32 v13, v0  }
0xc3: {  	v9 =	vadd.f32 v14, v9;
	v8 =	vld [tilespmem:s25+$0x14A50]  }
0xc4: {  	v4 =	vadd.f32 v15, v4;
	v11 =	vld [tilespmem:s25+$0x14A60];
	s25 =	sshra.s32 s26, $0x2;
	s26 =	sadd.s32 $0x200, s26  }
0xc5: {  	v14 =	vld [tilespmem:s25+$0x14A00]  }
0xc6: {  	v15 =	vld [tilespmem:s25+$0x14A10]  }
0xc7: {  	v16 =	vld [tilespmem:s25+$0x14A20]  }
0xc8: {  	v17 =	vld [tilespmem:s25+$0x14A30]  }
0xc9: {  	v13 =	vld [tilespmem:s25+$0x14A70];
	v2 =	vadd.f32 v12, v2  }
0xca: {  	s24 =	sshll.u32 s24, $0x8;
	v6 =	vadd.f32 v10, v6;
	v10 =	vld [tilespmem:s25+$0x14A60];
	v9 =	vadd.f32 v14, v9  }
0xcb: {  	v18 =	vld [tilespmem:s25+$0x14A40];
	s24 =	sand.u32 $0x3FFFFF00, s24;
	v4 =	vadd.f32 v15, v4  }
0xcc: {  	v12 =	vld [tilespmem:s25+$0x14A50];
	v2 =	vadd.f32 v16, v2;
	[tilespmem:s24+$0x19E00] =	vst v9  }
0xcd: {  	v1 =	vadd.f32 v11, v1;
	v6 =	vadd.f32 v17, v6;
	[tilespmem:s24+$0x19E10] =	vst v4  }
0xce: {  	v5 =	vadd.f32 v5, v7;
	v0 =	vadd.f32 v13, v0;
	[tilespmem:s24+$0x19E20] =	vst v2  }
0xcf: {  	v3 =	vadd.f32 v8, v3;
	v1 =	vadd.f32 v10, v1;
	[tilespmem:s24+$0x19E30] =	vst v6  }
0xd0: {  	v4 =	vadd.f32 v18, v5;
	[tilespmem:s24+$0x19E70] =	vst v0  }
0xd1: {  	v2 =	vadd.f32 v12, v3;
	[tilespmem:s24+$0x19E60] =	vst v1  }
0xd2: {  	[tilespmem:s24+$0x19E40] =	vst v4  }
0xd3: {  	s28 =	simm.s32 $0x0;
	[tilespmem:s24+$0x19E50] =	vst v2  }
0xd4: {  	v0 =	vld [tilespmem:s28+$0x15470]  }
0xd5: {  	v2 =	vld [tilespmem:s28+$0x15400]  }
0xd6: {  	v3 =	vld [tilespmem:s28+$0x15410]  }
0xd7: {  	v11 =	vld [tilespmem:s28+$0x15420]  }
0xd8: {  	v10 =	vld [tilespmem:s28+$0x15430]  }
0xd9: {  	v8 =	vimm.f32 $0.0e+00;
	v1 =	vimm.f32 $0.0e+00;
	v7 =	vld [tilespmem:s28+$0x15440]  }
0xda: {  	v6 =	vimm.f32 $0.0e+00;
	v4 =	vimm.f32 $0.0e+00;
	v9 =	vld [tilespmem:s28+$0x15450];
	v0 =	vadd.f32 v0, v1  }
0xdb: {  	s26 =	simm.s32 $0x400;
	s25 =	simm.s32 $0x80;
	v12 =	vld [tilespmem:s28+$0x15460];
	v5 =	vadd.f32 v2, v1;
	v3 =	vadd.f32 v3, v1;
	v2 =	vimm.f32 $0.0e+00  }
.LBB2_15:
0xdc: {  	p0 =	sne.s32 s26, $0x2600;
	v13 =	vld [tilespmem:s25+$0x15470];
	v1 =	vadd.f32 v11, v1  }
0xdd: {  	v14 =	vld [tilespmem:s25+$0x15400];
	v6 =	vadd.f32 v10, v6  }
0xde: {  	v15 =	vld [tilespmem:s25+$0x15410];
	v8 =	vadd.f32 v7, v8  }
.Ltmp6:
0xdf: {  	v11 =	vld [tilespmem:s25+$0x15420];
	v4 =	vadd.f32 v9, v4;
	(pc) =	sbr.rel @p0 .LBB2_15-.Ltmp6, $4  }
0xe0: {  	v10 =	vld [tilespmem:s25+$0x15430];
	v2 =	vadd.f32 v12, v2  }
0xe1: {  	v7 =	vld [tilespmem:s25+$0x15440];
	v0 =	vadd.f32 v13, v0  }
0xe2: {  	v5 =	vadd.f32 v14, v5;
	v9 =	vld [tilespmem:s25+$0x15450]  }
0xe3: {  	v3 =	vadd.f32 v15, v3;
	v12 =	vld [tilespmem:s25+$0x15460];
	s25 =	sshra.s32 s26, $0x2;
	s26 =	sadd.s32 $0x200, s26  }
0xe4: {  	v14 =	vld [tilespmem:s25+$0x15400]  }
0xe5: {  	v15 =	vld [tilespmem:s25+$0x15410]  }
0xe6: {  	v16 =	vld [tilespmem:s25+$0x15420]  }
0xe7: {  	v17 =	vld [tilespmem:s25+$0x15430]  }
0xe8: {  	v18 =	vld [tilespmem:s25+$0x15440]  }
0xe9: {  	v1 =	vadd.f32 v11, v1;
	v59 =	vld [tilespmem:s25+$0x15450];
	v5 =	vadd.f32 v14, v5  }
0xea: {  	v13 =	vld [tilespmem:s25+$0x15470];
	v6 =	vadd.f32 v10, v6;
	v3 =	vadd.f32 v15, v3  }
0xeb: {  	v60 =	vld [tilespmem:s25+$0x15460];
	v7 =	vadd.f32 v7, v8;
	v1 =	vadd.f32 v16, v1;
	[tilespmem:s24+$0x19E80] =	vst v5  }
0xec: {  	s23 =	sadd.s32 $0x1, s23;
	v4 =	vadd.f32 v9, v4;
	v61 =	vadd.f32 v17, v6;
	[tilespmem:s24+$0x19E90] =	vst v3  }
0xed: {  	p0 =	sne.s32 s23, $0x20;
	v62 =	vadd.f32 v18, v7;
	[tilespmem:s24+$0x19EA0] =	vst v1  }
.Ltmp7:
0xee: {  	v2 =	vadd.f32 v12, v2;
	v63 =	vadd.f32 v59, v4;
	[tilespmem:s24+$0x19EB0] =	vst v61;
	(pc) =	sbr.rel @p0 .LBB2_8-.Ltmp7, $4  }
0xef: {  	v0 =	vadd.f32 v13, v0;
	[tilespmem:s24+$0x19EC0] =	vst v62  }
0xf0: {  	v2 =	vadd.f32 v60, v2;
	[tilespmem:s24+$0x19ED0] =	vst v63  }
0xf1: {  	[tilespmem:s24+$0x19EF0] =	vst v0  }
0xf2: {  	[tilespmem:s24+$0x19EE0] =	vst v2  }
0xf3: {  	s23 =	simm.s32 $0x0  }
.LBB2_18:
0xf4: {  	s24 =	sshll.u32 s23, $0xB  }
0xf5: {  	v0 =	vld [tilespmem:s24+$0x15E00]  }
0xf6: {  	v1 =	vld [tilespmem:s24+$0x19E00]  }
0xf7: {  	v2 =	vld [tilespmem:s24+$0x15E10]  }
0xf8: {  	v3 =	vld [tilespmem:s24+$0x19E10]  }
0xf9: {  	v4 =	vld [tilespmem:s24+$0x15E20]  }
0xfa: {  	v5 =	vld [tilespmem:s24+$0x19E20]  }
0xfb: {  	v6 =	vld [tilespmem:s24+$0x15E30]  }
0xfc: {  	v8 =	vld [tilespmem:s24+$0x19E30]  }
0xfd: {  	v10 =	vld [tilespmem:s24+$0x15E40]  }
0xfe: {  	v11 =	vld [tilespmem:s24+$0x19E40]  }
0xff: {  	v12 =	vld [tilespmem:s24+$0x15E50]  }
0x100: {  	v49 =	vld [tilespmem:s24+$0x15E60]  }
0x101: {  	v51 =	vld [tilespmem:s24+$0x19E60]  }
0x102: {  	v13 =	vld [tilespmem:s24+$0x15E70]  }
0x103: {  	v55 =	vld [tilespmem:s24+$0x19E70]  }
0x104: {  	v59 =	vld [tilespmem:s24+$0x15E80]  }
0x105: {  	v16 =	vld [tilespmem:s24+$0x15E90];
	v0 =	vmul.f32 $4.999999890e-03, v0  }
0x106: {  	v19 =	vld [tilespmem:s24+$0x19E90];
	v1 =	vmul.f32 $5.000000070e-02, v1;
	v2 =	vmul.f32 $4.999999890e-03, v2  }
0x107: {  	v23 =	vld [tilespmem:s24+$0x15EA0];
	v3 =	vmul.f32 $5.000000070e-02, v3;
	v4 =	vmul.f32 $4.999999890e-03, v4  }
0x108: {  	v26 =	vld [tilespmem:s24+$0x19EA0];
	v5 =	vmul.f32 $5.000000070e-02, v5;
	v45 =	vmul.f32 $4.999999890e-03, v6  }
0x109: {  	v28 =	vld [tilespmem:s24+$0x15EB0];
	v46 =	vmul.f32 $5.000000070e-02, v8;
	v47 =	vmul.f32 $4.999999890e-03, v10  }
0x10a: {  	v14 =	vld [tilespmem:s24+$0x19EB0];
	v48 =	vmul.f32 $5.000000070e-02, v11;
	v54 =	vmul.f32 $4.999999890e-03, v12  }
0x10b: {  	v36 =	vld [tilespmem:s24+$0x15ED0];
	v62 =	vmul.f32 $4.999999890e-03, v49;
	v63 =	vmul.f32 $5.000000070e-02, v51  }
0x10c: {  	v17 =	vmul.f32 $4.999999890e-03, v13;
	v18 =	vmul.f32 $5.000000070e-02, v55  }
0x10d: {  	v27 =	vmul.f32 $4.999999890e-03, v59;
	v10 =	vmul.f32 $4.999999890e-03, v16  }
0x10e: {  	v12 =	vmul.f32 $5.000000070e-02, v19;
	v33 =	vmul.f32 $4.999999890e-03, v23  }
0x10f: {  	v34 =	vmul.f32 $5.000000070e-02, v26;
	v8 =	vmul.f32 $4.999999890e-03, v28  }
0x110: {  	v35 =	vmul.f32 $5.000000070e-02, v14;
	v51 =	vmul.f32 $4.999999890e-03, v36  }
0x111: {  	v7 =	vmul.f32 v1, v0;
	v0 =	vmul.f32 v0, v0  }
0x112: {  	v44 =	vld [tilespmem:s24+$0x19E50];
	v9 =	vmul.f32 v3, v2;
	v1 =	vmul.f32 v1, v1  }
0x113: {  	v2 =	vmul.f32 v2, v2;
	v3 =	vmul.f32 v3, v3  }
0x114: {  	v41 =	vmul.f32 v5, v4;
	v42 =	vmul.f32 v4, v4  }
0x115: {  	v43 =	vmul.f32 v5, v5;
	v50 =	vmul.f32 v46, v45  }
0x116: {  	v52 =	vmul.f32 v46, v46;
	v53 =	vmul.f32 v48, v47  }
0x117: {  	v5 =	vmul.f32 $5.000000070e-02, v44;
	v56 =	vmul.f32 v47, v47  }
0x118: {  	v57 =	vmul.f32 v48, v48;
	v60 =	vmul.f32 v54, v54  }
0x119: {  	v20 =	vmul.f32 v63, v62;
	v4 =	vmul.f32 v62, v62  }
0x11a: {  	v21 =	vmul.f32 v63, v63;
	v22 =	vmul.f32 v18, v17  }
0x11b: {  	v24 =	vmul.f32 v17, v17;
	v25 =	vmul.f32 v18, v18  }
0x11c: {  	v40 =	vld [tilespmem:s24+$0x15EE0];
	v31 =	vmul.f32 v12, v10;
	v10 =	vmul.f32 v10, v10  }
0x11d: {  	v32 =	vld [tilespmem:s24+$0x15EC0];
	v12 =	vmul.f32 v12, v12;
	v37 =	vmul.f32 v34, v33  }
0x11e: {  	v6 =	vmul.f32 v34, v34;
	v39 =	vmul.f32 v35, v8;
	v63 =	vld [tilespmem:s24+$0x19F10]  }
0x11f: {  	v16 =	vld [tilespmem:s24+$0x19EC0];
	v7 =	vadd.f32 $0.0e+00, v7;
	v1 =	vadd.f32 v3, v1;
	v3 =	vmul.f32 v45, v45  }
0x120: {  	v38 =	vld [tilespmem:s24+$0x19ED0];
	v0 =	vadd.f32 v2, v0;
	v58 =	vmul.f32 v5, v54;
	v5 =	vmul.f32 v5, v5  }
0x121: {  	v18 =	vld [tilespmem:s24+$0x15F30];
	v45 =	vmul.f32 v35, v35;
	v54 =	vmul.f32 $4.999999890e-03, v40  }
0x122: {  	v61 =	vld [tilespmem:s24+$0x19E80];
	v7 =	vadd.f32 v9, v7;
	v0 =	vadd.f32 v42, v0;
	v9 =	vmul.f32 $4.999999890e-03, v32  }
0x123: {  	v1 =	vadd.f32 v43, v1;
	v43 =	vmul.f32 v8, v8;
	v28 =	vmul.f32 $5.000000070e-02, v63  }
0x124: {  	v42 =	vld [tilespmem:s24+$0x19EE0];
	v7 =	vadd.f32 v41, v7;
	v0 =	vadd.f32 v3, v0;
	v41 =	vmul.f32 $5.000000070e-02, v16  }
0x125: {  	v1 =	vadd.f32 v52, v1;
	v48 =	vmul.f32 v9, v9;
	v52 =	vmul.f32 $5.000000070e-02, v38  }
0x126: {  	v38 =	vmul.f32 $4.999999890e-03, v18;
	v35 =	vmul.f32 v28, v28;
	v2 =	vadd.f32 v50, v7  }
0x127: {  	v47 =	vld [tilespmem:s24+$0x15EF0];
	v0 =	vadd.f32 v56, v0;
	v7 =	vmul.f32 $5.000000070e-02, v61;
	v46 =	vmul.f32 v41, v9  }
0x128: {  	v34 =	vld [tilespmem:s24+$0x19F40];
	v1 =	vadd.f32 v57, v1;
	v49 =	vmul.f32 v41, v41;
	v57 =	vmul.f32 v52, v51  }
0x129: {  	v50 =	vld [tilespmem:s24+$0x19EF0];
	v61 =	vmul.f32 v54, v54;
	v55 =	vmul.f32 $5.000000070e-02, v42  }
0x12a: {  	v56 =	vld [tilespmem:s24+$0x19F00];
	v2 =	vadd.f32 v53, v2;
	v0 =	vadd.f32 v60, v0;
	v29 =	vmul.f32 v7, v27  }
0x12b: {  	v42 =	vld [tilespmem:s24+$0x15F60];
	v1 =	vadd.f32 v5, v1;
	v30 =	vmul.f32 v7, v7;
	v59 =	vmul.f32 v55, v54  }
0x12c: {  	v53 =	vld [tilespmem:s24+$0x15F00];
	v62 =	vmul.f32 v55, v55;
	v2 =	vadd.f32 v58, v2;
	v0 =	vadd.f32 v4, v0  }
0x12d: {  	v60 =	vld [tilespmem:s24+$0x15F10];
	v5 =	vadd.f32 v21, v1;
	v4 =	vmul.f32 v27, v27;
	v15 =	vadd.f32 $0.0e+00, v29  }
0x12e: {  	v3 =	vadd.f32 v12, v30;
	v58 =	vmul.f32 v52, v52;
	v21 =	vmul.f32 $4.999999890e-03, v47  }
0x12f: {  	v47 =	vmul.f32 $5.000000070e-02, v34;
	v2 =	vadd.f32 v20, v2;
	v0 =	vadd.f32 v24, v0  }
0x130: {  	v19 =	vld [tilespmem:s24+$0x19F30];
	v4 =	vadd.f32 v10, v4;
	v10 =	vmul.f32 $5.000000070e-02, v50;
	v24 =	vmul.f32 $5.000000070e-02, v56  }
0x131: {  	v7 =	vadd.f32 v31, v15;
	v31 =	vld [tilespmem:s24+$0x15F40];
	v11 =	vmul.f32 v47, v47;
	v54 =	vmul.f32 $4.999999890e-03, v42  }
0x132: {  	v56 =	vld [tilespmem:s24+$0x19F80];
	v23 =	vmul.f32 $4.999999890e-03, v53;
	v27 =	vmul.f32 $4.999999890e-03, v60;
	v1 =	vadd.f32 v22, v2  }
0x133: {  	v42 =	vld [tilespmem:s24+$0x15FE0];
	v2 =	vadd.f32 v25, v5;
	v5 =	vmul.f32 v33, v33;
	v26 =	vmul.f32 v10, v21  }
0x134: {  	v3 =	vadd.f32 v6, v3;
	v53 =	vld [tilespmem:s24+$0x15F80];
	v10 =	vmul.f32 v10, v10;
	v13 =	vmul.f32 v24, v24  }
0x135: {  	v7 =	vadd.f32 v37, v7;
	v22 =	vld [tilespmem:s24+$0x15F20];
	v17 =	vmul.f32 v24, v23;
	v9 =	vmul.f32 v23, v23  }
0x136: {  	v3 =	vadd.f32 v45, v3;
	v25 =	vld [tilespmem:s24+$0x19F20];
	v33 =	vmul.f32 v28, v27;
	v16 =	vmul.f32 v27, v27  }
0x137: {  	v37 =	vld [tilespmem:s24+$0x15F50];
	v4 =	vadd.f32 v5, v4;
	v44 =	vadd.f32 v39, v7;
	v39 =	vmul.f32 $5.000000070e-02, v19  }
0x138: {  	v45 =	vld [tilespmem:s24+$0x19F60];
	v7 =	vmul.f32 v51, v51;
	v9 =	vadd.f32 v16, v9;
	v16 =	vmul.f32 $5.000000070e-02, v56  }
0x139: {  	v40 =	vld [tilespmem:s24+$0x19F50];
	v56 =	vmul.f32 $4.999999890e-03, v42;
	v4 =	vadd.f32 v43, v4;
	v41 =	vmul.f32 v39, v38  }
0x13a: {  	v6 =	vadd.f32 v46, v44;
	v43 =	vmul.f32 v38, v38;
	v44 =	vmul.f32 v39, v39  }
0x13b: {  	v27 =	vld [tilespmem:s24+$0x19FA0];
	v32 =	vadd.f32 $0.0e+00, v17;
	v46 =	vmul.f32 $4.999999890e-03, v31;
	v19 =	vmul.f32 $4.999999890e-03, v53  }
0x13c: {  	v3 =	vadd.f32 v49, v3;
	v49 =	vld [tilespmem:s24+$0x15F70];
	v29 =	vmul.f32 $4.999999890e-03, v22;
	v30 =	vmul.f32 $5.000000070e-02, v25  }
0x13d: {  	v51 =	vld [tilespmem:s24+$0x19F70];
	v14 =	vadd.f32 v33, v32;
	v12 =	vmul.f32 $4.999999890e-03, v37;
	v55 =	vmul.f32 $5.000000070e-02, v45  }
0x13e: {  	v33 =	vmul.f32 v16, v16;
	v4 =	vadd.f32 v48, v4;
	v48 =	vmul.f32 $5.000000070e-02, v40  }
0x13f: {  	v50 =	vmul.f32 v47, v46;
	v31 =	vmul.f32 v19, v19  }
0x140: {  	v3 =	vadd.f32 v58, v3;
	v18 =	vmul.f32 $5.000000070e-02, v27;
	v36 =	vmul.f32 v30, v29  }
0x141: {  	v25 =	vld [tilespmem:s24+$0x15FA0];
	v5 =	vadd.f32 v57, v6;
	v57 =	vmul.f32 v12, v12;
	v60 =	vmul.f32 v55, v54  }
0x142: {  	v37 =	vld [tilespmem:s24+$0x15FD0];
	v8 =	vadd.f32 v62, v3;
	v62 =	vmul.f32 $4.999999890e-03, v49;
	v63 =	vmul.f32 $5.000000070e-02, v51  }
0x143: {  	v24 =	vmul.f32 v55, v55;
	v4 =	vadd.f32 v7, v4;
	v7 =	vmul.f32 v21, v21  }
0x144: {  	v20 =	vld [tilespmem:s24+$0x15FB0];
	v5 =	vadd.f32 v59, v5;
	v52 =	vmul.f32 v48, v12;
	v59 =	vmul.f32 v48, v48  }
0x145: {  	v22 =	vld [tilespmem:s24+$0x19FC0];
	v39 =	vmul.f32 v18, v18;
	v28 =	vmul.f32 v63, v63;
	v6 =	vadd.f32 v61, v4  }
0x146: {  	v40 =	vld [tilespmem:s24+$0x19FD0];
	v4 =	vadd.f32 v26, v5;
	v5 =	vadd.f32 v10, v8;
	v26 =	vmul.f32 v63, v62  }
0x147: {  	v10 =	vadd.f32 v36, v14;
	v61 =	vld [tilespmem:s24+$0x19F90];
	v14 =	vmul.f32 $4.999999890e-03, v25;
	v53 =	vmul.f32 $4.999999890e-03, v37  }
0x148: {  	v63 =	vld [tilespmem:s24+$0x1A010];
	v3 =	vadd.f32 v7, v6;
	v6 =	vmul.f32 v29, v29;
	v7 =	vmul.f32 v30, v30  }
0x149: {  	v8 =	vadd.f32 v35, v13;
	v37 =	vld [tilespmem:s24+$0x1A030];
	v29 =	vmul.f32 v16, v19;
	v36 =	vmul.f32 v18, v14  }
0x14a: {  	v21 =	vld [tilespmem:s24+$0x15FC0];
	v10 =	vadd.f32 v41, v10;
	v38 =	vmul.f32 v14, v14;
	v41 =	vmul.f32 $4.999999890e-03, v20  }
0x14b: {  	v55 =	vld [tilespmem:s24+$0x16000];
	v14 =	vmul.f32 v56, v56;
	v6 =	vadd.f32 v6, v9;
	v7 =	vadd.f32 v7, v8  }
0x14c: {  	v30 =	vld [tilespmem:s24+$0x19FB0];
	v8 =	vmul.f32 v46, v46;
	v9 =	vadd.f32 v50, v10;
	v10 =	vmul.f32 v54, v54  }
0x14d: {  	v58 =	vld [tilespmem:s24+$0x15F90];
	v54 =	vmul.f32 $5.000000070e-02, v40;
	v15 =	vmul.f32 $5.000000070e-02, v61  }
0x14e: {  	v19 =	vmul.f32 $5.000000070e-02, v63;
	v18 =	vmul.f32 $5.000000070e-02, v37  }
0x14f: {  	v6 =	vadd.f32 v43, v6;
	v7 =	vadd.f32 v44, v7;
	v43 =	vmul.f32 $4.999999890e-03, v21  }
0x150: {  	v9 =	vadd.f32 v52, v9;
	v44 =	vmul.f32 $5.000000070e-02, v22;
	v35 =	vmul.f32 v15, v15  }
0x151: {  	v17 =	vmul.f32 $5.000000070e-02, v30;
	v30 =	vmul.f32 $4.999999890e-03, v55;
	v6 =	vadd.f32 v8, v6  }
0x152: {  	v45 =	vld [tilespmem:s24+$0x19FE0];
	v7 =	vadd.f32 v11, v7;
	v8 =	vmul.f32 v62, v62;
	v11 =	vmul.f32 $4.999999890e-03, v58  }
0x153: {  	v13 =	vadd.f32 $0.0e+00, v29;
	v52 =	vld [tilespmem:s24+$0x19FF0];
	v48 =	vmul.f32 v44, v43;
	v50 =	vmul.f32 v43, v43  }
0x154: {  	v9 =	vadd.f32 v60, v9;
	v51 =	vmul.f32 v44, v44;
	v60 =	vmul.f32 v54, v54  }
0x155: {  	v46 =	vmul.f32 v17, v41;
	v47 =	vmul.f32 v17, v17;
	v6 =	vadd.f32 v57, v6  }
0x156: {  	v49 =	vld [tilespmem:s24+$0x15FF0];
	v7 =	vadd.f32 v59, v7;
	v32 =	vmul.f32 v15, v11;
	v11 =	vmul.f32 v11, v11  }
0x157: {  	v58 =	vld [tilespmem:s24+$0x1A000];
	v57 =	vmul.f32 $5.000000070e-02, v45;
	v59 =	vmul.f32 v54, v53;
	v10 =	vadd.f32 v10, v6  }
0x158: {  	v29 =	vld [tilespmem:s24+$0x16020];
	v20 =	vmul.f32 $5.000000070e-02, v52;
	v12 =	vadd.f32 v24, v7;
	v6 =	vadd.f32 v26, v9  }
0x159: {  	v34 =	vadd.f32 v32, v13;
	v9 =	vadd.f32 v35, v33;
	v13 =	vmul.f32 v41, v41  }
0x15a: {  	v23 =	vld [tilespmem:s24+$0x16010];
	v61 =	vmul.f32 v57, v56;
	v62 =	vmul.f32 v57, v57;
	v7 =	vadd.f32 v8, v10  }
0x15b: {  	v32 =	vld [tilespmem:s24+$0x1A020];
	v41 =	vmul.f32 v19, v19;
	v8 =	vadd.f32 v28, v12;
	v10 =	vadd.f32 v11, v31  }
0x15c: {  	v24 =	vld [tilespmem:s24+$0x16030];
	v12 =	vadd.f32 v36, v34;
	v28 =	vmul.f32 $4.999999890e-03, v49;
	v31 =	vmul.f32 $5.000000070e-02, v58  }
0x15d: {  	v54 =	vld [tilespmem:s24+$0x16070];
	v9 =	vadd.f32 v39, v9;
	v34 =	vmul.f32 v20, v20;
	v39 =	vmul.f32 $4.999999890e-03, v29  }
0x15e: {  	v25 =	vld [tilespmem:s24+$0x1A040];
	v33 =	vmul.f32 v20, v28;
	v17 =	vmul.f32 v28, v28  }
0x15f: {  	v57 =	vld [tilespmem:s24+$0x1A070];
	v10 =	vadd.f32 v38, v10;
	v35 =	vmul.f32 v31, v30;
	v36 =	vmul.f32 v31, v31  }
0x160: {  	v11 =	vadd.f32 v46, v12;
	v38 =	vmul.f32 $4.999999890e-03, v23;
	v12 =	vmul.f32 v39, v39  }
0x161: {  	v9 =	vadd.f32 v47, v9;
	v21 =	vmul.f32 $5.000000070e-02, v32;
	v43 =	vmul.f32 $4.999999890e-03, v24  }
0x162: {  	v40 =	vld [tilespmem:s24+$0x16040];
	v24 =	vmul.f32 $4.999999890e-03, v54;
	v10 =	vadd.f32 v13, v10;
	v13 =	vmul.f32 v53, v53  }
0x163: {  	v44 =	vld [tilespmem:s24+$0x1A050];
	v23 =	vmul.f32 v19, v38;
	v15 =	vmul.f32 v38, v38  }
0x164: {  	v26 =	vld [tilespmem:s24+$0x16050];
	v9 =	vadd.f32 v51, v9;
	v51 =	vmul.f32 $5.000000070e-02, v25;
	v25 =	vmul.f32 $5.000000070e-02, v57  }
0x165: {  	v11 =	vadd.f32 v48, v11;
	v42 =	vmul.f32 v21, v39;
	v47 =	vmul.f32 v21, v21  }
0x166: {  	v20 =	vadd.f32 $0.0e+00, v35;
	v48 =	vmul.f32 v18, v43;
	v53 =	vmul.f32 v43, v43  }
0x167: {  	v45 =	vld [tilespmem:s24+$0x16060];
	v18 =	vmul.f32 v18, v18;
	v31 =	vmul.f32 v24, v24;
	v10 =	vadd.f32 v50, v10  }
0x168: {  	v49 =	vld [tilespmem:s24+$0x1A060];
	v11 =	vadd.f32 v59, v11;
	v9 =	vadd.f32 v60, v9;
	v50 =	vmul.f32 $4.999999890e-03, v40  }
0x169: {  	v20 =	vadd.f32 v23, v20;
	v59 =	vmul.f32 $4.999999890e-03, v26;
	v60 =	vmul.f32 $5.000000070e-02, v44  }
0x16a: {  	v63 =	vmul.f32 v51, v51;
	v29 =	vmul.f32 v25, v24;
	v10 =	vadd.f32 v13, v10  }
0x16b: {  	v11 =	vadd.f32 v61, v11;
	v13 =	vmul.f32 v30, v30;
	v9 =	vadd.f32 v62, v9  }
0x16c: {  	v46 =	vadd.f32 v42, v20;
	v56 =	vmul.f32 v51, v50;
	v61 =	vmul.f32 $4.999999890e-03, v45  }
0x16d: {  	v54 =	vld [tilespmem:s24+$0x1A0A0];
	v62 =	vmul.f32 $5.000000070e-02, v49;
	v21 =	vmul.f32 v60, v59;
	v10 =	vadd.f32 v14, v10  }
0x16e: {  	(xrf2) =	vadd.scan.msk.f32 $0xffff, v1;
	v44 =	vld [tilespmem:s24+$0x16090];
	v22 =	vmul.f32 v59, v59;
	v11 =	vadd.f32 v33, v11;
	v13 =	vadd.f32 v15, v13  }
0x16f: {  	(xrf2) =	vadd.scan.msk.f32 $0xffff, v0;
	v27 =	vmul.f32 v60, v60;
	v42 =	vld [tilespmem:s24+$0x1A080];
	v14 =	vadd.f32 v41, v36;
	v55 =	vadd.f32 v48, v46  }
0x170: {  	v23 =	vmul.f32 v62, v61;
	v26 =	vmul.f32 v61, v61;
	v30 =	vadd.f32 v34, v9;
	v41 =	vld [tilespmem:s24+$0x16080]  }
0x171: {  	(xrf2) =	vadd.scan.msk.f32 $0xffff, v2;
	v32 =	vmul.f32 v62, v62;
	v12 =	vadd.f32 v12, v13;
	v52 =	vadd.f32 v47, v14;
	v47 =	vld [tilespmem:s24+$0x1A090]  }
0x172: {  	(xrf2) =	vadd.scan.msk.f32 $0xffff, v4;
	v36 =	vmul.f32 v25, v25;
	v15 =	vmul.f32 $5.000000070e-02, v54;
	v0 =	vadd.f32 v56, v55  }
0x173: {  	(xrf2) =	vadd.scan.msk.f32 $0xffff, v3;
	v13 =	vmul.f32 v50, v50;
	v58 =	vadd.f32 v53, v12;
	v1 =	vadd.f32 v18, v52  }
0x174: {  	(xrf2) =	vadd.scan.msk.f32 $0xffff, v5;
	v10 =	vadd.f32 v17, v10;
	v56 =	vmul.f32 $5.000000070e-02, v42;
	v0 =	vadd.f32 v21, v0;
	v52 =	vld [tilespmem:s24+$0x160A0]  }
0x175: {  	(xrf2) =	vadd.scan.msk.f32 $0xffff, v6;
	v55 =	vmul.f32 $4.999999890e-03, v41;
	v2 =	vadd.f32 v13, v58;
	v1 =	vadd.f32 v63, v1  }
0x176: {  	(xrf2) =	vadd.scan.msk.f32 $0xffff, v7;
	v41 =	vld [tilespmem:s24+$0x1A0E0];
	v28 =	vadd.f32 v23, v0;
	v58 =	vmul.f32 $4.999999890e-03, v44;
	v59 =	vmul.f32 $5.000000070e-02, v47  }
0x177: {  	(xrf2) =	vadd.scan.msk.f32 $0xffff, v8;
	v60 =	vld [tilespmem:s24+$0x160B0];
	v61 =	vmul.f32 v56, v55;
	v8 =	vmul.f32 v55, v55;
	v2 =	vadd.f32 v22, v2  }
0x178: {  	v62 =	vld [tilespmem:s24+$0x1A0B0];
	v0, _, _ =	vpop (xrf2);
	v1 =	vadd.f32 v27, v1;
	v27 =	vmul.f32 v58, v58;
	v63 =	vmul.f32 v59, v58  }
0x179: {  	v47 =	vld [tilespmem:s24+$0x1A0F0];
	v5 =	vadd.f32 v29, v28;
	v33, _, _ =	vpop (xrf2);
	v14 =	vmul.f32 $4.999999890e-03, v52;
	v29 =	vmul.f32 v59, v59  }
0x17a: {  	(xrf2) =	vadd.scan.msk.f32 $0xffff, v11;
	v2 =	vadd.f32 v26, v2;
	v6 =	vbroadcast v33, $0xF;
	v26 =	vmul.f32 v56, v56  }
0x17b: {  	v24 =	vld [tilespmem:s24+$0x160C0];
	(xrf2) =	vadd.scan.msk.f32 $0xffff, v10;
	v34, _, _ =	vpop (xrf2);
	v35 =	vadd.f32 v32, v1;
	v33 =	vmul.f32 v15, v15;
	v55 =	vmul.f32 $5.000000070e-02, v41  }
0x17c: {  	(xrf2) =	vadd.scan.msk.f32 $0xffff, v30;
	v58 =	vld [tilespmem:s24+$0x1A110];
	v7 =	vbroadcast v34, $0xF;
	v30 =	vmul.f32 v15, v14  }
0x17d: {  	v56 =	vld [tilespmem:s24+$0x16110];
	v32 =	vmul.f32 v14, v14;
	v1, _, _ =	vpop (xrf2);
	v3 =	vadd.f32 v36, v35;
	v35 =	vmul.f32 $4.999999890e-03, v60  }
0x17e: {  	v25 =	vld [tilespmem:s24+$0x1A0C0];
	v17 =	vadd.f32 $0.0e+00, v61;
	v36 =	vmul.f32 $5.000000070e-02, v62;
	v15 =	vmul.f32 $5.000000070e-02, v47;
	v37, _, _ =	vpop (xrf2)  }
0x17f: {  	(xrf2) =	vadd.scan.msk.f32 $0xffff, v5;
	v2 =	vadd.f32 v31, v2;
	v31 =	vld [tilespmem:s24+$0x160D0];
	v60 =	vmul.f32 v55, v55;
	v5 =	vbroadcast v37, $0xF  }
0x180: {  	v37 =	vmul.f32 $4.999999890e-03, v24;
	v11 =	vmul.f32 v35, v35  }
0x181: {  	v28 =	vadd.f32 v63, v17;
	v38, _, _ =	vpop (xrf2);
	v42 =	vmul.f32 v36, v36;
	v19 =	vmul.f32 $5.000000070e-02, v58  }
0x182: {  	v8 =	vadd.f32 v27, v8;
	v45 =	vbroadcast v38, $0xF;
	v18 =	vmul.f32 $4.999999890e-03, v56  }
0x183: {  	v10 =	vadd.f32 v30, v28;
	(xrf2) =	vadd.scan.msk.f32 $0xffff, v2;
	v24 =	vmul.f32 v15, v15;
	v38 =	vmul.f32 $5.000000070e-02, v25;
	v25 =	vld [tilespmem:s24+$0x1A120];
	v2, _, _ =	vpop (xrf2)  }
0x184: {  	v27 =	vld [tilespmem:s24+$0x1A130];
	(xrf2) =	vadd.scan.msk.f32 $0xffff, v3;
	v39, _, _ =	vpop (xrf2);
	v7 =	vsel vm0, v7, v45;
	v45 =	vmul.f32 $4.999999890e-03, v31;
	v30 =	vmul.f32 v19, v18  }
0x185: {  	v34 =	vld [tilespmem:s24+$0x1A0D0];
	v18 =	vmul.f32 v18, v18;
	v40, _, _ =	vpop (xrf2);
	v48 =	vbroadcast v39, $0xF  }
0x186: {  	v62 =	vld [tilespmem:s24+$0x16120];
	v5 =	vsel vm0, v6, v5;
	v19 =	vmul.f32 v19, v19;
	v3, _, _ =	vpop (xrf2);
	v49 =	vbroadcast v40, $0xF  }
0x187: {  	v39 =	vld [tilespmem:s24+$0x160E0];
	v40 =	vmul.f32 v36, v35;
	v43, _, _ =	vpop (xrf2);
	v5 =	vsel vm1, v5, v48;
	v48 =	vmul.f32 v37, v37  }
0x188: {  	v35 =	vmul.f32 $5.000000070e-02, v25;
	v50 =	vbroadcast v43, $0xF  }
0x189: {  	v46, _, _ =	vpop (xrf2);
	v7 =	vsel vm1, v7, v49;
	v43 =	vmul.f32 v38, v37;
	v49 =	vmul.f32 v38, v38  }
0x18a: {  	v37 =	vmul.f32 $5.000000070e-02, v27;
	v53 =	vbroadcast v46, $0xF  }
0x18b: {  	v44 =	vld [tilespmem:s24+$0x160F0];
	v8 =	vadd.f32 v32, v8;
	v46 =	vmul.f32 $5.000000070e-02, v34;
	v34 =	vmul.f32 $4.999999890e-03, v62  }
0x18c: {  	v4, _, _ =	vpop (xrf2);
	v14 =	vmul.f32 v35, v35;
	v5 =	vsel vm2, v5, v50;
	v54 =	vmul.f32 $4.999999890e-03, v39  }
0x18d: {  	v51, _, _ =	vpop (xrf2);
	v7 =	vsel vm2, v7, v53;
	v50 =	vmul.f32 v46, v45;
	v52 =	vmul.f32 v46, v46;
	v53 =	vld [tilespmem:s24+$0x1A100]  }
0x18e: {  	v39 =	vmul.f32 v35, v34;
	v12 =	vbroadcast v51, $0xF;
	v51 =	vld [tilespmem:s24+$0x16100];
	v57, _, _ =	vpop (xrf2)  }
0x18f: {  	v8 =	vadd.f32 v11, v8;
	v38 =	vld [tilespmem:s24+$0x16150];
	v46 =	vmul.f32 v37, v37;
	v9 =	vbroadcast v57, $0xF  }
0x190: {  	v59 =	vmul.f32 v55, v54;
	v6 =	vsel vm3, v5, v12;
	v57 =	vmul.f32 $4.999999890e-03, v44  }
0x191: {  	v31 =	vld [tilespmem:s24+$0x16140];
	v12 =	vmul.f32 v54, v54;
	v5 =	vsel vm3, v7, v9;
	v7 =	vadd.f32 v29, v26  }
0x192: {  	v44 =	vld [tilespmem:s24+$0x1A160];
	v9 =	vadd.f32 v40, v10;
	v10 =	vmul.f32 v45, v45;
	v61 =	vmul.f32 v15, v57  }
0x193: {  	v8 =	vadd.f32 v48, v8;
	v48 =	vld [tilespmem:s24+$0x16170];
	v13 =	vmul.f32 $5.000000070e-02, v53;
	v16 =	vmul.f32 $4.999999890e-03, v51  }
0x194: {  	v63 =	vmul.f32 v57, v57;
	v26 =	vld [tilespmem:s24+$0x16130];
	v51 =	vmul.f32 $4.999999890e-03, v38;
	v7 =	vadd.f32 v33, v7  }
0x195: {  	v53 =	vld [tilespmem:s24+$0x16180];
	v9 =	vadd.f32 v43, v9;
	v29 =	vmul.f32 v13, v13;
	v28 =	vmul.f32 v13, v16  }
0x196: {  	v35 =	vld [tilespmem:s24+$0x1A1B0];
	v8 =	vadd.f32 v10, v8;
	v16 =	vmul.f32 v16, v16;
	v13 =	vmul.f32 $4.999999890e-03, v31  }
0x197: {  	v33 =	vld [tilespmem:s24+$0x1A140];
	v55 =	vmul.f32 $5.000000070e-02, v44;
	v7 =	vadd.f32 v42, v7;
	v9 =	vadd.f32 v50, v9  }
0x198: {  	v15 =	vmul.f32 v51, v51;
	v12 =	vadd.f32 v12, v8;
	v10 =	vadd.f32 v19, v29  }
0x199: {  	v40 =	vld [tilespmem:s24+$0x1A150];
	v32 =	vadd.f32 $0.0e+00, v28;
	v36 =	vmul.f32 $4.999999890e-03, v26;
	v62 =	vmul.f32 v55, v55  }
0x19a: {  	v42 =	vld [tilespmem:s24+$0x16160];
	v16 =	vadd.f32 v18, v16;
	v26 =	vmul.f32 $4.999999890e-03, v48;
	v29 =	vmul.f32 $4.999999890e-03, v53  }
0x19b: {  	v50 =	vld [tilespmem:s24+$0x1A170];
	v48 =	vmul.f32 $5.000000070e-02, v35;
	v7 =	vadd.f32 v49, v7;
	v41 =	vmul.f32 v37, v36  }
0x19c: {  	v56 =	vld [tilespmem:s24+$0x1A180];
	v9 =	vadd.f32 v59, v9;
	v43 =	vmul.f32 $5.000000070e-02, v33;
	v45 =	vmul.f32 v36, v36  }
0x19d: {  	v28 =	vld [tilespmem:s24+$0x161A0];
	v10 =	vadd.f32 v14, v10;
	v14 =	vmul.f32 v29, v29;
	v53 =	vmul.f32 v48, v48  }
0x19e: {  	v31 =	vld [tilespmem:s24+$0x1A1A0];
	v7 =	vadd.f32 v52, v7;
	v52 =	vmul.f32 $5.000000070e-02, v40;
	v47 =	vmul.f32 v43, v13  }
0x19f: {  	v10 =	vadd.f32 v46, v10;
	v40 =	vld [tilespmem:s24+$0x161C0];
	v13 =	vmul.f32 v13, v13;
	v49 =	vmul.f32 v43, v43  }
0x1a0: {  	v46 =	vld [tilespmem:s24+$0x161D0];
	v54 =	vmul.f32 $4.999999890e-03, v42;
	v27 =	vmul.f32 $5.000000070e-02, v50;
	v11 =	vadd.f32 v60, v7  }
0x1a1: {  	v43 =	vld [tilespmem:s24+$0x1A1C0];
	v7 =	vadd.f32 v63, v12;
	v57 =	vmul.f32 v52, v51;
	v58 =	vmul.f32 v52, v52  }
0x1a2: {  	v12 =	vadd.f32 v30, v32;
	v60 =	vld [tilespmem:s24+$0x16190];
	v30 =	vmul.f32 $5.000000070e-02, v56;
	v38 =	vmul.f32 $4.999999890e-03, v28  }
0x1a3: {  	v8 =	vadd.f32 v61, v9;
	v63 =	vld [tilespmem:s24+$0x1A190];
	v59 =	vmul.f32 v55, v54;
	v61 =	vmul.f32 v54, v54  }
0x1a4: {  	v51 =	vld [tilespmem:s24+$0x161E0];
	v10 =	vadd.f32 v49, v10;
	v32 =	vmul.f32 v27, v26;
	v17 =	vmul.f32 v27, v27  }
0x1a5: {  	v9 =	vadd.f32 v24, v11;
	v11 =	vmul.f32 v34, v34;
	v33 =	vmul.f32 v30, v29  }
0x1a6: {  	v54 =	vld [tilespmem:s24+$0x1A1E0];
	v12 =	vadd.f32 v39, v12;
	v20 =	vmul.f32 v30, v30;
	v39 =	vmul.f32 $5.000000070e-02, v31  }
0x1a7: {  	v10 =	vadd.f32 v58, v10;
	v55 =	vmul.f32 $4.999999890e-03, v40;
	v19 =	vmul.f32 $4.999999890e-03, v46  }
0x1a8: {  	v34 =	vld [tilespmem:s24+$0x161B0];
	v11 =	vadd.f32 v11, v16;
	v56 =	vmul.f32 $5.000000070e-02, v43;
	v36 =	vmul.f32 $4.999999890e-03, v60  }
0x1a9: {  	v49 =	vld [tilespmem:s24+$0x1A1D0];
	v12 =	vadd.f32 v41, v12;
	v37 =	vmul.f32 $5.000000070e-02, v63;
	v63 =	vmul.f32 $4.999999890e-03, v51  }
0x1aa: {  	v58 =	vld [tilespmem:s24+$0x161F0];
	v30 =	vmul.f32 v19, v19;
	v11 =	vadd.f32 v45, v11;
	v45 =	vmul.f32 v39, v38  }
0x1ab: {  	v40 =	vld [tilespmem:s24+$0x1A220];
	v41 =	vadd.f32 $0.0e+00, v33;
	v18 =	vmul.f32 v56, v56;
	v28 =	vmul.f32 $5.000000070e-02, v54  }
0x1ac: {  	v29 =	vld [tilespmem:s24+$0x1A200];
	v12 =	vadd.f32 v47, v12;
	v42 =	vmul.f32 v37, v36;
	v23 =	vmul.f32 v36, v36  }
0x1ad: {  	v16 =	vadd.f32 v62, v10;
	v60 =	vld [tilespmem:s24+$0x1A1F0];
	v44 =	vmul.f32 v37, v37;
	v47 =	vmul.f32 $4.999999890e-03, v34  }
0x1ae: {  	v62 =	vld [tilespmem:s24+$0x16200];
	v12 =	vadd.f32 v57, v12;
	v57 =	vmul.f32 $5.000000070e-02, v49;
	v33 =	vmul.f32 v28, v63  }
0x1af: {  	v46 =	vld [tilespmem:s24+$0x1A230];
	v11 =	vadd.f32 v13, v11;
	v35 =	vmul.f32 $4.999999890e-03, v58;
	v37 =	vmul.f32 v28, v28  }
0x1b0: {  	v25 =	vmul.f32 $5.000000070e-02, v40;
	v14 =	vadd.f32 v23, v14;
	v50 =	vmul.f32 v48, v47  }
0x1b1: {  	v34 =	vld [tilespmem:s24+$0x1A210];
	v52 =	vmul.f32 v47, v47;
	v23 =	vmul.f32 $5.000000070e-02, v29;
	v11 =	vadd.f32 v15, v11  }
0x1b2: {  	v12 =	vadd.f32 v59, v12;
	v15 =	vmul.f32 v26, v26;
	v59 =	vmul.f32 v56, v55  }
0x1b3: {  	v27 =	vld [tilespmem:s24+$0x16240];
	v21 =	vadd.f32 v42, v41;
	v36 =	vmul.f32 $5.000000070e-02, v60;
	v41 =	vmul.f32 $4.999999890e-03, v62  }
0x1b4: {  	v28 =	vld [tilespmem:s24+$0x1A240];
	v56 =	vmul.f32 $5.000000070e-02, v46;
	v49 =	vmul.f32 v23, v23;
	v13 =	vadd.f32 v61, v11  }
0x1b5: {  	v11 =	vadd.f32 v32, v12;
	v12 =	vadd.f32 v17, v16;
	v61 =	vmul.f32 v57, v19  }
0x1b6: {  	v16 =	vadd.f32 v44, v20;
	v32 =	vmul.f32 v57, v57;
	v42 =	vmul.f32 $5.000000070e-02, v34  }
0x1b7: {  	v17 =	vadd.f32 v45, v21;
	v44 =	vmul.f32 v36, v36;
	v45 =	vmul.f32 v23, v41  }
0x1b8: {  	v43 =	vld [tilespmem:s24+$0x16230];
	v47 =	vmul.f32 v41, v41;
	v57 =	vmul.f32 $4.999999890e-03, v27  }
0x1b9: {  	v62 =	vmul.f32 v56, v56;
	v58 =	vmul.f32 $5.000000070e-02, v28;
	v10 =	vadd.f32 v15, v13  }
0x1ba: {  	v31 =	vld [tilespmem:s24+$0x16210];
	v13 =	vmul.f32 v38, v38;
	v15 =	vmul.f32 v39, v39;
	v17 =	vadd.f32 v50, v17  }
0x1bb: {  	v38 =	vld [tilespmem:s24+$0x16220];
	v39 =	vmul.f32 v36, v35;
	v24 =	vadd.f32 $0.0e+00, v45;
	v19 =	vmul.f32 v42, v42  }
0x1bc: {  	v54 =	vld [tilespmem:s24+$0x1A250];
	v36 =	vmul.f32 v58, v58;
	v13 =	vadd.f32 v13, v14;
	v15 =	vadd.f32 v15, v16  }
0x1bd: {  	v40 =	vld [tilespmem:s24+$0x1A280];
	v16 =	vmul.f32 v55, v55;
	v14 =	vadd.f32 v59, v17;
	v55 =	vmul.f32 $4.999999890e-03, v43  }
0x1be: {  	v34 =	vld [tilespmem:s24+$0x1A270];
	v17 =	vmul.f32 v63, v63;
	v63 =	vmul.f32 v58, v57;
	v13 =	vadd.f32 v52, v13  }
0x1bf: {  	v45 =	vld [tilespmem:s24+$0x1A290];
	v15 =	vadd.f32 v53, v15;
	v53 =	vmul.f32 v25, v25;
	v60 =	vmul.f32 v56, v55  }
0x1c0: {  	v59 =	vld [tilespmem:s24+$0x16260];
	v14 =	vadd.f32 v61, v14;
	v20 =	vmul.f32 v55, v55;
	v21 =	vmul.f32 $4.999999890e-03, v38  }
0x1c1: {  	v43 =	vld [tilespmem:s24+$0x16290];
	v13 =	vadd.f32 v16, v13;
	v15 =	vadd.f32 v18, v15;
	v16 =	vmul.f32 v35, v35  }
0x1c2: {  	v14 =	vadd.f32 v33, v14;
	v18 =	vmul.f32 $4.999999890e-03, v31;
	v33 =	vmul.f32 $5.000000070e-02, v54  }
0x1c3: {  	v51 =	vld [tilespmem:s24+$0x16250];
	v35 =	vmul.f32 v57, v57;
	v54 =	vmul.f32 $5.000000070e-02, v40  }
0x1c4: {  	v57 =	vmul.f32 $5.000000070e-02, v45;
	v50 =	vmul.f32 v25, v21  }
0x1c5: {  	v61 =	vld [tilespmem:s24+$0x1A260];
	v52 =	vmul.f32 v21, v21;
	v41 =	vmul.f32 $4.999999890e-03, v59  }
0x1c6: {  	v19 =	vadd.f32 v19, v49;
	v25 =	vmul.f32 $5.000000070e-02, v34;
	v56 =	vmul.f32 $4.999999890e-03, v43  }
0x1c7: {  	v55 =	vld [tilespmem:s24+$0x162B0];
	v15 =	vadd.f32 v32, v15;
	v48 =	vmul.f32 v42, v18;
	v18 =	vmul.f32 v18, v18  }
0x1c8: {  	v38 =	vld [tilespmem:s24+$0x16280];
	v14 =	vadd.f32 v39, v14;
	v32 =	vmul.f32 $4.999999890e-03, v51;
	v39 =	vmul.f32 v33, v33  }
0x1c9: {  	v19 =	vadd.f32 v53, v19;
	v31 =	vld [tilespmem:s24+$0x162C0];
	v23 =	vmul.f32 v54, v54;
	v27 =	vmul.f32 v57, v57  }
0x1ca: {  	v40 =	vld [tilespmem:s24+$0x162E0];
	v13 =	vadd.f32 v30, v13;
	v42 =	vmul.f32 $5.000000070e-02, v61;
	v21 =	vmul.f32 v41, v41  }
0x1cb: {  	v19 =	vadd.f32 v62, v19;
	v51 =	vmul.f32 v25, v25;
	v30 =	vmul.f32 v57, v56  }
0x1cc: {  	v29 =	vld [tilespmem:s24+$0x16270];
	v13 =	vadd.f32 v17, v13;
	v15 =	vadd.f32 v37, v15;
	v37 =	vmul.f32 v33, v32  }
0x1cd: {  	v49 =	vld [tilespmem:s24+$0x162A0];
	v17 =	vadd.f32 v48, v24;
	v53 =	vmul.f32 $4.999999890e-03, v38;
	v24 =	vmul.f32 $4.999999890e-03, v55  }
0x1ce: {  	v58 =	vld [tilespmem:s24+$0x1A2B0];
	v19 =	vadd.f32 v36, v19;
	v46 =	vmul.f32 v42, v41;
	v41 =	vmul.f32 $4.999999890e-03, v31  }
0x1cf: {  	v43 =	vld [tilespmem:s24+$0x1A2E0];
	v55 =	vmul.f32 $4.999999890e-03, v40;
	v13 =	vadd.f32 v16, v13;
	v15 =	vadd.f32 v44, v15  }
0x1d0: {  	v57 =	vld [tilespmem:s24+$0x1A300];
	v16 =	vadd.f32 v18, v47;
	v17 =	vadd.f32 v50, v17;
	v18 =	vmul.f32 v32, v32  }
0x1d1: {  	v44 =	vmul.f32 $4.999999890e-03, v29;
	v19 =	vadd.f32 v39, v19;
	v47 =	vmul.f32 v42, v42;
	v32 =	vld [tilespmem:s24+$0x1A2C0]  }
0x1d2: {  	v59 =	vmul.f32 v54, v53;
	v45 =	vmul.f32 v24, v24;
	v54 =	vld [tilespmem:s24+$0x16300];
	v16 =	vadd.f32 v52, v16  }
0x1d3: {  	v17 =	vadd.f32 v60, v17;
	v48 =	vmul.f32 v25, v44;
	v50 =	vmul.f32 v44, v44;
	v52 =	vld [tilespmem:s24+$0x1A2A0]  }
0x1d4: {  	v36 =	vld [tilespmem:s24+$0x162D0];
	v60 =	vmul.f32 $4.999999890e-03, v49;
	v49 =	vmul.f32 v41, v41;
	v16 =	vadd.f32 v20, v16  }
0x1d5: {  	v17 =	vadd.f32 v63, v17;
	v20 =	vmul.f32 v56, v56;
	v63 =	vmul.f32 $5.000000070e-02, v58  }
0x1d6: {  	v19 =	vadd.f32 v47, v19;
	v56 =	vmul.f32 $5.000000070e-02, v43;
	v42 =	vmul.f32 $5.000000070e-02, v32  }
0x1d7: {  	v40 =	vmul.f32 $4.999999890e-03, v54;
	v16 =	vadd.f32 v35, v16;
	v39 =	vmul.f32 v63, v24  }
0x1d8: {  	v17 =	vadd.f32 v37, v17;
	v61 =	vmul.f32 $5.000000070e-02, v52;
	v47 =	vmul.f32 v42, v41  }
0x1d9: {  	v34 =	vld [tilespmem:s24+$0x1A330];
	v52 =	vmul.f32 $4.999999890e-03, v36;
	v41 =	vmul.f32 $5.000000070e-02, v57  }
0x1da: {  	v25 =	vmul.f32 v40, v40;
	v16 =	vadd.f32 v18, v16;
	v17 =	vadd.f32 v46, v17  }
0x1db: {  	v38 =	vld [tilespmem:s24+$0x1A2D0];
	v18 =	vadd.f32 v51, v19;
	v19 =	vmul.f32 v60, v60;
	v46 =	vmul.f32 v63, v63  }
0x1dc: {  	v26 =	vadd.f32 $0.0e+00, v59;
	v63 =	vmul.f32 v56, v56;
	v37 =	vmul.f32 v61, v60  }
0x1dd: {  	v23 =	vadd.f32 v27, v23;
	v22 =	vmul.f32 v61, v61;
	v60 =	vmul.f32 v56, v55  }
0x1de: {  	v33 =	vld [tilespmem:s24+$0x16330];
	v62 =	vadd.f32 v30, v26;
	v29 =	vmul.f32 v41, v41;
	v56 =	vmul.f32 $5.000000070e-02, v34  }
0x1df: {  	v51 =	vld [tilespmem:s24+$0x1A2F0];
	v16 =	vadd.f32 v21, v16;
	v17 =	vadd.f32 v48, v17;
	v21 =	vmul.f32 v53, v53  }
0x1e0: {  	v61 =	vld [tilespmem:s24+$0x16310];
	v53 =	vmul.f32 $5.000000070e-02, v38;
	v44 =	vadd.f32 v22, v23;
	v23 =	vmul.f32 v52, v52  }
0x1e1: {  	v48 =	vld [tilespmem:s24+$0x162F0];
	v16 =	vadd.f32 v50, v16;
	v20 =	vadd.f32 v20, v21;
	v50 =	vmul.f32 v42, v42  }
0x1e2: {  	v21 =	vadd.f32 v37, v62;
	v58 =	vmul.f32 v53, v52;
	v59 =	vmul.f32 v53, v53  }
0x1e3: {  	v36 =	vld [tilespmem:s24+$0x1A310];
	v62 =	vmul.f32 v55, v55;
	v55 =	vmul.f32 $4.999999890e-03, v33  }
0x1e4: {  	v54 =	vld [tilespmem:s24+$0x16350];
	v38 =	vmul.f32 $5.000000070e-02, v51;
	v19 =	vadd.f32 v19, v20;
	v21 =	vadd.f32 v39, v21  }
0x1e5: {  	v42 =	vld [tilespmem:s24+$0x1A320];
	v20 =	vadd.f32 v46, v44;
	v46 =	vmul.f32 $4.999999890e-03, v61;
	v61 =	vmul.f32 v55, v55  }
0x1e6: {  	v57 =	vld [tilespmem:s24+$0x1A350];
	v37 =	vmul.f32 $4.999999890e-03, v48;
	v44 =	vmul.f32 v38, v38  }
0x1e7: {  	v39 =	vld [tilespmem:s24+$0x16320];
	v19 =	vadd.f32 v45, v19;
	v21 =	vadd.f32 v47, v21;
	v45 =	vmul.f32 v41, v40  }
0x1e8: {  	v20 =	vadd.f32 v50, v20;
	v47 =	vmul.f32 $5.000000070e-02, v36;
	v32 =	vmul.f32 v46, v46  }
0x1e9: {  	v35 =	vld [tilespmem:s24+$0x1A340];
	v43 =	vmul.f32 v38, v37;
	v38 =	vmul.f32 $4.999999890e-03, v54;
	v19 =	vadd.f32 v49, v19  }
0x1ea: {  	v50 =	vld [tilespmem:s24+$0x16340];
	v21 =	vadd.f32 v58, v21;
	v49 =	vmul.f32 $5.000000070e-02, v42;
	v51 =	vmul.f32 v47, v46  }
0x1eb: {  	v40 =	vld [tilespmem:s24+$0x16370];
	v20 =	vadd.f32 v59, v20;
	v52 =	vmul.f32 v47, v47;
	v59 =	vmul.f32 v56, v55  }
0x1ec: {  	v26 =	vadd.f32 $0.0e+00, v45;
	v48 =	vmul.f32 $4.999999890e-03, v39;
	v39 =	vmul.f32 $5.000000070e-02, v57  }
0x1ed: {  	v42 =	vld [tilespmem:s24+$0x1A370];
	v19 =	vadd.f32 v23, v19;
	v21 =	vadd.f32 v60, v21;
	v23 =	vmul.f32 v37, v37  }
0x1ee: {  	v47 =	vld [tilespmem:s24+$0x1A380];
	v24 =	vadd.f32 v63, v20;
	v58 =	vmul.f32 v49, v49;
	v37 =	vmul.f32 $5.000000070e-02, v35  }
0x1ef: {  	v55 =	vld [tilespmem:s24+$0x163A0];
	v26 =	vadd.f32 v51, v26;
	v53 =	vmul.f32 v49, v48;
	v36 =	vmul.f32 $4.999999890e-03, v50  }
0x1f0: {  	v57 =	vld [tilespmem:s24+$0x1A3A0];
	v22 =	vadd.f32 v52, v29;
	v28 =	vmul.f32 v39, v39;
	v52 =	vmul.f32 $4.999999890e-03, v40  }
0x1f1: {  	v60 =	vld [tilespmem:s24+$0x16360];
	v19 =	vadd.f32 v62, v19;
	v20 =	vadd.f32 v43, v21;
	v62 =	vmul.f32 v56, v56  }
0x1f2: {  	v63 =	vld [tilespmem:s24+$0x1A360];
	v21 =	vadd.f32 v44, v24;
	v30 =	vmul.f32 v37, v37;
	v43 =	vmul.f32 v39, v38  }
0x1f3: {  	v51 =	vld [tilespmem:s24+$0x1A390];
	v24 =	vadd.f32 v53, v26;
	v41 =	vmul.f32 v37, v36;
	v26 =	vmul.f32 v36, v36  }
0x1f4: {  	v25 =	vadd.f32 v32, v25;
	v53 =	vmul.f32 $5.000000070e-02, v42;
	v32 =	vmul.f32 $5.000000070e-02, v47  }
0x1f5: {  	v49 =	vld [tilespmem:s24+$0x16390];
	v29 =	vmul.f32 $4.999999890e-03, v55;
	v19 =	vadd.f32 v23, v19;
	v23 =	vmul.f32 v48, v48  }
0x1f6: {  	v48 =	vmul.f32 v38, v38;
	v34 =	vmul.f32 $5.000000070e-02, v57  }
0x1f7: {  	v22 =	vadd.f32 v58, v22;
	v44 =	vld [tilespmem:s24+$0x16380];
	v45 =	vmul.f32 $4.999999890e-03, v60;
	v46 =	vmul.f32 $5.000000070e-02, v63  }
0x1f8: {  	v56 =	vmul.f32 v53, v52;
	v31 =	vmul.f32 $5.000000070e-02, v51  }
0x1f9: {  	v22 =	vadd.f32 v62, v22;
	v58 =	vmul.f32 v53, v53;
	v40 =	vmul.f32 v32, v32  }
0x1fa: {  	v36 =	vld [tilespmem:s24+$0x163B0];
	v24 =	vadd.f32 v59, v24;
	v27 =	vmul.f32 $4.999999890e-03, v49;
	v42 =	vmul.f32 v34, v29  }
0x1fb: {  	v37 =	vld [tilespmem:s24+$0x1A3C0];
	v23 =	vadd.f32 v23, v25;
	v50 =	vmul.f32 v46, v45;
	v25 =	vmul.f32 v45, v45  }
0x1fc: {  	v57 =	vld [tilespmem:s24+$0x1A3F0];
	v22 =	vadd.f32 v30, v22;
	v54 =	vmul.f32 v46, v46;
	v35 =	vmul.f32 $4.999999890e-03, v44  }
0x1fd: {  	v60 =	vld [tilespmem:s24+$0x1A3B0];
	v24 =	vadd.f32 v41, v24;
	v41 =	vmul.f32 v31, v31;
	v44 =	vmul.f32 v29, v29  }
0x1fe: {  	v45 =	vmul.f32 v34, v34;
	v23 =	vadd.f32 v61, v23;
	v62 =	vmul.f32 v31, v27  }
0x1ff: {  	v63 =	vld [tilespmem:s24+$0x163C0];
	v22 =	vadd.f32 v28, v22;
	v27 =	vmul.f32 v27, v27;
	v47 =	vmul.f32 $4.999999890e-03, v36  }
0x200: {  	v49 =	vmul.f32 $5.000000070e-02, v37;
	v24 =	vadd.f32 v43, v24;
	v59 =	vmul.f32 v32, v35  }
0x201: {  	v61 =	vmul.f32 v35, v35;
	v43 =	vld [tilespmem:s24+$0x163D0];
	v34 =	vmul.f32 $5.000000070e-02, v57;
	v23 =	vadd.f32 v26, v23  }
0x202: {  	v46 =	vld [tilespmem:s24+$0x1A3D0];
	v26 =	vmul.f32 v52, v52;
	v33 =	vmul.f32 $5.000000070e-02, v60;
	v24 =	vadd.f32 v50, v24  }
0x203: {  	v38 =	vld [tilespmem:s24+$0x163F0];
	v30 =	vadd.f32 $0.0e+00, v59;
	v59 =	vmul.f32 v49, v49;
	v23 =	vadd.f32 v48, v23  }
0x204: {  	v28 =	vadd.f32 v54, v22;
	v52 =	vld [tilespmem:s24+$0x1A3E0];
	v48 =	vmul.f32 $4.999999890e-03, v63;
	v51 =	vmul.f32 v33, v47  }
0x205: {  	v50 =	vld [tilespmem:s24+$0x163E0];
	v53 =	vmul.f32 v33, v33;
	v25 =	vadd.f32 v25, v23;
	v23 =	vadd.f32 v56, v24  }
0x206: {  	v63 =	vld [tilespmem:s24+$0x1A400];
	v24 =	vadd.f32 v58, v28;
	v54 =	vmul.f32 v49, v48;
	v55 =	vmul.f32 $4.999999890e-03, v43  }
0x207: {  	v28 =	vadd.f32 v41, v40;
	v56 =	vmul.f32 $5.000000070e-02, v46;
	v58 =	vmul.f32 v48, v48;
	v43 =	vld [tilespmem:s24+$0x16410]  }
0x208: {  	v22 =	vadd.f32 v26, v25;
	v26 =	vadd.f32 v62, v30;
	v30 =	vmul.f32 v47, v47  }
0x209: {  	v25 =	vadd.f32 v27, v61;
	v60 =	vmul.f32 v56, v55;
	v27 =	vmul.f32 v55, v55  }
0x20a: {  	v49 =	vld [tilespmem:s24+$0x16420];
	v28 =	vadd.f32 v45, v28;
	v62 =	vmul.f32 v56, v56;
	v41 =	vmul.f32 $4.999999890e-03, v50  }
0x20b: {  	v61 =	vld [tilespmem:s24+$0x16400];
	v32 =	vmul.f32 $5.000000070e-02, v63;
	v26 =	vadd.f32 v42, v26;
	v42 =	vmul.f32 $5.000000070e-02, v52  }
0x20c: {  	v45 =	vld [tilespmem:s24+$0x1A410];
	v25 =	vadd.f32 v44, v25;
	v44 =	vmul.f32 $4.999999890e-03, v38;
	v52 =	vmul.f32 $4.999999890e-03, v43  }
0x20d: {  	v28 =	vadd.f32 v53, v28;
	v56 =	vmul.f32 v32, v32;
	v46 =	vmul.f32 v42, v41  }
0x20e: {  	v25 =	vadd.f32 v30, v25;
	v30 =	vmul.f32 v41, v41;
	v47 =	vmul.f32 v42, v42  }
0x20f: {  	v39 =	vld [tilespmem:s24+$0x1A420];
	v26 =	vadd.f32 v51, v26;
	v48 =	vmul.f32 v34, v44;
	v31 =	vmul.f32 v44, v44  }
0x210: {  	v28 =	vadd.f32 v59, v28;
	v34 =	vmul.f32 v34, v34;
	v51 =	vld [tilespmem:s24+$0x16430];
	v59 =	vmul.f32 $4.999999890e-03, v49  }
0x211: {  	v41 =	vld [tilespmem:s24+$0x1A440];
	v50 =	vmul.f32 $4.999999890e-03, v61;
	v53 =	vmul.f32 $5.000000070e-02, v45;
	v26 =	vadd.f32 v54, v26  }
0x212: {  	v29 =	vmul.f32 v52, v52;
	v25 =	vadd.f32 v58, v25;
	v28 =	vadd.f32 v62, v28;
	v54 =	vld [tilespmem:s24+$0x1A430]  }
0x213: {  	v58 =	vld [tilespmem:s24+$0x16440];
	v55 =	vmul.f32 v32, v50;
	v57 =	vmul.f32 v53, v52;
	v26 =	vadd.f32 v60, v26  }
0x214: {  	v61 =	vld [tilespmem:s24+$0x16450];
	v36 =	vmul.f32 v53, v53;
	v25 =	vadd.f32 v27, v25;
	v28 =	vadd.f32 v47, v28  }
0x215: {  	v63 =	vld [tilespmem:s24+$0x1A450];
	v60 =	vmul.f32 $5.000000070e-02, v39;
	v40 =	vadd.f32 $0.0e+00, v55;
	v33 =	vmul.f32 $4.999999890e-03, v51  }
0x216: {  	v47 =	vmul.f32 $5.000000070e-02, v41;
	v25 =	vadd.f32 v30, v25;
	v30 =	vmul.f32 v50, v50  }
0x217: {  	v45 =	vld [tilespmem:s24+$0x16460];
	v26 =	vadd.f32 v46, v26;
	v62 =	vmul.f32 v60, v59;
	v37 =	vmul.f32 $5.000000070e-02, v54  }
0x218: {  	v32 =	vadd.f32 v57, v40;
	v46 =	vmul.f32 $4.999999890e-03, v58;
	v50 =	vmul.f32 v33, v33  }
0x219: {  	v53 =	vld [tilespmem:s24+$0x16470];
	v55 =	vmul.f32 v47, v47;
	v57 =	vmul.f32 $4.999999890e-03, v61;
	v27 =	vadd.f32 v48, v26  }
0x21a: {  	v58 =	vmul.f32 $5.000000070e-02, v63;
	v25 =	vadd.f32 v31, v25;
	v26 =	vadd.f32 v34, v28;
	v48 =	vld [tilespmem:s24+$0x1A460]  }
0x21b: {  	v28 =	vmul.f32 v59, v59;
	v31 =	vadd.f32 v36, v56;
	v34 =	vmul.f32 v60, v60;
	v56 =	vld [tilespmem:s24+$0x1A470]  }
0x21c: {  	v29 =	vadd.f32 v29, v30;
	v59 =	vld [tilespmem:s24+$0x16480];
	v60 =	vmul.f32 $4.999999890e-03, v45;
	v44 =	vmul.f32 v37, v33  }
0x21d: {  	v30 =	vadd.f32 v62, v32;
	v51 =	vmul.f32 v37, v37;
	v52 =	vmul.f32 v47, v46;
	v62 =	vld [tilespmem:s24+$0x1A480]  }
0x21e: {  	v54 =	vmul.f32 v46, v46;
	v63 =	vmul.f32 v58, v57;
	v46 =	vld [tilespmem:s24+$0x16490];
	v28 =	vadd.f32 v28, v29  }
0x21f: {  	v33 =	vmul.f32 v57, v57;
	v49 =	vadd.f32 v34, v31;
	v47 =	vmul.f32 v60, v60  }
0x220: {  	v30 =	vadd.f32 v44, v30;
	v44 =	vmul.f32 v58, v58;
	v28 =	vadd.f32 v50, v28  }
0x221: {  	v29 =	vadd.f32 v51, v49;
	v50 =	vmul.f32 $4.999999890e-03, v53;
	v61 =	vmul.f32 $5.000000070e-02, v48  }
0x222: {  	v42 =	vld [tilespmem:s24+$0x164B0];
	v30 =	vadd.f32 v52, v30;
	v35 =	vmul.f32 $5.000000070e-02, v56;
	v52 =	vmul.f32 $4.999999890e-03, v59  }
0x223: {  	v49 =	vld [tilespmem:s24+$0x1A490];
	v28 =	vadd.f32 v54, v28;
	v53 =	vmul.f32 $5.000000070e-02, v62;
	v58 =	vmul.f32 $4.999999890e-03, v46  }
0x224: {  	v51 =	vld [tilespmem:s24+$0x164A0];
	v29 =	vadd.f32 v55, v29;
	v45 =	vmul.f32 v61, v60;
	v48 =	vmul.f32 v61, v61  }
0x225: {  	v43 =	vld [tilespmem:s24+$0x1A4B0];
	v30 =	vadd.f32 v63, v30;
	v55 =	vmul.f32 v35, v50;
	v56 =	vmul.f32 v35, v35  }
0x226: {  	v54 =	vld [tilespmem:s24+$0x1A4A0];
	v32 =	vmul.f32 v52, v52;
	v28 =	vadd.f32 v33, v28;
	v33 =	vmul.f32 v50, v50  }
0x227: {  	v29 =	vadd.f32 v44, v29;
	v57 =	vmul.f32 v53, v52;
	v38 =	vmul.f32 v53, v53  }
0x228: {  	v62 =	vld [tilespmem:s24+$0x164C0];
	v41 =	vmul.f32 v58, v58;
	v50 =	vmul.f32 $4.999999890e-03, v42;
	v30 =	vadd.f32 v45, v30  }
0x229: {  	v59 =	vmul.f32 $5.000000070e-02, v49;
	v60 =	vmul.f32 $4.999999890e-03, v51;
	v28 =	vadd.f32 v47, v28  }
0x22a: {  	v44 =	vld [tilespmem:s24+$0x1A4C0];
	v51 =	vmul.f32 $5.000000070e-02, v43;
	v34 =	vadd.f32 v48, v29;
	v35 =	vadd.f32 $0.0e+00, v57  }
0x22b: {  	v52 =	vld [tilespmem:s24+$0x1A4D0];
	v32 =	vadd.f32 v41, v32;
	v61 =	vmul.f32 $5.000000070e-02, v54;
	v63 =	vmul.f32 v59, v58  }
0x22c: {  	v49 =	vld [tilespmem:s24+$0x164D0];
	v29 =	vadd.f32 v55, v30;
	v47 =	vmul.f32 v59, v59;
	v54 =	vmul.f32 v51, v50  }
0x22d: {  	v57 =	vmul.f32 v51, v51;
	v59 =	vmul.f32 $4.999999890e-03, v62;
	v28 =	vadd.f32 v33, v28  }
0x22e: {  	v55 =	vld [tilespmem:s24+$0x164E0];
	v30 =	vadd.f32 v56, v34;
	v33 =	vmul.f32 v60, v60;
	v56 =	vmul.f32 v50, v50  }
0x22f: {  	v58 =	vld [tilespmem:s24+$0x1A4E0];
	v48 =	vmul.f32 v61, v60;
	v35 =	vadd.f32 v63, v35;
	v60 =	vmul.f32 $5.000000070e-02, v44  }
0x230: {  	v51 =	vld [tilespmem:s24+$0x16500];
	v31 =	vadd.f32 v47, v38;
	v53 =	vmul.f32 v61, v61;
	v62 =	vmul.f32 $5.000000070e-02, v52  }
0x231: {  	v45 =	vld [tilespmem:s24+$0x16530];
	v61 =	vmul.f32 $4.999999890e-03, v49;
	v34 =	vadd.f32 v48, v35;
	v48 =	vmul.f32 v60, v59  }
0x232: {  	v63 =	vld [tilespmem:s24+$0x164F0];
	v32 =	vadd.f32 v33, v32;
	v35 =	vmul.f32 v59, v59;
	v39 =	vmul.f32 v60, v60  }
0x233: {  	v49 =	vld [tilespmem:s24+$0x1A4F0];
	v31 =	vadd.f32 v53, v31;
	v37 =	vmul.f32 v62, v62;
	v50 =	vmul.f32 v62, v61  }
0x234: {  	v32 =	vadd.f32 v56, v32;
	v52 =	vmul.f32 $4.999999890e-03, v55;
	v53 =	vmul.f32 $5.000000070e-02, v58;
	v56 =	vld [tilespmem:s24+$0x16510]  }
0x235: {  	v55 =	vmul.f32 v61, v61;
	v58 =	vld [tilespmem:s24+$0x1A510];
	v44 =	vmul.f32 $4.999999890e-03, v51  }
0x236: {  	v62 =	vld [tilespmem:s24+$0x16520];
	v34 =	vadd.f32 v54, v34;
	v31 =	vadd.f32 v57, v31;
	v57 =	vmul.f32 v53, v52  }
0x237: {  	v51 =	vld [tilespmem:s24+$0x1A530];
	v32 =	vadd.f32 v35, v32;
	v59 =	vmul.f32 $4.999999890e-03, v63;
	v61 =	vmul.f32 v53, v53  }
0x238: {  	v54 =	vld [tilespmem:s24+$0x1A500];
	v33 =	vadd.f32 v48, v34;
	v60 =	vmul.f32 $5.000000070e-02, v49;
	v34 =	vmul.f32 v52, v52  }
0x239: {  	v31 =	vadd.f32 v39, v31;
	v52 =	vmul.f32 v44, v44;
	v35 =	vmul.f32 v59, v59  }
0x23a: {  	v32 =	vadd.f32 v55, v32;
	v63 =	vmul.f32 v60, v59;
	v36 =	vmul.f32 $4.999999890e-03, v56  }
0x23b: {  	v48 =	vld [tilespmem:s24+$0x1A520];
	v33 =	vadd.f32 v50, v33;
	v40 =	vmul.f32 $5.000000070e-02, v58;
	v49 =	vmul.f32 v60, v60  }
0x23c: {  	v46 =	vld [tilespmem:s24+$0x1A540];
	v31 =	vadd.f32 v37, v31;
	v38 =	vmul.f32 $4.999999890e-03, v62;
	v62 =	vmul.f32 $4.999999890e-03, v45  }
0x23d: {  	v42 =	vmul.f32 $5.000000070e-02, v51;
	v34 =	vadd.f32 v34, v32;
	v41 =	vmul.f32 $5.000000070e-02, v54  }
0x23e: {  	v33 =	vadd.f32 v57, v33;
	v53 =	vmul.f32 v40, v36;
	v36 =	vmul.f32 v36, v36  }
0x23f: {  	v54 =	vld [tilespmem:s24+$0x16540];
	v37 =	vadd.f32 v61, v31;
	v56 =	vmul.f32 v40, v40;
	v59 =	vmul.f32 v38, v38  }
0x240: {  	v58 =	vld [tilespmem:s24+$0x16550];
	v50 =	vmul.f32 v41, v44;
	v31 =	vadd.f32 v35, v34;
	v43 =	vmul.f32 $5.000000070e-02, v48  }
0x241: {  	v61 =	vld [tilespmem:s24+$0x1A550];
	v55 =	vmul.f32 v41, v41;
	v48 =	vmul.f32 $5.000000070e-02, v46;
	v32 =	vadd.f32 v63, v33  }
0x242: {  	v40 =	vld [tilespmem:s24+$0x16580];
	v33 =	vadd.f32 v49, v37;
	v34 =	vadd.f32 v36, v52;
	v52 =	vmul.f32 v42, v42  }
0x243: {  	v47 =	vld [tilespmem:s24+$0x16570];
	v39 =	vadd.f32 $0.0e+00, v50;
	v57 =	vmul.f32 v43, v38;
	v60 =	vmul.f32 v43, v43  }
0x244: {  	v51 =	vld [tilespmem:s24+$0x1A560];
	v37 =	vadd.f32 v56, v55;
	v50 =	vmul.f32 v42, v62;
	v63 =	vmul.f32 $4.999999890e-03, v54  }
0x245: {  	v49 =	vld [tilespmem:s24+$0x16560];
	v34 =	vadd.f32 v59, v34;
	v54 =	vmul.f32 $4.999999890e-03, v58;
	v59 =	vmul.f32 v48, v48  }
0x246: {  	v38 =	vld [tilespmem:s24+$0x1A580];
	v35 =	vadd.f32 v53, v39;
	v39 =	vmul.f32 v62, v62;
	v55 =	vmul.f32 $5.000000070e-02, v61  }
0x247: {  	v56 =	vld [tilespmem:s24+$0x1A570];
	v37 =	vadd.f32 v60, v37;
	v40 =	vmul.f32 $4.999999890e-03, v40;
	v53 =	vmul.f32 v48, v63  }
0x248: {  	v62 =	vmul.f32 v54, v54;
	v35 =	vadd.f32 v57, v35;
	v57 =	vmul.f32 v63, v63  }
0x249: {  	v37 =	vadd.f32 v52, v37;
	v60 =	vmul.f32 v55, v54;
	v63 =	vmul.f32 v55, v55  }
0x24a: {  	(xrf2) =	vadd.scan.msk.f32 $0xffff, v8;
	v49 =	vmul.f32 $4.999999890e-03, v49;
	v52 =	vmul.f32 $4.999999890e-03, v47;
	v35 =	vadd.f32 v50, v35  }
0x24b: {  	(xrf2) =	vadd.scan.msk.f32 $0xffff, v7;
	v34 =	vadd.f32 v39, v34;
	v54 =	vld [tilespmem:s24+$0x1A590];
	v43 =	vmul.f32 $5.000000070e-02, v38;
	v50 =	vmul.f32 $5.000000070e-02, v51  }
0x24c: {  	(xrf2) =	vadd.scan.msk.f32 $0xffff, v9;
	v48 =	vadd.f32 v59, v37;
	v58 =	vadd.f32 v53, v35;
	v53 =	vmul.f32 $5.000000070e-02, v56  }
0x24d: {  	(xrf2) =	vadd.scan.msk.f32 $0xffff, v11;
	v61 =	vadd.f32 v57, v34;
	v51 =	vld [tilespmem:s24+$0x16590];
	v55 =	vmul.f32 v50, v49;
	v56 =	vmul.f32 v49, v49  }
0x24e: {  	(xrf2) =	vadd.scan.msk.f32 $0xffff, v10;
	v59 =	vld [tilespmem:s24+$0x165A0];
	v9 =	vadd.f32 v63, v48;
	v57 =	vmul.f32 v50, v50;
	v48 =	vmul.f32 v43, v40  }
0x24f: {  	(xrf2) =	vadd.scan.msk.f32 $0xffff, v12;
	v47 =	vld [tilespmem:s24+$0x1A5B0];
	v7 =	vadd.f32 v62, v61;
	v49 =	vmul.f32 v40, v40;
	v50 =	vmul.f32 v43, v43  }
0x250: {  	(xrf2) =	vadd.scan.msk.f32 $0xffff, v14;
	v62 =	vld [tilespmem:s24+$0x1A5A0];
	v46 =	vmul.f32 $5.000000070e-02, v54;
	v8 =	vadd.f32 v60, v58;
	v58 =	vmul.f32 v53, v52  }
0x251: {  	(xrf2) =	vadd.scan.msk.f32 $0xffff, v13;
	v44 =	vld [tilespmem:s24+$0x165B0];
	v60 =	vmul.f32 v52, v52;
	v61 =	vmul.f32 v53, v53  }
0x252: {  	(xrf2) =	vadd.scan.msk.f32 $0xffff, v15;
	v54 =	vld [tilespmem:s24+$0x1A5C0];
	v63 =	vadd.f32 v56, v7;
	v9 =	vadd.f32 v57, v9;
	v45 =	vmul.f32 $4.999999890e-03, v51  }
0x253: {  	(xrf2) =	vadd.scan.msk.f32 $0xffff, v17;
	v15 =	vmul.f32 v46, v46;
	v8 =	vadd.f32 v55, v8;
	v55 =	vmul.f32 $4.999999890e-03, v59  }
0x254: {  	v52 =	vld [tilespmem:s24+$0x165C0];
	v53 =	vadd.f32 $0.0e+00, v48;
	v7, _, _ =	vpop (xrf2);
	(xrf2) =	vadd.scan.msk.f32 $0xffff, v16;
	v59 =	vmul.f32 $5.000000070e-02, v47;
	v51 =	vmul.f32 v46, v45  }
0x255: {  	v13 =	vadd.f32 v60, v63;
	v39, _, _ =	vpop (xrf2);
	(xrf2) =	vadd.scan.msk.f32 $0xffff, v18;
	v12 =	vmul.f32 v45, v45;
	v56 =	vmul.f32 $5.000000070e-02, v62  }
0x256: {  	v48 =	vld [tilespmem:s24+$0x1A5E0];
	v17 =	vadd.f32 v58, v8;
	v41, _, _ =	vpop (xrf2);
	(xrf2) =	vadd.scan.msk.f32 $0xffff, v20;
	v58 =	vmul.f32 $4.999999890e-03, v44;
	v62 =	vmul.f32 v55, v55  }
0x257: {  	v60 =	vld [tilespmem:s24+$0x165D0];
	v10 =	vadd.f32 v15, v50;
	v47 =	vmul.f32 $5.000000070e-02, v54;
	v37 =	vbroadcast v39, $0xF;
	v8, _, _ =	vpop (xrf2);
	(xrf2) =	vadd.scan.msk.f32 $0xffff, v19  }
0x258: {  	v63 =	vld [tilespmem:s24+$0x1A5D0];
	v20 =	vadd.f32 v61, v9;
	v61 =	vmul.f32 v56, v55;
	v11 =	vmul.f32 v56, v56;
	v36, _, _ =	vpop (xrf2);
	(xrf2) =	vadd.scan.msk.f32 $0xffff, v21  }
0x259: {  	v45 =	vld [tilespmem:s24+$0x165E0];
	v12 =	vadd.f32 v12, v49;
	v46 =	vmul.f32 $4.999999890e-03, v52;
	v49 =	vmul.f32 v59, v59;
	v38, _, _ =	vpop (xrf2);
	(xrf2) =	vadd.scan.msk.f32 $0xffff, v23  }
0x25a: {  	v57 =	vadd.f32 v51, v53;
	v44 =	vmul.f32 v59, v58;
	v16 =	vmul.f32 v58, v58;
	v9, _, _ =	vpop (xrf2);
	(xrf2) =	vadd.scan.msk.f32 $0xffff, v22  }
0x25b: {  	v53 =	vmul.f32 v47, v47;
	v59 =	vmul.f32 $5.000000070e-02, v48;
	v6 =	vsel vm4, v6, v37;
	v40, _, _ =	vpop (xrf2);
	(xrf2) =	vadd.scan.msk.f32 $0xffff, v24  }
0x25c: {  	v54 =	vld [tilespmem:s24+$0x1A5F0];
	v14 =	vadd.f32 v61, v57;
	v11 =	vadd.f32 v11, v10;
	v50 =	vmul.f32 v47, v46;
	v24, _, _ =	vpop (xrf2);
	(xrf2) =	vadd.scan.msk.f32 $0xffff, v27  }
0x25d: {  	v51 =	vld [tilespmem:s24+$0x165F0];
	v12 =	vadd.f32 v62, v12;
	v19 =	vmul.f32 $4.999999890e-03, v60;
	v56 =	vmul.f32 $5.000000070e-02, v63;
	v10, _, _ =	vpop (xrf2);
	(xrf2) =	vadd.scan.msk.f32 $0xffff, v25  }
0x25e: {  	v52 =	vmul.f32 v46, v46;
	v58 =	vmul.f32 $4.999999890e-03, v45;
	v14 =	vadd.f32 v44, v14;
	v55, _, _ =	vpop (xrf2);
	(xrf2) =	vadd.scan.msk.f32 $0xffff, v26  }
0x25f: {  	v12 =	vadd.f32 v16, v12;
	v15 =	vadd.f32 v49, v11;
	v60 =	vmul.f32 v56, v19;
	v57, _, _ =	vpop (xrf2);
	(xrf2) =	vadd.scan.msk.f32 $0xffff, v29  }
0x260: {  	v19 =	vmul.f32 v19, v19;
	v62 =	vmul.f32 v56, v56;
	v14 =	vadd.f32 v50, v14;
	v11, _, _ =	vpop (xrf2);
	(xrf2) =	vadd.scan.msk.f32 $0xffff, v28  }
0x261: {  	v22 =	vmul.f32 $5.000000070e-02, v54;
	v63 =	vmul.f32 v59, v58;
	v16 =	vadd.f32 v52, v12;
	v61, _, _ =	vpop (xrf2);
	(xrf2) =	vadd.scan.msk.f32 $0xffff, v30  }
0x262: {  	v15 =	vadd.f32 v53, v15;
	v27 =	vmul.f32 $4.999999890e-03, v51;
	v14 =	vadd.f32 v60, v14;
	v34, _, _ =	vpop (xrf2);
	(xrf2) =	vadd.scan.msk.f32 $0xffff, v32  }
0x263: {  	v44 =	vmul.f32 v59, v59;
	v18 =	vmul.f32 v58, v58;
	v16 =	vadd.f32 v19, v16;
	v12, _, _ =	vpop (xrf2);
	(xrf2) =	vadd.scan.msk.f32 $0xffff, v31  }
0x264: {  	v15 =	vadd.f32 v62, v15;
	v42 =	vmul.f32 v22, v27;
	v14 =	vadd.f32 v63, v14;
	v39, _, _ =	vpop (xrf2);
	(xrf2) =	vadd.scan.msk.f32 $0xffff, v33  }
0x265: {  	v46 =	vbroadcast v41, $0xF;
	v45 =	vmul.f32 v27, v27;
	v16 =	vadd.f32 v18, v16;
	v43, _, _ =	vpop (xrf2);
	(xrf2) =	vadd.scan.msk.f32 $0xffff, v17  }
0x266: {  	v48 =	vmul.f32 v22, v22;
	v15 =	vadd.f32 v44, v15;
	v14 =	vadd.f32 v42, v14;
	v23, _, _ =	vpop (xrf2);
	(xrf2) =	vadd.scan.msk.f32 $0xffff, v13  }
0x267: {  	v5 =	vsel vm4, v5, v46;
	v50 =	vbroadcast v36, $0xF;
	v16 =	vadd.f32 v45, v16;
	v47, _, _ =	vpop (xrf2);
	(xrf2) =	vadd.scan.msk.f32 $0xffff, v20  }
0x268: {  	v51 =	vbroadcast v38, $0xF;
	v52 =	vbroadcast v40, $0xF;
	v15 =	vadd.f32 v48, v15;
	v49, _, _ =	vpop (xrf2);
	(xrf2) =	vadd.scan.msk.f32 $0xffff, v14  }
0x269: {  	v53 =	vbroadcast v24, $0xF;
	v6 =	vsel vm5, v6, v50;
	v55 =	vbroadcast v55, $0xF;
	v17, _, _ =	vpop (xrf2);
	(xrf2) =	vadd.scan.msk.f32 $0xffff, v16  }
0x26a: {  	v5 =	vsel vm5, v5, v51;
	v6 =	vsel vm6, v6, v52;
	v56 =	vbroadcast v57, $0xF;
	v54, _, _ =	vpop (xrf2);
	(xrf2) =	vadd.scan.msk.f32 $0xffff, v15  }
0x26b: {  	v5 =	vsel vm6, v5, v53;
	v6 =	vsel vm7, v6, v55;
	v58 =	vbroadcast v61, $0xF;
	v57, _, _ =	vpop (xrf2)  }
0x26c: {  	v5 =	vsel vm7, v5, v56;
	v59 =	vbroadcast v34, $0xF;
	v61 =	vbroadcast v39, $0xF;
	v15, _, _ =	vpop (xrf2)  }
0x26d: {  	v6 =	vsel vm8, v6, v58;
	v62 =	vbroadcast v43, $0xF;
	v26 =	vbroadcast v47, $0xF;
	v60, _, _ =	vpop (xrf2)  }
0x26e: {  	v5 =	vsel vm8, v5, v59;
	v6 =	vsel vm9, v6, v61;
	v13 =	vbroadcast v49, $0xF;
	v63, _, _ =	vpop (xrf2)  }
0x26f: {  	v5 =	vsel vm9, v5, v62;
	v6 =	vsel vm10, v6, v26;
	v16 =	vbroadcast v54, $0xF;
	v27, _, _ =	vpop (xrf2)  }
0x270: {  	v5 =	vsel vm10, v5, v13;
	v31 =	vbroadcast v57, $0xF;
	v29 =	vbroadcast v60, $0xF;
	v28, _, _ =	vpop (xrf2)  }
0x271: {  	v6 =	vsel vm11, v6, v16;
	v33 =	vbroadcast v63, $0xF;
	v30, _, _ =	vpop (xrf2);
	v18 =	vbroadcast v28, $0xF  }
0x272: {  	v5 =	vsel vm11, v5, v31;
	v6 =	vsel vm12, v6, v29;
	v32, _, _ =	vpop (xrf2);
	v35 =	vbroadcast v30, $0xF  }
0x273: {  	v5 =	vsel vm12, v5, v33;
	v34, _, _ =	vpop (xrf2);
	v6 =	vsel vm13, v6, v18  }
0x274: {  	v6 =	vsel vm14, v6, v34;
	v5 =	vsel vm13, v5, v35;
	v36, _, _ =	vpop (xrf2)  }
0x275: {  	v14 =	vshrl.u32 v6, $0x1;
	v5 =	vsel vm14, v5, v36  }
0x276: {  	v37 =	vmul.f32 $5.000000000e-01, v6;
	v39 =	vshrl.u32 v5, $0x1;
	v40 =	vmul.f32 $5.000000000e-01, v5  }
0x277: {  	v38 =	vsub.s32 $0x5F3759DF, v14;
	v18 =	vsub.s32 $0x5F3759DF, v39  }
0x278: {  	v14 =	vmul.f32 v38, v37;
	v41 =	vmul.f32 v18, v40;
	_ =	sdelay $0x1  }
0x279: {  	v14 =	vmul.f32 v38, v14;
	v22 =	vmul.f32 v18, v41;
	_ =	sdelay $0x1  }
0x27a: {  	v14 =	vsub.f32 $1.500000000e+00, v14;
	v42 =	vsub.f32 $1.500000000e+00, v22;
	_ =	sdelay $0x1  }
0x27b: {  	v13 =	vmul.f32 v38, v14;
	v14 =	vmul.f32 v18, v42;
	_ =	sdelay $0x1  }
0x27c: {  	v43 =	vmul.f32 v13, v37;
	v45 =	vmul.f32 v14, v40;
	_ =	sdelay $0x1  }
0x27d: {  	v44 =	vmul.f32 v43, v13;
	v22 =	vmul.f32 v45, v14;
	_ =	sdelay $0x1  }
0x27e: {  	v18 =	vsub.f32 $1.500000000e+00, v44;
	v46 =	vsub.f32 $1.500000000e+00, v22;
	_ =	sdelay $0x1  }
0x27f: {  	v13 =	vmul.f32 v18, v13;
	v14 =	vmul.f32 v46, v14;
	_ =	sdelay $0x1  }
0x280: {  	v16 =	vmul.f32 v13, v37;
	v18 =	vmul.f32 v14, v40;
	_ =	sdelay $0x1  }
0x281: {  	v16 =	vmul.f32 v16, v13;
	v18 =	vmul.f32 v18, v14;
	_ =	sdelay $0x1  }
0x282: {  	v16 =	vsub.f32 $1.500000000e+00, v16;
	v47 =	vsub.f32 $1.500000000e+00, v18  }
0x283: {  	v0 =	vbroadcast v0, $0xF;
	v1 =	vbroadcast v1, $0xF  }
0x284: {  	v13 =	vmul.f32 v16, v13;
	v14 =	vmul.f32 v47, v14  }
0x285: {  	v2 =	vbroadcast v2, $0xF;
	v48 =	vbroadcast v3, $0xF  }
0x286: {  	v0 =	vsel vm0, v0, v1;
	v49 =	vmul.f32 v13, v6;
	v50 =	vmul.f32 v14, v5  }
0x287: {  	v0 =	vsel vm1, v0, v2;
	v51 =	vbroadcast v4, $0xF;
	v52 =	vbroadcast v7, $0xF  }
0x288: {  	v0 =	vsel vm2, v0, v48;
	v2 =	vmax.f32 v49, $9.999999930e-09;
	v3 =	vmax.f32 v50, $9.999999930e-09  }
0x289: {  	v0 =	vsel vm3, v0, v51;
	v54 =	vbroadcast v8, $0xF;
	v53 =	vmul.f32 v3, v2  }
0x28a: {  	v55 =	vbroadcast v9, $0xF;
	v0 =	vsel vm4, v0, v52  }
0x28b: {  	v56 =	vbroadcast v10, $0xF;
	v0 =	vsel vm5, v0, v54;
	(erf) = vrcp.f32 v53  }
0x28c: {  	v57 =	vbroadcast v11, $0xF;
	v0 =	vsel vm6, v0, v55  }
0x28d: {  	v58 =	vbroadcast v12, $0xF;
	v0 =	vsel vm7, v0, v56  }
0x28e: {  	v59 =	vbroadcast v23, $0xF;
	v0 =	vsel vm8, v0, v57  }
0x28f: {  	v60 =	vbroadcast v17, $0xF;
	v0 =	vsel vm9, v0, v58  }
0x290: {  	v61 =	vbroadcast v15, $0xF;
	v0 =	vsel vm10, v0, v59  }
0x291: {  	v62 =	vbroadcast v27, $0xF;
	v0 =	vsel vm11, v0, v60  }
0x292: {  	p0 =	sne.s32 s23, $0x7;
	v0 =	vsel vm12, v0, v61  }
.Ltmp8:
0x293: {  	v0 =	vsel vm13, v0, v62;
	(pc) =	sbr.rel @p0 .LBB2_18-.Ltmp8, $4  }
0x294: {  	v0 =	vsel vm14, v0, v32;
	v63 =	vpop (erf)  }
0x295: {  	s31 =	sshll.u32 s23, $0x4;
	v0 =	vmul.f32 v63, v0  }
0x296: {  	s24 =	sand.u32 $0x3FFFFFF0, s31  }
0x297: {  	s23 =	sadd.s32 $0x1, s23;
	[tilespmem:s24+$0x1DE00] =	vst v0  }
0x298: {  	s22 =	sadd.s32 $0x1, s22  }
0x299: {  	p0 =	sne.s32 s22, s7  }
.Ltmp9:
0x29a: {  	_ = 	snop;
	(pc) =	sbr.rel @p0 .LBB2_1-.Ltmp9, $4  }
0x29b: {  	[hbm4b:s6+s3] =	stream.linear.scatter [tilespmem:s21], [sflag:$0x3], $0x80, $0x38;
	[tilespmem:$0x1DE80] =	vst v63  }
0x29c: {  	_ =	swait.ge [sflag:s8], $0x80  }
0x29d: {  	[sflag:s8] =	ssyncset.done $0x0  }
0x29e: {  	[sflag:s8] =	ssyncadd.s32 $0xFFFFFF80  }
0x29f: {  	_ =	sfence.sel $0x180000  }
0x2a0: {  	[bflag:$0x0] =	sbarrier.arrive $0xFFFF  }
0x2a1: {  	p0 =	sne.s32 s0, $0x0;
	_ =	strace $0x90000047  }
0x2a2: {  	s0 =	sadd.s32 @!p0 $0x100000, s1;
	[bflag:$0x2] =	sbarrier.arrive $0xFFFF  }
0x2a3: {  	[sflag:s0] =	ssyncadd.tile.s32 @!p0 $0x1;
	_ =	shalt  }
.Lfunc_end2:
_tile_overlayer_lowered:
.L_overlay_start_2:
0x2a4: {  	(tag) =	ssettag $0x2  }
0x2a5: {  	s0 =	rddreg [dreg:$0x0];
	s2 =	stileid.u32  }
0x2a6: {  	s1 =	rddreg [dreg:$0x1];
	p0 =	sne.s32 s2, $0x0  }
0x2a7: {  	s3 =	rddreg [dreg:$0x2];
	[bflag:$0x3] =	sbarrier.arrive $0xFFFF;
	s2 =	simm.s32 @!p0 $0x1C03  }
0x2a8: {  	[timem:s3], [sflag:s2] =	dma.local @!p0 [hbm:s0], s1  }
0x2a9: {  	s0 =	simm.s32 @!p0 $0x3  }
0x2aa: {  	_ =	swait.ge @!p0 [sflag:s0], s1  }
0x2ab: {  	s1 =	ssub.s32 @!p0 $0x0, s1;
	[sflag:s0] =	ssyncset.done @!p0 $0x0  }
0x2ac: {  	[sflag:s0] =	ssyncadd.s32 @!p0 s1  }
0x2ad: {  	[bflag:$0x3] =	sbarrier.arrive $0xFFFF  }
0x2ae: {  	_ =	shalt  }

</sc_bundles>
